<compile_context>
chip_gen: v7x
topology: tpu7x:2x2x1
jax: 0.10.2.dev20260603
libtpu: 0.0.44.dev20260713+nightly
codegen_flags: <defaults>
</compile_context>

<pallas_src>
import functools

import jax
import jax.numpy as jnp
from jax import lax
from jax.experimental import pallas as pl
from jax.experimental.pallas import tpu as pltpu
from jax.experimental.pallas import tpu_sc as plsc

_H = 32
_W = 32
_D = 768
_NC = 2
_NS = 16
_NW = _NC * _NS
_L = 16
_WT = _W // 8
_DT = _D // 128

_mesh = plsc.VectorSubcoreMesh(core_axis_name="c", subcore_axis_name="s")


@functools.partial(
    pl.kernel,
    mesh=_mesh,
    out_type=jax.ShapeDtypeStruct((_H, _WT, _DT, 8, 128), jnp.float32),
    compiler_params=pltpu.CompilerParams(
        use_tc_tiling_on_sc=False, needs_layout_passes=False
    ),
    scratch_types=[
        pltpu.VMEM((_WT, _DT, 8, 128), jnp.float32),
        pltpu.VMEM((_DT, 128), jnp.float32),
        pltpu.VMEM_SHARED((_WT, _DT, 8, 128), jnp.float32),
        pltpu.SemaphoreType.DMA,
        [pltpu.SemaphoreType.DMA] * _WT,
        pltpu.SemaphoreType.DMA,
    ],
)
def _pos2d(row_hbm, col_hbm, out_hbm, buf_v, row_v, col_sh, rsem, csems, osem):
    s = lax.axis_index("s")
    h = s * _NC + lax.axis_index("c")
    ht = h // 8
    hs = h % 8

    rcopy = pltpu.make_async_copy(row_hbm.at[ht, :, hs], row_v, rsem)
    rcopy.start()

    @pl.when(s < _WT)
    def _stage():
        pltpu.sync_copy(col_hbm.at[s], col_sh.at[s])

    plsc.subcore_barrier()
    rcopy.wait()

    ccopies = []
    for wt in range(_WT):
        c = pltpu.make_async_copy(col_sh.at[wt], buf_v.at[wt], csems[wt])
        c.start()
        ccopies.append(c)

    ocopies = []
    for wt in range(_WT):
        ccopies[wt].wait()

        @plsc.parallel_loop(0, _DT)
        def _add_rows(dt, wt=wt):
            rvec = [row_v[dt, pl.ds(_L * k, _L)] for k in range(8)]
            for ws in range(8):
                for k in range(8):
                    plsc.addupdate(
                        buf_v.at[wt, dt, ws, pl.ds(_L * k, _L)], rvec[k]
                    )

        o = pltpu.make_async_copy(buf_v.at[wt], out_hbm.at[h, wt], osem)
        o.start()
        ocopies.append(o)
    for o in ocopies:
        o.wait()


def kernel(row_embed, col_embed):
    row4 = row_embed.reshape(_WT, 8, _DT, 128).transpose(0, 2, 1, 3)
    col4 = col_embed.reshape(_WT, 8, _DT, 128).transpose(0, 2, 1, 3)
    out5 = _pos2d(row4, col4)
    p = out5.transpose(0, 1, 3, 2, 4).reshape(_H, _W, _D)
    return jnp.transpose(p, (2, 0, 1))

# --- scband reference (transcript-rebuilt; emitter-appended) ---
"""Pipeline reference for scband-spatial-positional-encoding2-d-48455821033756 (READ-ONLY COPY).

The authoritative reference and input builder live on the scoring server;
editing this copy changes nothing except your own understanding.
"""

import jax, jax.numpy as jnp
import numpy as np

H, W, D = 32, 32, 768

def setup_inputs(seed: int = 0) -> dict:
    key = jax.random.key(seed)
    k1, k2 = jax.random.split(key)
    row_embed = jax.random.normal(k1, (H, D), dtype=jnp.float32)
    col_embed = jax.random.normal(k2, (W, D), dtype=jnp.float32)
    return {"row_embed": row_embed, "col_embed": col_embed}

def reference(row_embed, col_embed):
    rows = jnp.arange(H)
    cols = jnp.arange(W)
    row_emb = jnp.take(row_embed, rows, axis=0)  # (H, D)
    col_emb = jnp.take(col_embed, cols, axis=0)  # (W, D)
    pos_2d = row_emb[:, None, :] + col_emb[None, :, :]  # (H, W, D)
    pos_2d = jnp.transpose(pos_2d, (2, 0, 1))  # (D, H, W)
    return pos_2d

if __name__ == "__main__":
    import jax
    _d = setup_inputs()
    print(jax.jit(kernel)(*tuple(_d.values())))

</pallas_src>

<mosaic_0001>
#map = affine_map<(d0, d1) -> (0, 0, 0, 0)>
#map1 = affine_map<(d0, d1) -> (0, 0, 0, 0, 0)>
module attributes {stable_mosaic.version = 14 : i64} {
  func.func @_pos2d(%arg0: i32, %arg1: i32, %arg2: memref<4x6x8x128xf32, #tpu.memory_space<hbm>>, %arg3: memref<4x6x8x128xf32, #tpu.memory_space<hbm>>, %arg4: memref<32x4x6x8x128xf32, #tpu.memory_space<hbm>>, %arg5: memref<4x6x8x128xf32, #tpu.memory_space<vmem>>, %arg6: memref<6x128xf32, #tpu.memory_space<vmem>>, %arg7: memref<4x6x8x128xf32, #tpu.memory_space<vmem_shared>>, %arg8: memref<!tpu.dma_semaphore, #tpu.memory_space<semaphore_mem>>, %arg9: memref<!tpu.dma_semaphore, #tpu.memory_space<semaphore_mem>>, %arg10: memref<!tpu.dma_semaphore, #tpu.memory_space<semaphore_mem>>, %arg11: memref<!tpu.dma_semaphore, #tpu.memory_space<semaphore_mem>>, %arg12: memref<!tpu.dma_semaphore, #tpu.memory_space<semaphore_mem>>, %arg13: memref<!tpu.dma_semaphore, #tpu.memory_space<semaphore_mem>>) attributes {dimension_semantics = [#tpu.dimension_semantics<core_parallel>, #tpu.dimension_semantics<subcore_parallel>], iteration_bounds = array<i64: 2, 16>, scalar_prefetch = 0 : i64, scratch_operands = 9 : i64, tpu.core_type = #tpu.core_type<sc_vector_subcore>, window_params = [{transform_indices = #map}, {transform_indices = #map}, {transform_indices = #map1}]} {
    %mul3A = arith.constant 2 : i32
    %mul3A_0 = arith.muli %arg1, %mul3A : i32
    %add3A = arith.addi %mul3A_0, %arg0 : i32
    %jit3A = arith.constant 8 : i32
    %div3A = arith.divsi %add3A, %jit3A : i32
    %sign3A = arith.constant 0 : i32
    %sign3A_1 = arith.cmpi sgt, %add3A, %sign3A : i32
    %sign3A_2 = arith.extui %sign3A_1 : i1 to i32
    %sign3A_3 = arith.constant 0 : i32
    %sign3A_4 = arith.cmpi slt, %add3A, %sign3A_3 : i32
    %sign3A_5 = arith.extui %sign3A_4 : i1 to i32
    %sign3A_6 = arith.subi %sign3A_2, %sign3A_5 : i32
    %sign3A_7 = arith.constant 0 : i32
    %sign3A_8 = arith.cmpi sgt, %jit3A, %sign3A_7 : i32
    %sign3A_9 = arith.extui %sign3A_8 : i1 to i32
    %sign3A_10 = arith.constant 0 : i32
    %sign3A_11 = arith.cmpi slt, %jit3A, %sign3A_10 : i32
    %sign3A_12 = arith.extui %sign3A_11 : i1 to i32
    %sign3A_13 = arith.subi %sign3A_9, %sign3A_12 : i32
    %ne3A = arith.cmpi ne, %sign3A_6, %sign3A_13 : i32
    %rem3A = arith.remsi %add3A, %jit3A : i32
    %ne3A_14 = arith.constant 0 : i32
    %ne3A_15 = arith.cmpi ne, %rem3A, %ne3A_14 : i32
    %and3A = arith.andi %ne3A, %ne3A_15 : i1
    %sub3A = arith.constant 1 : i32
    %sub3A_16 = arith.subi %div3A, %sub3A : i32
    %select_n3A = arith.select %and3A, %sub3A_16, %div3A : i32
    %jit3A_17 = arith.constant 8 : i32
    %eq3A = arith.constant 0 : i32
    %eq3A_18 = arith.cmpi eq, %jit3A_17, %eq3A : i32
    %jit3A_19 = arith.constant 1 : i32
    %select_n3A_20 = arith.select %eq3A_18, %jit3A_19, %jit3A_17 : i32
    %rem3A_21 = arith.remsi %add3A, %select_n3A_20 : i32
    %ne3A_22 = arith.constant 0 : i32
    %ne3A_23 = arith.cmpi ne, %rem3A_21, %ne3A_22 : i32
    %lt3A = arith.constant 0 : i32
    %lt3A_24 = arith.cmpi slt, %rem3A_21, %lt3A : i32
    %lt3A_25 = arith.constant 0 : i32
    %lt3A_26 = arith.cmpi slt, %select_n3A_20, %lt3A_25 : i32
    %ne3A_27 = arith.xori %lt3A_24, %lt3A_26 : i1
    %and3A_28 = arith.andi %ne3A_27, %ne3A_23 : i1
    %add3A_29 = arith.addi %rem3A_21, %select_n3A_20 : i32
    %select_n3A_30 = arith.select %and3A_28, %add3A_29, %rem3A_21 : i32
    %dma_start3A = arith.constant 0 : i32
    %dma_start3A_31 = arith.constant 0 : i32
    %dma_start3A_32 = tpu.memref_slice %arg2[%select_n3A, %dma_start3A, %select_n3A_30, %dma_start3A_31] : memref<4x6x8x128xf32, #tpu.memory_space<hbm>> -> memref<1x6x1x128xf32, #tpu.memory_space<hbm>>
    %dma_start3A_33 = tpu.memref_squeeze %dma_start3A_32 : memref<1x6x1x128xf32, #tpu.memory_space<hbm>> -> memref<6x128xf32, #tpu.memory_space<hbm>>
    %dma_start3A_34 = arith.constant 0 : i32
    %dma_start3A_35 = arith.constant 0 : i32
    %dma_start3A_36 = tpu.memref_slice %arg2[%select_n3A, %dma_start3A_34, %select_n3A_30, %dma_start3A_35] : memref<4x6x8x128xf32, #tpu.memory_space<hbm>> -> memref<1x6x1x128xf32, #tpu.memory_space<hbm>>
    %dma_start3A_37 = tpu.memref_squeeze %dma_start3A_36 : memref<1x6x1x128xf32, #tpu.memory_space<hbm>> -> memref<6x128xf32, #tpu.memory_space<hbm>>
    tpu.enqueue_dma source(%dma_start3A_37 : memref<6x128xf32, #tpu.memory_space<hbm>>) target(%arg6 : memref<6x128xf32, #tpu.memory_space<vmem>>) target_semaphore(%arg8 : memref<!tpu.dma_semaphore, #tpu.memory_space<semaphore_mem>>)
    %lt3A_38 = arith.constant 4 : i32
    %lt3A_39 = arith.cmpi slt, %arg1, %lt3A_38 : i32
    %convert_element_type3A = arith.extui %lt3A_39 : i1 to i32
    %cond3A = arith.constant 0 : i32
    %cond3A_40 = arith.cmpi ne, %convert_element_type3A, %cond3A : i32
    scf.if %cond3A_40 {
      "tpu.region"() ({
        %run_scoped3A = tpu.sem_alloc : memref<!tpu.dma_semaphore, #tpu.memory_space<semaphore_mem>>
        %dma_start3A_411 = arith.constant 0 : i32
        %dma_start3A_412 = arith.constant 0 : i32
        %dma_start3A_413 = arith.constant 0 : i32
        %dma_start3A_414 = tpu.memref_slice %arg7[%arg1, %dma_start3A_411, %dma_start3A_412, %dma_start3A_413] : memref<4x6x8x128xf32, #tpu.memory_space<vmem_shared>> -> memref<1x6x8x128xf32, #tpu.memory_space<vmem_shared>>
        %dma_start3A_415 = tpu.memref_squeeze %dma_start3A_414 : memref<1x6x8x128xf32, #tpu.memory_space<vmem_shared>> -> memref<6x8x128xf32, #tpu.memory_space<vmem_shared>>
        %dma_start3A_416 = arith.constant 0 : i32
        %dma_start3A_417 = arith.constant 0 : i32
        %dma_start3A_418 = arith.constant 0 : i32
        %dma_start3A_419 = tpu.memref_slice %arg3[%arg1, %dma_start3A_416, %dma_start3A_417, %dma_start3A_418] : memref<4x6x8x128xf32, #tpu.memory_space<hbm>> -> memref<1x6x8x128xf32, #tpu.memory_space<hbm>>
        %dma_start3A_420 = tpu.memref_squeeze %dma_start3A_419 : memref<1x6x8x128xf32, #tpu.memory_space<hbm>> -> memref<6x8x128xf32, #tpu.memory_space<hbm>>
        tpu.enqueue_dma source(%dma_start3A_420 : memref<6x8x128xf32, #tpu.memory_space<hbm>>) target(%dma_start3A_415 : memref<6x8x128xf32, #tpu.memory_space<vmem_shared>>) target_semaphore(%run_scoped3A : memref<!tpu.dma_semaphore, #tpu.memory_space<semaphore_mem>>)
        %dma_wait3A_421 = arith.constant 0 : i32
        %dma_wait3A_422 = arith.constant 0 : i32
        %dma_wait3A_423 = arith.constant 0 : i32
        %dma_wait3A_424 = tpu.memref_slice %arg7[%arg1, %dma_wait3A_421, %dma_wait3A_422, %dma_wait3A_423] : memref<4x6x8x128xf32, #tpu.memory_space<vmem_shared>> -> memref<1x6x8x128xf32, #tpu.memory_space<vmem_shared>>
        %dma_wait3A_425 = tpu.memref_squeeze %dma_wait3A_424 : memref<1x6x8x128xf32, #tpu.memory_space<vmem_shared>> -> memref<6x8x128xf32, #tpu.memory_space<vmem_shared>>
        %dma_wait3A_426 = arith.constant 0 : i32
        %dma_wait3A_427 = arith.constant 0 : i32
        %dma_wait3A_428 = arith.constant 0 : i32
        %dma_wait3A_429 = tpu.memref_slice %arg3[%arg1, %dma_wait3A_426, %dma_wait3A_427, %dma_wait3A_428] : memref<4x6x8x128xf32, #tpu.memory_space<hbm>> -> memref<1x6x8x128xf32, #tpu.memory_space<hbm>>
        %dma_wait3A_430 = tpu.memref_squeeze %dma_wait3A_429 : memref<1x6x8x128xf32, #tpu.memory_space<hbm>> -> memref<6x8x128xf32, #tpu.memory_space<hbm>>
        tpu.wait_dma2 semaphore(%run_scoped3A : memref<!tpu.dma_semaphore, #tpu.memory_space<semaphore_mem>>) src(%dma_wait3A_430 : memref<6x8x128xf32, #tpu.memory_space<hbm>>) dst(%dma_wait3A_425 : memref<6x8x128xf32, #tpu.memory_space<vmem_shared>>)
        tpu.yield
      }) : () -> ()
    } else {
    }
    %barrier3A = arith.constant 0 : index
    tpu.barrier barrier_id(%barrier3A)
    %dma_wait3A = arith.constant 0 : i32
    %dma_wait3A_41 = arith.constant 0 : i32
    %dma_wait3A_42 = tpu.memref_slice %arg2[%select_n3A, %dma_wait3A, %select_n3A_30, %dma_wait3A_41] : memref<4x6x8x128xf32, #tpu.memory_space<hbm>> -> memref<1x6x1x128xf32, #tpu.memory_space<hbm>>
    %dma_wait3A_43 = tpu.memref_squeeze %dma_wait3A_42 : memref<1x6x1x128xf32, #tpu.memory_space<hbm>> -> memref<6x128xf32, #tpu.memory_space<hbm>>
    %dma_wait3A_44 = arith.constant 0 : i32
    %dma_wait3A_45 = arith.constant 0 : i32
    %dma_wait3A_46 = tpu.memref_slice %arg2[%select_n3A, %dma_wait3A_44, %select_n3A_30, %dma_wait3A_45] : memref<4x6x8x128xf32, #tpu.memory_space<hbm>> -> memref<1x6x1x128xf32, #tpu.memory_space<hbm>>
    %dma_wait3A_47 = tpu.memref_squeeze %dma_wait3A_46 : memref<1x6x1x128xf32, #tpu.memory_space<hbm>> -> memref<6x128xf32, #tpu.memory_space<hbm>>
    tpu.wait_dma2 semaphore(%arg8 : memref<!tpu.dma_semaphore, #tpu.memory_space<semaphore_mem>>) src(%dma_wait3A_47 : memref<6x128xf32, #tpu.memory_space<hbm>>) dst(%arg6 : memref<6x128xf32, #tpu.memory_space<vmem>>)
    %dma_start3A_48 = arith.constant 0 : i32
    %dma_start3A_49 = arith.constant 0 : i32
    %dma_start3A_50 = arith.constant 0 : i32
    %dma_start3A_51 = arith.constant 0 : i32
    %dma_start3A_52 = arith.constant 0 : i32
    %dma_start3A_53 = tpu.memref_slice %arg5[%dma_start3A_49, %dma_start3A_50, %dma_start3A_51, %dma_start3A_52] : memref<4x6x8x128xf32, #tpu.memory_space<vmem>> -> memref<1x6x8x128xf32, #tpu.memory_space<vmem>>
    %dma_start3A_54 = tpu.memref_squeeze %dma_start3A_53 : memref<1x6x8x128xf32, #tpu.memory_space<vmem>> -> memref<6x8x128xf32, #tpu.memory_space<vmem>>
    %dma_start3A_55 = arith.constant 0 : i32
    %dma_start3A_56 = arith.constant 0 : i32
    %dma_start3A_57 = arith.constant 0 : i32
    %dma_start3A_58 = tpu.memref_slice %arg7[%dma_start3A_48, %dma_start3A_55, %dma_start3A_56, %dma_start3A_57] : memref<4x6x8x128xf32, #tpu.memory_space<vmem_shared>> -> memref<1x6x8x128xf32, #tpu.memory_space<vmem_shared>>
    %dma_start3A_59 = tpu.memref_squeeze %dma_start3A_58 : memref<1x6x8x128xf32, #tpu.memory_space<vmem_shared>> -> memref<6x8x128xf32, #tpu.memory_space<vmem_shared>>
    %dma_start3A_60 = arith.constant 0 : i32
    %dma_start3A_61 = arith.constant 0 : i32
    %dma_start3A_62 = arith.constant 0 : i32
    %dma_start3A_63 = tpu.memref_slice %arg5[%dma_start3A_49, %dma_start3A_60, %dma_start3A_61, %dma_start3A_62] : memref<4x6x8x128xf32, #tpu.memory_space<vmem>> -> memref<1x6x8x128xf32, #tpu.memory_space<vmem>>
    %dma_start3A_64 = tpu.memref_squeeze %dma_start3A_63 : memref<1x6x8x128xf32, #tpu.memory_space<vmem>> -> memref<6x8x128xf32, #tpu.memory_space<vmem>>
    %dma_start3A_65 = arith.constant 0 : i32
    %dma_start3A_66 = arith.constant 0 : i32
    %dma_start3A_67 = arith.constant 0 : i32
    %dma_start3A_68 = tpu.memref_slice %arg7[%dma_start3A_48, %dma_start3A_65, %dma_start3A_66, %dma_start3A_67] : memref<4x6x8x128xf32, #tpu.memory_space<vmem_shared>> -> memref<1x6x8x128xf32, #tpu.memory_space<vmem_shared>>
    %dma_start3A_69 = tpu.memref_squeeze %dma_start3A_68 : memref<1x6x8x128xf32, #tpu.memory_space<vmem_shared>> -> memref<6x8x128xf32, #tpu.memory_space<vmem_shared>>
    tpu.enqueue_dma source(%dma_start3A_69 : memref<6x8x128xf32, #tpu.memory_space<vmem_shared>>) target(%dma_start3A_64 : memref<6x8x128xf32, #tpu.memory_space<vmem>>) target_semaphore(%arg9 : memref<!tpu.dma_semaphore, #tpu.memory_space<semaphore_mem>>)
    %dma_start3A_70 = arith.constant 1 : i32
    %dma_start3A_71 = arith.constant 1 : i32
    %dma_start3A_72 = arith.constant 0 : i32
    %dma_start3A_73 = arith.constant 0 : i32
    %dma_start3A_74 = arith.constant 0 : i32
    %dma_start3A_75 = tpu.memref_slice %arg5[%dma_start3A_71, %dma_start3A_72, %dma_start3A_73, %dma_start3A_74] : memref<4x6x8x128xf32, #tpu.memory_space<vmem>> -> memref<1x6x8x128xf32, #tpu.memory_space<vmem>>
    %dma_start3A_76 = tpu.memref_squeeze %dma_start3A_75 : memref<1x6x8x128xf32, #tpu.memory_space<vmem>> -> memref<6x8x128xf32, #tpu.memory_space<vmem>>
    %dma_start3A_77 = arith.constant 0 : i32
    %dma_start3A_78 = arith.constant 0 : i32
    %dma_start3A_79 = arith.constant 0 : i32
    %dma_start3A_80 = tpu.memref_slice %arg7[%dma_start3A_70, %dma_start3A_77, %dma_start3A_78, %dma_start3A_79] : memref<4x6x8x128xf32, #tpu.memory_space<vmem_shared>> -> memref<1x6x8x128xf32, #tpu.memory_space<vmem_shared>>
    %dma_start3A_81 = tpu.memref_squeeze %dma_start3A_80 : memref<1x6x8x128xf32, #tpu.memory_space<vmem_shared>> -> memref<6x8x128xf32, #tpu.memory_space<vmem_shared>>
    %dma_start3A_82 = arith.constant 0 : i32
    %dma_start3A_83 = arith.constant 0 : i32
    %dma_start3A_84 = arith.constant 0 : i32
    %dma_start3A_85 = tpu.memref_slice %arg5[%dma_start3A_71, %dma_start3A_82, %dma_start3A_83, %dma_start3A_84] : memref<4x6x8x128xf32, #tpu.memory_space<vmem>> -> memref<1x6x8x128xf32, #tpu.memory_space<vmem>>
    %dma_start3A_86 = tpu.memref_squeeze %dma_start3A_85 : memref<1x6x8x128xf32, #tpu.memory_space<vmem>> -> memref<6x8x128xf32, #tpu.memory_space<vmem>>
    %dma_start3A_87 = arith.constant 0 : i32
    %dma_start3A_88 = arith.constant 0 : i32
    %dma_start3A_89 = arith.constant 0 : i32
    %dma_start3A_90 = tpu.memref_slice %arg7[%dma_start3A_70, %dma_start3A_87, %dma_start3A_88, %dma_start3A_89] : memref<4x6x8x128xf32, #tpu.memory_space<vmem_shared>> -> memref<1x6x8x128xf32, #tpu.memory_space<vmem_shared>>
    %dma_start3A_91 = tpu.memref_squeeze %dma_start3A_90 : memref<1x6x8x128xf32, #tpu.memory_space<vmem_shared>> -> memref<6x8x128xf32, #tpu.memory_space<vmem_shared>>
    tpu.enqueue_dma source(%dma_start3A_91 : memref<6x8x128xf32, #tpu.memory_space<vmem_shared>>) target(%dma_start3A_86 : memref<6x8x128xf32, #tpu.memory_space<vmem>>) target_semaphore(%arg10 : memref<!tpu.dma_semaphore, #tpu.memory_space<semaphore_mem>>)
    %dma_start3A_92 = arith.constant 2 : i32
    %dma_start3A_93 = arith.constant 2 : i32
    %dma_start3A_94 = arith.constant 0 : i32
    %dma_start3A_95 = arith.constant 0 : i32
    %dma_start3A_96 = arith.constant 0 : i32
    %dma_start3A_97 = tpu.memref_slice %arg5[%dma_start3A_93, %dma_start3A_94, %dma_start3A_95, %dma_start3A_96] : memref<4x6x8x128xf32, #tpu.memory_space<vmem>> -> memref<1x6x8x128xf32, #tpu.memory_space<vmem>>
    %dma_start3A_98 = tpu.memref_squeeze %dma_start3A_97 : memref<1x6x8x128xf32, #tpu.memory_space<vmem>> -> memref<6x8x128xf32, #tpu.memory_space<vmem>>
    %dma_start3A_99 = arith.constant 0 : i32
    %dma_start3A_100 = arith.constant 0 : i32
    %dma_start3A_101 = arith.constant 0 : i32
    %dma_start3A_102 = tpu.memref_slice %arg7[%dma_start3A_92, %dma_start3A_99, %dma_start3A_100, %dma_start3A_101] : memref<4x6x8x128xf32, #tpu.memory_space<vmem_shared>> -> memref<1x6x8x128xf32, #tpu.memory_space<vmem_shared>>
    %dma_start3A_103 = tpu.memref_squeeze %dma_start3A_102 : memref<1x6x8x128xf32, #tpu.memory_space<vmem_shared>> -> memref<6x8x128xf32, #tpu.memory_space<vmem_shared>>
    %dma_start3A_104 = arith.constant 0 : i32
    %dma_start3A_105 = arith.constant 0 : i32
    %dma_start3A_106 = arith.constant 0 : i32
    %dma_start3A_107 = tpu.memref_slice %arg5[%dma_start3A_93, %dma_start3A_104, %dma_start3A_105, %dma_start3A_106] : memref<4x6x8x128xf32, #tpu.memory_space<vmem>> -> memref<1x6x8x128xf32, #tpu.memory_space<vmem>>
    %dma_start3A_108 = tpu.memref_squeeze %dma_start3A_107 : memref<1x6x8x128xf32, #tpu.memory_space<vmem>> -> memref<6x8x128xf32, #tpu.memory_space<vmem>>
    %dma_start3A_109 = arith.constant 0 : i32
    %dma_start3A_110 = arith.constant 0 : i32
    %dma_start3A_111 = arith.constant 0 : i32
    %dma_start3A_112 = tpu.memref_slice %arg7[%dma_start3A_92, %dma_start3A_109, %dma_start3A_110, %dma_start3A_111] : memref<4x6x8x128xf32, #tpu.memory_space<vmem_shared>> -> memref<1x6x8x128xf32, #tpu.memory_space<vmem_shared>>
    %dma_start3A_113 = tpu.memref_squeeze %dma_start3A_112 : memref<1x6x8x128xf32, #tpu.memory_space<vmem_shared>> -> memref<6x8x128xf32, #tpu.memory_space<vmem_shared>>
    tpu.enqueue_dma source(%dma_start3A_113 : memref<6x8x128xf32, #tpu.memory_space<vmem_shared>>) target(%dma_start3A_108 : memref<6x8x128xf32, #tpu.memory_space<vmem>>) target_semaphore(%arg11 : memref<!tpu.dma_semaphore, #tpu.memory_space<semaphore_mem>>)
    %dma_start3A_114 = arith.constant 3 : i32
    %dma_start3A_115 = arith.constant 3 : i32
    %dma_start3A_116 = arith.constant 0 : i32
    %dma_start3A_117 = arith.constant 0 : i32
    %dma_start3A_118 = arith.constant 0 : i32
    %dma_start3A_119 = tpu.memref_slice %arg5[%dma_start3A_115, %dma_start3A_116, %dma_start3A_117, %dma_start3A_118] : memref<4x6x8x128xf32, #tpu.memory_space<vmem>> -> memref<1x6x8x128xf32, #tpu.memory_space<vmem>>
    %dma_start3A_120 = tpu.memref_squeeze %dma_start3A_119 : memref<1x6x8x128xf32, #tpu.memory_space<vmem>> -> memref<6x8x128xf32, #tpu.memory_space<vmem>>
    %dma_start3A_121 = arith.constant 0 : i32
    %dma_start3A_122 = arith.constant 0 : i32
    %dma_start3A_123 = arith.constant 0 : i32
    %dma_start3A_124 = tpu.memref_slice %arg7[%dma_start3A_114, %dma_start3A_121, %dma_start3A_122, %dma_start3A_123] : memref<4x6x8x128xf32, #tpu.memory_space<vmem_shared>> -> memref<1x6x8x128xf32, #tpu.memory_space<vmem_shared>>
    %dma_start3A_125 = tpu.memref_squeeze %dma_start3A_124 : memref<1x6x8x128xf32, #tpu.memory_space<vmem_shared>> -> memref<6x8x128xf32, #tpu.memory_space<vmem_shared>>
    %dma_start3A_126 = arith.constant 0 : i32
    %dma_start3A_127 = arith.constant 0 : i32
    %dma_start3A_128 = arith.constant 0 : i32
    %dma_start3A_129 = tpu.memref_slice %arg5[%dma_start3A_115, %dma_start3A_126, %dma_start3A_127, %dma_start3A_128] : memref<4x6x8x128xf32, #tpu.memory_space<vmem>> -> memref<1x6x8x128xf32, #tpu.memory_space<vmem>>
    %dma_start3A_130 = tpu.memref_squeeze %dma_start3A_129 : memref<1x6x8x128xf32, #tpu.memory_space<vmem>> -> memref<6x8x128xf32, #tpu.memory_space<vmem>>
    %dma_start3A_131 = arith.constant 0 : i32
    %dma_start3A_132 = arith.constant 0 : i32
    %dma_start3A_133 = arith.constant 0 : i32
    %dma_start3A_134 = tpu.memref_slice %arg7[%dma_start3A_114, %dma_start3A_131, %dma_start3A_132, %dma_start3A_133] : memref<4x6x8x128xf32, #tpu.memory_space<vmem_shared>> -> memref<1x6x8x128xf32, #tpu.memory_space<vmem_shared>>
    %dma_start3A_135 = tpu.memref_squeeze %dma_start3A_134 : memref<1x6x8x128xf32, #tpu.memory_space<vmem_shared>> -> memref<6x8x128xf32, #tpu.memory_space<vmem_shared>>
    tpu.enqueue_dma source(%dma_start3A_135 : memref<6x8x128xf32, #tpu.memory_space<vmem_shared>>) target(%dma_start3A_130 : memref<6x8x128xf32, #tpu.memory_space<vmem>>) target_semaphore(%arg12 : memref<!tpu.dma_semaphore, #tpu.memory_space<semaphore_mem>>)
    %dma_wait3A_136 = arith.constant 0 : i32
    %dma_wait3A_137 = arith.constant 0 : i32
    %dma_wait3A_138 = arith.constant 0 : i32
    %dma_wait3A_139 = arith.constant 0 : i32
    %dma_wait3A_140 = arith.constant 0 : i32
    %dma_wait3A_141 = tpu.memref_slice %arg5[%dma_wait3A_137, %dma_wait3A_138, %dma_wait3A_139, %dma_wait3A_140] : memref<4x6x8x128xf32, #tpu.memory_space<vmem>> -> memref<1x6x8x128xf32, #tpu.memory_space<vmem>>
    %dma_wait3A_142 = tpu.memref_squeeze %dma_wait3A_141 : memref<1x6x8x128xf32, #tpu.memory_space<vmem>> -> memref<6x8x128xf32, #tpu.memory_space<vmem>>
    %dma_wait3A_143 = arith.constant 0 : i32
    %dma_wait3A_144 = arith.constant 0 : i32
    %dma_wait3A_145 = arith.constant 0 : i32
    %dma_wait3A_146 = tpu.memref_slice %arg7[%dma_wait3A_136, %dma_wait3A_143, %dma_wait3A_144, %dma_wait3A_145] : memref<4x6x8x128xf32, #tpu.memory_space<vmem_shared>> -> memref<1x6x8x128xf32, #tpu.memory_space<vmem_shared>>
    %dma_wait3A_147 = tpu.memref_squeeze %dma_wait3A_146 : memref<1x6x8x128xf32, #tpu.memory_space<vmem_shared>> -> memref<6x8x128xf32, #tpu.memory_space<vmem_shared>>
    %dma_wait3A_148 = arith.constant 0 : i32
    %dma_wait3A_149 = arith.constant 0 : i32
    %dma_wait3A_150 = arith.constant 0 : i32
    %dma_wait3A_151 = tpu.memref_slice %arg5[%dma_wait3A_137, %dma_wait3A_148, %dma_wait3A_149, %dma_wait3A_150] : memref<4x6x8x128xf32, #tpu.memory_space<vmem>> -> memref<1x6x8x128xf32, #tpu.memory_space<vmem>>
    %dma_wait3A_152 = tpu.memref_squeeze %dma_wait3A_151 : memref<1x6x8x128xf32, #tpu.memory_space<vmem>> -> memref<6x8x128xf32, #tpu.memory_space<vmem>>
    %dma_wait3A_153 = arith.constant 0 : i32
    %dma_wait3A_154 = arith.constant 0 : i32
    %dma_wait3A_155 = arith.constant 0 : i32
    %dma_wait3A_156 = tpu.memref_slice %arg7[%dma_wait3A_136, %dma_wait3A_153, %dma_wait3A_154, %dma_wait3A_155] : memref<4x6x8x128xf32, #tpu.memory_space<vmem_shared>> -> memref<1x6x8x128xf32, #tpu.memory_space<vmem_shared>>
    %dma_wait3A_157 = tpu.memref_squeeze %dma_wait3A_156 : memref<1x6x8x128xf32, #tpu.memory_space<vmem_shared>> -> memref<6x8x128xf32, #tpu.memory_space<vmem_shared>>
    tpu.wait_dma2 semaphore(%arg9 : memref<!tpu.dma_semaphore, #tpu.memory_space<semaphore_mem>>) src(%dma_wait3A_157 : memref<6x8x128xf32, #tpu.memory_space<vmem_shared>>) dst(%dma_wait3A_152 : memref<6x8x128xf32, #tpu.memory_space<vmem>>)
    %parallel_loop3A = arith.constant 0 : i32
    %parallel_loop3A_158 = arith.constant 6 : i32
    %parallel_loop3A_159 = arith.constant 1 : i32
    scf.for %parallel_loop3A_411 = %parallel_loop3A to %parallel_loop3A_158 step %parallel_loop3A_159  : i32 {
      %parallel_loop3A_412 = arith.index_cast %parallel_loop3A_411 : i32 to index
      %parallel_loop3A_413 = arith.constant 0 : index
      %parallel_loop3A_414 = tpu.vector_load %arg6[%parallel_loop3A_412, %parallel_loop3A_413] {strides = array<i32>} : memref<6x128xf32, #tpu.memory_space<vmem>>, vector<16xf32>,
      %parallel_loop3A_415 = arith.index_cast %parallel_loop3A_411 : i32 to index
      %parallel_loop3A_416 = arith.constant 16 : index
      %parallel_loop3A_417 = tpu.vector_load %arg6[%parallel_loop3A_415, %parallel_loop3A_416] {strides = array<i32>} : memref<6x128xf32, #tpu.memory_space<vmem>>, vector<16xf32>,
      %parallel_loop3A_418 = arith.index_cast %parallel_loop3A_411 : i32 to index
      %parallel_loop3A_419 = arith.constant 32 : index
      %parallel_loop3A_420 = tpu.vector_load %arg6[%parallel_loop3A_418, %parallel_loop3A_419] {strides = array<i32>} : memref<6x128xf32, #tpu.memory_space<vmem>>, vector<16xf32>,
      %parallel_loop3A_421 = arith.index_cast %parallel_loop3A_411 : i32 to index
      %parallel_loop3A_422 = arith.constant 48 : index
      %parallel_loop3A_423 = tpu.vector_load %arg6[%parallel_loop3A_421, %parallel_loop3A_422] {strides = array<i32>} : memref<6x128xf32, #tpu.memory_space<vmem>>, vector<16xf32>,
      %parallel_loop3A_424 = arith.index_cast %parallel_loop3A_411 : i32 to index
      %parallel_loop3A_425 = arith.constant 64 : index
      %parallel_loop3A_426 = tpu.vector_load %arg6[%parallel_loop3A_424, %parallel_loop3A_425] {strides = array<i32>} : memref<6x128xf32, #tpu.memory_space<vmem>>, vector<16xf32>,
      %parallel_loop3A_427 = arith.index_cast %parallel_loop3A_411 : i32 to index
      %parallel_loop3A_428 = arith.constant 80 : index
      %parallel_loop3A_429 = tpu.vector_load %arg6[%parallel_loop3A_427, %parallel_loop3A_428] {strides = array<i32>} : memref<6x128xf32, #tpu.memory_space<vmem>>, vector<16xf32>,
      %parallel_loop3A_430 = arith.index_cast %parallel_loop3A_411 : i32 to index
      %parallel_loop3A_431 = arith.constant 96 : index
      %parallel_loop3A_432 = tpu.vector_load %arg6[%parallel_loop3A_430, %parallel_loop3A_431] {strides = array<i32>} : memref<6x128xf32, #tpu.memory_space<vmem>>, vector<16xf32>,
      %parallel_loop3A_433 = arith.index_cast %parallel_loop3A_411 : i32 to index
      %parallel_loop3A_434 = arith.constant 112 : index
      %parallel_loop3A_435 = tpu.vector_load %arg6[%parallel_loop3A_433, %parallel_loop3A_434] {strides = array<i32>} : memref<6x128xf32, #tpu.memory_space<vmem>>, vector<16xf32>,
      %parallel_loop3A_436 = arith.constant 0 : i32
      %parallel_loop3A_437 = arith.constant 0 : i32
      %parallel_loop3A_438 = arith.index_cast %parallel_loop3A_436 : i32 to index
      %parallel_loop3A_439 = arith.index_cast %parallel_loop3A_411 : i32 to index
      %parallel_loop3A_440 = arith.index_cast %parallel_loop3A_437 : i32 to index
      %parallel_loop3A_441 = arith.constant 0 : index
      %parallel_loop3A_442 = tpu.vector_load %arg5[%parallel_loop3A_438, %parallel_loop3A_439, %parallel_loop3A_440, %parallel_loop3A_441] {strides = array<i32>} : memref<4x6x8x128xf32, #tpu.memory_space<vmem>>, vector<16xf32>,
      tpu.vector_store %arg5[%parallel_loop3A_438, %parallel_loop3A_439, %parallel_loop3A_440, %parallel_loop3A_441], %parallel_loop3A_414 {add = true, strides = array<i32>} : memref<4x6x8x128xf32, #tpu.memory_space<vmem>>, vector<16xf32>,
      %parallel_loop3A_443 = arith.constant 0 : i32
      %parallel_loop3A_444 = arith.constant 0 : i32
      %parallel_loop3A_445 = arith.index_cast %parallel_loop3A_443 : i32 to index
      %parallel_loop3A_446 = arith.index_cast %parallel_loop3A_411 : i32 to index
      %parallel_loop3A_447 = arith.index_cast %parallel_loop3A_444 : i32 to index
      %parallel_loop3A_448 = arith.constant 16 : index
      %parallel_loop3A_449 = tpu.vector_load %arg5[%parallel_loop3A_445, %parallel_loop3A_446, %parallel_loop3A_447, %parallel_loop3A_448] {strides = array<i32>} : memref<4x6x8x128xf32, #tpu.memory_space<vmem>>, vector<16xf32>,
      tpu.vector_store %arg5[%parallel_loop3A_445, %parallel_loop3A_446, %parallel_loop3A_447, %parallel_loop3A_448], %parallel_loop3A_417 {add = true, strides = array<i32>} : memref<4x6x8x128xf32, #tpu.memory_space<vmem>>, vector<16xf32>,
      %parallel_loop3A_450 = arith.constant 0 : i32
      %parallel_loop3A_451 = arith.constant 0 : i32
      %parallel_loop3A_452 = arith.index_cast %parallel_loop3A_450 : i32 to index
      %parallel_loop3A_453 = arith.index_cast %parallel_loop3A_411 : i32 to index
      %parallel_loop3A_454 = arith.index_cast %parallel_loop3A_451 : i32 to index
      %parallel_loop3A_455 = arith.constant 32 : index
      %parallel_loop3A_456 = tpu.vector_load %arg5[%parallel_loop3A_452, %parallel_loop3A_453, %parallel_loop3A_454, %parallel_loop3A_455] {strides = array<i32>} : memref<4x6x8x128xf32, #tpu.memory_space<vmem>>, vector<16xf32>,
      tpu.vector_store %arg5[%parallel_loop3A_452, %parallel_loop3A_453, %parallel_loop3A_454, %parallel_loop3A_455], %parallel_loop3A_420 {add = true, strides = array<i32>} : memref<4x6x8x128xf32, #tpu.memory_space<vmem>>, vector<16xf32>,
      %parallel_loop3A_457 = arith.constant 0 : i32
      %parallel_loop3A_458 = arith.constant 0 : i32
      %parallel_loop3A_459 = arith.index_cast %parallel_loop3A_457 : i32 to index
      %parallel_loop3A_460 = arith.index_cast %parallel_loop3A_411 : i32 to index
      %parallel_loop3A_461 = arith.index_cast %parallel_loop3A_458 : i32 to index
      %parallel_loop3A_462 = arith.constant 48 : index
      %parallel_loop3A_463 = tpu.vector_load %arg5[%parallel_loop3A_459, %parallel_loop3A_460, %parallel_loop3A_461, %parallel_loop3A_462] {strides = array<i32>} : memref<4x6x8x128xf32, #tpu.memory_space<vmem>>, vector<16xf32>,
      tpu.vector_store %arg5[%parallel_loop3A_459, %parallel_loop3A_460, %parallel_loop3A_461, %parallel_loop3A_462], %parallel_loop3A_423 {add = true, strides = array<i32>} : memref<4x6x8x128xf32, #tpu.memory_space<vmem>>, vector<16xf32>,
      %parallel_loop3A_464 = arith.constant 0 : i32
      %parallel_loop3A_465 = arith.constant 0 : i32
      %parallel_loop3A_466 = arith.index_cast %parallel_loop3A_464 : i32 to index
      %parallel_loop3A_467 = arith.index_cast %parallel_loop3A_411 : i32 to index
      %parallel_loop3A_468 = arith.index_cast %parallel_loop3A_465 : i32 to index
      %parallel_loop3A_469 = arith.constant 64 : index
      %parallel_loop3A_470 = tpu.vector_load %arg5[%parallel_loop3A_466, %parallel_loop3A_467, %parallel_loop3A_468, %parallel_loop3A_469] {strides = array<i32>} : memref<4x6x8x128xf32, #tpu.memory_space<vmem>>, vector<16xf32>,
      tpu.vector_store %arg5[%parallel_loop3A_466, %parallel_loop3A_467, %parallel_loop3A_468, %parallel_loop3A_469], %parallel_loop3A_426 {add = true, strides = array<i32>} : memref<4x6x8x128xf32, #tpu.memory_space<vmem>>, vector<16xf32>,
      %parallel_loop3A_471 = arith.constant 0 : i32
      %parallel_loop3A_472 = arith.constant 0 : i32
      %parallel_loop3A_473 = arith.index_cast %parallel_loop3A_471 : i32 to index
      %parallel_loop3A_474 = arith.index_cast %parallel_loop3A_411 : i32 to index
      %parallel_loop3A_475 = arith.index_cast %parallel_loop3A_472 : i32 to index
      %parallel_loop3A_476 = arith.constant 80 : index
      %parallel_loop3A_477 = tpu.vector_load %arg5[%parallel_loop3A_473, %parallel_loop3A_474, %parallel_loop3A_475, %parallel_loop3A_476] {strides = array<i32>} : memref<4x6x8x128xf32, #tpu.memory_space<vmem>>, vector<16xf32>,
      tpu.vector_store %arg5[%parallel_loop3A_473, %parallel_loop3A_474, %parallel_loop3A_475, %parallel_loop3A_476], %parallel_loop3A_429 {add = true, strides = array<i32>} : memref<4x6x8x128xf32, #tpu.memory_space<vmem>>, vector<16xf32>,
      %parallel_loop3A_478 = arith.constant 0 : i32
      %parallel_loop3A_479 = arith.constant 0 : i32
      %parallel_loop3A_480 = arith.index_cast %parallel_loop3A_478 : i32 to index
      %parallel_loop3A_481 = arith.index_cast %parallel_loop3A_411 : i32 to index
      %parallel_loop3A_482 = arith.index_cast %parallel_loop3A_479 : i32 to index
      %parallel_loop3A_483 = arith.constant 96 : index
      %parallel_loop3A_484 = tpu.vector_load %arg5[%parallel_loop3A_480, %parallel_loop3A_481, %parallel_loop3A_482, %parallel_loop3A_483] {strides = array<i32>} : memref<4x6x8x128xf32, #tpu.memory_space<vmem>>, vector<16xf32>,
      tpu.vector_store %arg5[%parallel_loop3A_480, %parallel_loop3A_481, %parallel_loop3A_482, %parallel_loop3A_483], %parallel_loop3A_432 {add = true, strides = array<i32>} : memref<4x6x8x128xf32, #tpu.memory_space<vmem>>, vector<16xf32>,
      %parallel_loop3A_485 = arith.constant 0 : i32
      %parallel_loop3A_486 = arith.constant 0 : i32
      %parallel_loop3A_487 = arith.index_cast %parallel_loop3A_485 : i32 to index
      %parallel_loop3A_488 = arith.index_cast %parallel_loop3A_411 : i32 to index
      %parallel_loop3A_489 = arith.index_cast %parallel_loop3A_486 : i32 to index
      %parallel_loop3A_490 = arith.constant 112 : index
      %parallel_loop3A_491 = tpu.vector_load %arg5[%parallel_loop3A_487, %parallel_loop3A_488, %parallel_loop3A_489, %parallel_loop3A_490] {strides = array<i32>} : memref<4x6x8x128xf32, #tpu.memory_space<vmem>>, vector<16xf32>,
      tpu.vector_store %arg5[%parallel_loop3A_487, %parallel_loop3A_488, %parallel_loop3A_489, %parallel_loop3A_490], %parallel_loop3A_435 {add = true, strides = array<i32>} : memref<4x6x8x128xf32, #tpu.memory_space<vmem>>, vector<16xf32>,
      %parallel_loop3A_492 = arith.constant 0 : i32
      %parallel_loop3A_493 = arith.constant 1 : i32
      %parallel_loop3A_494 = arith.index_cast %parallel_loop3A_492 : i32 to index
      %parallel_loop3A_495 = arith.index_cast %parallel_loop3A_411 : i32 to index
      %parallel_loop3A_496 = arith.index_cast %parallel_loop3A_493 : i32 to index
      %parallel_loop3A_497 = arith.constant 0 : index
      %parallel_loop3A_498 = tpu.vector_load %arg5[%parallel_loop3A_494, %parallel_loop3A_495, %parallel_loop3A_496, %parallel_loop3A_497] {strides = array<i32>} : memref<4x6x8x128xf32, #tpu.memory_space<vmem>>, vector<16xf32>,
      tpu.vector_store %arg5[%parallel_loop3A_494, %parallel_loop3A_495, %parallel_loop3A_496, %parallel_loop3A_497], %parallel_loop3A_414 {add = true, strides = array<i32>} : memref<4x6x8x128xf32, #tpu.memory_space<vmem>>, vector<16xf32>,
      %parallel_loop3A_499 = arith.constant 0 : i32
      %parallel_loop3A_500 = arith.constant 1 : i32
      %parallel_loop3A_501 = arith.index_cast %parallel_loop3A_499 : i32 to index
      %parallel_loop3A_502 = arith.index_cast %parallel_loop3A_411 : i32 to index
      %parallel_loop3A_503 = arith.index_cast %parallel_loop3A_500 : i32 to index
      %parallel_loop3A_504 = arith.constant 16 : index
      %parallel_loop3A_505 = tpu.vector_load %arg5[%parallel_loop3A_501, %parallel_loop3A_502, %parallel_loop3A_503, %parallel_loop3A_504] {strides = array<i32>} : memref<4x6x8x128xf32, #tpu.memory_space<vmem>>, vector<16xf32>,
      tpu.vector_store %arg5[%parallel_loop3A_501, %parallel_loop3A_502, %parallel_loop3A_503, %parallel_loop3A_504], %parallel_loop3A_417 {add = true, strides = array<i32>} : memref<4x6x8x128xf32, #tpu.memory_space<vmem>>, vector<16xf32>,
      %parallel_loop3A_506 = arith.constant 0 : i32
      %parallel_loop3A_507 = arith.constant 1 : i32
      %parallel_loop3A_508 = arith.index_cast %parallel_loop3A_506 : i32 to index
      %parallel_loop3A_509 = arith.index_cast %parallel_loop3A_411 : i32 to index
      %parallel_loop3A_510 = arith.index_cast %parallel_loop3A_507 : i32 to index
      %parallel_loop3A_511 = arith.constant 32 : index
      %parallel_loop3A_512 = tpu.vector_load %arg5[%parallel_loop3A_508, %parallel_loop3A_509, %parallel_loop3A_510, %parallel_loop3A_511] {strides = array<i32>} : memref<4x6x8x128xf32, #tpu.memory_space<vmem>>, vector<16xf32>,
      tpu.vector_store %arg5[%parallel_loop3A_508, %parallel_loop3A_509, %parallel_loop3A_510, %parallel_loop3A_511], %parallel_loop3A_420 {add = true, strides = array<i32>} : memref<4x6x8x128xf32, #tpu.memory_space<vmem>>, vector<16xf32>,
      %parallel_loop3A_513 = arith.constant 0 : i32
      %parallel_loop3A_514 = arith.constant 1 : i32
      %parallel_loop3A_515 = arith.index_cast %parallel_loop3A_513 : i32 to index
      %parallel_loop3A_516 = arith.index_cast %parallel_loop3A_411 : i32 to index
      %parallel_loop3A_517 = arith.index_cast %parallel_loop3A_514 : i32 to index
      %parallel_loop3A_518 = arith.constant 48 : index
      %parallel_loop3A_519 = tpu.vector_load %arg5[%parallel_loop3A_515, %parallel_loop3A_516, %parallel_loop3A_517, %parallel_loop3A_518] {strides = array<i32>} : memref<4x6x8x128xf32, #tpu.memory_space<vmem>>, vector<16xf32>,
      tpu.vector_store %arg5[%parallel_loop3A_515, %parallel_loop3A_516, %parallel_loop3A_517, %parallel_loop3A_518], %parallel_loop3A_423 {add = true, strides = array<i32>} : memref<4x6x8x128xf32, #tpu.memory_space<vmem>>, vector<16xf32>,
      %parallel_loop3A_520 = arith.constant 0 : i32
      %parallel_loop3A_521 = arith.constant 1 : i32
      %parallel_loop3A_522 = arith.index_cast %parallel_loop3A_520 : i32 to index
      %parallel_loop3A_523 = arith.index_cast %parallel_loop3A_411 : i32 to index
      %parallel_loop3A_524 = arith.index_cast %parallel_loop3A_521 : i32 to index
      %parallel_loop3A_525 = arith.constant 64 : index
      %parallel_loop3A_526 = tpu.vector_load %arg5[%parallel_loop3A_522, %parallel_loop3A_523, %parallel_loop3A_524, %parallel_loop3A_525] {strides = array<i32>} : memref<4x6x8x128xf32, #tpu.memory_space<vmem>>, vector<16xf32>,
      tpu.vector_store %arg5[%parallel_loop3A_522, %parallel_loop3A_523, %parallel_loop3A_524, %parallel_loop3A_525], %parallel_loop3A_426 {add = true, strides = array<i32>} : memref<4x6x8x128xf32, #tpu.memory_space<vmem>>, vector<16xf32>,
      %parallel_loop3A_527 = arith.constant 0 : i32
      %parallel_loop3A_528 = arith.constant 1 : i32
      %parallel_loop3A_529 = arith.index_cast %parallel_loop3A_527 : i32 to index
      %parallel_loop3A_530 = arith.index_cast %parallel_loop3A_411 : i32 to index
      %parallel_loop3A_531 = arith.index_cast %parallel_loop3A_528 : i32 to index
      %parallel_loop3A_532 = arith.constant 80 : index
      %parallel_loop3A_533 = tpu.vector_load %arg5[%parallel_loop3A_529, %parallel_loop3A_530, %parallel_loop3A_531, %parallel_loop3A_532] {strides = array<i32>} : memref<4x6x8x128xf32, #tpu.memory_space<vmem>>, vector<16xf32>,
      tpu.vector_store %arg5[%parallel_loop3A_529, %parallel_loop3A_530, %parallel_loop3A_531, %parallel_loop3A_532], %parallel_loop3A_429 {add = true, strides = array<i32>} : memref<4x6x8x128xf32, #tpu.memory_space<vmem>>, vector<16xf32>,
      %parallel_loop3A_534 = arith.constant 0 : i32
      %parallel_loop3A_535 = arith.constant 1 : i32
      %parallel_loop3A_536 = arith.index_cast %parallel_loop3A_534 : i32 to index
      %parallel_loop3A_537 = arith.index_cast %parallel_loop3A_411 : i32 to index
      %parallel_loop3A_538 = arith.index_cast %parallel_loop3A_535 : i32 to index
      %parallel_loop3A_539 = arith.constant 96 : index
      %parallel_loop3A_540 = tpu.vector_load %arg5[%parallel_loop3A_536, %parallel_loop3A_537, %parallel_loop3A_538, %parallel_loop3A_539] {strides = array<i32>} : memref<4x6x8x128xf32, #tpu.memory_space<vmem>>, vector<16xf32>,
      tpu.vector_store %arg5[%parallel_loop3A_536, %parallel_loop3A_537, %parallel_loop3A_538, %parallel_loop3A_539], %parallel_loop3A_432 {add = true, strides = array<i32>} : memref<4x6x8x128xf32, #tpu.memory_space<vmem>>, vector<16xf32>,
      %parallel_loop3A_541 = arith.constant 0 : i32
      %parallel_loop3A_542 = arith.constant 1 : i32
      %parallel_loop3A_543 = arith.index_cast %parallel_loop3A_541 : i32 to index
      %parallel_loop3A_544 = arith.index_cast %parallel_loop3A_411 : i32 to index
      %parallel_loop3A_545 = arith.index_cast %parallel_loop3A_542 : i32 to index
      %parallel_loop3A_546 = arith.constant 112 : index
      %parallel_loop3A_547 = tpu.vector_load %arg5[%parallel_loop3A_543, %parallel_loop3A_544, %parallel_loop3A_545, %parallel_loop3A_546] {strides = array<i32>} : memref<4x6x8x128xf32, #tpu.memory_space<vmem>>, vector<16xf32>,
      tpu.vector_store %arg5[%parallel_loop3A_543, %parallel_loop3A_544, %parallel_loop3A_545, %parallel_loop3A_546], %parallel_loop3A_435 {add = true, strides = array<i32>} : memref<4x6x8x128xf32, #tpu.memory_space<vmem>>, vector<16xf32>,
      %parallel_loop3A_548 = arith.constant 0 : i32
      %parallel_loop3A_549 = arith.constant 2 : i32
      %parallel_loop3A_550 = arith.index_cast %parallel_loop3A_548 : i32 to index
      %parallel_loop3A_551 = arith.index_cast %parallel_loop3A_411 : i32 to index
      %parallel_loop3A_552 = arith.index_cast %parallel_loop3A_549 : i32 to index
      %parallel_loop3A_553 = arith.constant 0 : index
      %parallel_loop3A_554 = tpu.vector_load %arg5[%parallel_loop3A_550, %parallel_loop3A_551, %parallel_loop3A_552, %parallel_loop3A_553] {strides = array<i32>} : memref<4x6x8x128xf32, #tpu.memory_space<vmem>>, vector<16xf32>,
      tpu.vector_store %arg5[%parallel_loop3A_550, %parallel_loop3A_551, %parallel_loop3A_552, %parallel_loop3A_553], %parallel_loop3A_414 {add = true, strides = array<i32>} : memref<4x6x8x128xf32, #tpu.memory_space<vmem>>, vector<16xf32>,
      %parallel_loop3A_555 = arith.constant 0 : i32
      %parallel_loop3A_556 = arith.constant 2 : i32
      %parallel_loop3A_557 = arith.index_cast %parallel_loop3A_555 : i32 to index
      %parallel_loop3A_558 = arith.index_cast %parallel_loop3A_411 : i32 to index
      %parallel_loop3A_559 = arith.index_cast %parallel_loop3A_556 : i32 to index
      %parallel_loop3A_560 = arith.constant 16 : index
      %parallel_loop3A_561 = tpu.vector_load %arg5[%parallel_loop3A_557, %parallel_loop3A_558, %parallel_loop3A_559, %parallel_loop3A_560] {strides = array<i32>} : memref<4x6x8x128xf32, #tpu.memory_space<vmem>>, vector<16xf32>,
      tpu.vector_store %arg5[%parallel_loop3A_557, %parallel_loop3A_558, %parallel_loop3A_559, %parallel_loop3A_560], %parallel_loop3A_417 {add = true, strides = array<i32>} : memref<4x6x8x128xf32, #tpu.memory_space<vmem>>, vector<16xf32>,
      %parallel_loop3A_562 = arith.constant 0 : i32
      %parallel_loop3A_563 = arith.constant 2 : i32
      %parallel_loop3A_564 = arith.index_cast %parallel_loop3A_562 : i32 to index
      %parallel_loop3A_565 = arith.index_cast %parallel_loop3A_411 : i32 to index
      %parallel_loop3A_566 = arith.index_cast %parallel_loop3A_563 : i32 to index
      %parallel_loop3A_567 = arith.constant 32 : index
      %parallel_loop3A_568 = tpu.vector_load %arg5[%parallel_loop3A_564, %parallel_loop3A_565, %parallel_loop3A_566, %parallel_loop3A_567] {strides = array<i32>} : memref<4x6x8x128xf32, #tpu.memory_space<vmem>>, vector<16xf32>,
      tpu.vector_store %arg5[%parallel_loop3A_564, %parallel_loop3A_565, %parallel_loop3A_566, %parallel_loop3A_567], %parallel_loop3A_420 {add = true, strides = array<i32>} : memref<4x6x8x128xf32, #tpu.memory_space<vmem>>, vector<16xf32>,
      %parallel_loop3A_569 = arith.constant 0 : i32
      %parallel_loop3A_570 = arith.constant 2 : i32
      %parallel_loop3A_571 = arith.index_cast %parallel_loop3A_569 : i32 to index
      %parallel_loop3A_572 = arith.index_cast %parallel_loop3A_411 : i32 to index
      %parallel_loop3A_573 = arith.index_cast %parallel_loop3A_570 : i32 to index
      %parallel_loop3A_574 = arith.constant 48 : index
      %parallel_loop3A_575 = tpu.vector_load %arg5[%parallel_loop3A_571, %parallel_loop3A_572, %parallel_loop3A_573, %parallel_loop3A_574] {strides = array<i32>} : memref<4x6x8x128xf32, #tpu.memory_space<vmem>>, vector<16xf32>,
      tpu.vector_store %arg5[%parallel_loop3A_571, %parallel_loop3A_572, %parallel_loop3A_573, %parallel_loop3A_574], %parallel_loop3A_423 {add = true, strides = array<i32>} : memref<4x6x8x128xf32, #tpu.memory_space<vmem>>, vector<16xf32>,
      %parallel_loop3A_576 = arith.constant 0 : i32
      %parallel_loop3A_577 = arith.constant 2 : i32
      %parallel_loop3A_578 = arith.index_cast %parallel_loop3A_576 : i32 to index
      %parallel_loop3A_579 = arith.index_cast %parallel_loop3A_411 : i32 to index
      %parallel_loop3A_580 = arith.index_cast %parallel_loop3A_577 : i32 to index
      %parallel_loop3A_581 = arith.constant 64 : index
      %parallel_loop3A_582 = tpu.vector_load %arg5[%parallel_loop3A_578, %parallel_loop3A_579, %parallel_loop3A_580, %parallel_loop3A_581] {strides = array<i32>} : memref<4x6x8x128xf32, #tpu.memory_space<vmem>>, vector<16xf32>,
      tpu.vector_store %arg5[%parallel_loop3A_578, %parallel_loop3A_579, %parallel_loop3A_580, %parallel_loop3A_581], %parallel_loop3A_426 {add = true, strides = array<i32>} : memref<4x6x8x128xf32, #tpu.memory_space<vmem>>, vector<16xf32>,
      %parallel_loop3A_583 = arith.constant 0 : i32
      %parallel_loop3A_584 = arith.constant 2 : i32
      %parallel_loop3A_585 = arith.index_cast %parallel_loop3A_583 : i32 to index
      %parallel_loop3A_586 = arith.index_cast %parallel_loop3A_411 : i32 to index
      %parallel_loop3A_587 = arith.index_cast %parallel_loop3A_584 : i32 to index
      %parallel_loop3A_588 = arith.constant 80 : index
      %parallel_loop3A_589 = tpu.vector_load %arg5[%parallel_loop3A_585, %parallel_loop3A_586, %parallel_loop3A_587, %parallel_loop3A_588] {strides = array<i32>} : memref<4x6x8x128xf32, #tpu.memory_space<vmem>>, vector<16xf32>,
      tpu.vector_store %arg5[%parallel_loop3A_585, %parallel_loop3A_586, %parallel_loop3A_587, %parallel_loop3A_588], %parallel_loop3A_429 {add = true, strides = array<i32>} : memref<4x6x8x128xf32, #tpu.memory_space<vmem>>, vector<16xf32>,
      %parallel_loop3A_590 = arith.constant 0 : i32
      %parallel_loop3A_591 = arith.constant 2 : i32
      %parallel_loop3A_592 = arith.index_cast %parallel_loop3A_590 : i32 to index
      %parallel_loop3A_593 = arith.index_cast %parallel_loop3A_411 : i32 to index
      %parallel_loop3A_594 = arith.index_cast %parallel_loop3A_591 : i32 to index
      %parallel_loop3A_595 = arith.constant 96 : index
      %parallel_loop3A_596 = tpu.vector_load %arg5[%parallel_loop3A_592, %parallel_loop3A_593, %parallel_loop3A_594, %parallel_loop3A_595] {strides = array<i32>} : memref<4x6x8x128xf32, #tpu.memory_space<vmem>>, vector<16xf32>,
      tpu.vector_store %arg5[%parallel_loop3A_592, %parallel_loop3A_593, %parallel_loop3A_594, %parallel_loop3A_595], %parallel_loop3A_432 {add = true, strides = array<i32>} : memref<4x6x8x128xf32, #tpu.memory_space<vmem>>, vector<16xf32>,
      %parallel_loop3A_597 = arith.constant 0 : i32
      %parallel_loop3A_598 = arith.constant 2 : i32
      %parallel_loop3A_599 = arith.index_cast %parallel_loop3A_597 : i32 to index
      %parallel_loop3A_600 = arith.index_cast %parallel_loop3A_411 : i32 to index
      %parallel_loop3A_601 = arith.index_cast %parallel_loop3A_598 : i32 to index
      %parallel_loop3A_602 = arith.constant 112 : index
      %parallel_loop3A_603 = tpu.vector_load %arg5[%parallel_loop3A_599, %parallel_loop3A_600, %parallel_loop3A_601, %parallel_loop3A_602] {strides = array<i32>} : memref<4x6x8x128xf32, #tpu.memory_space<vmem>>, vector<16xf32>,
      tpu.vector_store %arg5[%parallel_loop3A_599, %parallel_loop3A_600, %parallel_loop3A_601, %parallel_loop3A_602], %parallel_loop3A_435 {add = true, strides = array<i32>} : memref<4x6x8x128xf32, #tpu.memory_space<vmem>>, vector<16xf32>,
      %parallel_loop3A_604 = arith.constant 0 : i32
      %parallel_loop3A_605 = arith.constant 3 : i32
      %parallel_loop3A_606 = arith.index_cast %parallel_loop3A_604 : i32 to index
      %parallel_loop3A_607 = arith.index_cast %parallel_loop3A_411 : i32 to index
      %parallel_loop3A_608 = arith.index_cast %parallel_loop3A_605 : i32 to index
      %parallel_loop3A_609 = arith.constant 0 : index
      %parallel_loop3A_610 = tpu.vector_load %arg5[%parallel_loop3A_606, %parallel_loop3A_607, %parallel_loop3A_608, %parallel_loop3A_609] {strides = array<i32>} : memref<4x6x8x128xf32, #tpu.memory_space<vmem>>, vector<16xf32>,
      tpu.vector_store %arg5[%parallel_loop3A_606, %parallel_loop3A_607, %parallel_loop3A_608, %parallel_loop3A_609], %parallel_loop3A_414 {add = true, strides = array<i32>} : memref<4x6x8x128xf32, #tpu.memory_space<vmem>>, vector<16xf32>,
      %parallel_loop3A_611 = arith.constant 0 : i32
      %parallel_loop3A_612 = arith.constant 3 : i32
      %parallel_loop3A_613 = arith.index_cast %parallel_loop3A_611 : i32 to index
      %parallel_loop3A_614 = arith.index_cast %parallel_loop3A_411 : i32 to index
      %parallel_loop3A_615 = arith.index_cast %parallel_loop3A_612 : i32 to index
      %parallel_loop3A_616 = arith.constant 16 : index
      %parallel_loop3A_617 = tpu.vector_load %arg5[%parallel_loop3A_613, %parallel_loop3A_614, %parallel_loop3A_615, %parallel_loop3A_616] {strides = array<i32>} : memref<4x6x8x128xf32, #tpu.memory_space<vmem>>, vector<16xf32>,
      tpu.vector_store %arg5[%parallel_loop3A_613, %parallel_loop3A_614, %parallel_loop3A_615, %parallel_loop3A_616], %parallel_loop3A_417 {add = true, strides = array<i32>} : memref<4x6x8x128xf32, #tpu.memory_space<vmem>>, vector<16xf32>,
      %parallel_loop3A_618 = arith.constant 0 : i32
      %parallel_loop3A_619 = arith.constant 3 : i32
      %parallel_loop3A_620 = arith.index_cast %parallel_loop3A_618 : i32 to index
      %parallel_loop3A_621 = arith.index_cast %parallel_loop3A_411 : i32 to index
      %parallel_loop3A_622 = arith.index_cast %parallel_loop3A_619 : i32 to index
      %parallel_loop3A_623 = arith.constant 32 : index
      %parallel_loop3A_624 = tpu.vector_load %arg5[%parallel_loop3A_620, %parallel_loop3A_621, %parallel_loop3A_622, %parallel_loop3A_623] {strides = array<i32>} : memref<4x6x8x128xf32, #tpu.memory_space<vmem>>, vector<16xf32>,
      tpu.vector_store %arg5[%parallel_loop3A_620, %parallel_loop3A_621, %parallel_loop3A_622, %parallel_loop3A_623], %parallel_loop3A_420 {add = true, strides = array<i32>} : memref<4x6x8x128xf32, #tpu.memory_space<vmem>>, vector<16xf32>,
      %parallel_loop3A_625 = arith.constant 0 : i32
      %parallel_loop3A_626 = arith.constant 3 : i32
      %parallel_loop3A_627 = arith.index_cast %parallel_loop3A_625 : i32 to index
      %parallel_loop3A_628 = arith.index_cast %parallel_loop3A_411 : i32 to index
      %parallel_loop3A_629 = arith.index_cast %parallel_loop3A_626 : i32 to index
      %parallel_loop3A_630 = arith.constant 48 : index
      %parallel_loop3A_631 = tpu.vector_load %arg5[%parallel_loop3A_627, %parallel_loop3A_628, %parallel_loop3A_629, %parallel_loop3A_630] {strides = array<i32>} : memref<4x6x8x128xf32, #tpu.memory_space<vmem>>, vector<16xf32>,
      tpu.vector_store %arg5[%parallel_loop3A_627, %parallel_loop3A_628, %parallel_loop3A_629, %parallel_loop3A_630], %parallel_loop3A_423 {add = true, strides = array<i32>} : memref<4x6x8x128xf32, #tpu.memory_space<vmem>>, vector<16xf32>,
      %parallel_loop3A_632 = arith.constant 0 : i32
      %parallel_loop3A_633 = arith.constant 3 : i32
      %parallel_loop3A_634 = arith.index_cast %parallel_loop3A_632 : i32 to index
      %parallel_loop3A_635 = arith.index_cast %parallel_loop3A_411 : i32 to index
      %parallel_loop3A_636 = arith.index_cast %parallel_loop3A_633 : i32 to index
      %parallel_loop3A_637 = arith.constant 64 : index
      %parallel_loop3A_638 = tpu.vector_load %arg5[%parallel_loop3A_634, %parallel_loop3A_635, %parallel_loop3A_636, %parallel_loop3A_637] {strides = array<i32>} : memref<4x6x8x128xf32, #tpu.memory_space<vmem>>, vector<16xf32>,
      tpu.vector_store %arg5[%parallel_loop3A_634, %parallel_loop3A_635, %parallel_loop3A_636, %parallel_loop3A_637], %parallel_loop3A_426 {add = true, strides = array<i32>} : memref<4x6x8x128xf32, #tpu.memory_space<vmem>>, vector<16xf32>,
      %parallel_loop3A_639 = arith.constant 0 : i32
      %parallel_loop3A_640 = arith.constant 3 : i32
      %parallel_loop3A_641 = arith.index_cast %parallel_loop3A_639 : i32 to index
      %parallel_loop3A_642 = arith.index_cast %parallel_loop3A_411 : i32 to index
      %parallel_loop3A_643 = arith.index_cast %parallel_loop3A_640 : i32 to index
      %parallel_loop3A_644 = arith.constant 80 : index
      %parallel_loop3A_645 = tpu.vector_load %arg5[%parallel_loop3A_641, %parallel_loop3A_642, %parallel_loop3A_643, %parallel_loop3A_644] {strides = array<i32>} : memref<4x6x8x128xf32, #tpu.memory_space<vmem>>, vector<16xf32>,
      tpu.vector_store %arg5[%parallel_loop3A_641, %parallel_loop3A_642, %parallel_loop3A_643, %parallel_loop3A_644], %parallel_loop3A_429 {add = true, strides = array<i32>} : memref<4x6x8x128xf32, #tpu.memory_space<vmem>>, vector<16xf32>,
      %parallel_loop3A_646 = arith.constant 0 : i32
      %parallel_loop3A_647 = arith.constant 3 : i32
      %parallel_loop3A_648 = arith.index_cast %parallel_loop3A_646 : i32 to index
      %parallel_loop3A_649 = arith.index_cast %parallel_loop3A_411 : i32 to index
      %parallel_loop3A_650 = arith.index_cast %parallel_loop3A_647 : i32 to index
      %parallel_loop3A_651 = arith.constant 96 : index
      %parallel_loop3A_652 = tpu.vector_load %arg5[%parallel_loop3A_648, %parallel_loop3A_649, %parallel_loop3A_650, %parallel_loop3A_651] {strides = array<i32>} : memref<4x6x8x128xf32, #tpu.memory_space<vmem>>, vector<16xf32>,
      tpu.vector_store %arg5[%parallel_loop3A_648, %parallel_loop3A_649, %parallel_loop3A_650, %parallel_loop3A_651], %parallel_loop3A_432 {add = true, strides = array<i32>} : memref<4x6x8x128xf32, #tpu.memory_space<vmem>>, vector<16xf32>,
      %parallel_loop3A_653 = arith.constant 0 : i32
      %parallel_loop3A_654 = arith.constant 3 : i32
      %parallel_loop3A_655 = arith.index_cast %parallel_loop3A_653 : i32 to index
      %parallel_loop3A_656 = arith.index_cast %parallel_loop3A_411 : i32 to index
      %parallel_loop3A_657 = arith.index_cast %parallel_loop3A_654 : i32 to index
      %parallel_loop3A_658 = arith.constant 112 : index
      %parallel_loop3A_659 = tpu.vector_load %arg5[%parallel_loop3A_655, %parallel_loop3A_656, %parallel_loop3A_657, %parallel_loop3A_658] {strides = array<i32>} : memref<4x6x8x128xf32, #tpu.memory_space<vmem>>, vector<16xf32>,
      tpu.vector_store %arg5[%parallel_loop3A_655, %parallel_loop3A_656, %parallel_loop3A_657, %parallel_loop3A_658], %parallel_loop3A_435 {add = true, strides = array<i32>} : memref<4x6x8x128xf32, #tpu.memory_space<vmem>>, vector<16xf32>,
      %parallel_loop3A_660 = arith.constant 0 : i32
      %parallel_loop3A_661 = arith.constant 4 : i32
      %parallel_loop3A_662 = arith.index_cast %parallel_loop3A_660 : i32 to index
      %parallel_loop3A_663 = arith.index_cast %parallel_loop3A_411 : i32 to index
      %parallel_loop3A_664 = arith.index_cast %parallel_loop3A_661 : i32 to index
      %parallel_loop3A_665 = arith.constant 0 : index
      %parallel_loop3A_666 = tpu.vector_load %arg5[%parallel_loop3A_662, %parallel_loop3A_663, %parallel_loop3A_664, %parallel_loop3A_665] {strides = array<i32>} : memref<4x6x8x128xf32, #tpu.memory_space<vmem>>, vector<16xf32>,
      tpu.vector_store %arg5[%parallel_loop3A_662, %parallel_loop3A_663, %parallel_loop3A_664, %parallel_loop3A_665], %parallel_loop3A_414 {add = true, strides = array<i32>} : memref<4x6x8x128xf32, #tpu.memory_space<vmem>>, vector<16xf32>,
      %parallel_loop3A_667 = arith.constant 0 : i32
      %parallel_loop3A_668 = arith.constant 4 : i32
      %parallel_loop3A_669 = arith.index_cast %parallel_loop3A_667 : i32 to index
      %parallel_loop3A_670 = arith.index_cast %parallel_loop3A_411 : i32 to index
      %parallel_loop3A_671 = arith.index_cast %parallel_loop3A_668 : i32 to index
      %parallel_loop3A_672 = arith.constant 16 : index
      %parallel_loop3A_673 = tpu.vector_load %arg5[%parallel_loop3A_669, %parallel_loop3A_670, %parallel_loop3A_671, %parallel_loop3A_672] {strides = array<i32>} : memref<4x6x8x128xf32, #tpu.memory_space<vmem>>, vector<16xf32>,
      tpu.vector_store %arg5[%parallel_loop3A_669, %parallel_loop3A_670, %parallel_loop3A_671, %parallel_loop3A_672], %parallel_loop3A_417 {add = true, strides = array<i32>} : memref<4x6x8x128xf32, #tpu.memory_space<vmem>>, vector<16xf32>,
      %parallel_loop3A_674 = arith.constant 0 : i32
      %parallel_loop3A_675 = arith.constant 4 : i32
      %parallel_loop3A_676 = arith.index_cast %parallel_loop3A_674 : i32 to index
      %parallel_loop3A_677 = arith.index_cast %parallel_loop3A_411 : i32 to index
      %parallel_loop3A_678 = arith.index_cast %parallel_loop3A_675 : i32 to index
      %parallel_loop3A_679 = arith.constant 32 : index
      %parallel_loop3A_680 = tpu.vector_load %arg5[%parallel_loop3A_676, %parallel_loop3A_677, %parallel_loop3A_678, %parallel_loop3A_679] {strides = array<i32>} : memref<4x6x8x128xf32, #tpu.memory_space<vmem>>, vector<16xf32>,
      tpu.vector_store %arg5[%parallel_loop3A_676, %parallel_loop3A_677, %parallel_loop3A_678, %parallel_loop3A_679], %parallel_loop3A_420 {add = true, strides = array<i32>} : memref<4x6x8x128xf32, #tpu.memory_space<vmem>>, vector<16xf32>,
      %parallel_loop3A_681 = arith.constant 0 : i32
      %parallel_loop3A_682 = arith.constant 4 : i32
      %parallel_loop3A_683 = arith.index_cast %parallel_loop3A_681 : i32 to index
      %parallel_loop3A_684 = arith.index_cast %parallel_loop3A_411 : i32 to index
      %parallel_loop3A_685 = arith.index_cast %parallel_loop3A_682 : i32 to index
      %parallel_loop3A_686 = arith.constant 48 : index
      %parallel_loop3A_687 = tpu.vector_load %arg5[%parallel_loop3A_683, %parallel_loop3A_684, %parallel_loop3A_685, %parallel_loop3A_686] {strides = array<i32>} : memref<4x6x8x128xf32, #tpu.memory_space<vmem>>, vector<16xf32>,
      tpu.vector_store %arg5[%parallel_loop3A_683, %parallel_loop3A_684, %parallel_loop3A_685, %parallel_loop3A_686], %parallel_loop3A_423 {add = true, strides = array<i32>} : memref<4x6x8x128xf32, #tpu.memory_space<vmem>>, vector<16xf32>,
      %parallel_loop3A_688 = arith.constant 0 : i32
      %parallel_loop3A_689 = arith.constant 4 : i32
      %parallel_loop3A_690 = arith.index_cast %parallel_loop3A_688 : i32 to index
      %parallel_loop3A_691 = arith.index_cast %parallel_loop3A_411 : i32 to index
      %parallel_loop3A_692 = arith.index_cast %parallel_loop3A_689 : i32 to index
      %parallel_loop3A_693 = arith.constant 64 : index
      %parallel_loop3A_694 = tpu.vector_load %arg5[%parallel_loop3A_690, %parallel_loop3A_691, %parallel_loop3A_692, %parallel_loop3A_693] {strides = array<i32>} : memref<4x6x8x128xf32, #tpu.memory_space<vmem>>, vector<16xf32>,
      tpu.vector_store %arg5[%parallel_loop3A_690, %parallel_loop3A_691, %parallel_loop3A_692, %parallel_loop3A_693], %parallel_loop3A_426 {add = true, strides = array<i32>} : memref<4x6x8x128xf32, #tpu.memory_space<vmem>>, vector<16xf32>,
      %parallel_loop3A_695 = arith.constant 0 : i32
      %parallel_loop3A_696 = arith.constant 4 : i32
      %parallel_loop3A_697 = arith.index_cast %parallel_loop3A_695 : i32 to index
      %parallel_loop3A_698 = arith.index_cast %parallel_loop3A_411 : i32 to index
      %parallel_loop3A_699 = arith.index_cast %parallel_loop3A_696 : i32 to index
      %parallel_loop3A_700 = arith.constant 80 : index
      %parallel_loop3A_701 = tpu.vector_load %arg5[%parallel_loop3A_697, %parallel_loop3A_698, %parallel_loop3A_699, %parallel_loop3A_700] {strides = array<i32>} : memref<4x6x8x128xf32, #tpu.memory_space<vmem>>, vector<16xf32>,
      tpu.vector_store %arg5[%parallel_loop3A_697, %parallel_loop3A_698, %parallel_loop3A_699, %parallel_loop3A_700], %parallel_loop3A_429 {add = true, strides = array<i32>} : memref<4x6x8x128xf32, #tpu.memory_space<vmem>>, vector<16xf32>,
      %parallel_loop3A_702 = arith.constant 0 : i32
      %parallel_loop3A_703 = arith.constant 4 : i32
      %parallel_loop3A_704 = arith.index_cast %parallel_loop3A_702 : i32 to index
      %parallel_loop3A_705 = arith.index_cast %parallel_loop3A_411 : i32 to index
      %parallel_loop3A_706 = arith.index_cast %parallel_loop3A_703 : i32 to index
      %parallel_loop3A_707 = arith.constant 96 : index
      %parallel_loop3A_708 = tpu.vector_load %arg5[%parallel_loop3A_704, %parallel_loop3A_705, %parallel_loop3A_706, %parallel_loop3A_707] {strides = array<i32>} : memref<4x6x8x128xf32, #tpu.memory_space<vmem>>, vector<16xf32>,
      tpu.vector_store %arg5[%parallel_loop3A_704, %parallel_loop3A_705, %parallel_loop3A_706, %parallel_loop3A_707], %parallel_loop3A_432 {add = true, strides = array<i32>} : memref<4x6x8x128xf32, #tpu.memory_space<vmem>>, vector<16xf32>,
      %parallel_loop3A_709 = arith.constant 0 : i32
      %parallel_loop3A_710 = arith.constant 4 : i32
      %parallel_loop3A_711 = arith.index_cast %parallel_loop3A_709 : i32 to index
      %parallel_loop3A_712 = arith.index_cast %parallel_loop3A_411 : i32 to index
      %parallel_loop3A_713 = arith.index_cast %parallel_loop3A_710 : i32 to index
      %parallel_loop3A_714 = arith.constant 112 : index
      %parallel_loop3A_715 = tpu.vector_load %arg5[%parallel_loop3A_711, %parallel_loop3A_712, %parallel_loop3A_713, %parallel_loop3A_714] {strides = array<i32>} : memref<4x6x8x128xf32, #tpu.memory_space<vmem>>, vector<16xf32>,
      tpu.vector_store %arg5[%parallel_loop3A_711, %parallel_loop3A_712, %parallel_loop3A_713, %parallel_loop3A_714], %parallel_loop3A_435 {add = true, strides = array<i32>} : memref<4x6x8x128xf32, #tpu.memory_space<vmem>>, vector<16xf32>,
      %parallel_loop3A_716 = arith.constant 0 : i32
      %parallel_loop3A_717 = arith.constant 5 : i32
      %parallel_loop3A_718 = arith.index_cast %parallel_loop3A_716 : i32 to index
      %parallel_loop3A_719 = arith.index_cast %parallel_loop3A_411 : i32 to index
      %parallel_loop3A_720 = arith.index_cast %parallel_loop3A_717 : i32 to index
      %parallel_loop3A_721 = arith.constant 0 : index
      %parallel_loop3A_722 = tpu.vector_load %arg5[%parallel_loop3A_718, %parallel_loop3A_719, %parallel_loop3A_720, %parallel_loop3A_721] {strides = array<i32>} : memref<4x6x8x128xf32, #tpu.memory_space<vmem>>, vector<16xf32>,
      tpu.vector_store %arg5[%parallel_loop3A_718, %parallel_loop3A_719, %parallel_loop3A_720, %parallel_loop3A_721], %parallel_loop3A_414 {add = true, strides = array<i32>} : memref<4x6x8x128xf32, #tpu.memory_space<vmem>>, vector<16xf32>,
      %parallel_loop3A_723 = arith.constant 0 : i32
      %parallel_loop3A_724 = arith.constant 5 : i32
      %parallel_loop3A_725 = arith.index_cast %parallel_loop3A_723 : i32 to index
      %parallel_loop3A_726 = arith.index_cast %parallel_loop3A_411 : i32 to index
      %parallel_loop3A_727 = arith.index_cast %parallel_loop3A_724 : i32 to index
      %parallel_loop3A_728 = arith.constant 16 : index
      %parallel_loop3A_729 = tpu.vector_load %arg5[%parallel_loop3A_725, %parallel_loop3A_726, %parallel_loop3A_727, %parallel_loop3A_728] {strides = array<i32>} : memref<4x6x8x128xf32, #tpu.memory_space<vmem>>, vector<16xf32>,
      tpu.vector_store %arg5[%parallel_loop3A_725, %parallel_loop3A_726, %parallel_loop3A_727, %parallel_loop3A_728], %parallel_loop3A_417 {add = true, strides = array<i32>} : memref<4x6x8x128xf32, #tpu.memory_space<vmem>>, vector<16xf32>,
      %parallel_loop3A_730 = arith.constant 0 : i32
      %parallel_loop3A_731 = arith.constant 5 : i32
      %parallel_loop3A_732 = arith.index_cast %parallel_loop3A_730 : i32 to index
      %parallel_loop3A_733 = arith.index_cast %parallel_loop3A_411 : i32 to index
      %parallel_loop3A_734 = arith.index_cast %parallel_loop3A_731 : i32 to index
      %parallel_loop3A_735 = arith.constant 32 : index
      %parallel_loop3A_736 = tpu.vector_load %arg5[%parallel_loop3A_732, %parallel_loop3A_733, %parallel_loop3A_734, %parallel_loop3A_735] {strides = array<i32>} : memref<4x6x8x128xf32, #tpu.memory_space<vmem>>, vector<16xf32>,
      tpu.vector_store %arg5[%parallel_loop3A_732, %parallel_loop3A_733, %parallel_loop3A_734, %parallel_loop3A_735], %parallel_loop3A_420 {add = true, strides = array<i32>} : memref<4x6x8x128xf32, #tpu.memory_space<vmem>>, vector<16xf32>,
      %parallel_loop3A_737 = arith.constant 0 : i32
      %parallel_loop3A_738 = arith.constant 5 : i32
      %parallel_loop3A_739 = arith.index_cast %parallel_loop3A_737 : i32 to index
      %parallel_loop3A_740 = arith.index_cast %parallel_loop3A_411 : i32 to index
      %parallel_loop3A_741 = arith.index_cast %parallel_loop3A_738 : i32 to index
      %parallel_loop3A_742 = arith.constant 48 : index
      %parallel_loop3A_743 = tpu.vector_load %arg5[%parallel_loop3A_739, %parallel_loop3A_740, %parallel_loop3A_741, %parallel_loop3A_742] {strides = array<i32>} : memref<4x6x8x128xf32, #tpu.memory_space<vmem>>, vector<16xf32>,
      tpu.vector_store %arg5[%parallel_loop3A_739, %parallel_loop3A_740, %parallel_loop3A_741, %parallel_loop3A_742], %parallel_loop3A_423 {add = true, strides = array<i32>} : memref<4x6x8x128xf32, #tpu.memory_space<vmem>>, vector<16xf32>,
      %parallel_loop3A_744 = arith.constant 0 : i32
      %parallel_loop3A_745 = arith.constant 5 : i32
      %parallel_loop3A_746 = arith.index_cast %parallel_loop3A_744 : i32 to index
      %parallel_loop3A_747 = arith.index_cast %parallel_loop3A_411 : i32 to index
      %parallel_loop3A_748 = arith.index_cast %parallel_loop3A_745 : i32 to index
      %parallel_loop3A_749 = arith.constant 64 : index
      %parallel_loop3A_750 = tpu.vector_load %arg5[%parallel_loop3A_746, %parallel_loop3A_747, %parallel_loop3A_748, %parallel_loop3A_749] {strides = array<i32>} : memref<4x6x8x128xf32, #tpu.memory_space<vmem>>, vector<16xf32>,
      tpu.vector_store %arg5[%parallel_loop3A_746, %parallel_loop3A_747, %parallel_loop3A_748, %parallel_loop3A_749], %parallel_loop3A_426 {add = true, strides = array<i32>} : memref<4x6x8x128xf32, #tpu.memory_space<vmem>>, vector<16xf32>,
      %parallel_loop3A_751 = arith.constant 0 : i32
      %parallel_loop3A_752 = arith.constant 5 : i32
      %parallel_loop3A_753 = arith.index_cast %parallel_loop3A_751 : i32 to index
      %parallel_loop3A_754 = arith.index_cast %parallel_loop3A_411 : i32 to index
      %parallel_loop3A_755 = arith.index_cast %parallel_loop3A_752 : i32 to index
      %parallel_loop3A_756 = arith.constant 80 : index
      %parallel_loop3A_757 = tpu.vector_load %arg5[%parallel_loop3A_753, %parallel_loop3A_754, %parallel_loop3A_755, %parallel_loop3A_756] {strides = array<i32>} : memref<4x6x8x128xf32, #tpu.memory_space<vmem>>, vector<16xf32>,
      tpu.vector_store %arg5[%parallel_loop3A_753, %parallel_loop3A_754, %parallel_loop3A_755, %parallel_loop3A_756], %parallel_loop3A_429 {add = true, strides = array<i32>} : memref<4x6x8x128xf32, #tpu.memory_space<vmem>>, vector<16xf32>,
      %parallel_loop3A_758 = arith.constant 0 : i32
      %parallel_loop3A_759 = arith.constant 5 : i32
      %parallel_loop3A_760 = arith.index_cast %parallel_loop3A_758 : i32 to index
      %parallel_loop3A_761 = arith.index_cast %parallel_loop3A_411 : i32 to index
      %parallel_loop3A_762 = arith.index_cast %parallel_loop3A_759 : i32 to index
      %parallel_loop3A_763 = arith.constant 96 : index
      %parallel_loop3A_764 = tpu.vector_load %arg5[%parallel_loop3A_760, %parallel_loop3A_761, %parallel_loop3A_762, %parallel_loop3A_763] {strides = array<i32>} : memref<4x6x8x128xf32, #tpu.memory_space<vmem>>, vector<16xf32>,
      tpu.vector_store %arg5[%parallel_loop3A_760, %parallel_loop3A_761, %parallel_loop3A_762, %parallel_loop3A_763], %parallel_loop3A_432 {add = true, strides = array<i32>} : memref<4x6x8x128xf32, #tpu.memory_space<vmem>>, vector<16xf32>,
      %parallel_loop3A_765 = arith.constant 0 : i32
      %parallel_loop3A_766 = arith.constant 5 : i32
      %parallel_loop3A_767 = arith.index_cast %parallel_loop3A_765 : i32 to index
      %parallel_loop3A_768 = arith.index_cast %parallel_loop3A_411 : i32 to index
      %parallel_loop3A_769 = arith.index_cast %parallel_loop3A_766 : i32 to index
      %parallel_loop3A_770 = arith.constant 112 : index
      %parallel_loop3A_771 = tpu.vector_load %arg5[%parallel_loop3A_767, %parallel_loop3A_768, %parallel_loop3A_769, %parallel_loop3A_770] {strides = array<i32>} : memref<4x6x8x128xf32, #tpu.memory_space<vmem>>, vector<16xf32>,
      tpu.vector_store %arg5[%parallel_loop3A_767, %parallel_loop3A_768, %parallel_loop3A_769, %parallel_loop3A_770], %parallel_loop3A_435 {add = true, strides = array<i32>} : memref<4x6x8x128xf32, #tpu.memory_space<vmem>>, vector<16xf32>,
      %parallel_loop3A_772 = arith.constant 0 : i32
      %parallel_loop3A_773 = arith.constant 6 : i32
      %parallel_loop3A_774 = arith.index_cast %parallel_loop3A_772 : i32 to index
      %parallel_loop3A_775 = arith.index_cast %parallel_loop3A_411 : i32 to index
      %parallel_loop3A_776 = arith.index_cast %parallel_loop3A_773 : i32 to index
      %parallel_loop3A_777 = arith.constant 0 : index
      %parallel_loop3A_778 = tpu.vector_load %arg5[%parallel_loop3A_774, %parallel_loop3A_775, %parallel_loop3A_776, %parallel_loop3A_777] {strides = array<i32>} : memref<4x6x8x128xf32, #tpu.memory_space<vmem>>, vector<16xf32>,
      tpu.vector_store %arg5[%parallel_loop3A_774, %parallel_loop3A_775, %parallel_loop3A_776, %parallel_loop3A_777], %parallel_loop3A_414 {add = true, strides = array<i32>} : memref<4x6x8x128xf32, #tpu.memory_space<vmem>>, vector<16xf32>,
      %parallel_loop3A_779 = arith.constant 0 : i32
      %parallel_loop3A_780 = arith.constant 6 : i32
      %parallel_loop3A_781 = arith.index_cast %parallel_loop3A_779 : i32 to index
      %parallel_loop3A_782 = arith.index_cast %parallel_loop3A_411 : i32 to index
      %parallel_loop3A_783 = arith.index_cast %parallel_loop3A_780 : i32 to index
      %parallel_loop3A_784 = arith.constant 16 : index
      %parallel_loop3A_785 = tpu.vector_load %arg5[%parallel_loop3A_781, %parallel_loop3A_782, %parallel_loop3A_783, %parallel_loop3A_784] {strides = array<i32>} : memref<4x6x8x128xf32, #tpu.memory_space<vmem>>, vector<16xf32>,
      tpu.vector_store %arg5[%parallel_loop3A_781, %parallel_loop3A_782, %parallel_loop3A_783, %parallel_loop3A_784], %parallel_loop3A_417 {add = true, strides = array<i32>} : memref<4x6x8x128xf32, #tpu.memory_space<vmem>>, vector<16xf32>,
      %parallel_loop3A_786 = arith.constant 0 : i32
      %parallel_loop3A_787 = arith.constant 6 : i32
      %parallel_loop3A_788 = arith.index_cast %parallel_loop3A_786 : i32 to index
      %parallel_loop3A_789 = arith.index_cast %parallel_loop3A_411 : i32 to index
      %parallel_loop3A_790 = arith.index_cast %parallel_loop3A_787 : i32 to index
      %parallel_loop3A_791 = arith.constant 32 : index
      %parallel_loop3A_792 = tpu.vector_load %arg5[%parallel_loop3A_788, %parallel_loop3A_789, %parallel_loop3A_790, %parallel_loop3A_791] {strides = array<i32>} : memref<4x6x8x128xf32, #tpu.memory_space<vmem>>, vector<16xf32>,
      tpu.vector_store %arg5[%parallel_loop3A_788, %parallel_loop3A_789, %parallel_loop3A_790, %parallel_loop3A_791], %parallel_loop3A_420 {add = true, strides = array<i32>} : memref<4x6x8x128xf32, #tpu.memory_space<vmem>>, vector<16xf32>,
      %parallel_loop3A_793 = arith.constant 0 : i32
      %parallel_loop3A_794 = arith.constant 6 : i32
      %parallel_loop3A_795 = arith.index_cast %parallel_loop3A_793 : i32 to index
      %parallel_loop3A_796 = arith.index_cast %parallel_loop3A_411 : i32 to index
      %parallel_loop3A_797 = arith.index_cast %parallel_loop3A_794 : i32 to index
      %parallel_loop3A_798 = arith.constant 48 : index
      %parallel_loop3A_799 = tpu.vector_load %arg5[%parallel_loop3A_795, %parallel_loop3A_796, %parallel_loop3A_797, %parallel_loop3A_798] {strides = array<i32>} : memref<4x6x8x128xf32, #tpu.memory_space<vmem>>, vector<16xf32>,
      tpu.vector_store %arg5[%parallel_loop3A_795, %parallel_loop3A_796, %parallel_loop3A_797, %parallel_loop3A_798], %parallel_loop3A_423 {add = true, strides = array<i32>} : memref<4x6x8x128xf32, #tpu.memory_space<vmem>>, vector<16xf32>,
      %parallel_loop3A_800 = arith.constant 0 : i32
      %parallel_loop3A_801 = arith.constant 6 : i32
      %parallel_loop3A_802 = arith.index_cast %parallel_loop3A_800 : i32 to index
      %parallel_loop3A_803 = arith.index_cast %parallel_loop3A_411 : i32 to index
      %parallel_loop3A_804 = arith.index_cast %parallel_loop3A_801 : i32 to index
      %parallel_loop3A_805 = arith.constant 64 : index
      %parallel_loop3A_806 = tpu.vector_load %arg5[%parallel_loop3A_802, %parallel_loop3A_803, %parallel_loop3A_804, %parallel_loop3A_805] {strides = array<i32>} : memref<4x6x8x128xf32, #tpu.memory_space<vmem>>, vector<16xf32>,
      tpu.vector_store %arg5[%parallel_loop3A_802, %parallel_loop3A_803, %parallel_loop3A_804, %parallel_loop3A_805], %parallel_loop3A_426 {add = true, strides = array<i32>} : memref<4x6x8x128xf32, #tpu.memory_space<vmem>>, vector<16xf32>,
      %parallel_loop3A_807 = arith.constant 0 : i32
      %parallel_loop3A_808 = arith.constant 6 : i32
      %parallel_loop3A_809 = arith.index_cast %parallel_loop3A_807 : i32 to index
      %parallel_loop3A_810 = arith.index_cast %parallel_loop3A_411 : i32 to index
      %parallel_loop3A_811 = arith.index_cast %parallel_loop3A_808 : i32 to index
      %parallel_loop3A_812 = arith.constant 80 : index
      %parallel_loop3A_813 = tpu.vector_load %arg5[%parallel_loop3A_809, %parallel_loop3A_810, %parallel_loop3A_811, %parallel_loop3A_812] {strides = array<i32>} : memref<4x6x8x128xf32, #tpu.memory_space<vmem>>, vector<16xf32>,
      tpu.vector_store %arg5[%parallel_loop3A_809, %parallel_loop3A_810, %parallel_loop3A_811, %parallel_loop3A_812], %parallel_loop3A_429 {add = true, strides = array<i32>} : memref<4x6x8x128xf32, #tpu.memory_space<vmem>>, vector<16xf32>,
      %parallel_loop3A_814 = arith.constant 0 : i32
      %parallel_loop3A_815 = arith.constant 6 : i32
      %parallel_loop3A_816 = arith.index_cast %parallel_loop3A_814 : i32 to index
      %parallel_loop3A_817 = arith.index_cast %parallel_loop3A_411 : i32 to index
      %parallel_loop3A_818 = arith.index_cast %parallel_loop3A_815 : i32 to index
      %parallel_loop3A_819 = arith.constant 96 : index
      %parallel_loop3A_820 = tpu.vector_load %arg5[%parallel_loop3A_816, %parallel_loop3A_817, %parallel_loop3A_818, %parallel_loop3A_819] {strides = array<i32>} : memref<4x6x8x128xf32, #tpu.memory_space<vmem>>, vector<16xf32>,
      tpu.vector_store %arg5[%parallel_loop3A_816, %parallel_loop3A_817, %parallel_loop3A_818, %parallel_loop3A_819], %parallel_loop3A_432 {add = true, strides = array<i32>} : memref<4x6x8x128xf32, #tpu.memory_space<vmem>>, vector<16xf32>,
      %parallel_loop3A_821 = arith.constant 0 : i32
      %parallel_loop3A_822 = arith.constant 6 : i32
      %parallel_loop3A_823 = arith.index_cast %parallel_loop3A_821 : i32 to index
      %parallel_loop3A_824 = arith.index_cast %parallel_loop3A_411 : i32 to index
      %parallel_loop3A_825 = arith.index_cast %parallel_loop3A_822 : i32 to index
      %parallel_loop3A_826 = arith.constant 112 : index
      %parallel_loop3A_827 = tpu.vector_load %arg5[%parallel_loop3A_823, %parallel_loop3A_824, %parallel_loop3A_825, %parallel_loop3A_826] {strides = array<i32>} : memref<4x6x8x128xf32, #tpu.memory_space<vmem>>, vector<16xf32>,
      tpu.vector_store %arg5[%parallel_loop3A_823, %parallel_loop3A_824, %parallel_loop3A_825, %parallel_loop3A_826], %parallel_loop3A_435 {add = true, strides = array<i32>} : memref<4x6x8x128xf32, #tpu.memory_space<vmem>>, vector<16xf32>,
      %parallel_loop3A_828 = arith.constant 0 : i32
      %parallel_loop3A_829 = arith.constant 7 : i32
      %parallel_loop3A_830 = arith.index_cast %parallel_loop3A_828 : i32 to index
      %parallel_loop3A_831 = arith.index_cast %parallel_loop3A_411 : i32 to index
      %parallel_loop3A_832 = arith.index_cast %parallel_loop3A_829 : i32 to index
      %parallel_loop3A_833 = arith.constant 0 : index
      %parallel_loop3A_834 = tpu.vector_load %arg5[%parallel_loop3A_830, %parallel_loop3A_831, %parallel_loop3A_832, %parallel_loop3A_833] {strides = array<i32>} : memref<4x6x8x128xf32, #tpu.memory_space<vmem>>, vector<16xf32>,
      tpu.vector_store %arg5[%parallel_loop3A_830, %parallel_loop3A_831, %parallel_loop3A_832, %parallel_loop3A_833], %parallel_loop3A_414 {add = true, strides = array<i32>} : memref<4x6x8x128xf32, #tpu.memory_space<vmem>>, vector<16xf32>,
      %parallel_loop3A_835 = arith.constant 0 : i32
      %parallel_loop3A_836 = arith.constant 7 : i32
      %parallel_loop3A_837 = arith.index_cast %parallel_loop3A_835 : i32 to index
      %parallel_loop3A_838 = arith.index_cast %parallel_loop3A_411 : i32 to index
      %parallel_loop3A_839 = arith.index_cast %parallel_loop3A_836 : i32 to index
      %parallel_loop3A_840 = arith.constant 16 : index
      %parallel_loop3A_841 = tpu.vector_load %arg5[%parallel_loop3A_837, %parallel_loop3A_838, %parallel_loop3A_839, %parallel_loop3A_840] {strides = array<i32>} : memref<4x6x8x128xf32, #tpu.memory_space<vmem>>, vector<16xf32>,
      tpu.vector_store %arg5[%parallel_loop3A_837, %parallel_loop3A_838, %parallel_loop3A_839, %parallel_loop3A_840], %parallel_loop3A_417 {add = true, strides = array<i32>} : memref<4x6x8x128xf32, #tpu.memory_space<vmem>>, vector<16xf32>,
      %parallel_loop3A_842 = arith.constant 0 : i32
      %parallel_loop3A_843 = arith.constant 7 : i32
      %parallel_loop3A_844 = arith.index_cast %parallel_loop3A_842 : i32 to index
      %parallel_loop3A_845 = arith.index_cast %parallel_loop3A_411 : i32 to index
      %parallel_loop3A_846 = arith.index_cast %parallel_loop3A_843 : i32 to index
      %parallel_loop3A_847 = arith.constant 32 : index
      %parallel_loop3A_848 = tpu.vector_load %arg5[%parallel_loop3A_844, %parallel_loop3A_845, %parallel_loop3A_846, %parallel_loop3A_847] {strides = array<i32>} : memref<4x6x8x128xf32, #tpu.memory_space<vmem>>, vector<16xf32>,
      tpu.vector_store %arg5[%parallel_loop3A_844, %parallel_loop3A_845, %parallel_loop3A_846, %parallel_loop3A_847], %parallel_loop3A_420 {add = true, strides = array<i32>} : memref<4x6x8x128xf32, #tpu.memory_space<vmem>>, vector<16xf32>,
      %parallel_loop3A_849 = arith.constant 0 : i32
      %parallel_loop3A_850 = arith.constant 7 : i32
      %parallel_loop3A_851 = arith.index_cast %parallel_loop3A_849 : i32 to index
      %parallel_loop3A_852 = arith.index_cast %parallel_loop3A_411 : i32 to index
      %parallel_loop3A_853 = arith.index_cast %parallel_loop3A_850 : i32 to index
      %parallel_loop3A_854 = arith.constant 48 : index
      %parallel_loop3A_855 = tpu.vector_load %arg5[%parallel_loop3A_851, %parallel_loop3A_852, %parallel_loop3A_853, %parallel_loop3A_854] {strides = array<i32>} : memref<4x6x8x128xf32, #tpu.memory_space<vmem>>, vector<16xf32>,
      tpu.vector_store %arg5[%parallel_loop3A_851, %parallel_loop3A_852, %parallel_loop3A_853, %parallel_loop3A_854], %parallel_loop3A_423 {add = true, strides = array<i32>} : memref<4x6x8x128xf32, #tpu.memory_space<vmem>>, vector<16xf32>,
      %parallel_loop3A_856 = arith.constant 0 : i32
      %parallel_loop3A_857 = arith.constant 7 : i32
      %parallel_loop3A_858 = arith.index_cast %parallel_loop3A_856 : i32 to index
      %parallel_loop3A_859 = arith.index_cast %parallel_loop3A_411 : i32 to index
      %parallel_loop3A_860 = arith.index_cast %parallel_loop3A_857 : i32 to index
      %parallel_loop3A_861 = arith.constant 64 : index
      %parallel_loop3A_862 = tpu.vector_load %arg5[%parallel_loop3A_858, %parallel_loop3A_859, %parallel_loop3A_860, %parallel_loop3A_861] {strides = array<i32>} : memref<4x6x8x128xf32, #tpu.memory_space<vmem>>, vector<16xf32>,
      tpu.vector_store %arg5[%parallel_loop3A_858, %parallel_loop3A_859, %parallel_loop3A_860, %parallel_loop3A_861], %parallel_loop3A_426 {add = true, strides = array<i32>} : memref<4x6x8x128xf32, #tpu.memory_space<vmem>>, vector<16xf32>,
      %parallel_loop3A_863 = arith.constant 0 : i32
      %parallel_loop3A_864 = arith.constant 7 : i32
      %parallel_loop3A_865 = arith.index_cast %parallel_loop3A_863 : i32 to index
      %parallel_loop3A_866 = arith.index_cast %parallel_loop3A_411 : i32 to index
      %parallel_loop3A_867 = arith.index_cast %parallel_loop3A_864 : i32 to index
      %parallel_loop3A_868 = arith.constant 80 : index
      %parallel_loop3A_869 = tpu.vector_load %arg5[%parallel_loop3A_865, %parallel_loop3A_866, %parallel_loop3A_867, %parallel_loop3A_868] {strides = array<i32>} : memref<4x6x8x128xf32, #tpu.memory_space<vmem>>, vector<16xf32>,
      tpu.vector_store %arg5[%parallel_loop3A_865, %parallel_loop3A_866, %parallel_loop3A_867, %parallel_loop3A_868], %parallel_loop3A_429 {add = true, strides = array<i32>} : memref<4x6x8x128xf32, #tpu.memory_space<vmem>>, vector<16xf32>,
      %parallel_loop3A_870 = arith.constant 0 : i32
      %parallel_loop3A_871 = arith.constant 7 : i32
      %parallel_loop3A_872 = arith.index_cast %parallel_loop3A_870 : i32 to index
      %parallel_loop3A_873 = arith.index_cast %parallel_loop3A_411 : i32 to index
      %parallel_loop3A_874 = arith.index_cast %parallel_loop3A_871 : i32 to index
      %parallel_loop3A_875 = arith.constant 96 : index
      %parallel_loop3A_876 = tpu.vector_load %arg5[%parallel_loop3A_872, %parallel_loop3A_873, %parallel_loop3A_874, %parallel_loop3A_875] {strides = array<i32>} : memref<4x6x8x128xf32, #tpu.memory_space<vmem>>, vector<16xf32>,
      tpu.vector_store %arg5[%parallel_loop3A_872, %parallel_loop3A_873, %parallel_loop3A_874, %parallel_loop3A_875], %parallel_loop3A_432 {add = true, strides = array<i32>} : memref<4x6x8x128xf32, #tpu.memory_space<vmem>>, vector<16xf32>,
      %parallel_loop3A_877 = arith.constant 0 : i32
      %parallel_loop3A_878 = arith.constant 7 : i32
      %parallel_loop3A_879 = arith.index_cast %parallel_loop3A_877 : i32 to index
      %parallel_loop3A_880 = arith.index_cast %parallel_loop3A_411 : i32 to index
      %parallel_loop3A_881 = arith.index_cast %parallel_loop3A_878 : i32 to index
      %parallel_loop3A_882 = arith.constant 112 : index
      %parallel_loop3A_883 = tpu.vector_load %arg5[%parallel_loop3A_879, %parallel_loop3A_880, %parallel_loop3A_881, %parallel_loop3A_882] {strides = array<i32>} : memref<4x6x8x128xf32, #tpu.memory_space<vmem>>, vector<16xf32>,
      tpu.vector_store %arg5[%parallel_loop3A_879, %parallel_loop3A_880, %parallel_loop3A_881, %parallel_loop3A_882], %parallel_loop3A_435 {add = true, strides = array<i32>} : memref<4x6x8x128xf32, #tpu.memory_space<vmem>>, vector<16xf32>,
    } {sc.loop_unroll_factor = 1 : i64, sc.parallel_access}
    %dma_start3A_160 = arith.constant 0 : i32
    %dma_start3A_161 = arith.constant 0 : i32
    %dma_start3A_162 = arith.constant 0 : i32
    %dma_start3A_163 = arith.constant 0 : i32
    %dma_start3A_164 = arith.constant 0 : i32
    %dma_start3A_165 = tpu.memref_slice %arg5[%dma_start3A_160, %dma_start3A_162, %dma_start3A_163, %dma_start3A_164] : memref<4x6x8x128xf32, #tpu.memory_space<vmem>> -> memref<1x6x8x128xf32, #tpu.memory_space<vmem>>
    %dma_start3A_166 = tpu.memref_squeeze %dma_start3A_165 : memref<1x6x8x128xf32, #tpu.memory_space<vmem>> -> memref<6x8x128xf32, #tpu.memory_space<vmem>>
    %dma_start3A_167 = arith.constant 0 : i32
    %dma_start3A_168 = arith.constant 0 : i32
    %dma_start3A_169 = arith.constant 0 : i32
    %dma_start3A_170 = tpu.memref_slice %arg4[%add3A, %dma_start3A_161, %dma_start3A_167, %dma_start3A_168, %dma_start3A_169] : memref<32x4x6x8x128xf32, #tpu.memory_space<hbm>> -> memref<1x1x6x8x128xf32, #tpu.memory_space<hbm>>
    %dma_start3A_171 = tpu.memref_squeeze %dma_start3A_170 : memref<1x1x6x8x128xf32, #tpu.memory_space<hbm>> -> memref<6x8x128xf32, #tpu.memory_space<hbm>>
    %dma_start3A_172 = arith.constant 0 : i32
    %dma_start3A_173 = arith.constant 0 : i32
    %dma_start3A_174 = arith.constant 0 : i32
    %dma_start3A_175 = tpu.memref_slice %arg4[%add3A, %dma_start3A_161, %dma_start3A_172, %dma_start3A_173, %dma_start3A_174] : memref<32x4x6x8x128xf32, #tpu.memory_space<hbm>> -> memref<1x1x6x8x128xf32, #tpu.memory_space<hbm>>
    %dma_start3A_176 = tpu.memref_squeeze %dma_start3A_175 : memref<1x1x6x8x128xf32, #tpu.memory_space<hbm>> -> memref<6x8x128xf32, #tpu.memory_space<hbm>>
    %dma_start3A_177 = arith.constant 0 : i32
    %dma_start3A_178 = arith.constant 0 : i32
    %dma_start3A_179 = arith.constant 0 : i32
    %dma_start3A_180 = tpu.memref_slice %arg5[%dma_start3A_160, %dma_start3A_177, %dma_start3A_178, %dma_start3A_179] : memref<4x6x8x128xf32, #tpu.memory_space<vmem>> -> memref<1x6x8x128xf32, #tpu.memory_space<vmem>>
    %dma_start3A_181 = tpu.memref_squeeze %dma_start3A_180 : memref<1x6x8x128xf32, #tpu.memory_space<vmem>> -> memref<6x8x128xf32, #tpu.memory_space<vmem>>
    tpu.enqueue_dma source(%dma_start3A_181 : memref<6x8x128xf32, #tpu.memory_space<vmem>>) target(%dma_start3A_176 : memref<6x8x128xf32, #tpu.memory_space<hbm>>) target_semaphore(%arg13 : memref<!tpu.dma_semaphore, #tpu.memory_space<semaphore_mem>>)
    %dma_wait3A_182 = arith.constant 1 : i32
    %dma_wait3A_183 = arith.constant 1 : i32
    %dma_wait3A_184 = arith.constant 0 : i32
    %dma_wait3A_185 = arith.constant 0 : i32
    %dma_wait3A_186 = arith.constant 0 : i32
    %dma_wait3A_187 = tpu.memref_slice %arg5[%dma_wait3A_183, %dma_wait3A_184, %dma_wait3A_185, %dma_wait3A_186] : memref<4x6x8x128xf32, #tpu.memory_space<vmem>> -> memref<1x6x8x128xf32, #tpu.memory_space<vmem>>
    %dma_wait3A_188 = tpu.memref_squeeze %dma_wait3A_187 : memref<1x6x8x128xf32, #tpu.memory_space<vmem>> -> memref<6x8x128xf32, #tpu.memory_space<vmem>>
    %dma_wait3A_189 = arith.constant 0 : i32
    %dma_wait3A_190 = arith.constant 0 : i32
    %dma_wait3A_191 = arith.constant 0 : i32
    %dma_wait3A_192 = tpu.memref_slice %arg7[%dma_wait3A_182, %dma_wait3A_189, %dma_wait3A_190, %dma_wait3A_191] : memref<4x6x8x128xf32, #tpu.memory_space<vmem_shared>> -> memref<1x6x8x128xf32, #tpu.memory_space<vmem_shared>>
    %dma_wait3A_193 = tpu.memref_squeeze %dma_wait3A_192 : memref<1x6x8x128xf32, #tpu.memory_space<vmem_shared>> -> memref<6x8x128xf32, #tpu.memory_space<vmem_shared>>
    %dma_wait3A_194 = arith.constant 0 : i32
    %dma_wait3A_195 = arith.constant 0 : i32
    %dma_wait3A_196 = arith.constant 0 : i32
    %dma_wait3A_197 = tpu.memref_slice %arg5[%dma_wait3A_183, %dma_wait3A_194, %dma_wait3A_195, %dma_wait3A_196] : memref<4x6x8x128xf32, #tpu.memory_space<vmem>> -> memref<1x6x8x128xf32, #tpu.memory_space<vmem>>
    %dma_wait3A_198 = tpu.memref_squeeze %dma_wait3A_197 : memref<1x6x8x128xf32, #tpu.memory_space<vmem>> -> memref<6x8x128xf32, #tpu.memory_space<vmem>>
    %dma_wait3A_199 = arith.constant 0 : i32
    %dma_wait3A_200 = arith.constant 0 : i32
    %dma_wait3A_201 = arith.constant 0 : i32
    %dma_wait3A_202 = tpu.memref_slice %arg7[%dma_wait3A_182, %dma_wait3A_199, %dma_wait3A_200, %dma_wait3A_201] : memref<4x6x8x128xf32, #tpu.memory_space<vmem_shared>> -> memref<1x6x8x128xf32, #tpu.memory_space<vmem_shared>>
    %dma_wait3A_203 = tpu.memref_squeeze %dma_wait3A_202 : memref<1x6x8x128xf32, #tpu.memory_space<vmem_shared>> -> memref<6x8x128xf32, #tpu.memory_space<vmem_shared>>
    tpu.wait_dma2 semaphore(%arg10 : memref<!tpu.dma_semaphore, #tpu.memory_space<semaphore_mem>>) src(%dma_wait3A_203 : memref<6x8x128xf32, #tpu.memory_space<vmem_shared>>) dst(%dma_wait3A_198 : memref<6x8x128xf32, #tpu.memory_space<vmem>>)
    %parallel_loop3A_204 = arith.constant 0 : i32
    %parallel_loop3A_205 = arith.constant 6 : i32
    %parallel_loop3A_206 = arith.constant 1 : i32
    scf.for %parallel_loop3A_411 = %parallel_loop3A_204 to %parallel_loop3A_205 step %parallel_loop3A_206  : i32 {
      %parallel_loop3A_412 = arith.index_cast %parallel_loop3A_411 : i32 to index
      %parallel_loop3A_413 = arith.constant 0 : index
      %parallel_loop3A_414 = tpu.vector_load %arg6[%parallel_loop3A_412, %parallel_loop3A_413] {strides = array<i32>} : memref<6x128xf32, #tpu.memory_space<vmem>>, vector<16xf32>,
      %parallel_loop3A_415 = arith.index_cast %parallel_loop3A_411 : i32 to index
      %parallel_loop3A_416 = arith.constant 16 : index
      %parallel_loop3A_417 = tpu.vector_load %arg6[%parallel_loop3A_415, %parallel_loop3A_416] {strides = array<i32>} : memref<6x128xf32, #tpu.memory_space<vmem>>, vector<16xf32>,
      %parallel_loop3A_418 = arith.index_cast %parallel_loop3A_411 : i32 to index
      %parallel_loop3A_419 = arith.constant 32 : index
      %parallel_loop3A_420 = tpu.vector_load %arg6[%parallel_loop3A_418, %parallel_loop3A_419] {strides = array<i32>} : memref<6x128xf32, #tpu.memory_space<vmem>>, vector<16xf32>,
      %parallel_loop3A_421 = arith.index_cast %parallel_loop3A_411 : i32 to index
      %parallel_loop3A_422 = arith.constant 48 : index
      %parallel_loop3A_423 = tpu.vector_load %arg6[%parallel_loop3A_421, %parallel_loop3A_422] {strides = array<i32>} : memref<6x128xf32, #tpu.memory_space<vmem>>, vector<16xf32>,
      %parallel_loop3A_424 = arith.index_cast %parallel_loop3A_411 : i32 to index
      %parallel_loop3A_425 = arith.constant 64 : index
      %parallel_loop3A_426 = tpu.vector_load %arg6[%parallel_loop3A_424, %parallel_loop3A_425] {strides = array<i32>} : memref<6x128xf32, #tpu.memory_space<vmem>>, vector<16xf32>,
      %parallel_loop3A_427 = arith.index_cast %parallel_loop3A_411 : i32 to index
      %parallel_loop3A_428 = arith.constant 80 : index
      %parallel_loop3A_429 = tpu.vector_load %arg6[%parallel_loop3A_427, %parallel_loop3A_428] {strides = array<i32>} : memref<6x128xf32, #tpu.memory_space<vmem>>, vector<16xf32>,
      %parallel_loop3A_430 = arith.index_cast %parallel_loop3A_411 : i32 to index
      %parallel_loop3A_431 = arith.constant 96 : index
      %parallel_loop3A_432 = tpu.vector_load %arg6[%parallel_loop3A_430, %parallel_loop3A_431] {strides = array<i32>} : memref<6x128xf32, #tpu.memory_space<vmem>>, vector<16xf32>,
      %parallel_loop3A_433 = arith.index_cast %parallel_loop3A_411 : i32 to index
      %parallel_loop3A_434 = arith.constant 112 : index
      %parallel_loop3A_435 = tpu.vector_load %arg6[%parallel_loop3A_433, %parallel_loop3A_434] {strides = array<i32>} : memref<6x128xf32, #tpu.memory_space<vmem>>, vector<16xf32>,
      %parallel_loop3A_436 = arith.constant 1 : i32
      %parallel_loop3A_437 = arith.constant 0 : i32
      %parallel_loop3A_438 = arith.index_cast %parallel_loop3A_436 : i32 to index
      %parallel_loop3A_439 = arith.index_cast %parallel_loop3A_411 : i32 to index
      %parallel_loop3A_440 = arith.index_cast %parallel_loop3A_437 : i32 to index
      %parallel_loop3A_441 = arith.constant 0 : index
      %parallel_loop3A_442 = tpu.vector_load %arg5[%parallel_loop3A_438, %parallel_loop3A_439, %parallel_loop3A_440, %parallel_loop3A_441] {strides = array<i32>} : memref<4x6x8x128xf32, #tpu.memory_space<vmem>>, vector<16xf32>,
      tpu.vector_store %arg5[%parallel_loop3A_438, %parallel_loop3A_439, %parallel_loop3A_440, %parallel_loop3A_441], %parallel_loop3A_414 {add = true, strides = array<i32>} : memref<4x6x8x128xf32, #tpu.memory_space<vmem>>, vector<16xf32>,
      %parallel_loop3A_443 = arith.constant 1 : i32
      %parallel_loop3A_444 = arith.constant 0 : i32
      %parallel_loop3A_445 = arith.index_cast %parallel_loop3A_443 : i32 to index
      %parallel_loop3A_446 = arith.index_cast %parallel_loop3A_411 : i32 to index
      %parallel_loop3A_447 = arith.index_cast %parallel_loop3A_444 : i32 to index
      %parallel_loop3A_448 = arith.constant 16 : index
      %parallel_loop3A_449 = tpu.vector_load %arg5[%parallel_loop3A_445, %parallel_loop3A_446, %parallel_loop3A_447, %parallel_loop3A_448] {strides = array<i32>} : memref<4x6x8x128xf32, #tpu.memory_space<vmem>>, vector<16xf32>,
      tpu.vector_store %arg5[%parallel_loop3A_445, %parallel_loop3A_446, %parallel_loop3A_447, %parallel_loop3A_448], %parallel_loop3A_417 {add = true, strides = array<i32>} : memref<4x6x8x128xf32, #tpu.memory_space<vmem>>, vector<16xf32>,
      %parallel_loop3A_450 = arith.constant 1 : i32
      %parallel_loop3A_451 = arith.constant 0 : i32
      %parallel_loop3A_452 = arith.index_cast %parallel_loop3A_450 : i32 to index
      %parallel_loop3A_453 = arith.index_cast %parallel_loop3A_411 : i32 to index
      %parallel_loop3A_454 = arith.index_cast %parallel_loop3A_451 : i32 to index
      %parallel_loop3A_455 = arith.constant 32 : index
      %parallel_loop3A_456 = tpu.vector_load %arg5[%parallel_loop3A_452, %parallel_loop3A_453, %parallel_loop3A_454, %parallel_loop3A_455] {strides = array<i32>} : memref<4x6x8x128xf32, #tpu.memory_space<vmem>>, vector<16xf32>,
      tpu.vector_store %arg5[%parallel_loop3A_452, %parallel_loop3A_453, %parallel_loop3A_454, %parallel_loop3A_455], %parallel_loop3A_420 {add = true, strides = array<i32>} : memref<4x6x8x128xf32, #tpu.memory_space<vmem>>, vector<16xf32>,
      %parallel_loop3A_457 = arith.constant 1 : i32
      %parallel_loop3A_458 = arith.constant 0 : i32
      %parallel_loop3A_459 = arith.index_cast %parallel_loop3A_457 : i32 to index
      %parallel_loop3A_460 = arith.index_cast %parallel_loop3A_411 : i32 to index
      %parallel_loop3A_461 = arith.index_cast %parallel_loop3A_458 : i32 to index
      %parallel_loop3A_462 = arith.constant 48 : index
      %parallel_loop3A_463 = tpu.vector_load %arg5[%parallel_loop3A_459, %parallel_loop3A_460, %parallel_loop3A_461, %parallel_loop3A_462] {strides = array<i32>} : memref<4x6x8x128xf32, #tpu.memory_space<vmem>>, vector<16xf32>,
      tpu.vector_store %arg5[%parallel_loop3A_459, %parallel_loop3A_460, %parallel_loop3A_461, %parallel_loop3A_462], %parallel_loop3A_423 {add = true, strides = array<i32>} : memref<4x6x8x128xf32, #tpu.memory_space<vmem>>, vector<16xf32>,
      %parallel_loop3A_464 = arith.constant 1 : i32
      %parallel_loop3A_465 = arith.constant 0 : i32
      %parallel_loop3A_466 = arith.index_cast %parallel_loop3A_464 : i32 to index
      %parallel_loop3A_467 = arith.index_cast %parallel_loop3A_411 : i32 to index
      %parallel_loop3A_468 = arith.index_cast %parallel_loop3A_465 : i32 to index
      %parallel_loop3A_469 = arith.constant 64 : index
      %parallel_loop3A_470 = tpu.vector_load %arg5[%parallel_loop3A_466, %parallel_loop3A_467, %parallel_loop3A_468, %parallel_loop3A_469] {strides = array<i32>} : memref<4x6x8x128xf32, #tpu.memory_space<vmem>>, vector<16xf32>,
      tpu.vector_store %arg5[%parallel_loop3A_466, %parallel_loop3A_467, %parallel_loop3A_468, %parallel_loop3A_469], %parallel_loop3A_426 {add = true, strides = array<i32>} : memref<4x6x8x128xf32, #tpu.memory_space<vmem>>, vector<16xf32>,
      %parallel_loop3A_471 = arith.constant 1 : i32
      %parallel_loop3A_472 = arith.constant 0 : i32
      %parallel_loop3A_473 = arith.index_cast %parallel_loop3A_471 : i32 to index
      %parallel_loop3A_474 = arith.index_cast %parallel_loop3A_411 : i32 to index
      %parallel_loop3A_475 = arith.index_cast %parallel_loop3A_472 : i32 to index
      %parallel_loop3A_476 = arith.constant 80 : index
      %parallel_loop3A_477 = tpu.vector_load %arg5[%parallel_loop3A_473, %parallel_loop3A_474, %parallel_loop3A_475, %parallel_loop3A_476] {strides = array<i32>} : memref<4x6x8x128xf32, #tpu.memory_space<vmem>>, vector<16xf32>,
      tpu.vector_store %arg5[%parallel_loop3A_473, %parallel_loop3A_474, %parallel_loop3A_475, %parallel_loop3A_476], %parallel_loop3A_429 {add = true, strides = array<i32>} : memref<4x6x8x128xf32, #tpu.memory_space<vmem>>, vector<16xf32>,
      %parallel_loop3A_478 = arith.constant 1 : i32
      %parallel_loop3A_479 = arith.constant 0 : i32
      %parallel_loop3A_480 = arith.index_cast %parallel_loop3A_478 : i32 to index
      %parallel_loop3A_481 = arith.index_cast %parallel_loop3A_411 : i32 to index
      %parallel_loop3A_482 = arith.index_cast %parallel_loop3A_479 : i32 to index
      %parallel_loop3A_483 = arith.constant 96 : index
      %parallel_loop3A_484 = tpu.vector_load %arg5[%parallel_loop3A_480, %parallel_loop3A_481, %parallel_loop3A_482, %parallel_loop3A_483] {strides = array<i32>} : memref<4x6x8x128xf32, #tpu.memory_space<vmem>>, vector<16xf32>,
      tpu.vector_store %arg5[%parallel_loop3A_480, %parallel_loop3A_481, %parallel_loop3A_482, %parallel_loop3A_483], %parallel_loop3A_432 {add = true, strides = array<i32>} : memref<4x6x8x128xf32, #tpu.memory_space<vmem>>, vector<16xf32>,
      %parallel_loop3A_485 = arith.constant 1 : i32
      %parallel_loop3A_486 = arith.constant 0 : i32
      %parallel_loop3A_487 = arith.index_cast %parallel_loop3A_485 : i32 to index
      %parallel_loop3A_488 = arith.index_cast %parallel_loop3A_411 : i32 to index
      %parallel_loop3A_489 = arith.index_cast %parallel_loop3A_486 : i32 to index
      %parallel_loop3A_490 = arith.constant 112 : index
      %parallel_loop3A_491 = tpu.vector_load %arg5[%parallel_loop3A_487, %parallel_loop3A_488, %parallel_loop3A_489, %parallel_loop3A_490] {strides = array<i32>} : memref<4x6x8x128xf32, #tpu.memory_space<vmem>>, vector<16xf32>,
      tpu.vector_store %arg5[%parallel_loop3A_487, %parallel_loop3A_488, %parallel_loop3A_489, %parallel_loop3A_490], %parallel_loop3A_435 {add = true, strides = array<i32>} : memref<4x6x8x128xf32, #tpu.memory_space<vmem>>, vector<16xf32>,
      %parallel_loop3A_492 = arith.constant 1 : i32
      %parallel_loop3A_493 = arith.constant 1 : i32
      %parallel_loop3A_494 = arith.index_cast %parallel_loop3A_492 : i32 to index
      %parallel_loop3A_495 = arith.index_cast %parallel_loop3A_411 : i32 to index
      %parallel_loop3A_496 = arith.index_cast %parallel_loop3A_493 : i32 to index
      %parallel_loop3A_497 = arith.constant 0 : index
      %parallel_loop3A_498 = tpu.vector_load %arg5[%parallel_loop3A_494, %parallel_loop3A_495, %parallel_loop3A_496, %parallel_loop3A_497] {strides = array<i32>} : memref<4x6x8x128xf32, #tpu.memory_space<vmem>>, vector<16xf32>,
      tpu.vector_store %arg5[%parallel_loop3A_494, %parallel_loop3A_495, %parallel_loop3A_496, %parallel_loop3A_497], %parallel_loop3A_414 {add = true, strides = array<i32>} : memref<4x6x8x128xf32, #tpu.memory_space<vmem>>, vector<16xf32>,
      %parallel_loop3A_499 = arith.constant 1 : i32
      %parallel_loop3A_500 = arith.constant 1 : i32
      %parallel_loop3A_501 = arith.index_cast %parallel_loop3A_499 : i32 to index
      %parallel_loop3A_502 = arith.index_cast %parallel_loop3A_411 : i32 to index
      %parallel_loop3A_503 = arith.index_cast %parallel_loop3A_500 : i32 to index
      %parallel_loop3A_504 = arith.constant 16 : index
      %parallel_loop3A_505 = tpu.vector_load %arg5[%parallel_loop3A_501, %parallel_loop3A_502, %parallel_loop3A_503, %parallel_loop3A_504] {strides = array<i32>} : memref<4x6x8x128xf32, #tpu.memory_space<vmem>>, vector<16xf32>,
      tpu.vector_store %arg5[%parallel_loop3A_501, %parallel_loop3A_502, %parallel_loop3A_503, %parallel_loop3A_504], %parallel_loop3A_417 {add = true, strides = array<i32>} : memref<4x6x8x128xf32, #tpu.memory_space<vmem>>, vector<16xf32>,
      %parallel_loop3A_506 = arith.constant 1 : i32
      %parallel_loop3A_507 = arith.constant 1 : i32
      %parallel_loop3A_508 = arith.index_cast %parallel_loop3A_506 : i32 to index
      %parallel_loop3A_509 = arith.index_cast %parallel_loop3A_411 : i32 to index
      %parallel_loop3A_510 = arith.index_cast %parallel_loop3A_507 : i32 to index
      %parallel_loop3A_511 = arith.constant 32 : index
      %parallel_loop3A_512 = tpu.vector_load %arg5[%parallel_loop3A_508, %parallel_loop3A_509, %parallel_loop3A_510, %parallel_loop3A_511] {strides = array<i32>} : memref<4x6x8x128xf32, #tpu.memory_space<vmem>>, vector<16xf32>,
      tpu.vector_store %arg5[%parallel_loop3A_508, %parallel_loop3A_509, %parallel_loop3A_510, %parallel_loop3A_511], %parallel_loop3A_420 {add = true, strides = array<i32>} : memref<4x6x8x128xf32, #tpu.memory_space<vmem>>, vector<16xf32>,
      %parallel_loop3A_513 = arith.constant 1 : i32
      %parallel_loop3A_514 = arith.constant 1 : i32
      %parallel_loop3A_515 = arith.index_cast %parallel_loop3A_513 : i32 to index
      %parallel_loop3A_516 = arith.index_cast %parallel_loop3A_411 : i32 to index
      %parallel_loop3A_517 = arith.index_cast %parallel_loop3A_514 : i32 to index
      %parallel_loop3A_518 = arith.constant 48 : index
      %parallel_loop3A_519 = tpu.vector_load %arg5[%parallel_loop3A_515, %parallel_loop3A_516, %parallel_loop3A_517, %parallel_loop3A_518] {strides = array<i32>} : memref<4x6x8x128xf32, #tpu.memory_space<vmem>>, vector<16xf32>,
      tpu.vector_store %arg5[%parallel_loop3A_515, %parallel_loop3A_516, %parallel_loop3A_517, %parallel_loop3A_518], %parallel_loop3A_423 {add = true, strides = array<i32>} : memref<4x6x8x128xf32, #tpu.memory_space<vmem>>, vector<16xf32>,
      %parallel_loop3A_520 = arith.constant 1 : i32
      %parallel_loop3A_521 = arith.constant 1 : i32
      %parallel_loop3A_522 = arith.index_cast %parallel_loop3A_520 : i32 to index
      %parallel_loop3A_523 = arith.index_cast %parallel_loop3A_411 : i32 to index
      %parallel_loop3A_524 = arith.index_cast %parallel_loop3A_521 : i32 to index
      %parallel_loop3A_525 = arith.constant 64 : index
      %parallel_loop3A_526 = tpu.vector_load %arg5[%parallel_loop3A_522, %parallel_loop3A_523, %parallel_loop3A_524, %parallel_loop3A_525] {strides = array<i32>} : memref<4x6x8x128xf32, #tpu.memory_space<vmem>>, vector<16xf32>,
      tpu.vector_store %arg5[%parallel_loop3A_522, %parallel_loop3A_523, %parallel_loop3A_524, %parallel_loop3A_525], %parallel_loop3A_426 {add = true, strides = array<i32>} : memref<4x6x8x128xf32, #tpu.memory_space<vmem>>, vector<16xf32>,
      %parallel_loop3A_527 = arith.constant 1 : i32
      %parallel_loop3A_528 = arith.constant 1 : i32
      %parallel_loop3A_529 = arith.index_cast %parallel_loop3A_527 : i32 to index
      %parallel_loop3A_530 = arith.index_cast %parallel_loop3A_411 : i32 to index
      %parallel_loop3A_531 = arith.index_cast %parallel_loop3A_528 : i32 to index
      %parallel_loop3A_532 = arith.constant 80 : index
      %parallel_loop3A_533 = tpu.vector_load %arg5[%parallel_loop3A_529, %parallel_loop3A_530, %parallel_loop3A_531, %parallel_loop3A_532] {strides = array<i32>} : memref<4x6x8x128xf32, #tpu.memory_space<vmem>>, vector<16xf32>,
      tpu.vector_store %arg5[%parallel_loop3A_529, %parallel_loop3A_530, %parallel_loop3A_531, %parallel_loop3A_532], %parallel_loop3A_429 {add = true, strides = array<i32>} : memref<4x6x8x128xf32, #tpu.memory_space<vmem>>, vector<16xf32>,
      %parallel_loop3A_534 = arith.constant 1 : i32
      %parallel_loop3A_535 = arith.constant 1 : i32
      %parallel_loop3A_536 = arith.index_cast %parallel_loop3A_534 : i32 to index
      %parallel_loop3A_537 = arith.index_cast %parallel_loop3A_411 : i32 to index
      %parallel_loop3A_538 = arith.index_cast %parallel_loop3A_535 : i32 to index
      %parallel_loop3A_539 = arith.constant 96 : index
      %parallel_loop3A_540 = tpu.vector_load %arg5[%parallel_loop3A_536, %parallel_loop3A_537, %parallel_loop3A_538, %parallel_loop3A_539] {strides = array<i32>} : memref<4x6x8x128xf32, #tpu.memory_space<vmem>>, vector<16xf32>,
      tpu.vector_store %arg5[%parallel_loop3A_536, %parallel_loop3A_537, %parallel_loop3A_538, %parallel_loop3A_539], %parallel_loop3A_432 {add = true, strides = array<i32>} : memref<4x6x8x128xf32, #tpu.memory_space<vmem>>, vector<16xf32>,
      %parallel_loop3A_541 = arith.constant 1 : i32
      %parallel_loop3A_542 = arith.constant 1 : i32
      %parallel_loop3A_543 = arith.index_cast %parallel_loop3A_541 : i32 to index
      %parallel_loop3A_544 = arith.index_cast %parallel_loop3A_411 : i32 to index
      %parallel_loop3A_545 = arith.index_cast %parallel_loop3A_542 : i32 to index
      %parallel_loop3A_546 = arith.constant 112 : index
      %parallel_loop3A_547 = tpu.vector_load %arg5[%parallel_loop3A_543, %parallel_loop3A_544, %parallel_loop3A_545, %parallel_loop3A_546] {strides = array<i32>} : memref<4x6x8x128xf32, #tpu.memory_space<vmem>>, vector<16xf32>,
      tpu.vector_store %arg5[%parallel_loop3A_543, %parallel_loop3A_544, %parallel_loop3A_545, %parallel_loop3A_546], %parallel_loop3A_435 {add = true, strides = array<i32>} : memref<4x6x8x128xf32, #tpu.memory_space<vmem>>, vector<16xf32>,
      %parallel_loop3A_548 = arith.constant 1 : i32
      %parallel_loop3A_549 = arith.constant 2 : i32
      %parallel_loop3A_550 = arith.index_cast %parallel_loop3A_548 : i32 to index
      %parallel_loop3A_551 = arith.index_cast %parallel_loop3A_411 : i32 to index
      %parallel_loop3A_552 = arith.index_cast %parallel_loop3A_549 : i32 to index
      %parallel_loop3A_553 = arith.constant 0 : index
      %parallel_loop3A_554 = tpu.vector_load %arg5[%parallel_loop3A_550, %parallel_loop3A_551, %parallel_loop3A_552, %parallel_loop3A_553] {strides = array<i32>} : memref<4x6x8x128xf32, #tpu.memory_space<vmem>>, vector<16xf32>,
      tpu.vector_store %arg5[%parallel_loop3A_550, %parallel_loop3A_551, %parallel_loop3A_552, %parallel_loop3A_553], %parallel_loop3A_414 {add = true, strides = array<i32>} : memref<4x6x8x128xf32, #tpu.memory_space<vmem>>, vector<16xf32>,
      %parallel_loop3A_555 = arith.constant 1 : i32
      %parallel_loop3A_556 = arith.constant 2 : i32
      %parallel_loop3A_557 = arith.index_cast %parallel_loop3A_555 : i32 to index
      %parallel_loop3A_558 = arith.index_cast %parallel_loop3A_411 : i32 to index
      %parallel_loop3A_559 = arith.index_cast %parallel_loop3A_556 : i32 to index
      %parallel_loop3A_560 = arith.constant 16 : index
      %parallel_loop3A_561 = tpu.vector_load %arg5[%parallel_loop3A_557, %parallel_loop3A_558, %parallel_loop3A_559, %parallel_loop3A_560] {strides = array<i32>} : memref<4x6x8x128xf32, #tpu.memory_space<vmem>>, vector<16xf32>,
      tpu.vector_store %arg5[%parallel_loop3A_557, %parallel_loop3A_558, %parallel_loop3A_559, %parallel_loop3A_560], %parallel_loop3A_417 {add = true, strides = array<i32>} : memref<4x6x8x128xf32, #tpu.memory_space<vmem>>, vector<16xf32>,
      %parallel_loop3A_562 = arith.constant 1 : i32
      %parallel_loop3A_563 = arith.constant 2 : i32
      %parallel_loop3A_564 = arith.index_cast %parallel_loop3A_562 : i32 to index
      %parallel_loop3A_565 = arith.index_cast %parallel_loop3A_411 : i32 to index
      %parallel_loop3A_566 = arith.index_cast %parallel_loop3A_563 : i32 to index
      %parallel_loop3A_567 = arith.constant 32 : index
      %parallel_loop3A_568 = tpu.vector_load %arg5[%parallel_loop3A_564, %parallel_loop3A_565, %parallel_loop3A_566, %parallel_loop3A_567] {strides = array<i32>} : memref<4x6x8x128xf32, #tpu.memory_space<vmem>>, vector<16xf32>,
      tpu.vector_store %arg5[%parallel_loop3A_564, %parallel_loop3A_565, %parallel_loop3A_566, %parallel_loop3A_567], %parallel_loop3A_420 {add = true, strides = array<i32>} : memref<4x6x8x128xf32, #tpu.memory_space<vmem>>, vector<16xf32>,
      %parallel_loop3A_569 = arith.constant 1 : i32
      %parallel_loop3A_570 = arith.constant 2 : i32
      %parallel_loop3A_571 = arith.index_cast %parallel_loop3A_569 : i32 to index
      %parallel_loop3A_572 = arith.index_cast %parallel_loop3A_411 : i32 to index
      %parallel_loop3A_573 = arith.index_cast %parallel_loop3A_570 : i32 to index
      %parallel_loop3A_574 = arith.constant 48 : index
      %parallel_loop3A_575 = tpu.vector_load %arg5[%parallel_loop3A_571, %parallel_loop3A_572, %parallel_loop3A_573, %parallel_loop3A_574] {strides = array<i32>} : memref<4x6x8x128xf32, #tpu.memory_space<vmem>>, vector<16xf32>,
      tpu.vector_store %arg5[%parallel_loop3A_571, %parallel_loop3A_572, %parallel_loop3A_573, %parallel_loop3A_574], %parallel_loop3A_423 {add = true, strides = array<i32>} : memref<4x6x8x128xf32, #tpu.memory_space<vmem>>, vector<16xf32>,
      %parallel_loop3A_576 = arith.constant 1 : i32
      %parallel_loop3A_577 = arith.constant 2 : i32
      %parallel_loop3A_578 = arith.index_cast %parallel_loop3A_576 : i32 to index
      %parallel_loop3A_579 = arith.index_cast %parallel_loop3A_411 : i32 to index
      %parallel_loop3A_580 = arith.index_cast %parallel_loop3A_577 : i32 to index
      %parallel_loop3A_581 = arith.constant 64 : index
      %parallel_loop3A_582 = tpu.vector_load %arg5[%parallel_loop3A_578, %parallel_loop3A_579, %parallel_loop3A_580, %parallel_loop3A_581] {strides = array<i32>} : memref<4x6x8x128xf32, #tpu.memory_space<vmem>>, vector<16xf32>,
      tpu.vector_store %arg5[%parallel_loop3A_578, %parallel_loop3A_579, %parallel_loop3A_580, %parallel_loop3A_581], %parallel_loop3A_426 {add = true, strides = array<i32>} : memref<4x6x8x128xf32, #tpu.memory_space<vmem>>, vector<16xf32>,
      %parallel_loop3A_583 = arith.constant 1 : i32
      %parallel_loop3A_584 = arith.constant 2 : i32
      %parallel_loop3A_585 = arith.index_cast %parallel_loop3A_583 : i32 to index
      %parallel_loop3A_586 = arith.index_cast %parallel_loop3A_411 : i32 to index
      %parallel_loop3A_587 = arith.index_cast %parallel_loop3A_584 : i32 to index
      %parallel_loop3A_588 = arith.constant 80 : index
      %parallel_loop3A_589 = tpu.vector_load %arg5[%parallel_loop3A_585, %parallel_loop3A_586, %parallel_loop3A_587, %parallel_loop3A_588] {strides = array<i32>} : memref<4x6x8x128xf32, #tpu.memory_space<vmem>>, vector<16xf32>,
      tpu.vector_store %arg5[%parallel_loop3A_585, %parallel_loop3A_586, %parallel_loop3A_587, %parallel_loop3A_588], %parallel_loop3A_429 {add = true, strides = array<i32>} : memref<4x6x8x128xf32, #tpu.memory_space<vmem>>, vector<16xf32>,
      %parallel_loop3A_590 = arith.constant 1 : i32
      %parallel_loop3A_591 = arith.constant 2 : i32
      %parallel_loop3A_592 = arith.index_cast %parallel_loop3A_590 : i32 to index
      %parallel_loop3A_593 = arith.index_cast %parallel_loop3A_411 : i32 to index
      %parallel_loop3A_594 = arith.index_cast %parallel_loop3A_591 : i32 to index
      %parallel_loop3A_595 = arith.constant 96 : index
      %parallel_loop3A_596 = tpu.vector_load %arg5[%parallel_loop3A_592, %parallel_loop3A_593, %parallel_loop3A_594, %parallel_loop3A_595] {strides = array<i32>} : memref<4x6x8x128xf32, #tpu.memory_space<vmem>>, vector<16xf32>,
      tpu.vector_store %arg5[%parallel_loop3A_592, %parallel_loop3A_593, %parallel_loop3A_594, %parallel_loop3A_595], %parallel_loop3A_432 {add = true, strides = array<i32>} : memref<4x6x8x128xf32, #tpu.memory_space<vmem>>, vector<16xf32>,
      %parallel_loop3A_597 = arith.constant 1 : i32
      %parallel_loop3A_598 = arith.constant 2 : i32
      %parallel_loop3A_599 = arith.index_cast %parallel_loop3A_597 : i32 to index
      %parallel_loop3A_600 = arith.index_cast %parallel_loop3A_411 : i32 to index
      %parallel_loop3A_601 = arith.index_cast %parallel_loop3A_598 : i32 to index
      %parallel_loop3A_602 = arith.constant 112 : index
      %parallel_loop3A_603 = tpu.vector_load %arg5[%parallel_loop3A_599, %parallel_loop3A_600, %parallel_loop3A_601, %parallel_loop3A_602] {strides = array<i32>} : memref<4x6x8x128xf32, #tpu.memory_space<vmem>>, vector<16xf32>,
      tpu.vector_store %arg5[%parallel_loop3A_599, %parallel_loop3A_600, %parallel_loop3A_601, %parallel_loop3A_602], %parallel_loop3A_435 {add = true, strides = array<i32>} : memref<4x6x8x128xf32, #tpu.memory_space<vmem>>, vector<16xf32>,
      %parallel_loop3A_604 = arith.constant 1 : i32
      %parallel_loop3A_605 = arith.constant 3 : i32
      %parallel_loop3A_606 = arith.index_cast %parallel_loop3A_604 : i32 to index
      %parallel_loop3A_607 = arith.index_cast %parallel_loop3A_411 : i32 to index
      %parallel_loop3A_608 = arith.index_cast %parallel_loop3A_605 : i32 to index
      %parallel_loop3A_609 = arith.constant 0 : index
      %parallel_loop3A_610 = tpu.vector_load %arg5[%parallel_loop3A_606, %parallel_loop3A_607, %parallel_loop3A_608, %parallel_loop3A_609] {strides = array<i32>} : memref<4x6x8x128xf32, #tpu.memory_space<vmem>>, vector<16xf32>,
      tpu.vector_store %arg5[%parallel_loop3A_606, %parallel_loop3A_607, %parallel_loop3A_608, %parallel_loop3A_609], %parallel_loop3A_414 {add = true, strides = array<i32>} : memref<4x6x8x128xf32, #tpu.memory_space<vmem>>, vector<16xf32>,
      %parallel_loop3A_611 = arith.constant 1 : i32
      %parallel_loop3A_612 = arith.constant 3 : i32
      %parallel_loop3A_613 = arith.index_cast %parallel_loop3A_611 : i32 to index
      %parallel_loop3A_614 = arith.index_cast %parallel_loop3A_411 : i32 to index
      %parallel_loop3A_615 = arith.index_cast %parallel_loop3A_612 : i32 to index
      %parallel_loop3A_616 = arith.constant 16 : index
      %parallel_loop3A_617 = tpu.vector_load %arg5[%parallel_loop3A_613, %parallel_loop3A_614, %parallel_loop3A_615, %parallel_loop3A_616] {strides = array<i32>} : memref<4x6x8x128xf32, #tpu.memory_space<vmem>>, vector<16xf32>,
      tpu.vector_store %arg5[%parallel_loop3A_613, %parallel_loop3A_614, %parallel_loop3A_615, %parallel_loop3A_616], %parallel_loop3A_417 {add = true, strides = array<i32>} : memref<4x6x8x128xf32, #tpu.memory_space<vmem>>, vector<16xf32>,
      %parallel_loop3A_618 = arith.constant 1 : i32
      %parallel_loop3A_619 = arith.constant 3 : i32
      %parallel_loop3A_620 = arith.index_cast %parallel_loop3A_618 : i32 to index
      %parallel_loop3A_621 = arith.index_cast %parallel_loop3A_411 : i32 to index
      %parallel_loop3A_622 = arith.index_cast %parallel_loop3A_619 : i32 to index
      %parallel_loop3A_623 = arith.constant 32 : index
      %parallel_loop3A_624 = tpu.vector_load %arg5[%parallel_loop3A_620, %parallel_loop3A_621, %parallel_loop3A_622, %parallel_loop3A_623] {strides = array<i32>} : memref<4x6x8x128xf32, #tpu.memory_space<vmem>>, vector<16xf32>,
      tpu.vector_store %arg5[%parallel_loop3A_620, %parallel_loop3A_621, %parallel_loop3A_622, %parallel_loop3A_623], %parallel_loop3A_420 {add = true, strides = array<i32>} : memref<4x6x8x128xf32, #tpu.memory_space<vmem>>, vector<16xf32>,
      %parallel_loop3A_625 = arith.constant 1 : i32
      %parallel_loop3A_626 = arith.constant 3 : i32
      %parallel_loop3A_627 = arith.index_cast %parallel_loop3A_625 : i32 to index
      %parallel_loop3A_628 = arith.index_cast %parallel_loop3A_411 : i32 to index
      %parallel_loop3A_629 = arith.index_cast %parallel_loop3A_626 : i32 to index
      %parallel_loop3A_630 = arith.constant 48 : index
      %parallel_loop3A_631 = tpu.vector_load %arg5[%parallel_loop3A_627, %parallel_loop3A_628, %parallel_loop3A_629, %parallel_loop3A_630] {strides = array<i32>} : memref<4x6x8x128xf32, #tpu.memory_space<vmem>>, vector<16xf32>,
      tpu.vector_store %arg5[%parallel_loop3A_627, %parallel_loop3A_628, %parallel_loop3A_629, %parallel_loop3A_630], %parallel_loop3A_423 {add = true, strides = array<i32>} : memref<4x6x8x128xf32, #tpu.memory_space<vmem>>, vector<16xf32>,
      %parallel_loop3A_632 = arith.constant 1 : i32
      %parallel_loop3A_633 = arith.constant 3 : i32
      %parallel_loop3A_634 = arith.index_cast %parallel_loop3A_632 : i32 to index
      %parallel_loop3A_635 = arith.index_cast %parallel_loop3A_411 : i32 to index
      %parallel_loop3A_636 = arith.index_cast %parallel_loop3A_633 : i32 to index
      %parallel_loop3A_637 = arith.constant 64 : index
      %parallel_loop3A_638 = tpu.vector_load %arg5[%parallel_loop3A_634, %parallel_loop3A_635, %parallel_loop3A_636, %parallel_loop3A_637] {strides = array<i32>} : memref<4x6x8x128xf32, #tpu.memory_space<vmem>>, vector<16xf32>,
      tpu.vector_store %arg5[%parallel_loop3A_634, %parallel_loop3A_635, %parallel_loop3A_636, %parallel_loop3A_637], %parallel_loop3A_426 {add = true, strides = array<i32>} : memref<4x6x8x128xf32, #tpu.memory_space<vmem>>, vector<16xf32>,
      %parallel_loop3A_639 = arith.constant 1 : i32
      %parallel_loop3A_640 = arith.constant 3 : i32
      %parallel_loop3A_641 = arith.index_cast %parallel_loop3A_639 : i32 to index
      %parallel_loop3A_642 = arith.index_cast %parallel_loop3A_411 : i32 to index
      %parallel_loop3A_643 = arith.index_cast %parallel_loop3A_640 : i32 to index
      %parallel_loop3A_644 = arith.constant 80 : index
      %parallel_loop3A_645 = tpu.vector_load %arg5[%parallel_loop3A_641, %parallel_loop3A_642, %parallel_loop3A_643, %parallel_loop3A_644] {strides = array<i32>} : memref<4x6x8x128xf32, #tpu.memory_space<vmem>>, vector<16xf32>,
      tpu.vector_store %arg5[%parallel_loop3A_641, %parallel_loop3A_642, %parallel_loop3A_643, %parallel_loop3A_644], %parallel_loop3A_429 {add = true, strides = array<i32>} : memref<4x6x8x128xf32, #tpu.memory_space<vmem>>, vector<16xf32>,
      %parallel_loop3A_646 = arith.constant 1 : i32
      %parallel_loop3A_647 = arith.constant 3 : i32
      %parallel_loop3A_648 = arith.index_cast %parallel_loop3A_646 : i32 to index
      %parallel_loop3A_649 = arith.index_cast %parallel_loop3A_411 : i32 to index
      %parallel_loop3A_650 = arith.index_cast %parallel_loop3A_647 : i32 to index
      %parallel_loop3A_651 = arith.constant 96 : index
      %parallel_loop3A_652 = tpu.vector_load %arg5[%parallel_loop3A_648, %parallel_loop3A_649, %parallel_loop3A_650, %parallel_loop3A_651] {strides = array<i32>} : memref<4x6x8x128xf32, #tpu.memory_space<vmem>>, vector<16xf32>,
      tpu.vector_store %arg5[%parallel_loop3A_648, %parallel_loop3A_649, %parallel_loop3A_650, %parallel_loop3A_651], %parallel_loop3A_432 {add = true, strides = array<i32>} : memref<4x6x8x128xf32, #tpu.memory_space<vmem>>, vector<16xf32>,
      %parallel_loop3A_653 = arith.constant 1 : i32
      %parallel_loop3A_654 = arith.constant 3 : i32
      %parallel_loop3A_655 = arith.index_cast %parallel_loop3A_653 : i32 to index
      %parallel_loop3A_656 = arith.index_cast %parallel_loop3A_411 : i32 to index
      %parallel_loop3A_657 = arith.index_cast %parallel_loop3A_654 : i32 to index
      %parallel_loop3A_658 = arith.constant 112 : index
      %parallel_loop3A_659 = tpu.vector_load %arg5[%parallel_loop3A_655, %parallel_loop3A_656, %parallel_loop3A_657, %parallel_loop3A_658] {strides = array<i32>} : memref<4x6x8x128xf32, #tpu.memory_space<vmem>>, vector<16xf32>,
      tpu.vector_store %arg5[%parallel_loop3A_655, %parallel_loop3A_656, %parallel_loop3A_657, %parallel_loop3A_658], %parallel_loop3A_435 {add = true, strides = array<i32>} : memref<4x6x8x128xf32, #tpu.memory_space<vmem>>, vector<16xf32>,
      %parallel_loop3A_660 = arith.constant 1 : i32
      %parallel_loop3A_661 = arith.constant 4 : i32
      %parallel_loop3A_662 = arith.index_cast %parallel_loop3A_660 : i32 to index
      %parallel_loop3A_663 = arith.index_cast %parallel_loop3A_411 : i32 to index
      %parallel_loop3A_664 = arith.index_cast %parallel_loop3A_661 : i32 to index
      %parallel_loop3A_665 = arith.constant 0 : index
      %parallel_loop3A_666 = tpu.vector_load %arg5[%parallel_loop3A_662, %parallel_loop3A_663, %parallel_loop3A_664, %parallel_loop3A_665] {strides = array<i32>} : memref<4x6x8x128xf32, #tpu.memory_space<vmem>>, vector<16xf32>,
      tpu.vector_store %arg5[%parallel_loop3A_662, %parallel_loop3A_663, %parallel_loop3A_664, %parallel_loop3A_665], %parallel_loop3A_414 {add = true, strides = array<i32>} : memref<4x6x8x128xf32, #tpu.memory_space<vmem>>, vector<16xf32>,
      %parallel_loop3A_667 = arith.constant 1 : i32
      %parallel_loop3A_668 = arith.constant 4 : i32
      %parallel_loop3A_669 = arith.index_cast %parallel_loop3A_667 : i32 to index
      %parallel_loop3A_670 = arith.index_cast %parallel_loop3A_411 : i32 to index
      %parallel_loop3A_671 = arith.index_cast %parallel_loop3A_668 : i32 to index
      %parallel_loop3A_672 = arith.constant 16 : index
      %parallel_loop3A_673 = tpu.vector_load %arg5[%parallel_loop3A_669, %parallel_loop3A_670, %parallel_loop3A_671, %parallel_loop3A_672] {strides = array<i32>} : memref<4x6x8x128xf32, #tpu.memory_space<vmem>>, vector<16xf32>,
      tpu.vector_store %arg5[%parallel_loop3A_669, %parallel_loop3A_670, %parallel_loop3A_671, %parallel_loop3A_672], %parallel_loop3A_417 {add = true, strides = array<i32>} : memref<4x6x8x128xf32, #tpu.memory_space<vmem>>, vector<16xf32>,
      %parallel_loop3A_674 = arith.constant 1 : i32
      %parallel_loop3A_675 = arith.constant 4 : i32
      %parallel_loop3A_676 = arith.index_cast %parallel_loop3A_674 : i32 to index
      %parallel_loop3A_677 = arith.index_cast %parallel_loop3A_411 : i32 to index
      %parallel_loop3A_678 = arith.index_cast %parallel_loop3A_675 : i32 to index
      %parallel_loop3A_679 = arith.constant 32 : index
      %parallel_loop3A_680 = tpu.vector_load %arg5[%parallel_loop3A_676, %parallel_loop3A_677, %parallel_loop3A_678, %parallel_loop3A_679] {strides = array<i32>} : memref<4x6x8x128xf32, #tpu.memory_space<vmem>>, vector<16xf32>,
      tpu.vector_store %arg5[%parallel_loop3A_676, %parallel_loop3A_677, %parallel_loop3A_678, %parallel_loop3A_679], %parallel_loop3A_420 {add = true, strides = array<i32>} : memref<4x6x8x128xf32, #tpu.memory_space<vmem>>, vector<16xf32>,
      %parallel_loop3A_681 = arith.constant 1 : i32
      %parallel_loop3A_682 = arith.constant 4 : i32
      %parallel_loop3A_683 = arith.index_cast %parallel_loop3A_681 : i32 to index
      %parallel_loop3A_684 = arith.index_cast %parallel_loop3A_411 : i32 to index
      %parallel_loop3A_685 = arith.index_cast %parallel_loop3A_682 : i32 to index
      %parallel_loop3A_686 = arith.constant 48 : index
      %parallel_loop3A_687 = tpu.vector_load %arg5[%parallel_loop3A_683, %parallel_loop3A_684, %parallel_loop3A_685, %parallel_loop3A_686] {strides = array<i32>} : memref<4x6x8x128xf32, #tpu.memory_space<vmem>>, vector<16xf32>,
      tpu.vector_store %arg5[%parallel_loop3A_683, %parallel_loop3A_684, %parallel_loop3A_685, %parallel_loop3A_686], %parallel_loop3A_423 {add = true, strides = array<i32>} : memref<4x6x8x128xf32, #tpu.memory_space<vmem>>, vector<16xf32>,
      %parallel_loop3A_688 = arith.constant 1 : i32
      %parallel_loop3A_689 = arith.constant 4 : i32
      %parallel_loop3A_690 = arith.index_cast %parallel_loop3A_688 : i32 to index
      %parallel_loop3A_691 = arith.index_cast %parallel_loop3A_411 : i32 to index
      %parallel_loop3A_692 = arith.index_cast %parallel_loop3A_689 : i32 to index
      %parallel_loop3A_693 = arith.constant 64 : index
      %parallel_loop3A_694 = tpu.vector_load %arg5[%parallel_loop3A_690, %parallel_loop3A_691, %parallel_loop3A_692, %parallel_loop3A_693] {strides = array<i32>} : memref<4x6x8x128xf32, #tpu.memory_space<vmem>>, vector<16xf32>,
      tpu.vector_store %arg5[%parallel_loop3A_690, %parallel_loop3A_691, %parallel_loop3A_692, %parallel_loop3A_693], %parallel_loop3A_426 {add = true, strides = array<i32>} : memref<4x6x8x128xf32, #tpu.memory_space<vmem>>, vector<16xf32>,
      %parallel_loop3A_695 = arith.constant 1 : i32
      %parallel_loop3A_696 = arith.constant 4 : i32
      %parallel_loop3A_697 = arith.index_cast %parallel_loop3A_695 : i32 to index
      %parallel_loop3A_698 = arith.index_cast %parallel_loop3A_411 : i32 to index
      %parallel_loop3A_699 = arith.index_cast %parallel_loop3A_696 : i32 to index
      %parallel_loop3A_700 = arith.constant 80 : index
      %parallel_loop3A_701 = tpu.vector_load %arg5[%parallel_loop3A_697, %parallel_loop3A_698, %parallel_loop3A_699, %parallel_loop3A_700] {strides = array<i32>} : memref<4x6x8x128xf32, #tpu.memory_space<vmem>>, vector<16xf32>,
      tpu.vector_store %arg5[%parallel_loop3A_697, %parallel_loop3A_698, %parallel_loop3A_699, %parallel_loop3A_700], %parallel_loop3A_429 {add = true, strides = array<i32>} : memref<4x6x8x128xf32, #tpu.memory_space<vmem>>, vector<16xf32>,
      %parallel_loop3A_702 = arith.constant 1 : i32
      %parallel_loop3A_703 = arith.constant 4 : i32
      %parallel_loop3A_704 = arith.index_cast %parallel_loop3A_702 : i32 to index
      %parallel_loop3A_705 = arith.index_cast %parallel_loop3A_411 : i32 to index
      %parallel_loop3A_706 = arith.index_cast %parallel_loop3A_703 : i32 to index
      %parallel_loop3A_707 = arith.constant 96 : index
      %parallel_loop3A_708 = tpu.vector_load %arg5[%parallel_loop3A_704, %parallel_loop3A_705, %parallel_loop3A_706, %parallel_loop3A_707] {strides = array<i32>} : memref<4x6x8x128xf32, #tpu.memory_space<vmem>>, vector<16xf32>,
      tpu.vector_store %arg5[%parallel_loop3A_704, %parallel_loop3A_705, %parallel_loop3A_706, %parallel_loop3A_707], %parallel_loop3A_432 {add = true, strides = array<i32>} : memref<4x6x8x128xf32, #tpu.memory_space<vmem>>, vector<16xf32>,
      %parallel_loop3A_709 = arith.constant 1 : i32
      %parallel_loop3A_710 = arith.constant 4 : i32
      %parallel_loop3A_711 = arith.index_cast %parallel_loop3A_709 : i32 to index
      %parallel_loop3A_712 = arith.index_cast %parallel_loop3A_411 : i32 to index
      %parallel_loop3A_713 = arith.index_cast %parallel_loop3A_710 : i32 to index
      %parallel_loop3A_714 = arith.constant 112 : index
      %parallel_loop3A_715 = tpu.vector_load %arg5[%parallel_loop3A_711, %parallel_loop3A_712, %parallel_loop3A_713, %parallel_loop3A_714] {strides = array<i32>} : memref<4x6x8x128xf32, #tpu.memory_space<vmem>>, vector<16xf32>,
      tpu.vector_store %arg5[%parallel_loop3A_711, %parallel_loop3A_712, %parallel_loop3A_713, %parallel_loop3A_714], %parallel_loop3A_435 {add = true, strides = array<i32>} : memref<4x6x8x128xf32, #tpu.memory_space<vmem>>, vector<16xf32>,
      %parallel_loop3A_716 = arith.constant 1 : i32
      %parallel_loop3A_717 = arith.constant 5 : i32
      %parallel_loop3A_718 = arith.index_cast %parallel_loop3A_716 : i32 to index
      %parallel_loop3A_719 = arith.index_cast %parallel_loop3A_411 : i32 to index
      %parallel_loop3A_720 = arith.index_cast %parallel_loop3A_717 : i32 to index
      %parallel_loop3A_721 = arith.constant 0 : index
      %parallel_loop3A_722 = tpu.vector_load %arg5[%parallel_loop3A_718, %parallel_loop3A_719, %parallel_loop3A_720, %parallel_loop3A_721] {strides = array<i32>} : memref<4x6x8x128xf32, #tpu.memory_space<vmem>>, vector<16xf32>,
      tpu.vector_store %arg5[%parallel_loop3A_718, %parallel_loop3A_719, %parallel_loop3A_720, %parallel_loop3A_721], %parallel_loop3A_414 {add = true, strides = array<i32>} : memref<4x6x8x128xf32, #tpu.memory_space<vmem>>, vector<16xf32>,
      %parallel_loop3A_723 = arith.constant 1 : i32
      %parallel_loop3A_724 = arith.constant 5 : i32
      %parallel_loop3A_725 = arith.index_cast %parallel_loop3A_723 : i32 to index
      %parallel_loop3A_726 = arith.index_cast %parallel_loop3A_411 : i32 to index
      %parallel_loop3A_727 = arith.index_cast %parallel_loop3A_724 : i32 to index
      %parallel_loop3A_728 = arith.constant 16 : index
      %parallel_loop3A_729 = tpu.vector_load %arg5[%parallel_loop3A_725, %parallel_loop3A_726, %parallel_loop3A_727, %parallel_loop3A_728] {strides = array<i32>} : memref<4x6x8x128xf32, #tpu.memory_space<vmem>>, vector<16xf32>,
      tpu.vector_store %arg5[%parallel_loop3A_725, %parallel_loop3A_726, %parallel_loop3A_727, %parallel_loop3A_728], %parallel_loop3A_417 {add = true, strides = array<i32>} : memref<4x6x8x128xf32, #tpu.memory_space<vmem>>, vector<16xf32>,
      %parallel_loop3A_730 = arith.constant 1 : i32
      %parallel_loop3A_731 = arith.constant 5 : i32
      %parallel_loop3A_732 = arith.index_cast %parallel_loop3A_730 : i32 to index
      %parallel_loop3A_733 = arith.index_cast %parallel_loop3A_411 : i32 to index
      %parallel_loop3A_734 = arith.index_cast %parallel_loop3A_731 : i32 to index
      %parallel_loop3A_735 = arith.constant 32 : index
      %parallel_loop3A_736 = tpu.vector_load %arg5[%parallel_loop3A_732, %parallel_loop3A_733, %parallel_loop3A_734, %parallel_loop3A_735] {strides = array<i32>} : memref<4x6x8x128xf32, #tpu.memory_space<vmem>>, vector<16xf32>,
      tpu.vector_store %arg5[%parallel_loop3A_732, %parallel_loop3A_733, %parallel_loop3A_734, %parallel_loop3A_735], %parallel_loop3A_420 {add = true, strides = array<i32>} : memref<4x6x8x128xf32, #tpu.memory_space<vmem>>, vector<16xf32>,
      %parallel_loop3A_737 = arith.constant 1 : i32
      %parallel_loop3A_738 = arith.constant 5 : i32
      %parallel_loop3A_739 = arith.index_cast %parallel_loop3A_737 : i32 to index
      %parallel_loop3A_740 = arith.index_cast %parallel_loop3A_411 : i32 to index
      %parallel_loop3A_741 = arith.index_cast %parallel_loop3A_738 : i32 to index
      %parallel_loop3A_742 = arith.constant 48 : index
      %parallel_loop3A_743 = tpu.vector_load %arg5[%parallel_loop3A_739, %parallel_loop3A_740, %parallel_loop3A_741, %parallel_loop3A_742] {strides = array<i32>} : memref<4x6x8x128xf32, #tpu.memory_space<vmem>>, vector<16xf32>,
      tpu.vector_store %arg5[%parallel_loop3A_739, %parallel_loop3A_740, %parallel_loop3A_741, %parallel_loop3A_742], %parallel_loop3A_423 {add = true, strides = array<i32>} : memref<4x6x8x128xf32, #tpu.memory_space<vmem>>, vector<16xf32>,
      %parallel_loop3A_744 = arith.constant 1 : i32
      %parallel_loop3A_745 = arith.constant 5 : i32
      %parallel_loop3A_746 = arith.index_cast %parallel_loop3A_744 : i32 to index
      %parallel_loop3A_747 = arith.index_cast %parallel_loop3A_411 : i32 to index
      %parallel_loop3A_748 = arith.index_cast %parallel_loop3A_745 : i32 to index
      %parallel_loop3A_749 = arith.constant 64 : index
      %parallel_loop3A_750 = tpu.vector_load %arg5[%parallel_loop3A_746, %parallel_loop3A_747, %parallel_loop3A_748, %parallel_loop3A_749] {strides = array<i32>} : memref<4x6x8x128xf32, #tpu.memory_space<vmem>>, vector<16xf32>,
      tpu.vector_store %arg5[%parallel_loop3A_746, %parallel_loop3A_747, %parallel_loop3A_748, %parallel_loop3A_749], %parallel_loop3A_426 {add = true, strides = array<i32>} : memref<4x6x8x128xf32, #tpu.memory_space<vmem>>, vector<16xf32>,
      %parallel_loop3A_751 = arith.constant 1 : i32
      %parallel_loop3A_752 = arith.constant 5 : i32
      %parallel_loop3A_753 = arith.index_cast %parallel_loop3A_751 : i32 to index
      %parallel_loop3A_754 = arith.index_cast %parallel_loop3A_411 : i32 to index
      %parallel_loop3A_755 = arith.index_cast %parallel_loop3A_752 : i32 to index
      %parallel_loop3A_756 = arith.constant 80 : index
      %parallel_loop3A_757 = tpu.vector_load %arg5[%parallel_loop3A_753, %parallel_loop3A_754, %parallel_loop3A_755, %parallel_loop3A_756] {strides = array<i32>} : memref<4x6x8x128xf32, #tpu.memory_space<vmem>>, vector<16xf32>,
      tpu.vector_store %arg5[%parallel_loop3A_753, %parallel_loop3A_754, %parallel_loop3A_755, %parallel_loop3A_756], %parallel_loop3A_429 {add = true, strides = array<i32>} : memref<4x6x8x128xf32, #tpu.memory_space<vmem>>, vector<16xf32>,
      %parallel_loop3A_758 = arith.constant 1 : i32
      %parallel_loop3A_759 = arith.constant 5 : i32
      %parallel_loop3A_760 = arith.index_cast %parallel_loop3A_758 : i32 to index
      %parallel_loop3A_761 = arith.index_cast %parallel_loop3A_411 : i32 to index
      %parallel_loop3A_762 = arith.index_cast %parallel_loop3A_759 : i32 to index
      %parallel_loop3A_763 = arith.constant 96 : index
      %parallel_loop3A_764 = tpu.vector_load %arg5[%parallel_loop3A_760, %parallel_loop3A_761, %parallel_loop3A_762, %parallel_loop3A_763] {strides = array<i32>} : memref<4x6x8x128xf32, #tpu.memory_space<vmem>>, vector<16xf32>,
      tpu.vector_store %arg5[%parallel_loop3A_760, %parallel_loop3A_761, %parallel_loop3A_762, %parallel_loop3A_763], %parallel_loop3A_432 {add = true, strides = array<i32>} : memref<4x6x8x128xf32, #tpu.memory_space<vmem>>, vector<16xf32>,
      %parallel_loop3A_765 = arith.constant 1 : i32
      %parallel_loop3A_766 = arith.constant 5 : i32
      %parallel_loop3A_767 = arith.index_cast %parallel_loop3A_765 : i32 to index
      %parallel_loop3A_768 = arith.index_cast %parallel_loop3A_411 : i32 to index
      %parallel_loop3A_769 = arith.index_cast %parallel_loop3A_766 : i32 to index
      %parallel_loop3A_770 = arith.constant 112 : index
      %parallel_loop3A_771 = tpu.vector_load %arg5[%parallel_loop3A_767, %parallel_loop3A_768, %parallel_loop3A_769, %parallel_loop3A_770] {strides = array<i32>} : memref<4x6x8x128xf32, #tpu.memory_space<vmem>>, vector<16xf32>,
      tpu.vector_store %arg5[%parallel_loop3A_767, %parallel_loop3A_768, %parallel_loop3A_769, %parallel_loop3A_770], %parallel_loop3A_435 {add = true, strides = array<i32>} : memref<4x6x8x128xf32, #tpu.memory_space<vmem>>, vector<16xf32>,
      %parallel_loop3A_772 = arith.constant 1 : i32
      %parallel_loop3A_773 = arith.constant 6 : i32
      %parallel_loop3A_774 = arith.index_cast %parallel_loop3A_772 : i32 to index
      %parallel_loop3A_775 = arith.index_cast %parallel_loop3A_411 : i32 to index
      %parallel_loop3A_776 = arith.index_cast %parallel_loop3A_773 : i32 to index
      %parallel_loop3A_777 = arith.constant 0 : index
      %parallel_loop3A_778 = tpu.vector_load %arg5[%parallel_loop3A_774, %parallel_loop3A_775, %parallel_loop3A_776, %parallel_loop3A_777] {strides = array<i32>} : memref<4x6x8x128xf32, #tpu.memory_space<vmem>>, vector<16xf32>,
      tpu.vector_store %arg5[%parallel_loop3A_774, %parallel_loop3A_775, %parallel_loop3A_776, %parallel_loop3A_777], %parallel_loop3A_414 {add = true, strides = array<i32>} : memref<4x6x8x128xf32, #tpu.memory_space<vmem>>, vector<16xf32>,
      %parallel_loop3A_779 = arith.constant 1 : i32
      %parallel_loop3A_780 = arith.constant 6 : i32
      %parallel_loop3A_781 = arith.index_cast %parallel_loop3A_779 : i32 to index
      %parallel_loop3A_782 = arith.index_cast %parallel_loop3A_411 : i32 to index
      %parallel_loop3A_783 = arith.index_cast %parallel_loop3A_780 : i32 to index
      %parallel_loop3A_784 = arith.constant 16 : index
      %parallel_loop3A_785 = tpu.vector_load %arg5[%parallel_loop3A_781, %parallel_loop3A_782, %parallel_loop3A_783, %parallel_loop3A_784] {strides = array<i32>} : memref<4x6x8x128xf32, #tpu.memory_space<vmem>>, vector<16xf32>,
      tpu.vector_store %arg5[%parallel_loop3A_781, %parallel_loop3A_782, %parallel_loop3A_783, %parallel_loop3A_784], %parallel_loop3A_417 {add = true, strides = array<i32>} : memref<4x6x8x128xf32, #tpu.memory_space<vmem>>, vector<16xf32>,
      %parallel_loop3A_786 = arith.constant 1 : i32
      %parallel_loop3A_787 = arith.constant 6 : i32
      %parallel_loop3A_788 = arith.index_cast %parallel_loop3A_786 : i32 to index
      %parallel_loop3A_789 = arith.index_cast %parallel_loop3A_411 : i32 to index
      %parallel_loop3A_790 = arith.index_cast %parallel_loop3A_787 : i32 to index
      %parallel_loop3A_791 = arith.constant 32 : index
      %parallel_loop3A_792 = tpu.vector_load %arg5[%parallel_loop3A_788, %parallel_loop3A_789, %parallel_loop3A_790, %parallel_loop3A_791] {strides = array<i32>} : memref<4x6x8x128xf32, #tpu.memory_space<vmem>>, vector<16xf32>,
      tpu.vector_store %arg5[%parallel_loop3A_788, %parallel_loop3A_789, %parallel_loop3A_790, %parallel_loop3A_791], %parallel_loop3A_420 {add = true, strides = array<i32>} : memref<4x6x8x128xf32, #tpu.memory_space<vmem>>, vector<16xf32>,
      %parallel_loop3A_793 = arith.constant 1 : i32
      %parallel_loop3A_794 = arith.constant 6 : i32
      %parallel_loop3A_795 = arith.index_cast %parallel_loop3A_793 : i32 to index
      %parallel_loop3A_796 = arith.index_cast %parallel_loop3A_411 : i32 to index
      %parallel_loop3A_797 = arith.index_cast %parallel_loop3A_794 : i32 to index
      %parallel_loop3A_798 = arith.constant 48 : index
      %parallel_loop3A_799 = tpu.vector_load %arg5[%parallel_loop3A_795, %parallel_loop3A_796, %parallel_loop3A_797, %parallel_loop3A_798] {strides = array<i32>} : memref<4x6x8x128xf32, #tpu.memory_space<vmem>>, vector<16xf32>,
      tpu.vector_store %arg5[%parallel_loop3A_795, %parallel_loop3A_796, %parallel_loop3A_797, %parallel_loop3A_798], %parallel_loop3A_423 {add = true, strides = array<i32>} : memref<4x6x8x128xf32, #tpu.memory_space<vmem>>, vector<16xf32>,
      %parallel_loop3A_800 = arith.constant 1 : i32
      %parallel_loop3A_801 = arith.constant 6 : i32
      %parallel_loop3A_802 = arith.index_cast %parallel_loop3A_800 : i32 to index
      %parallel_loop3A_803 = arith.index_cast %parallel_loop3A_411 : i32 to index
      %parallel_loop3A_804 = arith.index_cast %parallel_loop3A_801 : i32 to index
      %parallel_loop3A_805 = arith.constant 64 : index
      %parallel_loop3A_806 = tpu.vector_load %arg5[%parallel_loop3A_802, %parallel_loop3A_803, %parallel_loop3A_804, %parallel_loop3A_805] {strides = array<i32>} : memref<4x6x8x128xf32, #tpu.memory_space<vmem>>, vector<16xf32>,
      tpu.vector_store %arg5[%parallel_loop3A_802, %parallel_loop3A_803, %parallel_loop3A_804, %parallel_loop3A_805], %parallel_loop3A_426 {add = true, strides = array<i32>} : memref<4x6x8x128xf32, #tpu.memory_space<vmem>>, vector<16xf32>,
      %parallel_loop3A_807 = arith.constant 1 : i32
      %parallel_loop3A_808 = arith.constant 6 : i32
      %parallel_loop3A_809 = arith.index_cast %parallel_loop3A_807 : i32 to index
      %parallel_loop3A_810 = arith.index_cast %parallel_loop3A_411 : i32 to index
      %parallel_loop3A_811 = arith.index_cast %parallel_loop3A_808 : i32 to index
      %parallel_loop3A_812 = arith.constant 80 : index
      %parallel_loop3A_813 = tpu.vector_load %arg5[%parallel_loop3A_809, %parallel_loop3A_810, %parallel_loop3A_811, %parallel_loop3A_812] {strides = array<i32>} : memref<4x6x8x128xf32, #tpu.memory_space<vmem>>, vector<16xf32>,
      tpu.vector_store %arg5[%parallel_loop3A_809, %parallel_loop3A_810, %parallel_loop3A_811, %parallel_loop3A_812], %parallel_loop3A_429 {add = true, strides = array<i32>} : memref<4x6x8x128xf32, #tpu.memory_space<vmem>>, vector<16xf32>,
      %parallel_loop3A_814 = arith.constant 1 : i32
      %parallel_loop3A_815 = arith.constant 6 : i32
      %parallel_loop3A_816 = arith.index_cast %parallel_loop3A_814 : i32 to index
      %parallel_loop3A_817 = arith.index_cast %parallel_loop3A_411 : i32 to index
      %parallel_loop3A_818 = arith.index_cast %parallel_loop3A_815 : i32 to index
      %parallel_loop3A_819 = arith.constant 96 : index
      %parallel_loop3A_820 = tpu.vector_load %arg5[%parallel_loop3A_816, %parallel_loop3A_817, %parallel_loop3A_818, %parallel_loop3A_819] {strides = array<i32>} : memref<4x6x8x128xf32, #tpu.memory_space<vmem>>, vector<16xf32>,
      tpu.vector_store %arg5[%parallel_loop3A_816, %parallel_loop3A_817, %parallel_loop3A_818, %parallel_loop3A_819], %parallel_loop3A_432 {add = true, strides = array<i32>} : memref<4x6x8x128xf32, #tpu.memory_space<vmem>>, vector<16xf32>,
      %parallel_loop3A_821 = arith.constant 1 : i32
      %parallel_loop3A_822 = arith.constant 6 : i32
      %parallel_loop3A_823 = arith.index_cast %parallel_loop3A_821 : i32 to index
      %parallel_loop3A_824 = arith.index_cast %parallel_loop3A_411 : i32 to index
      %parallel_loop3A_825 = arith.index_cast %parallel_loop3A_822 : i32 to index
      %parallel_loop3A_826 = arith.constant 112 : index
      %parallel_loop3A_827 = tpu.vector_load %arg5[%parallel_loop3A_823, %parallel_loop3A_824, %parallel_loop3A_825, %parallel_loop3A_826] {strides = array<i32>} : memref<4x6x8x128xf32, #tpu.memory_space<vmem>>, vector<16xf32>,
      tpu.vector_store %arg5[%parallel_loop3A_823, %parallel_loop3A_824, %parallel_loop3A_825, %parallel_loop3A_826], %parallel_loop3A_435 {add = true, strides = array<i32>} : memref<4x6x8x128xf32, #tpu.memory_space<vmem>>, vector<16xf32>,
      %parallel_loop3A_828 = arith.constant 1 : i32
      %parallel_loop3A_829 = arith.constant 7 : i32
      %parallel_loop3A_830 = arith.index_cast %parallel_loop3A_828 : i32 to index
      %parallel_loop3A_831 = arith.index_cast %parallel_loop3A_411 : i32 to index
      %parallel_loop3A_832 = arith.index_cast %parallel_loop3A_829 : i32 to index
      %parallel_loop3A_833 = arith.constant 0 : index
      %parallel_loop3A_834 = tpu.vector_load %arg5[%parallel_loop3A_830, %parallel_loop3A_831, %parallel_loop3A_832, %parallel_loop3A_833] {strides = array<i32>} : memref<4x6x8x128xf32, #tpu.memory_space<vmem>>, vector<16xf32>,
      tpu.vector_store %arg5[%parallel_loop3A_830, %parallel_loop3A_831, %parallel_loop3A_832, %parallel_loop3A_833], %parallel_loop3A_414 {add = true, strides = array<i32>} : memref<4x6x8x128xf32, #tpu.memory_space<vmem>>, vector<16xf32>,
      %parallel_loop3A_835 = arith.constant 1 : i32
      %parallel_loop3A_836 = arith.constant 7 : i32
      %parallel_loop3A_837 = arith.index_cast %parallel_loop3A_835 : i32 to index
      %parallel_loop3A_838 = arith.index_cast %parallel_loop3A_411 : i32 to index
      %parallel_loop3A_839 = arith.index_cast %parallel_loop3A_836 : i32 to index
      %parallel_loop3A_840 = arith.constant 16 : index
      %parallel_loop3A_841 = tpu.vector_load %arg5[%parallel_loop3A_837, %parallel_loop3A_838, %parallel_loop3A_839, %parallel_loop3A_840] {strides = array<i32>} : memref<4x6x8x128xf32, #tpu.memory_space<vmem>>, vector<16xf32>,
      tpu.vector_store %arg5[%parallel_loop3A_837, %parallel_loop3A_838, %parallel_loop3A_839, %parallel_loop3A_840], %parallel_loop3A_417 {add = true, strides = array<i32>} : memref<4x6x8x128xf32, #tpu.memory_space<vmem>>, vector<16xf32>,
      %parallel_loop3A_842 = arith.constant 1 : i32
      %parallel_loop3A_843 = arith.constant 7 : i32
      %parallel_loop3A_844 = arith.index_cast %parallel_loop3A_842 : i32 to index
      %parallel_loop3A_845 = arith.index_cast %parallel_loop3A_411 : i32 to index
      %parallel_loop3A_846 = arith.index_cast %parallel_loop3A_843 : i32 to index
      %parallel_loop3A_847 = arith.constant 32 : index
      %parallel_loop3A_848 = tpu.vector_load %arg5[%parallel_loop3A_844, %parallel_loop3A_845, %parallel_loop3A_846, %parallel_loop3A_847] {strides = array<i32>} : memref<4x6x8x128xf32, #tpu.memory_space<vmem>>, vector<16xf32>,
      tpu.vector_store %arg5[%parallel_loop3A_844, %parallel_loop3A_845, %parallel_loop3A_846, %parallel_loop3A_847], %parallel_loop3A_420 {add = true, strides = array<i32>} : memref<4x6x8x128xf32, #tpu.memory_space<vmem>>, vector<16xf32>,
      %parallel_loop3A_849 = arith.constant 1 : i32
      %parallel_loop3A_850 = arith.constant 7 : i32
      %parallel_loop3A_851 = arith.index_cast %parallel_loop3A_849 : i32 to index
      %parallel_loop3A_852 = arith.index_cast %parallel_loop3A_411 : i32 to index
      %parallel_loop3A_853 = arith.index_cast %parallel_loop3A_850 : i32 to index
      %parallel_loop3A_854 = arith.constant 48 : index
      %parallel_loop3A_855 = tpu.vector_load %arg5[%parallel_loop3A_851, %parallel_loop3A_852, %parallel_loop3A_853, %parallel_loop3A_854] {strides = array<i32>} : memref<4x6x8x128xf32, #tpu.memory_space<vmem>>, vector<16xf32>,
      tpu.vector_store %arg5[%parallel_loop3A_851, %parallel_loop3A_852, %parallel_loop3A_853, %parallel_loop3A_854], %parallel_loop3A_423 {add = true, strides = array<i32>} : memref<4x6x8x128xf32, #tpu.memory_space<vmem>>, vector<16xf32>,
      %parallel_loop3A_856 = arith.constant 1 : i32
      %parallel_loop3A_857 = arith.constant 7 : i32
      %parallel_loop3A_858 = arith.index_cast %parallel_loop3A_856 : i32 to index
      %parallel_loop3A_859 = arith.index_cast %parallel_loop3A_411 : i32 to index
      %parallel_loop3A_860 = arith.index_cast %parallel_loop3A_857 : i32 to index
      %parallel_loop3A_861 = arith.constant 64 : index
      %parallel_loop3A_862 = tpu.vector_load %arg5[%parallel_loop3A_858, %parallel_loop3A_859, %parallel_loop3A_860, %parallel_loop3A_861] {strides = array<i32>} : memref<4x6x8x128xf32, #tpu.memory_space<vmem>>, vector<16xf32>,
      tpu.vector_store %arg5[%parallel_loop3A_858, %parallel_loop3A_859, %parallel_loop3A_860, %parallel_loop3A_861], %parallel_loop3A_426 {add = true, strides = array<i32>} : memref<4x6x8x128xf32, #tpu.memory_space<vmem>>, vector<16xf32>,
      %parallel_loop3A_863 = arith.constant 1 : i32
      %parallel_loop3A_864 = arith.constant 7 : i32
      %parallel_loop3A_865 = arith.index_cast %parallel_loop3A_863 : i32 to index
      %parallel_loop3A_866 = arith.index_cast %parallel_loop3A_411 : i32 to index
      %parallel_loop3A_867 = arith.index_cast %parallel_loop3A_864 : i32 to index
      %parallel_loop3A_868 = arith.constant 80 : index
      %parallel_loop3A_869 = tpu.vector_load %arg5[%parallel_loop3A_865, %parallel_loop3A_866, %parallel_loop3A_867, %parallel_loop3A_868] {strides = array<i32>} : memref<4x6x8x128xf32, #tpu.memory_space<vmem>>, vector<16xf32>,
      tpu.vector_store %arg5[%parallel_loop3A_865, %parallel_loop3A_866, %parallel_loop3A_867, %parallel_loop3A_868], %parallel_loop3A_429 {add = true, strides = array<i32>} : memref<4x6x8x128xf32, #tpu.memory_space<vmem>>, vector<16xf32>,
      %parallel_loop3A_870 = arith.constant 1 : i32
      %parallel_loop3A_871 = arith.constant 7 : i32
      %parallel_loop3A_872 = arith.index_cast %parallel_loop3A_870 : i32 to index
      %parallel_loop3A_873 = arith.index_cast %parallel_loop3A_411 : i32 to index
      %parallel_loop3A_874 = arith.index_cast %parallel_loop3A_871 : i32 to index
      %parallel_loop3A_875 = arith.constant 96 : index
      %parallel_loop3A_876 = tpu.vector_load %arg5[%parallel_loop3A_872, %parallel_loop3A_873, %parallel_loop3A_874, %parallel_loop3A_875] {strides = array<i32>} : memref<4x6x8x128xf32, #tpu.memory_space<vmem>>, vector<16xf32>,
      tpu.vector_store %arg5[%parallel_loop3A_872, %parallel_loop3A_873, %parallel_loop3A_874, %parallel_loop3A_875], %parallel_loop3A_432 {add = true, strides = array<i32>} : memref<4x6x8x128xf32, #tpu.memory_space<vmem>>, vector<16xf32>,
      %parallel_loop3A_877 = arith.constant 1 : i32
      %parallel_loop3A_878 = arith.constant 7 : i32
      %parallel_loop3A_879 = arith.index_cast %parallel_loop3A_877 : i32 to index
      %parallel_loop3A_880 = arith.index_cast %parallel_loop3A_411 : i32 to index
      %parallel_loop3A_881 = arith.index_cast %parallel_loop3A_878 : i32 to index
      %parallel_loop3A_882 = arith.constant 112 : index
      %parallel_loop3A_883 = tpu.vector_load %arg5[%parallel_loop3A_879, %parallel_loop3A_880, %parallel_loop3A_881, %parallel_loop3A_882] {strides = array<i32>} : memref<4x6x8x128xf32, #tpu.memory_space<vmem>>, vector<16xf32>,
      tpu.vector_store %arg5[%parallel_loop3A_879, %parallel_loop3A_880, %parallel_loop3A_881, %parallel_loop3A_882], %parallel_loop3A_435 {add = true, strides = array<i32>} : memref<4x6x8x128xf32, #tpu.memory_space<vmem>>, vector<16xf32>,
    } {sc.loop_unroll_factor = 1 : i64, sc.parallel_access}
    %dma_start3A_207 = arith.constant 1 : i32
    %dma_start3A_208 = arith.constant 1 : i32
    %dma_start3A_209 = arith.constant 0 : i32
    %dma_start3A_210 = arith.constant 0 : i32
    %dma_start3A_211 = arith.constant 0 : i32
    %dma_start3A_212 = tpu.memref_slice %arg5[%dma_start3A_207, %dma_start3A_209, %dma_start3A_210, %dma_start3A_211] : memref<4x6x8x128xf32, #tpu.memory_space<vmem>> -> memref<1x6x8x128xf32, #tpu.memory_space<vmem>>
    %dma_start3A_213 = tpu.memref_squeeze %dma_start3A_212 : memref<1x6x8x128xf32, #tpu.memory_space<vmem>> -> memref<6x8x128xf32, #tpu.memory_space<vmem>>
    %dma_start3A_214 = arith.constant 0 : i32
    %dma_start3A_215 = arith.constant 0 : i32
    %dma_start3A_216 = arith.constant 0 : i32
    %dma_start3A_217 = tpu.memref_slice %arg4[%add3A, %dma_start3A_208, %dma_start3A_214, %dma_start3A_215, %dma_start3A_216] : memref<32x4x6x8x128xf32, #tpu.memory_space<hbm>> -> memref<1x1x6x8x128xf32, #tpu.memory_space<hbm>>
    %dma_start3A_218 = tpu.memref_squeeze %dma_start3A_217 : memref<1x1x6x8x128xf32, #tpu.memory_space<hbm>> -> memref<6x8x128xf32, #tpu.memory_space<hbm>>
    %dma_start3A_219 = arith.constant 0 : i32
    %dma_start3A_220 = arith.constant 0 : i32
    %dma_start3A_221 = arith.constant 0 : i32
    %dma_start3A_222 = tpu.memref_slice %arg4[%add3A, %dma_start3A_208, %dma_start3A_219, %dma_start3A_220, %dma_start3A_221] : memref<32x4x6x8x128xf32, #tpu.memory_space<hbm>> -> memref<1x1x6x8x128xf32, #tpu.memory_space<hbm>>
    %dma_start3A_223 = tpu.memref_squeeze %dma_start3A_222 : memref<1x1x6x8x128xf32, #tpu.memory_space<hbm>> -> memref<6x8x128xf32, #tpu.memory_space<hbm>>
    %dma_start3A_224 = arith.constant 0 : i32
    %dma_start3A_225 = arith.constant 0 : i32
    %dma_start3A_226 = arith.constant 0 : i32
    %dma_start3A_227 = tpu.memref_slice %arg5[%dma_start3A_207, %dma_start3A_224, %dma_start3A_225, %dma_start3A_226] : memref<4x6x8x128xf32, #tpu.memory_space<vmem>> -> memref<1x6x8x128xf32, #tpu.memory_space<vmem>>
    %dma_start3A_228 = tpu.memref_squeeze %dma_start3A_227 : memref<1x6x8x128xf32, #tpu.memory_space<vmem>> -> memref<6x8x128xf32, #tpu.memory_space<vmem>>
    tpu.enqueue_dma source(%dma_start3A_228 : memref<6x8x128xf32, #tpu.memory_space<vmem>>) target(%dma_start3A_223 : memref<6x8x128xf32, #tpu.memory_space<hbm>>) target_semaphore(%arg13 : memref<!tpu.dma_semaphore, #tpu.memory_space<semaphore_mem>>)
    %dma_wait3A_229 = arith.constant 2 : i32
    %dma_wait3A_230 = arith.constant 2 : i32
    %dma_wait3A_231 = arith.constant 0 : i32
    %dma_wait3A_232 = arith.constant 0 : i32
    %dma_wait3A_233 = arith.constant 0 : i32
    %dma_wait3A_234 = tpu.memref_slice %arg5[%dma_wait3A_230, %dma_wait3A_231, %dma_wait3A_232, %dma_wait3A_233] : memref<4x6x8x128xf32, #tpu.memory_space<vmem>> -> memref<1x6x8x128xf32, #tpu.memory_space<vmem>>
    %dma_wait3A_235 = tpu.memref_squeeze %dma_wait3A_234 : memref<1x6x8x128xf32, #tpu.memory_space<vmem>> -> memref<6x8x128xf32, #tpu.memory_space<vmem>>
    %dma_wait3A_236 = arith.constant 0 : i32
    %dma_wait3A_237 = arith.constant 0 : i32
    %dma_wait3A_238 = arith.constant 0 : i32
    %dma_wait3A_239 = tpu.memref_slice %arg7[%dma_wait3A_229, %dma_wait3A_236, %dma_wait3A_237, %dma_wait3A_238] : memref<4x6x8x128xf32, #tpu.memory_space<vmem_shared>> -> memref<1x6x8x128xf32, #tpu.memory_space<vmem_shared>>
    %dma_wait3A_240 = tpu.memref_squeeze %dma_wait3A_239 : memref<1x6x8x128xf32, #tpu.memory_space<vmem_shared>> -> memref<6x8x128xf32, #tpu.memory_space<vmem_shared>>
    %dma_wait3A_241 = arith.constant 0 : i32
    %dma_wait3A_242 = arith.constant 0 : i32
    %dma_wait3A_243 = arith.constant 0 : i32
    %dma_wait3A_244 = tpu.memref_slice %arg5[%dma_wait3A_230, %dma_wait3A_241, %dma_wait3A_242, %dma_wait3A_243] : memref<4x6x8x128xf32, #tpu.memory_space<vmem>> -> memref<1x6x8x128xf32, #tpu.memory_space<vmem>>
    %dma_wait3A_245 = tpu.memref_squeeze %dma_wait3A_244 : memref<1x6x8x128xf32, #tpu.memory_space<vmem>> -> memref<6x8x128xf32, #tpu.memory_space<vmem>>
    %dma_wait3A_246 = arith.constant 0 : i32
    %dma_wait3A_247 = arith.constant 0 : i32
    %dma_wait3A_248 = arith.constant 0 : i32
    %dma_wait3A_249 = tpu.memref_slice %arg7[%dma_wait3A_229, %dma_wait3A_246, %dma_wait3A_247, %dma_wait3A_248] : memref<4x6x8x128xf32, #tpu.memory_space<vmem_shared>> -> memref<1x6x8x128xf32, #tpu.memory_space<vmem_shared>>
    %dma_wait3A_250 = tpu.memref_squeeze %dma_wait3A_249 : memref<1x6x8x128xf32, #tpu.memory_space<vmem_shared>> -> memref<6x8x128xf32, #tpu.memory_space<vmem_shared>>
    tpu.wait_dma2 semaphore(%arg11 : memref<!tpu.dma_semaphore, #tpu.memory_space<semaphore_mem>>) src(%dma_wait3A_250 : memref<6x8x128xf32, #tpu.memory_space<vmem_shared>>) dst(%dma_wait3A_245 : memref<6x8x128xf32, #tpu.memory_space<vmem>>)
    %parallel_loop3A_251 = arith.constant 0 : i32
    %parallel_loop3A_252 = arith.constant 6 : i32
    %parallel_loop3A_253 = arith.constant 1 : i32
    scf.for %parallel_loop3A_411 = %parallel_loop3A_251 to %parallel_loop3A_252 step %parallel_loop3A_253  : i32 {
      %parallel_loop3A_412 = arith.index_cast %parallel_loop3A_411 : i32 to index
      %parallel_loop3A_413 = arith.constant 0 : index
      %parallel_loop3A_414 = tpu.vector_load %arg6[%parallel_loop3A_412, %parallel_loop3A_413] {strides = array<i32>} : memref<6x128xf32, #tpu.memory_space<vmem>>, vector<16xf32>,
      %parallel_loop3A_415 = arith.index_cast %parallel_loop3A_411 : i32 to index
      %parallel_loop3A_416 = arith.constant 16 : index
      %parallel_loop3A_417 = tpu.vector_load %arg6[%parallel_loop3A_415, %parallel_loop3A_416] {strides = array<i32>} : memref<6x128xf32, #tpu.memory_space<vmem>>, vector<16xf32>,
      %parallel_loop3A_418 = arith.index_cast %parallel_loop3A_411 : i32 to index
      %parallel_loop3A_419 = arith.constant 32 : index
      %parallel_loop3A_420 = tpu.vector_load %arg6[%parallel_loop3A_418, %parallel_loop3A_419] {strides = array<i32>} : memref<6x128xf32, #tpu.memory_space<vmem>>, vector<16xf32>,
      %parallel_loop3A_421 = arith.index_cast %parallel_loop3A_411 : i32 to index
      %parallel_loop3A_422 = arith.constant 48 : index
      %parallel_loop3A_423 = tpu.vector_load %arg6[%parallel_loop3A_421, %parallel_loop3A_422] {strides = array<i32>} : memref<6x128xf32, #tpu.memory_space<vmem>>, vector<16xf32>,
      %parallel_loop3A_424 = arith.index_cast %parallel_loop3A_411 : i32 to index
      %parallel_loop3A_425 = arith.constant 64 : index
      %parallel_loop3A_426 = tpu.vector_load %arg6[%parallel_loop3A_424, %parallel_loop3A_425] {strides = array<i32>} : memref<6x128xf32, #tpu.memory_space<vmem>>, vector<16xf32>,
      %parallel_loop3A_427 = arith.index_cast %parallel_loop3A_411 : i32 to index
      %parallel_loop3A_428 = arith.constant 80 : index
      %parallel_loop3A_429 = tpu.vector_load %arg6[%parallel_loop3A_427, %parallel_loop3A_428] {strides = array<i32>} : memref<6x128xf32, #tpu.memory_space<vmem>>, vector<16xf32>,
      %parallel_loop3A_430 = arith.index_cast %parallel_loop3A_411 : i32 to index
      %parallel_loop3A_431 = arith.constant 96 : index
      %parallel_loop3A_432 = tpu.vector_load %arg6[%parallel_loop3A_430, %parallel_loop3A_431] {strides = array<i32>} : memref<6x128xf32, #tpu.memory_space<vmem>>, vector<16xf32>,
      %parallel_loop3A_433 = arith.index_cast %parallel_loop3A_411 : i32 to index
      %parallel_loop3A_434 = arith.constant 112 : index
      %parallel_loop3A_435 = tpu.vector_load %arg6[%parallel_loop3A_433, %parallel_loop3A_434] {strides = array<i32>} : memref<6x128xf32, #tpu.memory_space<vmem>>, vector<16xf32>,
      %parallel_loop3A_436 = arith.constant 2 : i32
      %parallel_loop3A_437 = arith.constant 0 : i32
      %parallel_loop3A_438 = arith.index_cast %parallel_loop3A_436 : i32 to index
      %parallel_loop3A_439 = arith.index_cast %parallel_loop3A_411 : i32 to index
      %parallel_loop3A_440 = arith.index_cast %parallel_loop3A_437 : i32 to index
      %parallel_loop3A_441 = arith.constant 0 : index
      %parallel_loop3A_442 = tpu.vector_load %arg5[%parallel_loop3A_438, %parallel_loop3A_439, %parallel_loop3A_440, %parallel_loop3A_441] {strides = array<i32>} : memref<4x6x8x128xf32, #tpu.memory_space<vmem>>, vector<16xf32>,
      tpu.vector_store %arg5[%parallel_loop3A_438, %parallel_loop3A_439, %parallel_loop3A_440, %parallel_loop3A_441], %parallel_loop3A_414 {add = true, strides = array<i32>} : memref<4x6x8x128xf32, #tpu.memory_space<vmem>>, vector<16xf32>,
      %parallel_loop3A_443 = arith.constant 2 : i32
      %parallel_loop3A_444 = arith.constant 0 : i32
      %parallel_loop3A_445 = arith.index_cast %parallel_loop3A_443 : i32 to index
      %parallel_loop3A_446 = arith.index_cast %parallel_loop3A_411 : i32 to index
      %parallel_loop3A_447 = arith.index_cast %parallel_loop3A_444 : i32 to index
      %parallel_loop3A_448 = arith.constant 16 : index
      %parallel_loop3A_449 = tpu.vector_load %arg5[%parallel_loop3A_445, %parallel_loop3A_446, %parallel_loop3A_447, %parallel_loop3A_448] {strides = array<i32>} : memref<4x6x8x128xf32, #tpu.memory_space<vmem>>, vector<16xf32>,
      tpu.vector_store %arg5[%parallel_loop3A_445, %parallel_loop3A_446, %parallel_loop3A_447, %parallel_loop3A_448], %parallel_loop3A_417 {add = true, strides = array<i32>} : memref<4x6x8x128xf32, #tpu.memory_space<vmem>>, vector<16xf32>,
      %parallel_loop3A_450 = arith.constant 2 : i32
      %parallel_loop3A_451 = arith.constant 0 : i32
      %parallel_loop3A_452 = arith.index_cast %parallel_loop3A_450 : i32 to index
      %parallel_loop3A_453 = arith.index_cast %parallel_loop3A_411 : i32 to index
      %parallel_loop3A_454 = arith.index_cast %parallel_loop3A_451 : i32 to index
      %parallel_loop3A_455 = arith.constant 32 : index
      %parallel_loop3A_456 = tpu.vector_load %arg5[%parallel_loop3A_452, %parallel_loop3A_453, %parallel_loop3A_454, %parallel_loop3A_455] {strides = array<i32>} : memref<4x6x8x128xf32, #tpu.memory_space<vmem>>, vector<16xf32>,
      tpu.vector_store %arg5[%parallel_loop3A_452, %parallel_loop3A_453, %parallel_loop3A_454, %parallel_loop3A_455], %parallel_loop3A_420 {add = true, strides = array<i32>} : memref<4x6x8x128xf32, #tpu.memory_space<vmem>>, vector<16xf32>,
      %parallel_loop3A_457 = arith.constant 2 : i32
      %parallel_loop3A_458 = arith.constant 0 : i32
      %parallel_loop3A_459 = arith.index_cast %parallel_loop3A_457 : i32 to index
      %parallel_loop3A_460 = arith.index_cast %parallel_loop3A_411 : i32 to index
      %parallel_loop3A_461 = arith.index_cast %parallel_loop3A_458 : i32 to index
      %parallel_loop3A_462 = arith.constant 48 : index
      %parallel_loop3A_463 = tpu.vector_load %arg5[%parallel_loop3A_459, %parallel_loop3A_460, %parallel_loop3A_461, %parallel_loop3A_462] {strides = array<i32>} : memref<4x6x8x128xf32, #tpu.memory_space<vmem>>, vector<16xf32>,
      tpu.vector_store %arg5[%parallel_loop3A_459, %parallel_loop3A_460, %parallel_loop3A_461, %parallel_loop3A_462], %parallel_loop3A_423 {add = true, strides = array<i32>} : memref<4x6x8x128xf32, #tpu.memory_space<vmem>>, vector<16xf32>,
      %parallel_loop3A_464 = arith.constant 2 : i32
      %parallel_loop3A_465 = arith.constant 0 : i32
      %parallel_loop3A_466 = arith.index_cast %parallel_loop3A_464 : i32 to index
      %parallel_loop3A_467 = arith.index_cast %parallel_loop3A_411 : i32 to index
      %parallel_loop3A_468 = arith.index_cast %parallel_loop3A_465 : i32 to index
      %parallel_loop3A_469 = arith.constant 64 : index
      %parallel_loop3A_470 = tpu.vector_load %arg5[%parallel_loop3A_466, %parallel_loop3A_467, %parallel_loop3A_468, %parallel_loop3A_469] {strides = array<i32>} : memref<4x6x8x128xf32, #tpu.memory_space<vmem>>, vector<16xf32>,
      tpu.vector_store %arg5[%parallel_loop3A_466, %parallel_loop3A_467, %parallel_loop3A_468, %parallel_loop3A_469], %parallel_loop3A_426 {add = true, strides = array<i32>} : memref<4x6x8x128xf32, #tpu.memory_space<vmem>>, vector<16xf32>,
      %parallel_loop3A_471 = arith.constant 2 : i32
      %parallel_loop3A_472 = arith.constant 0 : i32
      %parallel_loop3A_473 = arith.index_cast %parallel_loop3A_471 : i32 to index
      %parallel_loop3A_474 = arith.index_cast %parallel_loop3A_411 : i32 to index
      %parallel_loop3A_475 = arith.index_cast %parallel_loop3A_472 : i32 to index
      %parallel_loop3A_476 = arith.constant 80 : index
      %parallel_loop3A_477 = tpu.vector_load %arg5[%parallel_loop3A_473, %parallel_loop3A_474, %parallel_loop3A_475, %parallel_loop3A_476] {strides = array<i32>} : memref<4x6x8x128xf32, #tpu.memory_space<vmem>>, vector<16xf32>,
      tpu.vector_store %arg5[%parallel_loop3A_473, %parallel_loop3A_474, %parallel_loop3A_475, %parallel_loop3A_476], %parallel_loop3A_429 {add = true, strides = array<i32>} : memref<4x6x8x128xf32, #tpu.memory_space<vmem>>, vector<16xf32>,
      %parallel_loop3A_478 = arith.constant 2 : i32
      %parallel_loop3A_479 = arith.constant 0 : i32
      %parallel_loop3A_480 = arith.index_cast %parallel_loop3A_478 : i32 to index
      %parallel_loop3A_481 = arith.index_cast %parallel_loop3A_411 : i32 to index
      %parallel_loop3A_482 = arith.index_cast %parallel_loop3A_479 : i32 to index
      %parallel_loop3A_483 = arith.constant 96 : index
      %parallel_loop3A_484 = tpu.vector_load %arg5[%parallel_loop3A_480, %parallel_loop3A_481, %parallel_loop3A_482, %parallel_loop3A_483] {strides = array<i32>} : memref<4x6x8x128xf32, #tpu.memory_space<vmem>>, vector<16xf32>,
      tpu.vector_store %arg5[%parallel_loop3A_480, %parallel_loop3A_481, %parallel_loop3A_482, %parallel_loop3A_483], %parallel_loop3A_432 {add = true, strides = array<i32>} : memref<4x6x8x128xf32, #tpu.memory_space<vmem>>, vector<16xf32>,
      %parallel_loop3A_485 = arith.constant 2 : i32
      %parallel_loop3A_486 = arith.constant 0 : i32
      %parallel_loop3A_487 = arith.index_cast %parallel_loop3A_485 : i32 to index
      %parallel_loop3A_488 = arith.index_cast %parallel_loop3A_411 : i32 to index
      %parallel_loop3A_489 = arith.index_cast %parallel_loop3A_486 : i32 to index
      %parallel_loop3A_490 = arith.constant 112 : index
      %parallel_loop3A_491 = tpu.vector_load %arg5[%parallel_loop3A_487, %parallel_loop3A_488, %parallel_loop3A_489, %parallel_loop3A_490] {strides = array<i32>} : memref<4x6x8x128xf32, #tpu.memory_space<vmem>>, vector<16xf32>,
      tpu.vector_store %arg5[%parallel_loop3A_487, %parallel_loop3A_488, %parallel_loop3A_489, %parallel_loop3A_490], %parallel_loop3A_435 {add = true, strides = array<i32>} : memref<4x6x8x128xf32, #tpu.memory_space<vmem>>, vector<16xf32>,
      %parallel_loop3A_492 = arith.constant 2 : i32
      %parallel_loop3A_493 = arith.constant 1 : i32
      %parallel_loop3A_494 = arith.index_cast %parallel_loop3A_492 : i32 to index
      %parallel_loop3A_495 = arith.index_cast %parallel_loop3A_411 : i32 to index
      %parallel_loop3A_496 = arith.index_cast %parallel_loop3A_493 : i32 to index
      %parallel_loop3A_497 = arith.constant 0 : index
      %parallel_loop3A_498 = tpu.vector_load %arg5[%parallel_loop3A_494, %parallel_loop3A_495, %parallel_loop3A_496, %parallel_loop3A_497] {strides = array<i32>} : memref<4x6x8x128xf32, #tpu.memory_space<vmem>>, vector<16xf32>,
      tpu.vector_store %arg5[%parallel_loop3A_494, %parallel_loop3A_495, %parallel_loop3A_496, %parallel_loop3A_497], %parallel_loop3A_414 {add = true, strides = array<i32>} : memref<4x6x8x128xf32, #tpu.memory_space<vmem>>, vector<16xf32>,
      %parallel_loop3A_499 = arith.constant 2 : i32
      %parallel_loop3A_500 = arith.constant 1 : i32
      %parallel_loop3A_501 = arith.index_cast %parallel_loop3A_499 : i32 to index
      %parallel_loop3A_502 = arith.index_cast %parallel_loop3A_411 : i32 to index
      %parallel_loop3A_503 = arith.index_cast %parallel_loop3A_500 : i32 to index
      %parallel_loop3A_504 = arith.constant 16 : index
      %parallel_loop3A_505 = tpu.vector_load %arg5[%parallel_loop3A_501, %parallel_loop3A_502, %parallel_loop3A_503, %parallel_loop3A_504] {strides = array<i32>} : memref<4x6x8x128xf32, #tpu.memory_space<vmem>>, vector<16xf32>,
      tpu.vector_store %arg5[%parallel_loop3A_501, %parallel_loop3A_502, %parallel_loop3A_503, %parallel_loop3A_504], %parallel_loop3A_417 {add = true, strides = array<i32>} : memref<4x6x8x128xf32, #tpu.memory_space<vmem>>, vector<16xf32>,
      %parallel_loop3A_506 = arith.constant 2 : i32
      %parallel_loop3A_507 = arith.constant 1 : i32
      %parallel_loop3A_508 = arith.index_cast %parallel_loop3A_506 : i32 to index
      %parallel_loop3A_509 = arith.index_cast %parallel_loop3A_411 : i32 to index
      %parallel_loop3A_510 = arith.index_cast %parallel_loop3A_507 : i32 to index
      %parallel_loop3A_511 = arith.constant 32 : index
      %parallel_loop3A_512 = tpu.vector_load %arg5[%parallel_loop3A_508, %parallel_loop3A_509, %parallel_loop3A_510, %parallel_loop3A_511] {strides = array<i32>} : memref<4x6x8x128xf32, #tpu.memory_space<vmem>>, vector<16xf32>,
      tpu.vector_store %arg5[%parallel_loop3A_508, %parallel_loop3A_509, %parallel_loop3A_510, %parallel_loop3A_511], %parallel_loop3A_420 {add = true, strides = array<i32>} : memref<4x6x8x128xf32, #tpu.memory_space<vmem>>, vector<16xf32>,
      %parallel_loop3A_513 = arith.constant 2 : i32
      %parallel_loop3A_514 = arith.constant 1 : i32
      %parallel_loop3A_515 = arith.index_cast %parallel_loop3A_513 : i32 to index
      %parallel_loop3A_516 = arith.index_cast %parallel_loop3A_411 : i32 to index
      %parallel_loop3A_517 = arith.index_cast %parallel_loop3A_514 : i32 to index
      %parallel_loop3A_518 = arith.constant 48 : index
      %parallel_loop3A_519 = tpu.vector_load %arg5[%parallel_loop3A_515, %parallel_loop3A_516, %parallel_loop3A_517, %parallel_loop3A_518] {strides = array<i32>} : memref<4x6x8x128xf32, #tpu.memory_space<vmem>>, vector<16xf32>,
      tpu.vector_store %arg5[%parallel_loop3A_515, %parallel_loop3A_516, %parallel_loop3A_517, %parallel_loop3A_518], %parallel_loop3A_423 {add = true, strides = array<i32>} : memref<4x6x8x128xf32, #tpu.memory_space<vmem>>, vector<16xf32>,
      %parallel_loop3A_520 = arith.constant 2 : i32
      %parallel_loop3A_521 = arith.constant 1 : i32
      %parallel_loop3A_522 = arith.index_cast %parallel_loop3A_520 : i32 to index
      %parallel_loop3A_523 = arith.index_cast %parallel_loop3A_411 : i32 to index
      %parallel_loop3A_524 = arith.index_cast %parallel_loop3A_521 : i32 to index
      %parallel_loop3A_525 = arith.constant 64 : index
      %parallel_loop3A_526 = tpu.vector_load %arg5[%parallel_loop3A_522, %parallel_loop3A_523, %parallel_loop3A_524, %parallel_loop3A_525] {strides = array<i32>} : memref<4x6x8x128xf32, #tpu.memory_space<vmem>>, vector<16xf32>,
      tpu.vector_store %arg5[%parallel_loop3A_522, %parallel_loop3A_523, %parallel_loop3A_524, %parallel_loop3A_525], %parallel_loop3A_426 {add = true, strides = array<i32>} : memref<4x6x8x128xf32, #tpu.memory_space<vmem>>, vector<16xf32>,
      %parallel_loop3A_527 = arith.constant 2 : i32
      %parallel_loop3A_528 = arith.constant 1 : i32
      %parallel_loop3A_529 = arith.index_cast %parallel_loop3A_527 : i32 to index
      %parallel_loop3A_530 = arith.index_cast %parallel_loop3A_411 : i32 to index
      %parallel_loop3A_531 = arith.index_cast %parallel_loop3A_528 : i32 to index
      %parallel_loop3A_532 = arith.constant 80 : index
      %parallel_loop3A_533 = tpu.vector_load %arg5[%parallel_loop3A_529, %parallel_loop3A_530, %parallel_loop3A_531, %parallel_loop3A_532] {strides = array<i32>} : memref<4x6x8x128xf32, #tpu.memory_space<vmem>>, vector<16xf32>,
      tpu.vector_store %arg5[%parallel_loop3A_529, %parallel_loop3A_530, %parallel_loop3A_531, %parallel_loop3A_532], %parallel_loop3A_429 {add = true, strides = array<i32>} : memref<4x6x8x128xf32, #tpu.memory_space<vmem>>, vector<16xf32>,
      %parallel_loop3A_534 = arith.constant 2 : i32
      %parallel_loop3A_535 = arith.constant 1 : i32
      %parallel_loop3A_536 = arith.index_cast %parallel_loop3A_534 : i32 to index
      %parallel_loop3A_537 = arith.index_cast %parallel_loop3A_411 : i32 to index
      %parallel_loop3A_538 = arith.index_cast %parallel_loop3A_535 : i32 to index
      %parallel_loop3A_539 = arith.constant 96 : index
      %parallel_loop3A_540 = tpu.vector_load %arg5[%parallel_loop3A_536, %parallel_loop3A_537, %parallel_loop3A_538, %parallel_loop3A_539] {strides = array<i32>} : memref<4x6x8x128xf32, #tpu.memory_space<vmem>>, vector<16xf32>,
      tpu.vector_store %arg5[%parallel_loop3A_536, %parallel_loop3A_537, %parallel_loop3A_538, %parallel_loop3A_539], %parallel_loop3A_432 {add = true, strides = array<i32>} : memref<4x6x8x128xf32, #tpu.memory_space<vmem>>, vector<16xf32>,
      %parallel_loop3A_541 = arith.constant 2 : i32
      %parallel_loop3A_542 = arith.constant 1 : i32
      %parallel_loop3A_543 = arith.index_cast %parallel_loop3A_541 : i32 to index
      %parallel_loop3A_544 = arith.index_cast %parallel_loop3A_411 : i32 to index
      %parallel_loop3A_545 = arith.index_cast %parallel_loop3A_542 : i32 to index
      %parallel_loop3A_546 = arith.constant 112 : index
      %parallel_loop3A_547 = tpu.vector_load %arg5[%parallel_loop3A_543, %parallel_loop3A_544, %parallel_loop3A_545, %parallel_loop3A_546] {strides = array<i32>} : memref<4x6x8x128xf32, #tpu.memory_space<vmem>>, vector<16xf32>,
      tpu.vector_store %arg5[%parallel_loop3A_543, %parallel_loop3A_544, %parallel_loop3A_545, %parallel_loop3A_546], %parallel_loop3A_435 {add = true, strides = array<i32>} : memref<4x6x8x128xf32, #tpu.memory_space<vmem>>, vector<16xf32>,
      %parallel_loop3A_548 = arith.constant 2 : i32
      %parallel_loop3A_549 = arith.constant 2 : i32
      %parallel_loop3A_550 = arith.index_cast %parallel_loop3A_548 : i32 to index
      %parallel_loop3A_551 = arith.index_cast %parallel_loop3A_411 : i32 to index
      %parallel_loop3A_552 = arith.index_cast %parallel_loop3A_549 : i32 to index
      %parallel_loop3A_553 = arith.constant 0 : index
      %parallel_loop3A_554 = tpu.vector_load %arg5[%parallel_loop3A_550, %parallel_loop3A_551, %parallel_loop3A_552, %parallel_loop3A_553] {strides = array<i32>} : memref<4x6x8x128xf32, #tpu.memory_space<vmem>>, vector<16xf32>,
      tpu.vector_store %arg5[%parallel_loop3A_550, %parallel_loop3A_551, %parallel_loop3A_552, %parallel_loop3A_553], %parallel_loop3A_414 {add = true, strides = array<i32>} : memref<4x6x8x128xf32, #tpu.memory_space<vmem>>, vector<16xf32>,
      %parallel_loop3A_555 = arith.constant 2 : i32
      %parallel_loop3A_556 = arith.constant 2 : i32
      %parallel_loop3A_557 = arith.index_cast %parallel_loop3A_555 : i32 to index
      %parallel_loop3A_558 = arith.index_cast %parallel_loop3A_411 : i32 to index
      %parallel_loop3A_559 = arith.index_cast %parallel_loop3A_556 : i32 to index
      %parallel_loop3A_560 = arith.constant 16 : index
      %parallel_loop3A_561 = tpu.vector_load %arg5[%parallel_loop3A_557, %parallel_loop3A_558, %parallel_loop3A_559, %parallel_loop3A_560] {strides = array<i32>} : memref<4x6x8x128xf32, #tpu.memory_space<vmem>>, vector<16xf32>,
      tpu.vector_store %arg5[%parallel_loop3A_557, %parallel_loop3A_558, %parallel_loop3A_559, %parallel_loop3A_560], %parallel_loop3A_417 {add = true, strides = array<i32>} : memref<4x6x8x128xf32, #tpu.memory_space<vmem>>, vector<16xf32>,
      %parallel_loop3A_562 = arith.constant 2 : i32
      %parallel_loop3A_563 = arith.constant 2 : i32
      %parallel_loop3A_564 = arith.index_cast %parallel_loop3A_562 : i32 to index
      %parallel_loop3A_565 = arith.index_cast %parallel_loop3A_411 : i32 to index
      %parallel_loop3A_566 = arith.index_cast %parallel_loop3A_563 : i32 to index
      %parallel_loop3A_567 = arith.constant 32 : index
      %parallel_loop3A_568 = tpu.vector_load %arg5[%parallel_loop3A_564, %parallel_loop3A_565, %parallel_loop3A_566, %parallel_loop3A_567] {strides = array<i32>} : memref<4x6x8x128xf32, #tpu.memory_space<vmem>>, vector<16xf32>,
      tpu.vector_store %arg5[%parallel_loop3A_564, %parallel_loop3A_565, %parallel_loop3A_566, %parallel_loop3A_567], %parallel_loop3A_420 {add = true, strides = array<i32>} : memref<4x6x8x128xf32, #tpu.memory_space<vmem>>, vector<16xf32>,
      %parallel_loop3A_569 = arith.constant 2 : i32
      %parallel_loop3A_570 = arith.constant 2 : i32
      %parallel_loop3A_571 = arith.index_cast %parallel_loop3A_569 : i32 to index
      %parallel_loop3A_572 = arith.index_cast %parallel_loop3A_411 : i32 to index
      %parallel_loop3A_573 = arith.index_cast %parallel_loop3A_570 : i32 to index
      %parallel_loop3A_574 = arith.constant 48 : index
      %parallel_loop3A_575 = tpu.vector_load %arg5[%parallel_loop3A_571, %parallel_loop3A_572, %parallel_loop3A_573, %parallel_loop3A_574] {strides = array<i32>} : memref<4x6x8x128xf32, #tpu.memory_space<vmem>>, vector<16xf32>,
      tpu.vector_store %arg5[%parallel_loop3A_571, %parallel_loop3A_572, %parallel_loop3A_573, %parallel_loop3A_574], %parallel_loop3A_423 {add = true, strides = array<i32>} : memref<4x6x8x128xf32, #tpu.memory_space<vmem>>, vector<16xf32>,
      %parallel_loop3A_576 = arith.constant 2 : i32
      %parallel_loop3A_577 = arith.constant 2 : i32
      %parallel_loop3A_578 = arith.index_cast %parallel_loop3A_576 : i32 to index
      %parallel_loop3A_579 = arith.index_cast %parallel_loop3A_411 : i32 to index
      %parallel_loop3A_580 = arith.index_cast %parallel_loop3A_577 : i32 to index
      %parallel_loop3A_581 = arith.constant 64 : index
      %parallel_loop3A_582 = tpu.vector_load %arg5[%parallel_loop3A_578, %parallel_loop3A_579, %parallel_loop3A_580, %parallel_loop3A_581] {strides = array<i32>} : memref<4x6x8x128xf32, #tpu.memory_space<vmem>>, vector<16xf32>,
      tpu.vector_store %arg5[%parallel_loop3A_578, %parallel_loop3A_579, %parallel_loop3A_580, %parallel_loop3A_581], %parallel_loop3A_426 {add = true, strides = array<i32>} : memref<4x6x8x128xf32, #tpu.memory_space<vmem>>, vector<16xf32>,
      %parallel_loop3A_583 = arith.constant 2 : i32
      %parallel_loop3A_584 = arith.constant 2 : i32
      %parallel_loop3A_585 = arith.index_cast %parallel_loop3A_583 : i32 to index
      %parallel_loop3A_586 = arith.index_cast %parallel_loop3A_411 : i32 to index
      %parallel_loop3A_587 = arith.index_cast %parallel_loop3A_584 : i32 to index
      %parallel_loop3A_588 = arith.constant 80 : index
      %parallel_loop3A_589 = tpu.vector_load %arg5[%parallel_loop3A_585, %parallel_loop3A_586, %parallel_loop3A_587, %parallel_loop3A_588] {strides = array<i32>} : memref<4x6x8x128xf32, #tpu.memory_space<vmem>>, vector<16xf32>,
      tpu.vector_store %arg5[%parallel_loop3A_585, %parallel_loop3A_586, %parallel_loop3A_587, %parallel_loop3A_588], %parallel_loop3A_429 {add = true, strides = array<i32>} : memref<4x6x8x128xf32, #tpu.memory_space<vmem>>, vector<16xf32>,
      %parallel_loop3A_590 = arith.constant 2 : i32
      %parallel_loop3A_591 = arith.constant 2 : i32
      %parallel_loop3A_592 = arith.index_cast %parallel_loop3A_590 : i32 to index
      %parallel_loop3A_593 = arith.index_cast %parallel_loop3A_411 : i32 to index
      %parallel_loop3A_594 = arith.index_cast %parallel_loop3A_591 : i32 to index
      %parallel_loop3A_595 = arith.constant 96 : index
      %parallel_loop3A_596 = tpu.vector_load %arg5[%parallel_loop3A_592, %parallel_loop3A_593, %parallel_loop3A_594, %parallel_loop3A_595] {strides = array<i32>} : memref<4x6x8x128xf32, #tpu.memory_space<vmem>>, vector<16xf32>,
      tpu.vector_store %arg5[%parallel_loop3A_592, %parallel_loop3A_593, %parallel_loop3A_594, %parallel_loop3A_595], %parallel_loop3A_432 {add = true, strides = array<i32>} : memref<4x6x8x128xf32, #tpu.memory_space<vmem>>, vector<16xf32>,
      %parallel_loop3A_597 = arith.constant 2 : i32
      %parallel_loop3A_598 = arith.constant 2 : i32
      %parallel_loop3A_599 = arith.index_cast %parallel_loop3A_597 : i32 to index
      %parallel_loop3A_600 = arith.index_cast %parallel_loop3A_411 : i32 to index
      %parallel_loop3A_601 = arith.index_cast %parallel_loop3A_598 : i32 to index
      %parallel_loop3A_602 = arith.constant 112 : index
      %parallel_loop3A_603 = tpu.vector_load %arg5[%parallel_loop3A_599, %parallel_loop3A_600, %parallel_loop3A_601, %parallel_loop3A_602] {strides = array<i32>} : memref<4x6x8x128xf32, #tpu.memory_space<vmem>>, vector<16xf32>,
      tpu.vector_store %arg5[%parallel_loop3A_599, %parallel_loop3A_600, %parallel_loop3A_601, %parallel_loop3A_602], %parallel_loop3A_435 {add = true, strides = array<i32>} : memref<4x6x8x128xf32, #tpu.memory_space<vmem>>, vector<16xf32>,
      %parallel_loop3A_604 = arith.constant 2 : i32
      %parallel_loop3A_605 = arith.constant 3 : i32
      %parallel_loop3A_606 = arith.index_cast %parallel_loop3A_604 : i32 to index
      %parallel_loop3A_607 = arith.index_cast %parallel_loop3A_411 : i32 to index
      %parallel_loop3A_608 = arith.index_cast %parallel_loop3A_605 : i32 to index
      %parallel_loop3A_609 = arith.constant 0 : index
      %parallel_loop3A_610 = tpu.vector_load %arg5[%parallel_loop3A_606, %parallel_loop3A_607, %parallel_loop3A_608, %parallel_loop3A_609] {strides = array<i32>} : memref<4x6x8x128xf32, #tpu.memory_space<vmem>>, vector<16xf32>,
      tpu.vector_store %arg5[%parallel_loop3A_606, %parallel_loop3A_607, %parallel_loop3A_608, %parallel_loop3A_609], %parallel_loop3A_414 {add = true, strides = array<i32>} : memref<4x6x8x128xf32, #tpu.memory_space<vmem>>, vector<16xf32>,
      %parallel_loop3A_611 = arith.constant 2 : i32
      %parallel_loop3A_612 = arith.constant 3 : i32
      %parallel_loop3A_613 = arith.index_cast %parallel_loop3A_611 : i32 to index
      %parallel_loop3A_614 = arith.index_cast %parallel_loop3A_411 : i32 to index
      %parallel_loop3A_615 = arith.index_cast %parallel_loop3A_612 : i32 to index
      %parallel_loop3A_616 = arith.constant 16 : index
      %parallel_loop3A_617 = tpu.vector_load %arg5[%parallel_loop3A_613, %parallel_loop3A_614, %parallel_loop3A_615, %parallel_loop3A_616] {strides = array<i32>} : memref<4x6x8x128xf32, #tpu.memory_space<vmem>>, vector<16xf32>,
      tpu.vector_store %arg5[%parallel_loop3A_613, %parallel_loop3A_614, %parallel_loop3A_615, %parallel_loop3A_616], %parallel_loop3A_417 {add = true, strides = array<i32>} : memref<4x6x8x128xf32, #tpu.memory_space<vmem>>, vector<16xf32>,
      %parallel_loop3A_618 = arith.constant 2 : i32
      %parallel_loop3A_619 = arith.constant 3 : i32
      %parallel_loop3A_620 = arith.index_cast %parallel_loop3A_618 : i32 to index
      %parallel_loop3A_621 = arith.index_cast %parallel_loop3A_411 : i32 to index
      %parallel_loop3A_622 = arith.index_cast %parallel_loop3A_619 : i32 to index
      %parallel_loop3A_623 = arith.constant 32 : index
      %parallel_loop3A_624 = tpu.vector_load %arg5[%parallel_loop3A_620, %parallel_loop3A_621, %parallel_loop3A_622, %parallel_loop3A_623] {strides = array<i32>} : memref<4x6x8x128xf32, #tpu.memory_space<vmem>>, vector<16xf32>,
      tpu.vector_store %arg5[%parallel_loop3A_620, %parallel_loop3A_621, %parallel_loop3A_622, %parallel_loop3A_623], %parallel_loop3A_420 {add = true, strides = array<i32>} : memref<4x6x8x128xf32, #tpu.memory_space<vmem>>, vector<16xf32>,
      %parallel_loop3A_625 = arith.constant 2 : i32
      %parallel_loop3A_626 = arith.constant 3 : i32
      %parallel_loop3A_627 = arith.index_cast %parallel_loop3A_625 : i32 to index
      %parallel_loop3A_628 = arith.index_cast %parallel_loop3A_411 : i32 to index
      %parallel_loop3A_629 = arith.index_cast %parallel_loop3A_626 : i32 to index
      %parallel_loop3A_630 = arith.constant 48 : index
      %parallel_loop3A_631 = tpu.vector_load %arg5[%parallel_loop3A_627, %parallel_loop3A_628, %parallel_loop3A_629, %parallel_loop3A_630] {strides = array<i32>} : memref<4x6x8x128xf32, #tpu.memory_space<vmem>>, vector<16xf32>,
      tpu.vector_store %arg5[%parallel_loop3A_627, %parallel_loop3A_628, %parallel_loop3A_629, %parallel_loop3A_630], %parallel_loop3A_423 {add = true, strides = array<i32>} : memref<4x6x8x128xf32, #tpu.memory_space<vmem>>, vector<16xf32>,
      %parallel_loop3A_632 = arith.constant 2 : i32
      %parallel_loop3A_633 = arith.constant 3 : i32
      %parallel_loop3A_634 = arith.index_cast %parallel_loop3A_632 : i32 to index
      %parallel_loop3A_635 = arith.index_cast %parallel_loop3A_411 : i32 to index
      %parallel_loop3A_636 = arith.index_cast %parallel_loop3A_633 : i32 to index
      %parallel_loop3A_637 = arith.constant 64 : index
      %parallel_loop3A_638 = tpu.vector_load %arg5[%parallel_loop3A_634, %parallel_loop3A_635, %parallel_loop3A_636, %parallel_loop3A_637] {strides = array<i32>} : memref<4x6x8x128xf32, #tpu.memory_space<vmem>>, vector<16xf32>,
      tpu.vector_store %arg5[%parallel_loop3A_634, %parallel_loop3A_635, %parallel_loop3A_636, %parallel_loop3A_637], %parallel_loop3A_426 {add = true, strides = array<i32>} : memref<4x6x8x128xf32, #tpu.memory_space<vmem>>, vector<16xf32>,
      %parallel_loop3A_639 = arith.constant 2 : i32
      %parallel_loop3A_640 = arith.constant 3 : i32
      %parallel_loop3A_641 = arith.index_cast %parallel_loop3A_639 : i32 to index
      %parallel_loop3A_642 = arith.index_cast %parallel_loop3A_411 : i32 to index
      %parallel_loop3A_643 = arith.index_cast %parallel_loop3A_640 : i32 to index
      %parallel_loop3A_644 = arith.constant 80 : index
      %parallel_loop3A_645 = tpu.vector_load %arg5[%parallel_loop3A_641, %parallel_loop3A_642, %parallel_loop3A_643, %parallel_loop3A_644] {strides = array<i32>} : memref<4x6x8x128xf32, #tpu.memory_space<vmem>>, vector<16xf32>,
      tpu.vector_store %arg5[%parallel_loop3A_641, %parallel_loop3A_642, %parallel_loop3A_643, %parallel_loop3A_644], %parallel_loop3A_429 {add = true, strides = array<i32>} : memref<4x6x8x128xf32, #tpu.memory_space<vmem>>, vector<16xf32>,
      %parallel_loop3A_646 = arith.constant 2 : i32
      %parallel_loop3A_647 = arith.constant 3 : i32
      %parallel_loop3A_648 = arith.index_cast %parallel_loop3A_646 : i32 to index
      %parallel_loop3A_649 = arith.index_cast %parallel_loop3A_411 : i32 to index
      %parallel_loop3A_650 = arith.index_cast %parallel_loop3A_647 : i32 to index
      %parallel_loop3A_651 = arith.constant 96 : index
      %parallel_loop3A_652 = tpu.vector_load %arg5[%parallel_loop3A_648, %parallel_loop3A_649, %parallel_loop3A_650, %parallel_loop3A_651] {strides = array<i32>} : memref<4x6x8x128xf32, #tpu.memory_space<vmem>>, vector<16xf32>,
      tpu.vector_store %arg5[%parallel_loop3A_648, %parallel_loop3A_649, %parallel_loop3A_650, %parallel_loop3A_651], %parallel_loop3A_432 {add = true, strides = array<i32>} : memref<4x6x8x128xf32, #tpu.memory_space<vmem>>, vector<16xf32>,
      %parallel_loop3A_653 = arith.constant 2 : i32
      %parallel_loop3A_654 = arith.constant 3 : i32
      %parallel_loop3A_655 = arith.index_cast %parallel_loop3A_653 : i32 to index
      %parallel_loop3A_656 = arith.index_cast %parallel_loop3A_411 : i32 to index
      %parallel_loop3A_657 = arith.index_cast %parallel_loop3A_654 : i32 to index
      %parallel_loop3A_658 = arith.constant 112 : index
      %parallel_loop3A_659 = tpu.vector_load %arg5[%parallel_loop3A_655, %parallel_loop3A_656, %parallel_loop3A_657, %parallel_loop3A_658] {strides = array<i32>} : memref<4x6x8x128xf32, #tpu.memory_space<vmem>>, vector<16xf32>,
      tpu.vector_store %arg5[%parallel_loop3A_655, %parallel_loop3A_656, %parallel_loop3A_657, %parallel_loop3A_658], %parallel_loop3A_435 {add = true, strides = array<i32>} : memref<4x6x8x128xf32, #tpu.memory_space<vmem>>, vector<16xf32>,
      %parallel_loop3A_660 = arith.constant 2 : i32
      %parallel_loop3A_661 = arith.constant 4 : i32
      %parallel_loop3A_662 = arith.index_cast %parallel_loop3A_660 : i32 to index
      %parallel_loop3A_663 = arith.index_cast %parallel_loop3A_411 : i32 to index
      %parallel_loop3A_664 = arith.index_cast %parallel_loop3A_661 : i32 to index
      %parallel_loop3A_665 = arith.constant 0 : index
      %parallel_loop3A_666 = tpu.vector_load %arg5[%parallel_loop3A_662, %parallel_loop3A_663, %parallel_loop3A_664, %parallel_loop3A_665] {strides = array<i32>} : memref<4x6x8x128xf32, #tpu.memory_space<vmem>>, vector<16xf32>,
      tpu.vector_store %arg5[%parallel_loop3A_662, %parallel_loop3A_663, %parallel_loop3A_664, %parallel_loop3A_665], %parallel_loop3A_414 {add = true, strides = array<i32>} : memref<4x6x8x128xf32, #tpu.memory_space<vmem>>, vector<16xf32>,
      %parallel_loop3A_667 = arith.constant 2 : i32
      %parallel_loop3A_668 = arith.constant 4 : i32
      %parallel_loop3A_669 = arith.index_cast %parallel_loop3A_667 : i32 to index
      %parallel_loop3A_670 = arith.index_cast %parallel_loop3A_411 : i32 to index
      %parallel_loop3A_671 = arith.index_cast %parallel_loop3A_668 : i32 to index
      %parallel_loop3A_672 = arith.constant 16 : index
      %parallel_loop3A_673 = tpu.vector_load %arg5[%parallel_loop3A_669, %parallel_loop3A_670, %parallel_loop3A_671, %parallel_loop3A_672] {strides = array<i32>} : memref<4x6x8x128xf32, #tpu.memory_space<vmem>>, vector<16xf32>,
      tpu.vector_store %arg5[%parallel_loop3A_669, %parallel_loop3A_670, %parallel_loop3A_671, %parallel_loop3A_672], %parallel_loop3A_417 {add = true, strides = array<i32>} : memref<4x6x8x128xf32, #tpu.memory_space<vmem>>, vector<16xf32>,
      %parallel_loop3A_674 = arith.constant 2 : i32
      %parallel_loop3A_675 = arith.constant 4 : i32
      %parallel_loop3A_676 = arith.index_cast %parallel_loop3A_674 : i32 to index
      %parallel_loop3A_677 = arith.index_cast %parallel_loop3A_411 : i32 to index
      %parallel_loop3A_678 = arith.index_cast %parallel_loop3A_675 : i32 to index
      %parallel_loop3A_679 = arith.constant 32 : index
      %parallel_loop3A_680 = tpu.vector_load %arg5[%parallel_loop3A_676, %parallel_loop3A_677, %parallel_loop3A_678, %parallel_loop3A_679] {strides = array<i32>} : memref<4x6x8x128xf32, #tpu.memory_space<vmem>>, vector<16xf32>,
      tpu.vector_store %arg5[%parallel_loop3A_676, %parallel_loop3A_677, %parallel_loop3A_678, %parallel_loop3A_679], %parallel_loop3A_420 {add = true, strides = array<i32>} : memref<4x6x8x128xf32, #tpu.memory_space<vmem>>, vector<16xf32>,
      %parallel_loop3A_681 = arith.constant 2 : i32
      %parallel_loop3A_682 = arith.constant 4 : i32
      %parallel_loop3A_683 = arith.index_cast %parallel_loop3A_681 : i32 to index
      %parallel_loop3A_684 = arith.index_cast %parallel_loop3A_411 : i32 to index
      %parallel_loop3A_685 = arith.index_cast %parallel_loop3A_682 : i32 to index
      %parallel_loop3A_686 = arith.constant 48 : index
      %parallel_loop3A_687 = tpu.vector_load %arg5[%parallel_loop3A_683, %parallel_loop3A_684, %parallel_loop3A_685, %parallel_loop3A_686] {strides = array<i32>} : memref<4x6x8x128xf32, #tpu.memory_space<vmem>>, vector<16xf32>,
      tpu.vector_store %arg5[%parallel_loop3A_683, %parallel_loop3A_684, %parallel_loop3A_685, %parallel_loop3A_686], %parallel_loop3A_423 {add = true, strides = array<i32>} : memref<4x6x8x128xf32, #tpu.memory_space<vmem>>, vector<16xf32>,
      %parallel_loop3A_688 = arith.constant 2 : i32
      %parallel_loop3A_689 = arith.constant 4 : i32
      %parallel_loop3A_690 = arith.index_cast %parallel_loop3A_688 : i32 to index
      %parallel_loop3A_691 = arith.index_cast %parallel_loop3A_411 : i32 to index
      %parallel_loop3A_692 = arith.index_cast %parallel_loop3A_689 : i32 to index
      %parallel_loop3A_693 = arith.constant 64 : index
      %parallel_loop3A_694 = tpu.vector_load %arg5[%parallel_loop3A_690, %parallel_loop3A_691, %parallel_loop3A_692, %parallel_loop3A_693] {strides = array<i32>} : memref<4x6x8x128xf32, #tpu.memory_space<vmem>>, vector<16xf32>,
      tpu.vector_store %arg5[%parallel_loop3A_690, %parallel_loop3A_691, %parallel_loop3A_692, %parallel_loop3A_693], %parallel_loop3A_426 {add = true, strides = array<i32>} : memref<4x6x8x128xf32, #tpu.memory_space<vmem>>, vector<16xf32>,
      %parallel_loop3A_695 = arith.constant 2 : i32
      %parallel_loop3A_696 = arith.constant 4 : i32
      %parallel_loop3A_697 = arith.index_cast %parallel_loop3A_695 : i32 to index
      %parallel_loop3A_698 = arith.index_cast %parallel_loop3A_411 : i32 to index
      %parallel_loop3A_699 = arith.index_cast %parallel_loop3A_696 : i32 to index
      %parallel_loop3A_700 = arith.constant 80 : index
      %parallel_loop3A_701 = tpu.vector_load %arg5[%parallel_loop3A_697, %parallel_loop3A_698, %parallel_loop3A_699, %parallel_loop3A_700] {strides = array<i32>} : memref<4x6x8x128xf32, #tpu.memory_space<vmem>>, vector<16xf32>,
      tpu.vector_store %arg5[%parallel_loop3A_697, %parallel_loop3A_698, %parallel_loop3A_699, %parallel_loop3A_700], %parallel_loop3A_429 {add = true, strides = array<i32>} : memref<4x6x8x128xf32, #tpu.memory_space<vmem>>, vector<16xf32>,
      %parallel_loop3A_702 = arith.constant 2 : i32
      %parallel_loop3A_703 = arith.constant 4 : i32
      %parallel_loop3A_704 = arith.index_cast %parallel_loop3A_702 : i32 to index
      %parallel_loop3A_705 = arith.index_cast %parallel_loop3A_411 : i32 to index
      %parallel_loop3A_706 = arith.index_cast %parallel_loop3A_703 : i32 to index
      %parallel_loop3A_707 = arith.constant 96 : index
      %parallel_loop3A_708 = tpu.vector_load %arg5[%parallel_loop3A_704, %parallel_loop3A_705, %parallel_loop3A_706, %parallel_loop3A_707] {strides = array<i32>} : memref<4x6x8x128xf32, #tpu.memory_space<vmem>>, vector<16xf32>,
      tpu.vector_store %arg5[%parallel_loop3A_704, %parallel_loop3A_705, %parallel_loop3A_706, %parallel_loop3A_707], %parallel_loop3A_432 {add = true, strides = array<i32>} : memref<4x6x8x128xf32, #tpu.memory_space<vmem>>, vector<16xf32>,
      %parallel_loop3A_709 = arith.constant 2 : i32
      %parallel_loop3A_710 = arith.constant 4 : i32
      %parallel_loop3A_711 = arith.index_cast %parallel_loop3A_709 : i32 to index
      %parallel_loop3A_712 = arith.index_cast %parallel_loop3A_411 : i32 to index
      %parallel_loop3A_713 = arith.index_cast %parallel_loop3A_710 : i32 to index
      %parallel_loop3A_714 = arith.constant 112 : index
      %parallel_loop3A_715 = tpu.vector_load %arg5[%parallel_loop3A_711, %parallel_loop3A_712, %parallel_loop3A_713, %parallel_loop3A_714] {strides = array<i32>} : memref<4x6x8x128xf32, #tpu.memory_space<vmem>>, vector<16xf32>,
      tpu.vector_store %arg5[%parallel_loop3A_711, %parallel_loop3A_712, %parallel_loop3A_713, %parallel_loop3A_714], %parallel_loop3A_435 {add = true, strides = array<i32>} : memref<4x6x8x128xf32, #tpu.memory_space<vmem>>, vector<16xf32>,
      %parallel_loop3A_716 = arith.constant 2 : i32
      %parallel_loop3A_717 = arith.constant 5 : i32
      %parallel_loop3A_718 = arith.index_cast %parallel_loop3A_716 : i32 to index
      %parallel_loop3A_719 = arith.index_cast %parallel_loop3A_411 : i32 to index
      %parallel_loop3A_720 = arith.index_cast %parallel_loop3A_717 : i32 to index
      %parallel_loop3A_721 = arith.constant 0 : index
      %parallel_loop3A_722 = tpu.vector_load %arg5[%parallel_loop3A_718, %parallel_loop3A_719, %parallel_loop3A_720, %parallel_loop3A_721] {strides = array<i32>} : memref<4x6x8x128xf32, #tpu.memory_space<vmem>>, vector<16xf32>,
      tpu.vector_store %arg5[%parallel_loop3A_718, %parallel_loop3A_719, %parallel_loop3A_720, %parallel_loop3A_721], %parallel_loop3A_414 {add = true, strides = array<i32>} : memref<4x6x8x128xf32, #tpu.memory_space<vmem>>, vector<16xf32>,
      %parallel_loop3A_723 = arith.constant 2 : i32
      %parallel_loop3A_724 = arith.constant 5 : i32
      %parallel_loop3A_725 = arith.index_cast %parallel_loop3A_723 : i32 to index
      %parallel_loop3A_726 = arith.index_cast %parallel_loop3A_411 : i32 to index
      %parallel_loop3A_727 = arith.index_cast %parallel_loop3A_724 : i32 to index
      %parallel_loop3A_728 = arith.constant 16 : index
      %parallel_loop3A_729 = tpu.vector_load %arg5[%parallel_loop3A_725, %parallel_loop3A_726, %parallel_loop3A_727, %parallel_loop3A_728] {strides = array<i32>} : memref<4x6x8x128xf32, #tpu.memory_space<vmem>>, vector<16xf32>,
      tpu.vector_store %arg5[%parallel_loop3A_725, %parallel_loop3A_726, %parallel_loop3A_727, %parallel_loop3A_728], %parallel_loop3A_417 {add = true, strides = array<i32>} : memref<4x6x8x128xf32, #tpu.memory_space<vmem>>, vector<16xf32>,
      %parallel_loop3A_730 = arith.constant 2 : i32
      %parallel_loop3A_731 = arith.constant 5 : i32
      %parallel_loop3A_732 = arith.index_cast %parallel_loop3A_730 : i32 to index
      %parallel_loop3A_733 = arith.index_cast %parallel_loop3A_411 : i32 to index
      %parallel_loop3A_734 = arith.index_cast %parallel_loop3A_731 : i32 to index
      %parallel_loop3A_735 = arith.constant 32 : index
      %parallel_loop3A_736 = tpu.vector_load %arg5[%parallel_loop3A_732, %parallel_loop3A_733, %parallel_loop3A_734, %parallel_loop3A_735] {strides = array<i32>} : memref<4x6x8x128xf32, #tpu.memory_space<vmem>>, vector<16xf32>,
      tpu.vector_store %arg5[%parallel_loop3A_732, %parallel_loop3A_733, %parallel_loop3A_734, %parallel_loop3A_735], %parallel_loop3A_420 {add = true, strides = array<i32>} : memref<4x6x8x128xf32, #tpu.memory_space<vmem>>, vector<16xf32>,
      %parallel_loop3A_737 = arith.constant 2 : i32
      %parallel_loop3A_738 = arith.constant 5 : i32
      %parallel_loop3A_739 = arith.index_cast %parallel_loop3A_737 : i32 to index
      %parallel_loop3A_740 = arith.index_cast %parallel_loop3A_411 : i32 to index
      %parallel_loop3A_741 = arith.index_cast %parallel_loop3A_738 : i32 to index
      %parallel_loop3A_742 = arith.constant 48 : index
      %parallel_loop3A_743 = tpu.vector_load %arg5[%parallel_loop3A_739, %parallel_loop3A_740, %parallel_loop3A_741, %parallel_loop3A_742] {strides = array<i32>} : memref<4x6x8x128xf32, #tpu.memory_space<vmem>>, vector<16xf32>,
      tpu.vector_store %arg5[%parallel_loop3A_739, %parallel_loop3A_740, %parallel_loop3A_741, %parallel_loop3A_742], %parallel_loop3A_423 {add = true, strides = array<i32>} : memref<4x6x8x128xf32, #tpu.memory_space<vmem>>, vector<16xf32>,
      %parallel_loop3A_744 = arith.constant 2 : i32
      %parallel_loop3A_745 = arith.constant 5 : i32
      %parallel_loop3A_746 = arith.index_cast %parallel_loop3A_744 : i32 to index
      %parallel_loop3A_747 = arith.index_cast %parallel_loop3A_411 : i32 to index
      %parallel_loop3A_748 = arith.index_cast %parallel_loop3A_745 : i32 to index
      %parallel_loop3A_749 = arith.constant 64 : index
      %parallel_loop3A_750 = tpu.vector_load %arg5[%parallel_loop3A_746, %parallel_loop3A_747, %parallel_loop3A_748, %parallel_loop3A_749] {strides = array<i32>} : memref<4x6x8x128xf32, #tpu.memory_space<vmem>>, vector<16xf32>,
      tpu.vector_store %arg5[%parallel_loop3A_746, %parallel_loop3A_747, %parallel_loop3A_748, %parallel_loop3A_749], %parallel_loop3A_426 {add = true, strides = array<i32>} : memref<4x6x8x128xf32, #tpu.memory_space<vmem>>, vector<16xf32>,
      %parallel_loop3A_751 = arith.constant 2 : i32
      %parallel_loop3A_752 = arith.constant 5 : i32
      %parallel_loop3A_753 = arith.index_cast %parallel_loop3A_751 : i32 to index
      %parallel_loop3A_754 = arith.index_cast %parallel_loop3A_411 : i32 to index
      %parallel_loop3A_755 = arith.index_cast %parallel_loop3A_752 : i32 to index
      %parallel_loop3A_756 = arith.constant 80 : index
      %parallel_loop3A_757 = tpu.vector_load %arg5[%parallel_loop3A_753, %parallel_loop3A_754, %parallel_loop3A_755, %parallel_loop3A_756] {strides = array<i32>} : memref<4x6x8x128xf32, #tpu.memory_space<vmem>>, vector<16xf32>,
      tpu.vector_store %arg5[%parallel_loop3A_753, %parallel_loop3A_754, %parallel_loop3A_755, %parallel_loop3A_756], %parallel_loop3A_429 {add = true, strides = array<i32>} : memref<4x6x8x128xf32, #tpu.memory_space<vmem>>, vector<16xf32>,
      %parallel_loop3A_758 = arith.constant 2 : i32
      %parallel_loop3A_759 = arith.constant 5 : i32
      %parallel_loop3A_760 = arith.index_cast %parallel_loop3A_758 : i32 to index
      %parallel_loop3A_761 = arith.index_cast %parallel_loop3A_411 : i32 to index
      %parallel_loop3A_762 = arith.index_cast %parallel_loop3A_759 : i32 to index
      %parallel_loop3A_763 = arith.constant 96 : index
      %parallel_loop3A_764 = tpu.vector_load %arg5[%parallel_loop3A_760, %parallel_loop3A_761, %parallel_loop3A_762, %parallel_loop3A_763] {strides = array<i32>} : memref<4x6x8x128xf32, #tpu.memory_space<vmem>>, vector<16xf32>,
      tpu.vector_store %arg5[%parallel_loop3A_760, %parallel_loop3A_761, %parallel_loop3A_762, %parallel_loop3A_763], %parallel_loop3A_432 {add = true, strides = array<i32>} : memref<4x6x8x128xf32, #tpu.memory_space<vmem>>, vector<16xf32>,
      %parallel_loop3A_765 = arith.constant 2 : i32
      %parallel_loop3A_766 = arith.constant 5 : i32
      %parallel_loop3A_767 = arith.index_cast %parallel_loop3A_765 : i32 to index
      %parallel_loop3A_768 = arith.index_cast %parallel_loop3A_411 : i32 to index
      %parallel_loop3A_769 = arith.index_cast %parallel_loop3A_766 : i32 to index
      %parallel_loop3A_770 = arith.constant 112 : index
      %parallel_loop3A_771 = tpu.vector_load %arg5[%parallel_loop3A_767, %parallel_loop3A_768, %parallel_loop3A_769, %parallel_loop3A_770] {strides = array<i32>} : memref<4x6x8x128xf32, #tpu.memory_space<vmem>>, vector<16xf32>,
      tpu.vector_store %arg5[%parallel_loop3A_767, %parallel_loop3A_768, %parallel_loop3A_769, %parallel_loop3A_770], %parallel_loop3A_435 {add = true, strides = array<i32>} : memref<4x6x8x128xf32, #tpu.memory_space<vmem>>, vector<16xf32>,
      %parallel_loop3A_772 = arith.constant 2 : i32
      %parallel_loop3A_773 = arith.constant 6 : i32
      %parallel_loop3A_774 = arith.index_cast %parallel_loop3A_772 : i32 to index
      %parallel_loop3A_775 = arith.index_cast %parallel_loop3A_411 : i32 to index
      %parallel_loop3A_776 = arith.index_cast %parallel_loop3A_773 : i32 to index
      %parallel_loop3A_777 = arith.constant 0 : index
      %parallel_loop3A_778 = tpu.vector_load %arg5[%parallel_loop3A_774, %parallel_loop3A_775, %parallel_loop3A_776, %parallel_loop3A_777] {strides = array<i32>} : memref<4x6x8x128xf32, #tpu.memory_space<vmem>>, vector<16xf32>,
      tpu.vector_store %arg5[%parallel_loop3A_774, %parallel_loop3A_775, %parallel_loop3A_776, %parallel_loop3A_777], %parallel_loop3A_414 {add = true, strides = array<i32>} : memref<4x6x8x128xf32, #tpu.memory_space<vmem>>, vector<16xf32>,
      %parallel_loop3A_779 = arith.constant 2 : i32
      %parallel_loop3A_780 = arith.constant 6 : i32
      %parallel_loop3A_781 = arith.index_cast %parallel_loop3A_779 : i32 to index
      %parallel_loop3A_782 = arith.index_cast %parallel_loop3A_411 : i32 to index
      %parallel_loop3A_783 = arith.index_cast %parallel_loop3A_780 : i32 to index
      %parallel_loop3A_784 = arith.constant 16 : index
      %parallel_loop3A_785 = tpu.vector_load %arg5[%parallel_loop3A_781, %parallel_loop3A_782, %parallel_loop3A_783, %parallel_loop3A_784] {strides = array<i32>} : memref<4x6x8x128xf32, #tpu.memory_space<vmem>>, vector<16xf32>,
      tpu.vector_store %arg5[%parallel_loop3A_781, %parallel_loop3A_782, %parallel_loop3A_783, %parallel_loop3A_784], %parallel_loop3A_417 {add = true, strides = array<i32>} : memref<4x6x8x128xf32, #tpu.memory_space<vmem>>, vector<16xf32>,
      %parallel_loop3A_786 = arith.constant 2 : i32
      %parallel_loop3A_787 = arith.constant 6 : i32
      %parallel_loop3A_788 = arith.index_cast %parallel_loop3A_786 : i32 to index
      %parallel_loop3A_789 = arith.index_cast %parallel_loop3A_411 : i32 to index
      %parallel_loop3A_790 = arith.index_cast %parallel_loop3A_787 : i32 to index
      %parallel_loop3A_791 = arith.constant 32 : index
      %parallel_loop3A_792 = tpu.vector_load %arg5[%parallel_loop3A_788, %parallel_loop3A_789, %parallel_loop3A_790, %parallel_loop3A_791] {strides = array<i32>} : memref<4x6x8x128xf32, #tpu.memory_space<vmem>>, vector<16xf32>,
      tpu.vector_store %arg5[%parallel_loop3A_788, %parallel_loop3A_789, %parallel_loop3A_790, %parallel_loop3A_791], %parallel_loop3A_420 {add = true, strides = array<i32>} : memref<4x6x8x128xf32, #tpu.memory_space<vmem>>, vector<16xf32>,
      %parallel_loop3A_793 = arith.constant 2 : i32
      %parallel_loop3A_794 = arith.constant 6 : i32
      %parallel_loop3A_795 = arith.index_cast %parallel_loop3A_793 : i32 to index
      %parallel_loop3A_796 = arith.index_cast %parallel_loop3A_411 : i32 to index
      %parallel_loop3A_797 = arith.index_cast %parallel_loop3A_794 : i32 to index
      %parallel_loop3A_798 = arith.constant 48 : index
      %parallel_loop3A_799 = tpu.vector_load %arg5[%parallel_loop3A_795, %parallel_loop3A_796, %parallel_loop3A_797, %parallel_loop3A_798] {strides = array<i32>} : memref<4x6x8x128xf32, #tpu.memory_space<vmem>>, vector<16xf32>,
      tpu.vector_store %arg5[%parallel_loop3A_795, %parallel_loop3A_796, %parallel_loop3A_797, %parallel_loop3A_798], %parallel_loop3A_423 {add = true, strides = array<i32>} : memref<4x6x8x128xf32, #tpu.memory_space<vmem>>, vector<16xf32>,
      %parallel_loop3A_800 = arith.constant 2 : i32
      %parallel_loop3A_801 = arith.constant 6 : i32
      %parallel_loop3A_802 = arith.index_cast %parallel_loop3A_800 : i32 to index
      %parallel_loop3A_803 = arith.index_cast %parallel_loop3A_411 : i32 to index
      %parallel_loop3A_804 = arith.index_cast %parallel_loop3A_801 : i32 to index
      %parallel_loop3A_805 = arith.constant 64 : index
      %parallel_loop3A_806 = tpu.vector_load %arg5[%parallel_loop3A_802, %parallel_loop3A_803, %parallel_loop3A_804, %parallel_loop3A_805] {strides = array<i32>} : memref<4x6x8x128xf32, #tpu.memory_space<vmem>>, vector<16xf32>,
      tpu.vector_store %arg5[%parallel_loop3A_802, %parallel_loop3A_803, %parallel_loop3A_804, %parallel_loop3A_805], %parallel_loop3A_426 {add = true, strides = array<i32>} : memref<4x6x8x128xf32, #tpu.memory_space<vmem>>, vector<16xf32>,
      %parallel_loop3A_807 = arith.constant 2 : i32
      %parallel_loop3A_808 = arith.constant 6 : i32
      %parallel_loop3A_809 = arith.index_cast %parallel_loop3A_807 : i32 to index
      %parallel_loop3A_810 = arith.index_cast %parallel_loop3A_411 : i32 to index
      %parallel_loop3A_811 = arith.index_cast %parallel_loop3A_808 : i32 to index
      %parallel_loop3A_812 = arith.constant 80 : index
      %parallel_loop3A_813 = tpu.vector_load %arg5[%parallel_loop3A_809, %parallel_loop3A_810, %parallel_loop3A_811, %parallel_loop3A_812] {strides = array<i32>} : memref<4x6x8x128xf32, #tpu.memory_space<vmem>>, vector<16xf32>,
      tpu.vector_store %arg5[%parallel_loop3A_809, %parallel_loop3A_810, %parallel_loop3A_811, %parallel_loop3A_812], %parallel_loop3A_429 {add = true, strides = array<i32>} : memref<4x6x8x128xf32, #tpu.memory_space<vmem>>, vector<16xf32>,
      %parallel_loop3A_814 = arith.constant 2 : i32
      %parallel_loop3A_815 = arith.constant 6 : i32
      %parallel_loop3A_816 = arith.index_cast %parallel_loop3A_814 : i32 to index
      %parallel_loop3A_817 = arith.index_cast %parallel_loop3A_411 : i32 to index
      %parallel_loop3A_818 = arith.index_cast %parallel_loop3A_815 : i32 to index
      %parallel_loop3A_819 = arith.constant 96 : index
      %parallel_loop3A_820 = tpu.vector_load %arg5[%parallel_loop3A_816, %parallel_loop3A_817, %parallel_loop3A_818, %parallel_loop3A_819] {strides = array<i32>} : memref<4x6x8x128xf32, #tpu.memory_space<vmem>>, vector<16xf32>,
      tpu.vector_store %arg5[%parallel_loop3A_816, %parallel_loop3A_817, %parallel_loop3A_818, %parallel_loop3A_819], %parallel_loop3A_432 {add = true, strides = array<i32>} : memref<4x6x8x128xf32, #tpu.memory_space<vmem>>, vector<16xf32>,
      %parallel_loop3A_821 = arith.constant 2 : i32
      %parallel_loop3A_822 = arith.constant 6 : i32
      %parallel_loop3A_823 = arith.index_cast %parallel_loop3A_821 : i32 to index
      %parallel_loop3A_824 = arith.index_cast %parallel_loop3A_411 : i32 to index
      %parallel_loop3A_825 = arith.index_cast %parallel_loop3A_822 : i32 to index
      %parallel_loop3A_826 = arith.constant 112 : index
      %parallel_loop3A_827 = tpu.vector_load %arg5[%parallel_loop3A_823, %parallel_loop3A_824, %parallel_loop3A_825, %parallel_loop3A_826] {strides = array<i32>} : memref<4x6x8x128xf32, #tpu.memory_space<vmem>>, vector<16xf32>,
      tpu.vector_store %arg5[%parallel_loop3A_823, %parallel_loop3A_824, %parallel_loop3A_825, %parallel_loop3A_826], %parallel_loop3A_435 {add = true, strides = array<i32>} : memref<4x6x8x128xf32, #tpu.memory_space<vmem>>, vector<16xf32>,
      %parallel_loop3A_828 = arith.constant 2 : i32
      %parallel_loop3A_829 = arith.constant 7 : i32
      %parallel_loop3A_830 = arith.index_cast %parallel_loop3A_828 : i32 to index
      %parallel_loop3A_831 = arith.index_cast %parallel_loop3A_411 : i32 to index
      %parallel_loop3A_832 = arith.index_cast %parallel_loop3A_829 : i32 to index
      %parallel_loop3A_833 = arith.constant 0 : index
      %parallel_loop3A_834 = tpu.vector_load %arg5[%parallel_loop3A_830, %parallel_loop3A_831, %parallel_loop3A_832, %parallel_loop3A_833] {strides = array<i32>} : memref<4x6x8x128xf32, #tpu.memory_space<vmem>>, vector<16xf32>,
      tpu.vector_store %arg5[%parallel_loop3A_830, %parallel_loop3A_831, %parallel_loop3A_832, %parallel_loop3A_833], %parallel_loop3A_414 {add = true, strides = array<i32>} : memref<4x6x8x128xf32, #tpu.memory_space<vmem>>, vector<16xf32>,
      %parallel_loop3A_835 = arith.constant 2 : i32
      %parallel_loop3A_836 = arith.constant 7 : i32
      %parallel_loop3A_837 = arith.index_cast %parallel_loop3A_835 : i32 to index
      %parallel_loop3A_838 = arith.index_cast %parallel_loop3A_411 : i32 to index
      %parallel_loop3A_839 = arith.index_cast %parallel_loop3A_836 : i32 to index
      %parallel_loop3A_840 = arith.constant 16 : index
      %parallel_loop3A_841 = tpu.vector_load %arg5[%parallel_loop3A_837, %parallel_loop3A_838, %parallel_loop3A_839, %parallel_loop3A_840] {strides = array<i32>} : memref<4x6x8x128xf32, #tpu.memory_space<vmem>>, vector<16xf32>,
      tpu.vector_store %arg5[%parallel_loop3A_837, %parallel_loop3A_838, %parallel_loop3A_839, %parallel_loop3A_840], %parallel_loop3A_417 {add = true, strides = array<i32>} : memref<4x6x8x128xf32, #tpu.memory_space<vmem>>, vector<16xf32>,
      %parallel_loop3A_842 = arith.constant 2 : i32
      %parallel_loop3A_843 = arith.constant 7 : i32
      %parallel_loop3A_844 = arith.index_cast %parallel_loop3A_842 : i32 to index
      %parallel_loop3A_845 = arith.index_cast %parallel_loop3A_411 : i32 to index
      %parallel_loop3A_846 = arith.index_cast %parallel_loop3A_843 : i32 to index
      %parallel_loop3A_847 = arith.constant 32 : index
      %parallel_loop3A_848 = tpu.vector_load %arg5[%parallel_loop3A_844, %parallel_loop3A_845, %parallel_loop3A_846, %parallel_loop3A_847] {strides = array<i32>} : memref<4x6x8x128xf32, #tpu.memory_space<vmem>>, vector<16xf32>,
      tpu.vector_store %arg5[%parallel_loop3A_844, %parallel_loop3A_845, %parallel_loop3A_846, %parallel_loop3A_847], %parallel_loop3A_420 {add = true, strides = array<i32>} : memref<4x6x8x128xf32, #tpu.memory_space<vmem>>, vector<16xf32>,
      %parallel_loop3A_849 = arith.constant 2 : i32
      %parallel_loop3A_850 = arith.constant 7 : i32
      %parallel_loop3A_851 = arith.index_cast %parallel_loop3A_849 : i32 to index
      %parallel_loop3A_852 = arith.index_cast %parallel_loop3A_411 : i32 to index
      %parallel_loop3A_853 = arith.index_cast %parallel_loop3A_850 : i32 to index
      %parallel_loop3A_854 = arith.constant 48 : index
      %parallel_loop3A_855 = tpu.vector_load %arg5[%parallel_loop3A_851, %parallel_loop3A_852, %parallel_loop3A_853, %parallel_loop3A_854] {strides = array<i32>} : memref<4x6x8x128xf32, #tpu.memory_space<vmem>>, vector<16xf32>,
      tpu.vector_store %arg5[%parallel_loop3A_851, %parallel_loop3A_852, %parallel_loop3A_853, %parallel_loop3A_854], %parallel_loop3A_423 {add = true, strides = array<i32>} : memref<4x6x8x128xf32, #tpu.memory_space<vmem>>, vector<16xf32>,
      %parallel_loop3A_856 = arith.constant 2 : i32
      %parallel_loop3A_857 = arith.constant 7 : i32
      %parallel_loop3A_858 = arith.index_cast %parallel_loop3A_856 : i32 to index
      %parallel_loop3A_859 = arith.index_cast %parallel_loop3A_411 : i32 to index
      %parallel_loop3A_860 = arith.index_cast %parallel_loop3A_857 : i32 to index
      %parallel_loop3A_861 = arith.constant 64 : index
      %parallel_loop3A_862 = tpu.vector_load %arg5[%parallel_loop3A_858, %parallel_loop3A_859, %parallel_loop3A_860, %parallel_loop3A_861] {strides = array<i32>} : memref<4x6x8x128xf32, #tpu.memory_space<vmem>>, vector<16xf32>,
      tpu.vector_store %arg5[%parallel_loop3A_858, %parallel_loop3A_859, %parallel_loop3A_860, %parallel_loop3A_861], %parallel_loop3A_426 {add = true, strides = array<i32>} : memref<4x6x8x128xf32, #tpu.memory_space<vmem>>, vector<16xf32>,
      %parallel_loop3A_863 = arith.constant 2 : i32
      %parallel_loop3A_864 = arith.constant 7 : i32
      %parallel_loop3A_865 = arith.index_cast %parallel_loop3A_863 : i32 to index
      %parallel_loop3A_866 = arith.index_cast %parallel_loop3A_411 : i32 to index
      %parallel_loop3A_867 = arith.index_cast %parallel_loop3A_864 : i32 to index
      %parallel_loop3A_868 = arith.constant 80 : index
      %parallel_loop3A_869 = tpu.vector_load %arg5[%parallel_loop3A_865, %parallel_loop3A_866, %parallel_loop3A_867, %parallel_loop3A_868] {strides = array<i32>} : memref<4x6x8x128xf32, #tpu.memory_space<vmem>>, vector<16xf32>,
      tpu.vector_store %arg5[%parallel_loop3A_865, %parallel_loop3A_866, %parallel_loop3A_867, %parallel_loop3A_868], %parallel_loop3A_429 {add = true, strides = array<i32>} : memref<4x6x8x128xf32, #tpu.memory_space<vmem>>, vector<16xf32>,
      %parallel_loop3A_870 = arith.constant 2 : i32
      %parallel_loop3A_871 = arith.constant 7 : i32
      %parallel_loop3A_872 = arith.index_cast %parallel_loop3A_870 : i32 to index
      %parallel_loop3A_873 = arith.index_cast %parallel_loop3A_411 : i32 to index
      %parallel_loop3A_874 = arith.index_cast %parallel_loop3A_871 : i32 to index
      %parallel_loop3A_875 = arith.constant 96 : index
      %parallel_loop3A_876 = tpu.vector_load %arg5[%parallel_loop3A_872, %parallel_loop3A_873, %parallel_loop3A_874, %parallel_loop3A_875] {strides = array<i32>} : memref<4x6x8x128xf32, #tpu.memory_space<vmem>>, vector<16xf32>,
      tpu.vector_store %arg5[%parallel_loop3A_872, %parallel_loop3A_873, %parallel_loop3A_874, %parallel_loop3A_875], %parallel_loop3A_432 {add = true, strides = array<i32>} : memref<4x6x8x128xf32, #tpu.memory_space<vmem>>, vector<16xf32>,
      %parallel_loop3A_877 = arith.constant 2 : i32
      %parallel_loop3A_878 = arith.constant 7 : i32
      %parallel_loop3A_879 = arith.index_cast %parallel_loop3A_877 : i32 to index
      %parallel_loop3A_880 = arith.index_cast %parallel_loop3A_411 : i32 to index
      %parallel_loop3A_881 = arith.index_cast %parallel_loop3A_878 : i32 to index
      %parallel_loop3A_882 = arith.constant 112 : index
      %parallel_loop3A_883 = tpu.vector_load %arg5[%parallel_loop3A_879, %parallel_loop3A_880, %parallel_loop3A_881, %parallel_loop3A_882] {strides = array<i32>} : memref<4x6x8x128xf32, #tpu.memory_space<vmem>>, vector<16xf32>,
      tpu.vector_store %arg5[%parallel_loop3A_879, %parallel_loop3A_880, %parallel_loop3A_881, %parallel_loop3A_882], %parallel_loop3A_435 {add = true, strides = array<i32>} : memref<4x6x8x128xf32, #tpu.memory_space<vmem>>, vector<16xf32>,
    } {sc.loop_unroll_factor = 1 : i64, sc.parallel_access}
    %dma_start3A_254 = arith.constant 2 : i32
    %dma_start3A_255 = arith.constant 2 : i32
    %dma_start3A_256 = arith.constant 0 : i32
    %dma_start3A_257 = arith.constant 0 : i32
    %dma_start3A_258 = arith.constant 0 : i32
    %dma_start3A_259 = tpu.memref_slice %arg5[%dma_start3A_254, %dma_start3A_256, %dma_start3A_257, %dma_start3A_258] : memref<4x6x8x128xf32, #tpu.memory_space<vmem>> -> memref<1x6x8x128xf32, #tpu.memory_space<vmem>>
    %dma_start3A_260 = tpu.memref_squeeze %dma_start3A_259 : memref<1x6x8x128xf32, #tpu.memory_space<vmem>> -> memref<6x8x128xf32, #tpu.memory_space<vmem>>
    %dma_start3A_261 = arith.constant 0 : i32
    %dma_start3A_262 = arith.constant 0 : i32
    %dma_start3A_263 = arith.constant 0 : i32
    %dma_start3A_264 = tpu.memref_slice %arg4[%add3A, %dma_start3A_255, %dma_start3A_261, %dma_start3A_262, %dma_start3A_263] : memref<32x4x6x8x128xf32, #tpu.memory_space<hbm>> -> memref<1x1x6x8x128xf32, #tpu.memory_space<hbm>>
    %dma_start3A_265 = tpu.memref_squeeze %dma_start3A_264 : memref<1x1x6x8x128xf32, #tpu.memory_space<hbm>> -> memref<6x8x128xf32, #tpu.memory_space<hbm>>
    %dma_start3A_266 = arith.constant 0 : i32
    %dma_start3A_267 = arith.constant 0 : i32
    %dma_start3A_268 = arith.constant 0 : i32
    %dma_start3A_269 = tpu.memref_slice %arg4[%add3A, %dma_start3A_255, %dma_start3A_266, %dma_start3A_267, %dma_start3A_268] : memref<32x4x6x8x128xf32, #tpu.memory_space<hbm>> -> memref<1x1x6x8x128xf32, #tpu.memory_space<hbm>>
    %dma_start3A_270 = tpu.memref_squeeze %dma_start3A_269 : memref<1x1x6x8x128xf32, #tpu.memory_space<hbm>> -> memref<6x8x128xf32, #tpu.memory_space<hbm>>
    %dma_start3A_271 = arith.constant 0 : i32
    %dma_start3A_272 = arith.constant 0 : i32
    %dma_start3A_273 = arith.constant 0 : i32
    %dma_start3A_274 = tpu.memref_slice %arg5[%dma_start3A_254, %dma_start3A_271, %dma_start3A_272, %dma_start3A_273] : memref<4x6x8x128xf32, #tpu.memory_space<vmem>> -> memref<1x6x8x128xf32, #tpu.memory_space<vmem>>
    %dma_start3A_275 = tpu.memref_squeeze %dma_start3A_274 : memref<1x6x8x128xf32, #tpu.memory_space<vmem>> -> memref<6x8x128xf32, #tpu.memory_space<vmem>>
    tpu.enqueue_dma source(%dma_start3A_275 : memref<6x8x128xf32, #tpu.memory_space<vmem>>) target(%dma_start3A_270 : memref<6x8x128xf32, #tpu.memory_space<hbm>>) target_semaphore(%arg13 : memref<!tpu.dma_semaphore, #tpu.memory_space<semaphore_mem>>)
    %dma_wait3A_276 = arith.constant 3 : i32
    %dma_wait3A_277 = arith.constant 3 : i32
    %dma_wait3A_278 = arith.constant 0 : i32
    %dma_wait3A_279 = arith.constant 0 : i32
    %dma_wait3A_280 = arith.constant 0 : i32
    %dma_wait3A_281 = tpu.memref_slice %arg5[%dma_wait3A_277, %dma_wait3A_278, %dma_wait3A_279, %dma_wait3A_280] : memref<4x6x8x128xf32, #tpu.memory_space<vmem>> -> memref<1x6x8x128xf32, #tpu.memory_space<vmem>>
    %dma_wait3A_282 = tpu.memref_squeeze %dma_wait3A_281 : memref<1x6x8x128xf32, #tpu.memory_space<vmem>> -> memref<6x8x128xf32, #tpu.memory_space<vmem>>
    %dma_wait3A_283 = arith.constant 0 : i32
    %dma_wait3A_284 = arith.constant 0 : i32
    %dma_wait3A_285 = arith.constant 0 : i32
    %dma_wait3A_286 = tpu.memref_slice %arg7[%dma_wait3A_276, %dma_wait3A_283, %dma_wait3A_284, %dma_wait3A_285] : memref<4x6x8x128xf32, #tpu.memory_space<vmem_shared>> -> memref<1x6x8x128xf32, #tpu.memory_space<vmem_shared>>
    %dma_wait3A_287 = tpu.memref_squeeze %dma_wait3A_286 : memref<1x6x8x128xf32, #tpu.memory_space<vmem_shared>> -> memref<6x8x128xf32, #tpu.memory_space<vmem_shared>>
    %dma_wait3A_288 = arith.constant 0 : i32
    %dma_wait3A_289 = arith.constant 0 : i32
    %dma_wait3A_290 = arith.constant 0 : i32
    %dma_wait3A_291 = tpu.memref_slice %arg5[%dma_wait3A_277, %dma_wait3A_288, %dma_wait3A_289, %dma_wait3A_290] : memref<4x6x8x128xf32, #tpu.memory_space<vmem>> -> memref<1x6x8x128xf32, #tpu.memory_space<vmem>>
    %dma_wait3A_292 = tpu.memref_squeeze %dma_wait3A_291 : memref<1x6x8x128xf32, #tpu.memory_space<vmem>> -> memref<6x8x128xf32, #tpu.memory_space<vmem>>
    %dma_wait3A_293 = arith.constant 0 : i32
    %dma_wait3A_294 = arith.constant 0 : i32
    %dma_wait3A_295 = arith.constant 0 : i32
    %dma_wait3A_296 = tpu.memref_slice %arg7[%dma_wait3A_276, %dma_wait3A_293, %dma_wait3A_294, %dma_wait3A_295] : memref<4x6x8x128xf32, #tpu.memory_space<vmem_shared>> -> memref<1x6x8x128xf32, #tpu.memory_space<vmem_shared>>
    %dma_wait3A_297 = tpu.memref_squeeze %dma_wait3A_296 : memref<1x6x8x128xf32, #tpu.memory_space<vmem_shared>> -> memref<6x8x128xf32, #tpu.memory_space<vmem_shared>>
    tpu.wait_dma2 semaphore(%arg12 : memref<!tpu.dma_semaphore, #tpu.memory_space<semaphore_mem>>) src(%dma_wait3A_297 : memref<6x8x128xf32, #tpu.memory_space<vmem_shared>>) dst(%dma_wait3A_292 : memref<6x8x128xf32, #tpu.memory_space<vmem>>)
    %parallel_loop3A_298 = arith.constant 0 : i32
    %parallel_loop3A_299 = arith.constant 6 : i32
    %parallel_loop3A_300 = arith.constant 1 : i32
    scf.for %parallel_loop3A_411 = %parallel_loop3A_298 to %parallel_loop3A_299 step %parallel_loop3A_300  : i32 {
      %parallel_loop3A_412 = arith.index_cast %parallel_loop3A_411 : i32 to index
      %parallel_loop3A_413 = arith.constant 0 : index
      %parallel_loop3A_414 = tpu.vector_load %arg6[%parallel_loop3A_412, %parallel_loop3A_413] {strides = array<i32>} : memref<6x128xf32, #tpu.memory_space<vmem>>, vector<16xf32>,
      %parallel_loop3A_415 = arith.index_cast %parallel_loop3A_411 : i32 to index
      %parallel_loop3A_416 = arith.constant 16 : index
      %parallel_loop3A_417 = tpu.vector_load %arg6[%parallel_loop3A_415, %parallel_loop3A_416] {strides = array<i32>} : memref<6x128xf32, #tpu.memory_space<vmem>>, vector<16xf32>,
      %parallel_loop3A_418 = arith.index_cast %parallel_loop3A_411 : i32 to index
      %parallel_loop3A_419 = arith.constant 32 : index
      %parallel_loop3A_420 = tpu.vector_load %arg6[%parallel_loop3A_418, %parallel_loop3A_419] {strides = array<i32>} : memref<6x128xf32, #tpu.memory_space<vmem>>, vector<16xf32>,
      %parallel_loop3A_421 = arith.index_cast %parallel_loop3A_411 : i32 to index
      %parallel_loop3A_422 = arith.constant 48 : index
      %parallel_loop3A_423 = tpu.vector_load %arg6[%parallel_loop3A_421, %parallel_loop3A_422] {strides = array<i32>} : memref<6x128xf32, #tpu.memory_space<vmem>>, vector<16xf32>,
      %parallel_loop3A_424 = arith.index_cast %parallel_loop3A_411 : i32 to index
      %parallel_loop3A_425 = arith.constant 64 : index
      %parallel_loop3A_426 = tpu.vector_load %arg6[%parallel_loop3A_424, %parallel_loop3A_425] {strides = array<i32>} : memref<6x128xf32, #tpu.memory_space<vmem>>, vector<16xf32>,
      %parallel_loop3A_427 = arith.index_cast %parallel_loop3A_411 : i32 to index
      %parallel_loop3A_428 = arith.constant 80 : index
      %parallel_loop3A_429 = tpu.vector_load %arg6[%parallel_loop3A_427, %parallel_loop3A_428] {strides = array<i32>} : memref<6x128xf32, #tpu.memory_space<vmem>>, vector<16xf32>,
      %parallel_loop3A_430 = arith.index_cast %parallel_loop3A_411 : i32 to index
      %parallel_loop3A_431 = arith.constant 96 : index
      %parallel_loop3A_432 = tpu.vector_load %arg6[%parallel_loop3A_430, %parallel_loop3A_431] {strides = array<i32>} : memref<6x128xf32, #tpu.memory_space<vmem>>, vector<16xf32>,
      %parallel_loop3A_433 = arith.index_cast %parallel_loop3A_411 : i32 to index
      %parallel_loop3A_434 = arith.constant 112 : index
      %parallel_loop3A_435 = tpu.vector_load %arg6[%parallel_loop3A_433, %parallel_loop3A_434] {strides = array<i32>} : memref<6x128xf32, #tpu.memory_space<vmem>>, vector<16xf32>,
      %parallel_loop3A_436 = arith.constant 3 : i32
      %parallel_loop3A_437 = arith.constant 0 : i32
      %parallel_loop3A_438 = arith.index_cast %parallel_loop3A_436 : i32 to index
      %parallel_loop3A_439 = arith.index_cast %parallel_loop3A_411 : i32 to index
      %parallel_loop3A_440 = arith.index_cast %parallel_loop3A_437 : i32 to index
      %parallel_loop3A_441 = arith.constant 0 : index
      %parallel_loop3A_442 = tpu.vector_load %arg5[%parallel_loop3A_438, %parallel_loop3A_439, %parallel_loop3A_440, %parallel_loop3A_441] {strides = array<i32>} : memref<4x6x8x128xf32, #tpu.memory_space<vmem>>, vector<16xf32>,
      tpu.vector_store %arg5[%parallel_loop3A_438, %parallel_loop3A_439, %parallel_loop3A_440, %parallel_loop3A_441], %parallel_loop3A_414 {add = true, strides = array<i32>} : memref<4x6x8x128xf32, #tpu.memory_space<vmem>>, vector<16xf32>,
      %parallel_loop3A_443 = arith.constant 3 : i32
      %parallel_loop3A_444 = arith.constant 0 : i32
      %parallel_loop3A_445 = arith.index_cast %parallel_loop3A_443 : i32 to index
      %parallel_loop3A_446 = arith.index_cast %parallel_loop3A_411 : i32 to index
      %parallel_loop3A_447 = arith.index_cast %parallel_loop3A_444 : i32 to index
      %parallel_loop3A_448 = arith.constant 16 : index
      %parallel_loop3A_449 = tpu.vector_load %arg5[%parallel_loop3A_445, %parallel_loop3A_446, %parallel_loop3A_447, %parallel_loop3A_448] {strides = array<i32>} : memref<4x6x8x128xf32, #tpu.memory_space<vmem>>, vector<16xf32>,
      tpu.vector_store %arg5[%parallel_loop3A_445, %parallel_loop3A_446, %parallel_loop3A_447, %parallel_loop3A_448], %parallel_loop3A_417 {add = true, strides = array<i32>} : memref<4x6x8x128xf32, #tpu.memory_space<vmem>>, vector<16xf32>,
      %parallel_loop3A_450 = arith.constant 3 : i32
      %parallel_loop3A_451 = arith.constant 0 : i32
      %parallel_loop3A_452 = arith.index_cast %parallel_loop3A_450 : i32 to index
      %parallel_loop3A_453 = arith.index_cast %parallel_loop3A_411 : i32 to index
      %parallel_loop3A_454 = arith.index_cast %parallel_loop3A_451 : i32 to index
      %parallel_loop3A_455 = arith.constant 32 : index
      %parallel_loop3A_456 = tpu.vector_load %arg5[%parallel_loop3A_452, %parallel_loop3A_453, %parallel_loop3A_454, %parallel_loop3A_455] {strides = array<i32>} : memref<4x6x8x128xf32, #tpu.memory_space<vmem>>, vector<16xf32>,
      tpu.vector_store %arg5[%parallel_loop3A_452, %parallel_loop3A_453, %parallel_loop3A_454, %parallel_loop3A_455], %parallel_loop3A_420 {add = true, strides = array<i32>} : memref<4x6x8x128xf32, #tpu.memory_space<vmem>>, vector<16xf32>,
      %parallel_loop3A_457 = arith.constant 3 : i32
      %parallel_loop3A_458 = arith.constant 0 : i32
      %parallel_loop3A_459 = arith.index_cast %parallel_loop3A_457 : i32 to index
      %parallel_loop3A_460 = arith.index_cast %parallel_loop3A_411 : i32 to index
      %parallel_loop3A_461 = arith.index_cast %parallel_loop3A_458 : i32 to index
      %parallel_loop3A_462 = arith.constant 48 : index
      %parallel_loop3A_463 = tpu.vector_load %arg5[%parallel_loop3A_459, %parallel_loop3A_460, %parallel_loop3A_461, %parallel_loop3A_462] {strides = array<i32>} : memref<4x6x8x128xf32, #tpu.memory_space<vmem>>, vector<16xf32>,
      tpu.vector_store %arg5[%parallel_loop3A_459, %parallel_loop3A_460, %parallel_loop3A_461, %parallel_loop3A_462], %parallel_loop3A_423 {add = true, strides = array<i32>} : memref<4x6x8x128xf32, #tpu.memory_space<vmem>>, vector<16xf32>,
      %parallel_loop3A_464 = arith.constant 3 : i32
      %parallel_loop3A_465 = arith.constant 0 : i32
      %parallel_loop3A_466 = arith.index_cast %parallel_loop3A_464 : i32 to index
      %parallel_loop3A_467 = arith.index_cast %parallel_loop3A_411 : i32 to index
      %parallel_loop3A_468 = arith.index_cast %parallel_loop3A_465 : i32 to index
      %parallel_loop3A_469 = arith.constant 64 : index
      %parallel_loop3A_470 = tpu.vector_load %arg5[%parallel_loop3A_466, %parallel_loop3A_467, %parallel_loop3A_468, %parallel_loop3A_469] {strides = array<i32>} : memref<4x6x8x128xf32, #tpu.memory_space<vmem>>, vector<16xf32>,
      tpu.vector_store %arg5[%parallel_loop3A_466, %parallel_loop3A_467, %parallel_loop3A_468, %parallel_loop3A_469], %parallel_loop3A_426 {add = true, strides = array<i32>} : memref<4x6x8x128xf32, #tpu.memory_space<vmem>>, vector<16xf32>,
      %parallel_loop3A_471 = arith.constant 3 : i32
      %parallel_loop3A_472 = arith.constant 0 : i32
      %parallel_loop3A_473 = arith.index_cast %parallel_loop3A_471 : i32 to index
      %parallel_loop3A_474 = arith.index_cast %parallel_loop3A_411 : i32 to index
      %parallel_loop3A_475 = arith.index_cast %parallel_loop3A_472 : i32 to index
      %parallel_loop3A_476 = arith.constant 80 : index
      %parallel_loop3A_477 = tpu.vector_load %arg5[%parallel_loop3A_473, %parallel_loop3A_474, %parallel_loop3A_475, %parallel_loop3A_476] {strides = array<i32>} : memref<4x6x8x128xf32, #tpu.memory_space<vmem>>, vector<16xf32>,
      tpu.vector_store %arg5[%parallel_loop3A_473, %parallel_loop3A_474, %parallel_loop3A_475, %parallel_loop3A_476], %parallel_loop3A_429 {add = true, strides = array<i32>} : memref<4x6x8x128xf32, #tpu.memory_space<vmem>>, vector<16xf32>,
      %parallel_loop3A_478 = arith.constant 3 : i32
      %parallel_loop3A_479 = arith.constant 0 : i32
      %parallel_loop3A_480 = arith.index_cast %parallel_loop3A_478 : i32 to index
      %parallel_loop3A_481 = arith.index_cast %parallel_loop3A_411 : i32 to index
      %parallel_loop3A_482 = arith.index_cast %parallel_loop3A_479 : i32 to index
      %parallel_loop3A_483 = arith.constant 96 : index
      %parallel_loop3A_484 = tpu.vector_load %arg5[%parallel_loop3A_480, %parallel_loop3A_481, %parallel_loop3A_482, %parallel_loop3A_483] {strides = array<i32>} : memref<4x6x8x128xf32, #tpu.memory_space<vmem>>, vector<16xf32>,
      tpu.vector_store %arg5[%parallel_loop3A_480, %parallel_loop3A_481, %parallel_loop3A_482, %parallel_loop3A_483], %parallel_loop3A_432 {add = true, strides = array<i32>} : memref<4x6x8x128xf32, #tpu.memory_space<vmem>>, vector<16xf32>,
      %parallel_loop3A_485 = arith.constant 3 : i32
      %parallel_loop3A_486 = arith.constant 0 : i32
      %parallel_loop3A_487 = arith.index_cast %parallel_loop3A_485 : i32 to index
      %parallel_loop3A_488 = arith.index_cast %parallel_loop3A_411 : i32 to index
      %parallel_loop3A_489 = arith.index_cast %parallel_loop3A_486 : i32 to index
      %parallel_loop3A_490 = arith.constant 112 : index
      %parallel_loop3A_491 = tpu.vector_load %arg5[%parallel_loop3A_487, %parallel_loop3A_488, %parallel_loop3A_489, %parallel_loop3A_490] {strides = array<i32>} : memref<4x6x8x128xf32, #tpu.memory_space<vmem>>, vector<16xf32>,
      tpu.vector_store %arg5[%parallel_loop3A_487, %parallel_loop3A_488, %parallel_loop3A_489, %parallel_loop3A_490], %parallel_loop3A_435 {add = true, strides = array<i32>} : memref<4x6x8x128xf32, #tpu.memory_space<vmem>>, vector<16xf32>,
      %parallel_loop3A_492 = arith.constant 3 : i32
      %parallel_loop3A_493 = arith.constant 1 : i32
      %parallel_loop3A_494 = arith.index_cast %parallel_loop3A_492 : i32 to index
      %parallel_loop3A_495 = arith.index_cast %parallel_loop3A_411 : i32 to index
      %parallel_loop3A_496 = arith.index_cast %parallel_loop3A_493 : i32 to index
      %parallel_loop3A_497 = arith.constant 0 : index
      %parallel_loop3A_498 = tpu.vector_load %arg5[%parallel_loop3A_494, %parallel_loop3A_495, %parallel_loop3A_496, %parallel_loop3A_497] {strides = array<i32>} : memref<4x6x8x128xf32, #tpu.memory_space<vmem>>, vector<16xf32>,
      tpu.vector_store %arg5[%parallel_loop3A_494, %parallel_loop3A_495, %parallel_loop3A_496, %parallel_loop3A_497], %parallel_loop3A_414 {add = true, strides = array<i32>} : memref<4x6x8x128xf32, #tpu.memory_space<vmem>>, vector<16xf32>,
      %parallel_loop3A_499 = arith.constant 3 : i32
      %parallel_loop3A_500 = arith.constant 1 : i32
      %parallel_loop3A_501 = arith.index_cast %parallel_loop3A_499 : i32 to index
      %parallel_loop3A_502 = arith.index_cast %parallel_loop3A_411 : i32 to index
      %parallel_loop3A_503 = arith.index_cast %parallel_loop3A_500 : i32 to index
      %parallel_loop3A_504 = arith.constant 16 : index
      %parallel_loop3A_505 = tpu.vector_load %arg5[%parallel_loop3A_501, %parallel_loop3A_502, %parallel_loop3A_503, %parallel_loop3A_504] {strides = array<i32>} : memref<4x6x8x128xf32, #tpu.memory_space<vmem>>, vector<16xf32>,
      tpu.vector_store %arg5[%parallel_loop3A_501, %parallel_loop3A_502, %parallel_loop3A_503, %parallel_loop3A_504], %parallel_loop3A_417 {add = true, strides = array<i32>} : memref<4x6x8x128xf32, #tpu.memory_space<vmem>>, vector<16xf32>,
      %parallel_loop3A_506 = arith.constant 3 : i32
      %parallel_loop3A_507 = arith.constant 1 : i32
      %parallel_loop3A_508 = arith.index_cast %parallel_loop3A_506 : i32 to index
      %parallel_loop3A_509 = arith.index_cast %parallel_loop3A_411 : i32 to index
      %parallel_loop3A_510 = arith.index_cast %parallel_loop3A_507 : i32 to index
      %parallel_loop3A_511 = arith.constant 32 : index
      %parallel_loop3A_512 = tpu.vector_load %arg5[%parallel_loop3A_508, %parallel_loop3A_509, %parallel_loop3A_510, %parallel_loop3A_511] {strides = array<i32>} : memref<4x6x8x128xf32, #tpu.memory_space<vmem>>, vector<16xf32>,
      tpu.vector_store %arg5[%parallel_loop3A_508, %parallel_loop3A_509, %parallel_loop3A_510, %parallel_loop3A_511], %parallel_loop3A_420 {add = true, strides = array<i32>} : memref<4x6x8x128xf32, #tpu.memory_space<vmem>>, vector<16xf32>,
      %parallel_loop3A_513 = arith.constant 3 : i32
      %parallel_loop3A_514 = arith.constant 1 : i32
      %parallel_loop3A_515 = arith.index_cast %parallel_loop3A_513 : i32 to index
      %parallel_loop3A_516 = arith.index_cast %parallel_loop3A_411 : i32 to index
      %parallel_loop3A_517 = arith.index_cast %parallel_loop3A_514 : i32 to index
      %parallel_loop3A_518 = arith.constant 48 : index
      %parallel_loop3A_519 = tpu.vector_load %arg5[%parallel_loop3A_515, %parallel_loop3A_516, %parallel_loop3A_517, %parallel_loop3A_518] {strides = array<i32>} : memref<4x6x8x128xf32, #tpu.memory_space<vmem>>, vector<16xf32>,
      tpu.vector_store %arg5[%parallel_loop3A_515, %parallel_loop3A_516, %parallel_loop3A_517, %parallel_loop3A_518], %parallel_loop3A_423 {add = true, strides = array<i32>} : memref<4x6x8x128xf32, #tpu.memory_space<vmem>>, vector<16xf32>,
      %parallel_loop3A_520 = arith.constant 3 : i32
      %parallel_loop3A_521 = arith.constant 1 : i32
      %parallel_loop3A_522 = arith.index_cast %parallel_loop3A_520 : i32 to index
      %parallel_loop3A_523 = arith.index_cast %parallel_loop3A_411 : i32 to index
      %parallel_loop3A_524 = arith.index_cast %parallel_loop3A_521 : i32 to index
      %parallel_loop3A_525 = arith.constant 64 : index
      %parallel_loop3A_526 = tpu.vector_load %arg5[%parallel_loop3A_522, %parallel_loop3A_523, %parallel_loop3A_524, %parallel_loop3A_525] {strides = array<i32>} : memref<4x6x8x128xf32, #tpu.memory_space<vmem>>, vector<16xf32>,
      tpu.vector_store %arg5[%parallel_loop3A_522, %parallel_loop3A_523, %parallel_loop3A_524, %parallel_loop3A_525], %parallel_loop3A_426 {add = true, strides = array<i32>} : memref<4x6x8x128xf32, #tpu.memory_space<vmem>>, vector<16xf32>,
      %parallel_loop3A_527 = arith.constant 3 : i32
      %parallel_loop3A_528 = arith.constant 1 : i32
      %parallel_loop3A_529 = arith.index_cast %parallel_loop3A_527 : i32 to index
      %parallel_loop3A_530 = arith.index_cast %parallel_loop3A_411 : i32 to index
      %parallel_loop3A_531 = arith.index_cast %parallel_loop3A_528 : i32 to index
      %parallel_loop3A_532 = arith.constant 80 : index
      %parallel_loop3A_533 = tpu.vector_load %arg5[%parallel_loop3A_529, %parallel_loop3A_530, %parallel_loop3A_531, %parallel_loop3A_532] {strides = array<i32>} : memref<4x6x8x128xf32, #tpu.memory_space<vmem>>, vector<16xf32>,
      tpu.vector_store %arg5[%parallel_loop3A_529, %parallel_loop3A_530, %parallel_loop3A_531, %parallel_loop3A_532], %parallel_loop3A_429 {add = true, strides = array<i32>} : memref<4x6x8x128xf32, #tpu.memory_space<vmem>>, vector<16xf32>,
      %parallel_loop3A_534 = arith.constant 3 : i32
      %parallel_loop3A_535 = arith.constant 1 : i32
      %parallel_loop3A_536 = arith.index_cast %parallel_loop3A_534 : i32 to index
      %parallel_loop3A_537 = arith.index_cast %parallel_loop3A_411 : i32 to index
      %parallel_loop3A_538 = arith.index_cast %parallel_loop3A_535 : i32 to index
      %parallel_loop3A_539 = arith.constant 96 : index
      %parallel_loop3A_540 = tpu.vector_load %arg5[%parallel_loop3A_536, %parallel_loop3A_537, %parallel_loop3A_538, %parallel_loop3A_539] {strides = array<i32>} : memref<4x6x8x128xf32, #tpu.memory_space<vmem>>, vector<16xf32>,
      tpu.vector_store %arg5[%parallel_loop3A_536, %parallel_loop3A_537, %parallel_loop3A_538, %parallel_loop3A_539], %parallel_loop3A_432 {add = true, strides = array<i32>} : memref<4x6x8x128xf32, #tpu.memory_space<vmem>>, vector<16xf32>,
      %parallel_loop3A_541 = arith.constant 3 : i32
      %parallel_loop3A_542 = arith.constant 1 : i32
      %parallel_loop3A_543 = arith.index_cast %parallel_loop3A_541 : i32 to index
      %parallel_loop3A_544 = arith.index_cast %parallel_loop3A_411 : i32 to index
      %parallel_loop3A_545 = arith.index_cast %parallel_loop3A_542 : i32 to index
      %parallel_loop3A_546 = arith.constant 112 : index
      %parallel_loop3A_547 = tpu.vector_load %arg5[%parallel_loop3A_543, %parallel_loop3A_544, %parallel_loop3A_545, %parallel_loop3A_546] {strides = array<i32>} : memref<4x6x8x128xf32, #tpu.memory_space<vmem>>, vector<16xf32>,
      tpu.vector_store %arg5[%parallel_loop3A_543, %parallel_loop3A_544, %parallel_loop3A_545, %parallel_loop3A_546], %parallel_loop3A_435 {add = true, strides = array<i32>} : memref<4x6x8x128xf32, #tpu.memory_space<vmem>>, vector<16xf32>,
      %parallel_loop3A_548 = arith.constant 3 : i32
      %parallel_loop3A_549 = arith.constant 2 : i32
      %parallel_loop3A_550 = arith.index_cast %parallel_loop3A_548 : i32 to index
      %parallel_loop3A_551 = arith.index_cast %parallel_loop3A_411 : i32 to index
      %parallel_loop3A_552 = arith.index_cast %parallel_loop3A_549 : i32 to index
      %parallel_loop3A_553 = arith.constant 0 : index
      %parallel_loop3A_554 = tpu.vector_load %arg5[%parallel_loop3A_550, %parallel_loop3A_551, %parallel_loop3A_552, %parallel_loop3A_553] {strides = array<i32>} : memref<4x6x8x128xf32, #tpu.memory_space<vmem>>, vector<16xf32>,
      tpu.vector_store %arg5[%parallel_loop3A_550, %parallel_loop3A_551, %parallel_loop3A_552, %parallel_loop3A_553], %parallel_loop3A_414 {add = true, strides = array<i32>} : memref<4x6x8x128xf32, #tpu.memory_space<vmem>>, vector<16xf32>,
      %parallel_loop3A_555 = arith.constant 3 : i32
      %parallel_loop3A_556 = arith.constant 2 : i32
      %parallel_loop3A_557 = arith.index_cast %parallel_loop3A_555 : i32 to index
      %parallel_loop3A_558 = arith.index_cast %parallel_loop3A_411 : i32 to index
      %parallel_loop3A_559 = arith.index_cast %parallel_loop3A_556 : i32 to index
      %parallel_loop3A_560 = arith.constant 16 : index
      %parallel_loop3A_561 = tpu.vector_load %arg5[%parallel_loop3A_557, %parallel_loop3A_558, %parallel_loop3A_559, %parallel_loop3A_560] {strides = array<i32>} : memref<4x6x8x128xf32, #tpu.memory_space<vmem>>, vector<16xf32>,
      tpu.vector_store %arg5[%parallel_loop3A_557, %parallel_loop3A_558, %parallel_loop3A_559, %parallel_loop3A_560], %parallel_loop3A_417 {add = true, strides = array<i32>} : memref<4x6x8x128xf32, #tpu.memory_space<vmem>>, vector<16xf32>,
      %parallel_loop3A_562 = arith.constant 3 : i32
      %parallel_loop3A_563 = arith.constant 2 : i32
      %parallel_loop3A_564 = arith.index_cast %parallel_loop3A_562 : i32 to index
      %parallel_loop3A_565 = arith.index_cast %parallel_loop3A_411 : i32 to index
      %parallel_loop3A_566 = arith.index_cast %parallel_loop3A_563 : i32 to index
      %parallel_loop3A_567 = arith.constant 32 : index
      %parallel_loop3A_568 = tpu.vector_load %arg5[%parallel_loop3A_564, %parallel_loop3A_565, %parallel_loop3A_566, %parallel_loop3A_567] {strides = array<i32>} : memref<4x6x8x128xf32, #tpu.memory_space<vmem>>, vector<16xf32>,
      tpu.vector_store %arg5[%parallel_loop3A_564, %parallel_loop3A_565, %parallel_loop3A_566, %parallel_loop3A_567], %parallel_loop3A_420 {add = true, strides = array<i32>} : memref<4x6x8x128xf32, #tpu.memory_space<vmem>>, vector<16xf32>,
      %parallel_loop3A_569 = arith.constant 3 : i32
      %parallel_loop3A_570 = arith.constant 2 : i32
      %parallel_loop3A_571 = arith.index_cast %parallel_loop3A_569 : i32 to index
      %parallel_loop3A_572 = arith.index_cast %parallel_loop3A_411 : i32 to index
      %parallel_loop3A_573 = arith.index_cast %parallel_loop3A_570 : i32 to index
      %parallel_loop3A_574 = arith.constant 48 : index
      %parallel_loop3A_575 = tpu.vector_load %arg5[%parallel_loop3A_571, %parallel_loop3A_572, %parallel_loop3A_573, %parallel_loop3A_574] {strides = array<i32>} : memref<4x6x8x128xf32, #tpu.memory_space<vmem>>, vector<16xf32>,
      tpu.vector_store %arg5[%parallel_loop3A_571, %parallel_loop3A_572, %parallel_loop3A_573, %parallel_loop3A_574], %parallel_loop3A_423 {add = true, strides = array<i32>} : memref<4x6x8x128xf32, #tpu.memory_space<vmem>>, vector<16xf32>,
      %parallel_loop3A_576 = arith.constant 3 : i32
      %parallel_loop3A_577 = arith.constant 2 : i32
      %parallel_loop3A_578 = arith.index_cast %parallel_loop3A_576 : i32 to index
      %parallel_loop3A_579 = arith.index_cast %parallel_loop3A_411 : i32 to index
      %parallel_loop3A_580 = arith.index_cast %parallel_loop3A_577 : i32 to index
      %parallel_loop3A_581 = arith.constant 64 : index
      %parallel_loop3A_582 = tpu.vector_load %arg5[%parallel_loop3A_578, %parallel_loop3A_579, %parallel_loop3A_580, %parallel_loop3A_581] {strides = array<i32>} : memref<4x6x8x128xf32, #tpu.memory_space<vmem>>, vector<16xf32>,
      tpu.vector_store %arg5[%parallel_loop3A_578, %parallel_loop3A_579, %parallel_loop3A_580, %parallel_loop3A_581], %parallel_loop3A_426 {add = true, strides = array<i32>} : memref<4x6x8x128xf32, #tpu.memory_space<vmem>>, vector<16xf32>,
      %parallel_loop3A_583 = arith.constant 3 : i32
      %parallel_loop3A_584 = arith.constant 2 : i32
      %parallel_loop3A_585 = arith.index_cast %parallel_loop3A_583 : i32 to index
      %parallel_loop3A_586 = arith.index_cast %parallel_loop3A_411 : i32 to index
      %parallel_loop3A_587 = arith.index_cast %parallel_loop3A_584 : i32 to index
      %parallel_loop3A_588 = arith.constant 80 : index
      %parallel_loop3A_589 = tpu.vector_load %arg5[%parallel_loop3A_585, %parallel_loop3A_586, %parallel_loop3A_587, %parallel_loop3A_588] {strides = array<i32>} : memref<4x6x8x128xf32, #tpu.memory_space<vmem>>, vector<16xf32>,
      tpu.vector_store %arg5[%parallel_loop3A_585, %parallel_loop3A_586, %parallel_loop3A_587, %parallel_loop3A_588], %parallel_loop3A_429 {add = true, strides = array<i32>} : memref<4x6x8x128xf32, #tpu.memory_space<vmem>>, vector<16xf32>,
      %parallel_loop3A_590 = arith.constant 3 : i32
      %parallel_loop3A_591 = arith.constant 2 : i32
      %parallel_loop3A_592 = arith.index_cast %parallel_loop3A_590 : i32 to index
      %parallel_loop3A_593 = arith.index_cast %parallel_loop3A_411 : i32 to index
      %parallel_loop3A_594 = arith.index_cast %parallel_loop3A_591 : i32 to index
      %parallel_loop3A_595 = arith.constant 96 : index
      %parallel_loop3A_596 = tpu.vector_load %arg5[%parallel_loop3A_592, %parallel_loop3A_593, %parallel_loop3A_594, %parallel_loop3A_595] {strides = array<i32>} : memref<4x6x8x128xf32, #tpu.memory_space<vmem>>, vector<16xf32>,
      tpu.vector_store %arg5[%parallel_loop3A_592, %parallel_loop3A_593, %parallel_loop3A_594, %parallel_loop3A_595], %parallel_loop3A_432 {add = true, strides = array<i32>} : memref<4x6x8x128xf32, #tpu.memory_space<vmem>>, vector<16xf32>,
      %parallel_loop3A_597 = arith.constant 3 : i32
      %parallel_loop3A_598 = arith.constant 2 : i32
      %parallel_loop3A_599 = arith.index_cast %parallel_loop3A_597 : i32 to index
      %parallel_loop3A_600 = arith.index_cast %parallel_loop3A_411 : i32 to index
      %parallel_loop3A_601 = arith.index_cast %parallel_loop3A_598 : i32 to index
      %parallel_loop3A_602 = arith.constant 112 : index
      %parallel_loop3A_603 = tpu.vector_load %arg5[%parallel_loop3A_599, %parallel_loop3A_600, %parallel_loop3A_601, %parallel_loop3A_602] {strides = array<i32>} : memref<4x6x8x128xf32, #tpu.memory_space<vmem>>, vector<16xf32>,
      tpu.vector_store %arg5[%parallel_loop3A_599, %parallel_loop3A_600, %parallel_loop3A_601, %parallel_loop3A_602], %parallel_loop3A_435 {add = true, strides = array<i32>} : memref<4x6x8x128xf32, #tpu.memory_space<vmem>>, vector<16xf32>,
      %parallel_loop3A_604 = arith.constant 3 : i32
      %parallel_loop3A_605 = arith.constant 3 : i32
      %parallel_loop3A_606 = arith.index_cast %parallel_loop3A_604 : i32 to index
      %parallel_loop3A_607 = arith.index_cast %parallel_loop3A_411 : i32 to index
      %parallel_loop3A_608 = arith.index_cast %parallel_loop3A_605 : i32 to index
      %parallel_loop3A_609 = arith.constant 0 : index
      %parallel_loop3A_610 = tpu.vector_load %arg5[%parallel_loop3A_606, %parallel_loop3A_607, %parallel_loop3A_608, %parallel_loop3A_609] {strides = array<i32>} : memref<4x6x8x128xf32, #tpu.memory_space<vmem>>, vector<16xf32>,
      tpu.vector_store %arg5[%parallel_loop3A_606, %parallel_loop3A_607, %parallel_loop3A_608, %parallel_loop3A_609], %parallel_loop3A_414 {add = true, strides = array<i32>} : memref<4x6x8x128xf32, #tpu.memory_space<vmem>>, vector<16xf32>,
      %parallel_loop3A_611 = arith.constant 3 : i32
      %parallel_loop3A_612 = arith.constant 3 : i32
      %parallel_loop3A_613 = arith.index_cast %parallel_loop3A_611 : i32 to index
      %parallel_loop3A_614 = arith.index_cast %parallel_loop3A_411 : i32 to index
      %parallel_loop3A_615 = arith.index_cast %parallel_loop3A_612 : i32 to index
      %parallel_loop3A_616 = arith.constant 16 : index
      %parallel_loop3A_617 = tpu.vector_load %arg5[%parallel_loop3A_613, %parallel_loop3A_614, %parallel_loop3A_615, %parallel_loop3A_616] {strides = array<i32>} : memref<4x6x8x128xf32, #tpu.memory_space<vmem>>, vector<16xf32>,
      tpu.vector_store %arg5[%parallel_loop3A_613, %parallel_loop3A_614, %parallel_loop3A_615, %parallel_loop3A_616], %parallel_loop3A_417 {add = true, strides = array<i32>} : memref<4x6x8x128xf32, #tpu.memory_space<vmem>>, vector<16xf32>,
      %parallel_loop3A_618 = arith.constant 3 : i32
      %parallel_loop3A_619 = arith.constant 3 : i32
      %parallel_loop3A_620 = arith.index_cast %parallel_loop3A_618 : i32 to index
      %parallel_loop3A_621 = arith.index_cast %parallel_loop3A_411 : i32 to index
      %parallel_loop3A_622 = arith.index_cast %parallel_loop3A_619 : i32 to index
      %parallel_loop3A_623 = arith.constant 32 : index
      %parallel_loop3A_624 = tpu.vector_load %arg5[%parallel_loop3A_620, %parallel_loop3A_621, %parallel_loop3A_622, %parallel_loop3A_623] {strides = array<i32>} : memref<4x6x8x128xf32, #tpu.memory_space<vmem>>, vector<16xf32>,
      tpu.vector_store %arg5[%parallel_loop3A_620, %parallel_loop3A_621, %parallel_loop3A_622, %parallel_loop3A_623], %parallel_loop3A_420 {add = true, strides = array<i32>} : memref<4x6x8x128xf32, #tpu.memory_space<vmem>>, vector<16xf32>,
      %parallel_loop3A_625 = arith.constant 3 : i32
      %parallel_loop3A_626 = arith.constant 3 : i32
      %parallel_loop3A_627 = arith.index_cast %parallel_loop3A_625 : i32 to index
      %parallel_loop3A_628 = arith.index_cast %parallel_loop3A_411 : i32 to index
      %parallel_loop3A_629 = arith.index_cast %parallel_loop3A_626 : i32 to index
      %parallel_loop3A_630 = arith.constant 48 : index
      %parallel_loop3A_631 = tpu.vector_load %arg5[%parallel_loop3A_627, %parallel_loop3A_628, %parallel_loop3A_629, %parallel_loop3A_630] {strides = array<i32>} : memref<4x6x8x128xf32, #tpu.memory_space<vmem>>, vector<16xf32>,
      tpu.vector_store %arg5[%parallel_loop3A_627, %parallel_loop3A_628, %parallel_loop3A_629, %parallel_loop3A_630], %parallel_loop3A_423 {add = true, strides = array<i32>} : memref<4x6x8x128xf32, #tpu.memory_space<vmem>>, vector<16xf32>,
      %parallel_loop3A_632 = arith.constant 3 : i32
      %parallel_loop3A_633 = arith.constant 3 : i32
      %parallel_loop3A_634 = arith.index_cast %parallel_loop3A_632 : i32 to index
      %parallel_loop3A_635 = arith.index_cast %parallel_loop3A_411 : i32 to index
      %parallel_loop3A_636 = arith.index_cast %parallel_loop3A_633 : i32 to index
      %parallel_loop3A_637 = arith.constant 64 : index
      %parallel_loop3A_638 = tpu.vector_load %arg5[%parallel_loop3A_634, %parallel_loop3A_635, %parallel_loop3A_636, %parallel_loop3A_637] {strides = array<i32>} : memref<4x6x8x128xf32, #tpu.memory_space<vmem>>, vector<16xf32>,
      tpu.vector_store %arg5[%parallel_loop3A_634, %parallel_loop3A_635, %parallel_loop3A_636, %parallel_loop3A_637], %parallel_loop3A_426 {add = true, strides = array<i32>} : memref<4x6x8x128xf32, #tpu.memory_space<vmem>>, vector<16xf32>,
      %parallel_loop3A_639 = arith.constant 3 : i32
      %parallel_loop3A_640 = arith.constant 3 : i32
      %parallel_loop3A_641 = arith.index_cast %parallel_loop3A_639 : i32 to index
      %parallel_loop3A_642 = arith.index_cast %parallel_loop3A_411 : i32 to index
      %parallel_loop3A_643 = arith.index_cast %parallel_loop3A_640 : i32 to index
      %parallel_loop3A_644 = arith.constant 80 : index
      %parallel_loop3A_645 = tpu.vector_load %arg5[%parallel_loop3A_641, %parallel_loop3A_642, %parallel_loop3A_643, %parallel_loop3A_644] {strides = array<i32>} : memref<4x6x8x128xf32, #tpu.memory_space<vmem>>, vector<16xf32>,
      tpu.vector_store %arg5[%parallel_loop3A_641, %parallel_loop3A_642, %parallel_loop3A_643, %parallel_loop3A_644], %parallel_loop3A_429 {add = true, strides = array<i32>} : memref<4x6x8x128xf32, #tpu.memory_space<vmem>>, vector<16xf32>,
      %parallel_loop3A_646 = arith.constant 3 : i32
      %parallel_loop3A_647 = arith.constant 3 : i32
      %parallel_loop3A_648 = arith.index_cast %parallel_loop3A_646 : i32 to index
      %parallel_loop3A_649 = arith.index_cast %parallel_loop3A_411 : i32 to index
      %parallel_loop3A_650 = arith.index_cast %parallel_loop3A_647 : i32 to index
      %parallel_loop3A_651 = arith.constant 96 : index
      %parallel_loop3A_652 = tpu.vector_load %arg5[%parallel_loop3A_648, %parallel_loop3A_649, %parallel_loop3A_650, %parallel_loop3A_651] {strides = array<i32>} : memref<4x6x8x128xf32, #tpu.memory_space<vmem>>, vector<16xf32>,
      tpu.vector_store %arg5[%parallel_loop3A_648, %parallel_loop3A_649, %parallel_loop3A_650, %parallel_loop3A_651], %parallel_loop3A_432 {add = true, strides = array<i32>} : memref<4x6x8x128xf32, #tpu.memory_space<vmem>>, vector<16xf32>,
      %parallel_loop3A_653 = arith.constant 3 : i32
      %parallel_loop3A_654 = arith.constant 3 : i32
      %parallel_loop3A_655 = arith.index_cast %parallel_loop3A_653 : i32 to index
      %parallel_loop3A_656 = arith.index_cast %parallel_loop3A_411 : i32 to index
      %parallel_loop3A_657 = arith.index_cast %parallel_loop3A_654 : i32 to index
      %parallel_loop3A_658 = arith.constant 112 : index
      %parallel_loop3A_659 = tpu.vector_load %arg5[%parallel_loop3A_655, %parallel_loop3A_656, %parallel_loop3A_657, %parallel_loop3A_658] {strides = array<i32>} : memref<4x6x8x128xf32, #tpu.memory_space<vmem>>, vector<16xf32>,
      tpu.vector_store %arg5[%parallel_loop3A_655, %parallel_loop3A_656, %parallel_loop3A_657, %parallel_loop3A_658], %parallel_loop3A_435 {add = true, strides = array<i32>} : memref<4x6x8x128xf32, #tpu.memory_space<vmem>>, vector<16xf32>,
      %parallel_loop3A_660 = arith.constant 3 : i32
      %parallel_loop3A_661 = arith.constant 4 : i32
      %parallel_loop3A_662 = arith.index_cast %parallel_loop3A_660 : i32 to index
      %parallel_loop3A_663 = arith.index_cast %parallel_loop3A_411 : i32 to index
      %parallel_loop3A_664 = arith.index_cast %parallel_loop3A_661 : i32 to index
      %parallel_loop3A_665 = arith.constant 0 : index
      %parallel_loop3A_666 = tpu.vector_load %arg5[%parallel_loop3A_662, %parallel_loop3A_663, %parallel_loop3A_664, %parallel_loop3A_665] {strides = array<i32>} : memref<4x6x8x128xf32, #tpu.memory_space<vmem>>, vector<16xf32>,
      tpu.vector_store %arg5[%parallel_loop3A_662, %parallel_loop3A_663, %parallel_loop3A_664, %parallel_loop3A_665], %parallel_loop3A_414 {add = true, strides = array<i32>} : memref<4x6x8x128xf32, #tpu.memory_space<vmem>>, vector<16xf32>,
      %parallel_loop3A_667 = arith.constant 3 : i32
      %parallel_loop3A_668 = arith.constant 4 : i32
      %parallel_loop3A_669 = arith.index_cast %parallel_loop3A_667 : i32 to index
      %parallel_loop3A_670 = arith.index_cast %parallel_loop3A_411 : i32 to index
      %parallel_loop3A_671 = arith.index_cast %parallel_loop3A_668 : i32 to index
      %parallel_loop3A_672 = arith.constant 16 : index
      %parallel_loop3A_673 = tpu.vector_load %arg5[%parallel_loop3A_669, %parallel_loop3A_670, %parallel_loop3A_671, %parallel_loop3A_672] {strides = array<i32>} : memref<4x6x8x128xf32, #tpu.memory_space<vmem>>, vector<16xf32>,
      tpu.vector_store %arg5[%parallel_loop3A_669, %parallel_loop3A_670, %parallel_loop3A_671, %parallel_loop3A_672], %parallel_loop3A_417 {add = true, strides = array<i32>} : memref<4x6x8x128xf32, #tpu.memory_space<vmem>>, vector<16xf32>,
      %parallel_loop3A_674 = arith.constant 3 : i32
      %parallel_loop3A_675 = arith.constant 4 : i32
      %parallel_loop3A_676 = arith.index_cast %parallel_loop3A_674 : i32 to index
      %parallel_loop3A_677 = arith.index_cast %parallel_loop3A_411 : i32 to index
      %parallel_loop3A_678 = arith.index_cast %parallel_loop3A_675 : i32 to index
      %parallel_loop3A_679 = arith.constant 32 : index
      %parallel_loop3A_680 = tpu.vector_load %arg5[%parallel_loop3A_676, %parallel_loop3A_677, %parallel_loop3A_678, %parallel_loop3A_679] {strides = array<i32>} : memref<4x6x8x128xf32, #tpu.memory_space<vmem>>, vector<16xf32>,
      tpu.vector_store %arg5[%parallel_loop3A_676, %parallel_loop3A_677, %parallel_loop3A_678, %parallel_loop3A_679], %parallel_loop3A_420 {add = true, strides = array<i32>} : memref<4x6x8x128xf32, #tpu.memory_space<vmem>>, vector<16xf32>,
      %parallel_loop3A_681 = arith.constant 3 : i32
      %parallel_loop3A_682 = arith.constant 4 : i32
      %parallel_loop3A_683 = arith.index_cast %parallel_loop3A_681 : i32 to index
      %parallel_loop3A_684 = arith.index_cast %parallel_loop3A_411 : i32 to index
      %parallel_loop3A_685 = arith.index_cast %parallel_loop3A_682 : i32 to index
      %parallel_loop3A_686 = arith.constant 48 : index
      %parallel_loop3A_687 = tpu.vector_load %arg5[%parallel_loop3A_683, %parallel_loop3A_684, %parallel_loop3A_685, %parallel_loop3A_686] {strides = array<i32>} : memref<4x6x8x128xf32, #tpu.memory_space<vmem>>, vector<16xf32>,
      tpu.vector_store %arg5[%parallel_loop3A_683, %parallel_loop3A_684, %parallel_loop3A_685, %parallel_loop3A_686], %parallel_loop3A_423 {add = true, strides = array<i32>} : memref<4x6x8x128xf32, #tpu.memory_space<vmem>>, vector<16xf32>,
      %parallel_loop3A_688 = arith.constant 3 : i32
      %parallel_loop3A_689 = arith.constant 4 : i32
      %parallel_loop3A_690 = arith.index_cast %parallel_loop3A_688 : i32 to index
      %parallel_loop3A_691 = arith.index_cast %parallel_loop3A_411 : i32 to index
      %parallel_loop3A_692 = arith.index_cast %parallel_loop3A_689 : i32 to index
      %parallel_loop3A_693 = arith.constant 64 : index
      %parallel_loop3A_694 = tpu.vector_load %arg5[%parallel_loop3A_690, %parallel_loop3A_691, %parallel_loop3A_692, %parallel_loop3A_693] {strides = array<i32>} : memref<4x6x8x128xf32, #tpu.memory_space<vmem>>, vector<16xf32>,
      tpu.vector_store %arg5[%parallel_loop3A_690, %parallel_loop3A_691, %parallel_loop3A_692, %parallel_loop3A_693], %parallel_loop3A_426 {add = true, strides = array<i32>} : memref<4x6x8x128xf32, #tpu.memory_space<vmem>>, vector<16xf32>,
      %parallel_loop3A_695 = arith.constant 3 : i32
      %parallel_loop3A_696 = arith.constant 4 : i32
      %parallel_loop3A_697 = arith.index_cast %parallel_loop3A_695 : i32 to index
      %parallel_loop3A_698 = arith.index_cast %parallel_loop3A_411 : i32 to index
      %parallel_loop3A_699 = arith.index_cast %parallel_loop3A_696 : i32 to index
      %parallel_loop3A_700 = arith.constant 80 : index
      %parallel_loop3A_701 = tpu.vector_load %arg5[%parallel_loop3A_697, %parallel_loop3A_698, %parallel_loop3A_699, %parallel_loop3A_700] {strides = array<i32>} : memref<4x6x8x128xf32, #tpu.memory_space<vmem>>, vector<16xf32>,
      tpu.vector_store %arg5[%parallel_loop3A_697, %parallel_loop3A_698, %parallel_loop3A_699, %parallel_loop3A_700], %parallel_loop3A_429 {add = true, strides = array<i32>} : memref<4x6x8x128xf32, #tpu.memory_space<vmem>>, vector<16xf32>,
      %parallel_loop3A_702 = arith.constant 3 : i32
      %parallel_loop3A_703 = arith.constant 4 : i32
      %parallel_loop3A_704 = arith.index_cast %parallel_loop3A_702 : i32 to index
      %parallel_loop3A_705 = arith.index_cast %parallel_loop3A_411 : i32 to index
      %parallel_loop3A_706 = arith.index_cast %parallel_loop3A_703 : i32 to index
      %parallel_loop3A_707 = arith.constant 96 : index
      %parallel_loop3A_708 = tpu.vector_load %arg5[%parallel_loop3A_704, %parallel_loop3A_705, %parallel_loop3A_706, %parallel_loop3A_707] {strides = array<i32>} : memref<4x6x8x128xf32, #tpu.memory_space<vmem>>, vector<16xf32>,
      tpu.vector_store %arg5[%parallel_loop3A_704, %parallel_loop3A_705, %parallel_loop3A_706, %parallel_loop3A_707], %parallel_loop3A_432 {add = true, strides = array<i32>} : memref<4x6x8x128xf32, #tpu.memory_space<vmem>>, vector<16xf32>,
      %parallel_loop3A_709 = arith.constant 3 : i32
      %parallel_loop3A_710 = arith.constant 4 : i32
      %parallel_loop3A_711 = arith.index_cast %parallel_loop3A_709 : i32 to index
      %parallel_loop3A_712 = arith.index_cast %parallel_loop3A_411 : i32 to index
      %parallel_loop3A_713 = arith.index_cast %parallel_loop3A_710 : i32 to index
      %parallel_loop3A_714 = arith.constant 112 : index
      %parallel_loop3A_715 = tpu.vector_load %arg5[%parallel_loop3A_711, %parallel_loop3A_712, %parallel_loop3A_713, %parallel_loop3A_714] {strides = array<i32>} : memref<4x6x8x128xf32, #tpu.memory_space<vmem>>, vector<16xf32>,
      tpu.vector_store %arg5[%parallel_loop3A_711, %parallel_loop3A_712, %parallel_loop3A_713, %parallel_loop3A_714], %parallel_loop3A_435 {add = true, strides = array<i32>} : memref<4x6x8x128xf32, #tpu.memory_space<vmem>>, vector<16xf32>,
      %parallel_loop3A_716 = arith.constant 3 : i32
      %parallel_loop3A_717 = arith.constant 5 : i32
      %parallel_loop3A_718 = arith.index_cast %parallel_loop3A_716 : i32 to index
      %parallel_loop3A_719 = arith.index_cast %parallel_loop3A_411 : i32 to index
      %parallel_loop3A_720 = arith.index_cast %parallel_loop3A_717 : i32 to index
      %parallel_loop3A_721 = arith.constant 0 : index
      %parallel_loop3A_722 = tpu.vector_load %arg5[%parallel_loop3A_718, %parallel_loop3A_719, %parallel_loop3A_720, %parallel_loop3A_721] {strides = array<i32>} : memref<4x6x8x128xf32, #tpu.memory_space<vmem>>, vector<16xf32>,
      tpu.vector_store %arg5[%parallel_loop3A_718, %parallel_loop3A_719, %parallel_loop3A_720, %parallel_loop3A_721], %parallel_loop3A_414 {add = true, strides = array<i32>} : memref<4x6x8x128xf32, #tpu.memory_space<vmem>>, vector<16xf32>,
      %parallel_loop3A_723 = arith.constant 3 : i32
      %parallel_loop3A_724 = arith.constant 5 : i32
      %parallel_loop3A_725 = arith.index_cast %parallel_loop3A_723 : i32 to index
      %parallel_loop3A_726 = arith.index_cast %parallel_loop3A_411 : i32 to index
      %parallel_loop3A_727 = arith.index_cast %parallel_loop3A_724 : i32 to index
      %parallel_loop3A_728 = arith.constant 16 : index
      %parallel_loop3A_729 = tpu.vector_load %arg5[%parallel_loop3A_725, %parallel_loop3A_726, %parallel_loop3A_727, %parallel_loop3A_728] {strides = array<i32>} : memref<4x6x8x128xf32, #tpu.memory_space<vmem>>, vector<16xf32>,
      tpu.vector_store %arg5[%parallel_loop3A_725, %parallel_loop3A_726, %parallel_loop3A_727, %parallel_loop3A_728], %parallel_loop3A_417 {add = true, strides = array<i32>} : memref<4x6x8x128xf32, #tpu.memory_space<vmem>>, vector<16xf32>,
      %parallel_loop3A_730 = arith.constant 3 : i32
      %parallel_loop3A_731 = arith.constant 5 : i32
      %parallel_loop3A_732 = arith.index_cast %parallel_loop3A_730 : i32 to index
      %parallel_loop3A_733 = arith.index_cast %parallel_loop3A_411 : i32 to index
      %parallel_loop3A_734 = arith.index_cast %parallel_loop3A_731 : i32 to index
      %parallel_loop3A_735 = arith.constant 32 : index
      %parallel_loop3A_736 = tpu.vector_load %arg5[%parallel_loop3A_732, %parallel_loop3A_733, %parallel_loop3A_734, %parallel_loop3A_735] {strides = array<i32>} : memref<4x6x8x128xf32, #tpu.memory_space<vmem>>, vector<16xf32>,
      tpu.vector_store %arg5[%parallel_loop3A_732, %parallel_loop3A_733, %parallel_loop3A_734, %parallel_loop3A_735], %parallel_loop3A_420 {add = true, strides = array<i32>} : memref<4x6x8x128xf32, #tpu.memory_space<vmem>>, vector<16xf32>,
      %parallel_loop3A_737 = arith.constant 3 : i32
      %parallel_loop3A_738 = arith.constant 5 : i32
      %parallel_loop3A_739 = arith.index_cast %parallel_loop3A_737 : i32 to index
      %parallel_loop3A_740 = arith.index_cast %parallel_loop3A_411 : i32 to index
      %parallel_loop3A_741 = arith.index_cast %parallel_loop3A_738 : i32 to index
      %parallel_loop3A_742 = arith.constant 48 : index
      %parallel_loop3A_743 = tpu.vector_load %arg5[%parallel_loop3A_739, %parallel_loop3A_740, %parallel_loop3A_741, %parallel_loop3A_742] {strides = array<i32>} : memref<4x6x8x128xf32, #tpu.memory_space<vmem>>, vector<16xf32>,
      tpu.vector_store %arg5[%parallel_loop3A_739, %parallel_loop3A_740, %parallel_loop3A_741, %parallel_loop3A_742], %parallel_loop3A_423 {add = true, strides = array<i32>} : memref<4x6x8x128xf32, #tpu.memory_space<vmem>>, vector<16xf32>,
      %parallel_loop3A_744 = arith.constant 3 : i32
      %parallel_loop3A_745 = arith.constant 5 : i32
      %parallel_loop3A_746 = arith.index_cast %parallel_loop3A_744 : i32 to index
      %parallel_loop3A_747 = arith.index_cast %parallel_loop3A_411 : i32 to index
      %parallel_loop3A_748 = arith.index_cast %parallel_loop3A_745 : i32 to index
      %parallel_loop3A_749 = arith.constant 64 : index
      %parallel_loop3A_750 = tpu.vector_load %arg5[%parallel_loop3A_746, %parallel_loop3A_747, %parallel_loop3A_748, %parallel_loop3A_749] {strides = array<i32>} : memref<4x6x8x128xf32, #tpu.memory_space<vmem>>, vector<16xf32>,
      tpu.vector_store %arg5[%parallel_loop3A_746, %parallel_loop3A_747, %parallel_loop3A_748, %parallel_loop3A_749], %parallel_loop3A_426 {add = true, strides = array<i32>} : memref<4x6x8x128xf32, #tpu.memory_space<vmem>>, vector<16xf32>,
      %parallel_loop3A_751 = arith.constant 3 : i32
      %parallel_loop3A_752 = arith.constant 5 : i32
      %parallel_loop3A_753 = arith.index_cast %parallel_loop3A_751 : i32 to index
      %parallel_loop3A_754 = arith.index_cast %parallel_loop3A_411 : i32 to index
      %parallel_loop3A_755 = arith.index_cast %parallel_loop3A_752 : i32 to index
      %parallel_loop3A_756 = arith.constant 80 : index
      %parallel_loop3A_757 = tpu.vector_load %arg5[%parallel_loop3A_753, %parallel_loop3A_754, %parallel_loop3A_755, %parallel_loop3A_756] {strides = array<i32>} : memref<4x6x8x128xf32, #tpu.memory_space<vmem>>, vector<16xf32>,
      tpu.vector_store %arg5[%parallel_loop3A_753, %parallel_loop3A_754, %parallel_loop3A_755, %parallel_loop3A_756], %parallel_loop3A_429 {add = true, strides = array<i32>} : memref<4x6x8x128xf32, #tpu.memory_space<vmem>>, vector<16xf32>,
      %parallel_loop3A_758 = arith.constant 3 : i32
      %parallel_loop3A_759 = arith.constant 5 : i32
      %parallel_loop3A_760 = arith.index_cast %parallel_loop3A_758 : i32 to index
      %parallel_loop3A_761 = arith.index_cast %parallel_loop3A_411 : i32 to index
      %parallel_loop3A_762 = arith.index_cast %parallel_loop3A_759 : i32 to index
      %parallel_loop3A_763 = arith.constant 96 : index
      %parallel_loop3A_764 = tpu.vector_load %arg5[%parallel_loop3A_760, %parallel_loop3A_761, %parallel_loop3A_762, %parallel_loop3A_763] {strides = array<i32>} : memref<4x6x8x128xf32, #tpu.memory_space<vmem>>, vector<16xf32>,
      tpu.vector_store %arg5[%parallel_loop3A_760, %parallel_loop3A_761, %parallel_loop3A_762, %parallel_loop3A_763], %parallel_loop3A_432 {add = true, strides = array<i32>} : memref<4x6x8x128xf32, #tpu.memory_space<vmem>>, vector<16xf32>,
      %parallel_loop3A_765 = arith.constant 3 : i32
      %parallel_loop3A_766 = arith.constant 5 : i32
      %parallel_loop3A_767 = arith.index_cast %parallel_loop3A_765 : i32 to index
      %parallel_loop3A_768 = arith.index_cast %parallel_loop3A_411 : i32 to index
      %parallel_loop3A_769 = arith.index_cast %parallel_loop3A_766 : i32 to index
      %parallel_loop3A_770 = arith.constant 112 : index
      %parallel_loop3A_771 = tpu.vector_load %arg5[%parallel_loop3A_767, %parallel_loop3A_768, %parallel_loop3A_769, %parallel_loop3A_770] {strides = array<i32>} : memref<4x6x8x128xf32, #tpu.memory_space<vmem>>, vector<16xf32>,
      tpu.vector_store %arg5[%parallel_loop3A_767, %parallel_loop3A_768, %parallel_loop3A_769, %parallel_loop3A_770], %parallel_loop3A_435 {add = true, strides = array<i32>} : memref<4x6x8x128xf32, #tpu.memory_space<vmem>>, vector<16xf32>,
      %parallel_loop3A_772 = arith.constant 3 : i32
      %parallel_loop3A_773 = arith.constant 6 : i32
      %parallel_loop3A_774 = arith.index_cast %parallel_loop3A_772 : i32 to index
      %parallel_loop3A_775 = arith.index_cast %parallel_loop3A_411 : i32 to index
      %parallel_loop3A_776 = arith.index_cast %parallel_loop3A_773 : i32 to index
      %parallel_loop3A_777 = arith.constant 0 : index
      %parallel_loop3A_778 = tpu.vector_load %arg5[%parallel_loop3A_774, %parallel_loop3A_775, %parallel_loop3A_776, %parallel_loop3A_777] {strides = array<i32>} : memref<4x6x8x128xf32, #tpu.memory_space<vmem>>, vector<16xf32>,
      tpu.vector_store %arg5[%parallel_loop3A_774, %parallel_loop3A_775, %parallel_loop3A_776, %parallel_loop3A_777], %parallel_loop3A_414 {add = true, strides = array<i32>} : memref<4x6x8x128xf32, #tpu.memory_space<vmem>>, vector<16xf32>,
      %parallel_loop3A_779 = arith.constant 3 : i32
      %parallel_loop3A_780 = arith.constant 6 : i32
      %parallel_loop3A_781 = arith.index_cast %parallel_loop3A_779 : i32 to index
      %parallel_loop3A_782 = arith.index_cast %parallel_loop3A_411 : i32 to index
      %parallel_loop3A_783 = arith.index_cast %parallel_loop3A_780 : i32 to index
      %parallel_loop3A_784 = arith.constant 16 : index
      %parallel_loop3A_785 = tpu.vector_load %arg5[%parallel_loop3A_781, %parallel_loop3A_782, %parallel_loop3A_783, %parallel_loop3A_784] {strides = array<i32>} : memref<4x6x8x128xf32, #tpu.memory_space<vmem>>, vector<16xf32>,
      tpu.vector_store %arg5[%parallel_loop3A_781, %parallel_loop3A_782, %parallel_loop3A_783, %parallel_loop3A_784], %parallel_loop3A_417 {add = true, strides = array<i32>} : memref<4x6x8x128xf32, #tpu.memory_space<vmem>>, vector<16xf32>,
      %parallel_loop3A_786 = arith.constant 3 : i32
      %parallel_loop3A_787 = arith.constant 6 : i32
      %parallel_loop3A_788 = arith.index_cast %parallel_loop3A_786 : i32 to index
      %parallel_loop3A_789 = arith.index_cast %parallel_loop3A_411 : i32 to index
      %parallel_loop3A_790 = arith.index_cast %parallel_loop3A_787 : i32 to index
      %parallel_loop3A_791 = arith.constant 32 : index
      %parallel_loop3A_792 = tpu.vector_load %arg5[%parallel_loop3A_788, %parallel_loop3A_789, %parallel_loop3A_790, %parallel_loop3A_791] {strides = array<i32>} : memref<4x6x8x128xf32, #tpu.memory_space<vmem>>, vector<16xf32>,
      tpu.vector_store %arg5[%parallel_loop3A_788, %parallel_loop3A_789, %parallel_loop3A_790, %parallel_loop3A_791], %parallel_loop3A_420 {add = true, strides = array<i32>} : memref<4x6x8x128xf32, #tpu.memory_space<vmem>>, vector<16xf32>,
      %parallel_loop3A_793 = arith.constant 3 : i32
      %parallel_loop3A_794 = arith.constant 6 : i32
      %parallel_loop3A_795 = arith.index_cast %parallel_loop3A_793 : i32 to index
      %parallel_loop3A_796 = arith.index_cast %parallel_loop3A_411 : i32 to index
      %parallel_loop3A_797 = arith.index_cast %parallel_loop3A_794 : i32 to index
      %parallel_loop3A_798 = arith.constant 48 : index
      %parallel_loop3A_799 = tpu.vector_load %arg5[%parallel_loop3A_795, %parallel_loop3A_796, %parallel_loop3A_797, %parallel_loop3A_798] {strides = array<i32>} : memref<4x6x8x128xf32, #tpu.memory_space<vmem>>, vector<16xf32>,
      tpu.vector_store %arg5[%parallel_loop3A_795, %parallel_loop3A_796, %parallel_loop3A_797, %parallel_loop3A_798], %parallel_loop3A_423 {add = true, strides = array<i32>} : memref<4x6x8x128xf32, #tpu.memory_space<vmem>>, vector<16xf32>,
      %parallel_loop3A_800 = arith.constant 3 : i32
      %parallel_loop3A_801 = arith.constant 6 : i32
      %parallel_loop3A_802 = arith.index_cast %parallel_loop3A_800 : i32 to index
      %parallel_loop3A_803 = arith.index_cast %parallel_loop3A_411 : i32 to index
      %parallel_loop3A_804 = arith.index_cast %parallel_loop3A_801 : i32 to index
      %parallel_loop3A_805 = arith.constant 64 : index
      %parallel_loop3A_806 = tpu.vector_load %arg5[%parallel_loop3A_802, %parallel_loop3A_803, %parallel_loop3A_804, %parallel_loop3A_805] {strides = array<i32>} : memref<4x6x8x128xf32, #tpu.memory_space<vmem>>, vector<16xf32>,
      tpu.vector_store %arg5[%parallel_loop3A_802, %parallel_loop3A_803, %parallel_loop3A_804, %parallel_loop3A_805], %parallel_loop3A_426 {add = true, strides = array<i32>} : memref<4x6x8x128xf32, #tpu.memory_space<vmem>>, vector<16xf32>,
      %parallel_loop3A_807 = arith.constant 3 : i32
      %parallel_loop3A_808 = arith.constant 6 : i32
      %parallel_loop3A_809 = arith.index_cast %parallel_loop3A_807 : i32 to index
      %parallel_loop3A_810 = arith.index_cast %parallel_loop3A_411 : i32 to index
      %parallel_loop3A_811 = arith.index_cast %parallel_loop3A_808 : i32 to index
      %parallel_loop3A_812 = arith.constant 80 : index
      %parallel_loop3A_813 = tpu.vector_load %arg5[%parallel_loop3A_809, %parallel_loop3A_810, %parallel_loop3A_811, %parallel_loop3A_812] {strides = array<i32>} : memref<4x6x8x128xf32, #tpu.memory_space<vmem>>, vector<16xf32>,
      tpu.vector_store %arg5[%parallel_loop3A_809, %parallel_loop3A_810, %parallel_loop3A_811, %parallel_loop3A_812], %parallel_loop3A_429 {add = true, strides = array<i32>} : memref<4x6x8x128xf32, #tpu.memory_space<vmem>>, vector<16xf32>,
      %parallel_loop3A_814 = arith.constant 3 : i32
      %parallel_loop3A_815 = arith.constant 6 : i32
      %parallel_loop3A_816 = arith.index_cast %parallel_loop3A_814 : i32 to index
      %parallel_loop3A_817 = arith.index_cast %parallel_loop3A_411 : i32 to index
      %parallel_loop3A_818 = arith.index_cast %parallel_loop3A_815 : i32 to index
      %parallel_loop3A_819 = arith.constant 96 : index
      %parallel_loop3A_820 = tpu.vector_load %arg5[%parallel_loop3A_816, %parallel_loop3A_817, %parallel_loop3A_818, %parallel_loop3A_819] {strides = array<i32>} : memref<4x6x8x128xf32, #tpu.memory_space<vmem>>, vector<16xf32>,
      tpu.vector_store %arg5[%parallel_loop3A_816, %parallel_loop3A_817, %parallel_loop3A_818, %parallel_loop3A_819], %parallel_loop3A_432 {add = true, strides = array<i32>} : memref<4x6x8x128xf32, #tpu.memory_space<vmem>>, vector<16xf32>,
      %parallel_loop3A_821 = arith.constant 3 : i32
      %parallel_loop3A_822 = arith.constant 6 : i32
      %parallel_loop3A_823 = arith.index_cast %parallel_loop3A_821 : i32 to index
      %parallel_loop3A_824 = arith.index_cast %parallel_loop3A_411 : i32 to index
      %parallel_loop3A_825 = arith.index_cast %parallel_loop3A_822 : i32 to index
      %parallel_loop3A_826 = arith.constant 112 : index
      %parallel_loop3A_827 = tpu.vector_load %arg5[%parallel_loop3A_823, %parallel_loop3A_824, %parallel_loop3A_825, %parallel_loop3A_826] {strides = array<i32>} : memref<4x6x8x128xf32, #tpu.memory_space<vmem>>, vector<16xf32>,
      tpu.vector_store %arg5[%parallel_loop3A_823, %parallel_loop3A_824, %parallel_loop3A_825, %parallel_loop3A_826], %parallel_loop3A_435 {add = true, strides = array<i32>} : memref<4x6x8x128xf32, #tpu.memory_space<vmem>>, vector<16xf32>,
      %parallel_loop3A_828 = arith.constant 3 : i32
      %parallel_loop3A_829 = arith.constant 7 : i32
      %parallel_loop3A_830 = arith.index_cast %parallel_loop3A_828 : i32 to index
      %parallel_loop3A_831 = arith.index_cast %parallel_loop3A_411 : i32 to index
      %parallel_loop3A_832 = arith.index_cast %parallel_loop3A_829 : i32 to index
      %parallel_loop3A_833 = arith.constant 0 : index
      %parallel_loop3A_834 = tpu.vector_load %arg5[%parallel_loop3A_830, %parallel_loop3A_831, %parallel_loop3A_832, %parallel_loop3A_833] {strides = array<i32>} : memref<4x6x8x128xf32, #tpu.memory_space<vmem>>, vector<16xf32>,
      tpu.vector_store %arg5[%parallel_loop3A_830, %parallel_loop3A_831, %parallel_loop3A_832, %parallel_loop3A_833], %parallel_loop3A_414 {add = true, strides = array<i32>} : memref<4x6x8x128xf32, #tpu.memory_space<vmem>>, vector<16xf32>,
      %parallel_loop3A_835 = arith.constant 3 : i32
      %parallel_loop3A_836 = arith.constant 7 : i32
      %parallel_loop3A_837 = arith.index_cast %parallel_loop3A_835 : i32 to index
      %parallel_loop3A_838 = arith.index_cast %parallel_loop3A_411 : i32 to index
      %parallel_loop3A_839 = arith.index_cast %parallel_loop3A_836 : i32 to index
      %parallel_loop3A_840 = arith.constant 16 : index
      %parallel_loop3A_841 = tpu.vector_load %arg5[%parallel_loop3A_837, %parallel_loop3A_838, %parallel_loop3A_839, %parallel_loop3A_840] {strides = array<i32>} : memref<4x6x8x128xf32, #tpu.memory_space<vmem>>, vector<16xf32>,
      tpu.vector_store %arg5[%parallel_loop3A_837, %parallel_loop3A_838, %parallel_loop3A_839, %parallel_loop3A_840], %parallel_loop3A_417 {add = true, strides = array<i32>} : memref<4x6x8x128xf32, #tpu.memory_space<vmem>>, vector<16xf32>,
      %parallel_loop3A_842 = arith.constant 3 : i32
      %parallel_loop3A_843 = arith.constant 7 : i32
      %parallel_loop3A_844 = arith.index_cast %parallel_loop3A_842 : i32 to index
      %parallel_loop3A_845 = arith.index_cast %parallel_loop3A_411 : i32 to index
      %parallel_loop3A_846 = arith.index_cast %parallel_loop3A_843 : i32 to index
      %parallel_loop3A_847 = arith.constant 32 : index
      %parallel_loop3A_848 = tpu.vector_load %arg5[%parallel_loop3A_844, %parallel_loop3A_845, %parallel_loop3A_846, %parallel_loop3A_847] {strides = array<i32>} : memref<4x6x8x128xf32, #tpu.memory_space<vmem>>, vector<16xf32>,
      tpu.vector_store %arg5[%parallel_loop3A_844, %parallel_loop3A_845, %parallel_loop3A_846, %parallel_loop3A_847], %parallel_loop3A_420 {add = true, strides = array<i32>} : memref<4x6x8x128xf32, #tpu.memory_space<vmem>>, vector<16xf32>,
      %parallel_loop3A_849 = arith.constant 3 : i32
      %parallel_loop3A_850 = arith.constant 7 : i32
      %parallel_loop3A_851 = arith.index_cast %parallel_loop3A_849 : i32 to index
      %parallel_loop3A_852 = arith.index_cast %parallel_loop3A_411 : i32 to index
      %parallel_loop3A_853 = arith.index_cast %parallel_loop3A_850 : i32 to index
      %parallel_loop3A_854 = arith.constant 48 : index
      %parallel_loop3A_855 = tpu.vector_load %arg5[%parallel_loop3A_851, %parallel_loop3A_852, %parallel_loop3A_853, %parallel_loop3A_854] {strides = array<i32>} : memref<4x6x8x128xf32, #tpu.memory_space<vmem>>, vector<16xf32>,
      tpu.vector_store %arg5[%parallel_loop3A_851, %parallel_loop3A_852, %parallel_loop3A_853, %parallel_loop3A_854], %parallel_loop3A_423 {add = true, strides = array<i32>} : memref<4x6x8x128xf32, #tpu.memory_space<vmem>>, vector<16xf32>,
      %parallel_loop3A_856 = arith.constant 3 : i32
      %parallel_loop3A_857 = arith.constant 7 : i32
      %parallel_loop3A_858 = arith.index_cast %parallel_loop3A_856 : i32 to index
      %parallel_loop3A_859 = arith.index_cast %parallel_loop3A_411 : i32 to index
      %parallel_loop3A_860 = arith.index_cast %parallel_loop3A_857 : i32 to index
      %parallel_loop3A_861 = arith.constant 64 : index
      %parallel_loop3A_862 = tpu.vector_load %arg5[%parallel_loop3A_858, %parallel_loop3A_859, %parallel_loop3A_860, %parallel_loop3A_861] {strides = array<i32>} : memref<4x6x8x128xf32, #tpu.memory_space<vmem>>, vector<16xf32>,
      tpu.vector_store %arg5[%parallel_loop3A_858, %parallel_loop3A_859, %parallel_loop3A_860, %parallel_loop3A_861], %parallel_loop3A_426 {add = true, strides = array<i32>} : memref<4x6x8x128xf32, #tpu.memory_space<vmem>>, vector<16xf32>,
      %parallel_loop3A_863 = arith.constant 3 : i32
      %parallel_loop3A_864 = arith.constant 7 : i32
      %parallel_loop3A_865 = arith.index_cast %parallel_loop3A_863 : i32 to index
      %parallel_loop3A_866 = arith.index_cast %parallel_loop3A_411 : i32 to index
      %parallel_loop3A_867 = arith.index_cast %parallel_loop3A_864 : i32 to index
      %parallel_loop3A_868 = arith.constant 80 : index
      %parallel_loop3A_869 = tpu.vector_load %arg5[%parallel_loop3A_865, %parallel_loop3A_866, %parallel_loop3A_867, %parallel_loop3A_868] {strides = array<i32>} : memref<4x6x8x128xf32, #tpu.memory_space<vmem>>, vector<16xf32>,
      tpu.vector_store %arg5[%parallel_loop3A_865, %parallel_loop3A_866, %parallel_loop3A_867, %parallel_loop3A_868], %parallel_loop3A_429 {add = true, strides = array<i32>} : memref<4x6x8x128xf32, #tpu.memory_space<vmem>>, vector<16xf32>,
      %parallel_loop3A_870 = arith.constant 3 : i32
      %parallel_loop3A_871 = arith.constant 7 : i32
      %parallel_loop3A_872 = arith.index_cast %parallel_loop3A_870 : i32 to index
      %parallel_loop3A_873 = arith.index_cast %parallel_loop3A_411 : i32 to index
      %parallel_loop3A_874 = arith.index_cast %parallel_loop3A_871 : i32 to index
      %parallel_loop3A_875 = arith.constant 96 : index
      %parallel_loop3A_876 = tpu.vector_load %arg5[%parallel_loop3A_872, %parallel_loop3A_873, %parallel_loop3A_874, %parallel_loop3A_875] {strides = array<i32>} : memref<4x6x8x128xf32, #tpu.memory_space<vmem>>, vector<16xf32>,
      tpu.vector_store %arg5[%parallel_loop3A_872, %parallel_loop3A_873, %parallel_loop3A_874, %parallel_loop3A_875], %parallel_loop3A_432 {add = true, strides = array<i32>} : memref<4x6x8x128xf32, #tpu.memory_space<vmem>>, vector<16xf32>,
      %parallel_loop3A_877 = arith.constant 3 : i32
      %parallel_loop3A_878 = arith.constant 7 : i32
      %parallel_loop3A_879 = arith.index_cast %parallel_loop3A_877 : i32 to index
      %parallel_loop3A_880 = arith.index_cast %parallel_loop3A_411 : i32 to index
      %parallel_loop3A_881 = arith.index_cast %parallel_loop3A_878 : i32 to index
      %parallel_loop3A_882 = arith.constant 112 : index
      %parallel_loop3A_883 = tpu.vector_load %arg5[%parallel_loop3A_879, %parallel_loop3A_880, %parallel_loop3A_881, %parallel_loop3A_882] {strides = array<i32>} : memref<4x6x8x128xf32, #tpu.memory_space<vmem>>, vector<16xf32>,
      tpu.vector_store %arg5[%parallel_loop3A_879, %parallel_loop3A_880, %parallel_loop3A_881, %parallel_loop3A_882], %parallel_loop3A_435 {add = true, strides = array<i32>} : memref<4x6x8x128xf32, #tpu.memory_space<vmem>>, vector<16xf32>,
    } {sc.loop_unroll_factor = 1 : i64, sc.parallel_access}
    %dma_start3A_301 = arith.constant 3 : i32
    %dma_start3A_302 = arith.constant 3 : i32
    %dma_start3A_303 = arith.constant 0 : i32
    %dma_start3A_304 = arith.constant 0 : i32
    %dma_start3A_305 = arith.constant 0 : i32
    %dma_start3A_306 = tpu.memref_slice %arg5[%dma_start3A_301, %dma_start3A_303, %dma_start3A_304, %dma_start3A_305] : memref<4x6x8x128xf32, #tpu.memory_space<vmem>> -> memref<1x6x8x128xf32, #tpu.memory_space<vmem>>
    %dma_start3A_307 = tpu.memref_squeeze %dma_start3A_306 : memref<1x6x8x128xf32, #tpu.memory_space<vmem>> -> memref<6x8x128xf32, #tpu.memory_space<vmem>>
    %dma_start3A_308 = arith.constant 0 : i32
    %dma_start3A_309 = arith.constant 0 : i32
    %dma_start3A_310 = arith.constant 0 : i32
    %dma_start3A_311 = tpu.memref_slice %arg4[%add3A, %dma_start3A_302, %dma_start3A_308, %dma_start3A_309, %dma_start3A_310] : memref<32x4x6x8x128xf32, #tpu.memory_space<hbm>> -> memref<1x1x6x8x128xf32, #tpu.memory_space<hbm>>
    %dma_start3A_312 = tpu.memref_squeeze %dma_start3A_311 : memref<1x1x6x8x128xf32, #tpu.memory_space<hbm>> -> memref<6x8x128xf32, #tpu.memory_space<hbm>>
    %dma_start3A_313 = arith.constant 0 : i32
    %dma_start3A_314 = arith.constant 0 : i32
    %dma_start3A_315 = arith.constant 0 : i32
    %dma_start3A_316 = tpu.memref_slice %arg4[%add3A, %dma_start3A_302, %dma_start3A_313, %dma_start3A_314, %dma_start3A_315] : memref<32x4x6x8x128xf32, #tpu.memory_space<hbm>> -> memref<1x1x6x8x128xf32, #tpu.memory_space<hbm>>
    %dma_start3A_317 = tpu.memref_squeeze %dma_start3A_316 : memref<1x1x6x8x128xf32, #tpu.memory_space<hbm>> -> memref<6x8x128xf32, #tpu.memory_space<hbm>>
    %dma_start3A_318 = arith.constant 0 : i32
    %dma_start3A_319 = arith.constant 0 : i32
    %dma_start3A_320 = arith.constant 0 : i32
    %dma_start3A_321 = tpu.memref_slice %arg5[%dma_start3A_301, %dma_start3A_318, %dma_start3A_319, %dma_start3A_320] : memref<4x6x8x128xf32, #tpu.memory_space<vmem>> -> memref<1x6x8x128xf32, #tpu.memory_space<vmem>>
    %dma_start3A_322 = tpu.memref_squeeze %dma_start3A_321 : memref<1x6x8x128xf32, #tpu.memory_space<vmem>> -> memref<6x8x128xf32, #tpu.memory_space<vmem>>
    tpu.enqueue_dma source(%dma_start3A_322 : memref<6x8x128xf32, #tpu.memory_space<vmem>>) target(%dma_start3A_317 : memref<6x8x128xf32, #tpu.memory_space<hbm>>) target_semaphore(%arg13 : memref<!tpu.dma_semaphore, #tpu.memory_space<semaphore_mem>>)
    %dma_wait3A_323 = arith.constant 0 : i32
    %dma_wait3A_324 = arith.constant 0 : i32
    %dma_wait3A_325 = arith.constant 0 : i32
    %dma_wait3A_326 = arith.constant 0 : i32
    %dma_wait3A_327 = arith.constant 0 : i32
    %dma_wait3A_328 = tpu.memref_slice %arg5[%dma_wait3A_323, %dma_wait3A_325, %dma_wait3A_326, %dma_wait3A_327] : memref<4x6x8x128xf32, #tpu.memory_space<vmem>> -> memref<1x6x8x128xf32, #tpu.memory_space<vmem>>
    %dma_wait3A_329 = tpu.memref_squeeze %dma_wait3A_328 : memref<1x6x8x128xf32, #tpu.memory_space<vmem>> -> memref<6x8x128xf32, #tpu.memory_space<vmem>>
    %dma_wait3A_330 = arith.constant 0 : i32
    %dma_wait3A_331 = arith.constant 0 : i32
    %dma_wait3A_332 = arith.constant 0 : i32
    %dma_wait3A_333 = tpu.memref_slice %arg4[%add3A, %dma_wait3A_324, %dma_wait3A_330, %dma_wait3A_331, %dma_wait3A_332] : memref<32x4x6x8x128xf32, #tpu.memory_space<hbm>> -> memref<1x1x6x8x128xf32, #tpu.memory_space<hbm>>
    %dma_wait3A_334 = tpu.memref_squeeze %dma_wait3A_333 : memref<1x1x6x8x128xf32, #tpu.memory_space<hbm>> -> memref<6x8x128xf32, #tpu.memory_space<hbm>>
    %dma_wait3A_335 = arith.constant 0 : i32
    %dma_wait3A_336 = arith.constant 0 : i32
    %dma_wait3A_337 = arith.constant 0 : i32
    %dma_wait3A_338 = tpu.memref_slice %arg4[%add3A, %dma_wait3A_324, %dma_wait3A_335, %dma_wait3A_336, %dma_wait3A_337] : memref<32x4x6x8x128xf32, #tpu.memory_space<hbm>> -> memref<1x1x6x8x128xf32, #tpu.memory_space<hbm>>
    %dma_wait3A_339 = tpu.memref_squeeze %dma_wait3A_338 : memref<1x1x6x8x128xf32, #tpu.memory_space<hbm>> -> memref<6x8x128xf32, #tpu.memory_space<hbm>>
    %dma_wait3A_340 = arith.constant 0 : i32
    %dma_wait3A_341 = arith.constant 0 : i32
    %dma_wait3A_342 = arith.constant 0 : i32
    %dma_wait3A_343 = tpu.memref_slice %arg5[%dma_wait3A_323, %dma_wait3A_340, %dma_wait3A_341, %dma_wait3A_342] : memref<4x6x8x128xf32, #tpu.memory_space<vmem>> -> memref<1x6x8x128xf32, #tpu.memory_space<vmem>>
    %dma_wait3A_344 = tpu.memref_squeeze %dma_wait3A_343 : memref<1x6x8x128xf32, #tpu.memory_space<vmem>> -> memref<6x8x128xf32, #tpu.memory_space<vmem>>
    tpu.wait_dma2 semaphore(%arg13 : memref<!tpu.dma_semaphore, #tpu.memory_space<semaphore_mem>>) src(%dma_wait3A_344 : memref<6x8x128xf32, #tpu.memory_space<vmem>>) dst(%dma_wait3A_339 : memref<6x8x128xf32, #tpu.memory_space<hbm>>)
    %dma_wait3A_345 = arith.constant 1 : i32
    %dma_wait3A_346 = arith.constant 1 : i32
    %dma_wait3A_347 = arith.constant 0 : i32
    %dma_wait3A_348 = arith.constant 0 : i32
    %dma_wait3A_349 = arith.constant 0 : i32
    %dma_wait3A_350 = tpu.memref_slice %arg5[%dma_wait3A_345, %dma_wait3A_347, %dma_wait3A_348, %dma_wait3A_349] : memref<4x6x8x128xf32, #tpu.memory_space<vmem>> -> memref<1x6x8x128xf32, #tpu.memory_space<vmem>>
    %dma_wait3A_351 = tpu.memref_squeeze %dma_wait3A_350 : memref<1x6x8x128xf32, #tpu.memory_space<vmem>> -> memref<6x8x128xf32, #tpu.memory_space<vmem>>
    %dma_wait3A_352 = arith.constant 0 : i32
    %dma_wait3A_353 = arith.constant 0 : i32
    %dma_wait3A_354 = arith.constant 0 : i32
    %dma_wait3A_355 = tpu.memref_slice %arg4[%add3A, %dma_wait3A_346, %dma_wait3A_352, %dma_wait3A_353, %dma_wait3A_354] : memref<32x4x6x8x128xf32, #tpu.memory_space<hbm>> -> memref<1x1x6x8x128xf32, #tpu.memory_space<hbm>>
    %dma_wait3A_356 = tpu.memref_squeeze %dma_wait3A_355 : memref<1x1x6x8x128xf32, #tpu.memory_space<hbm>> -> memref<6x8x128xf32, #tpu.memory_space<hbm>>
    %dma_wait3A_357 = arith.constant 0 : i32
    %dma_wait3A_358 = arith.constant 0 : i32
    %dma_wait3A_359 = arith.constant 0 : i32
    %dma_wait3A_360 = tpu.memref_slice %arg4[%add3A, %dma_wait3A_346, %dma_wait3A_357, %dma_wait3A_358, %dma_wait3A_359] : memref<32x4x6x8x128xf32, #tpu.memory_space<hbm>> -> memref<1x1x6x8x128xf32, #tpu.memory_space<hbm>>
    %dma_wait3A_361 = tpu.memref_squeeze %dma_wait3A_360 : memref<1x1x6x8x128xf32, #tpu.memory_space<hbm>> -> memref<6x8x128xf32, #tpu.memory_space<hbm>>
    %dma_wait3A_362 = arith.constant 0 : i32
    %dma_wait3A_363 = arith.constant 0 : i32
    %dma_wait3A_364 = arith.constant 0 : i32
    %dma_wait3A_365 = tpu.memref_slice %arg5[%dma_wait3A_345, %dma_wait3A_362, %dma_wait3A_363, %dma_wait3A_364] : memref<4x6x8x128xf32, #tpu.memory_space<vmem>> -> memref<1x6x8x128xf32, #tpu.memory_space<vmem>>
    %dma_wait3A_366 = tpu.memref_squeeze %dma_wait3A_365 : memref<1x6x8x128xf32, #tpu.memory_space<vmem>> -> memref<6x8x128xf32, #tpu.memory_space<vmem>>
    tpu.wait_dma2 semaphore(%arg13 : memref<!tpu.dma_semaphore, #tpu.memory_space<semaphore_mem>>) src(%dma_wait3A_366 : memref<6x8x128xf32, #tpu.memory_space<vmem>>) dst(%dma_wait3A_361 : memref<6x8x128xf32, #tpu.memory_space<hbm>>)
    %dma_wait3A_367 = arith.constant 2 : i32
    %dma_wait3A_368 = arith.constant 2 : i32
    %dma_wait3A_369 = arith.constant 0 : i32
    %dma_wait3A_370 = arith.constant 0 : i32
    %dma_wait3A_371 = arith.constant 0 : i32
    %dma_wait3A_372 = tpu.memref_slice %arg5[%dma_wait3A_367, %dma_wait3A_369, %dma_wait3A_370, %dma_wait3A_371] : memref<4x6x8x128xf32, #tpu.memory_space<vmem>> -> memref<1x6x8x128xf32, #tpu.memory_space<vmem>>
    %dma_wait3A_373 = tpu.memref_squeeze %dma_wait3A_372 : memref<1x6x8x128xf32, #tpu.memory_space<vmem>> -> memref<6x8x128xf32, #tpu.memory_space<vmem>>
    %dma_wait3A_374 = arith.constant 0 : i32
    %dma_wait3A_375 = arith.constant 0 : i32
    %dma_wait3A_376 = arith.constant 0 : i32
    %dma_wait3A_377 = tpu.memref_slice %arg4[%add3A, %dma_wait3A_368, %dma_wait3A_374, %dma_wait3A_375, %dma_wait3A_376] : memref<32x4x6x8x128xf32, #tpu.memory_space<hbm>> -> memref<1x1x6x8x128xf32, #tpu.memory_space<hbm>>
    %dma_wait3A_378 = tpu.memref_squeeze %dma_wait3A_377 : memref<1x1x6x8x128xf32, #tpu.memory_space<hbm>> -> memref<6x8x128xf32, #tpu.memory_space<hbm>>
    %dma_wait3A_379 = arith.constant 0 : i32
    %dma_wait3A_380 = arith.constant 0 : i32
    %dma_wait3A_381 = arith.constant 0 : i32
    %dma_wait3A_382 = tpu.memref_slice %arg4[%add3A, %dma_wait3A_368, %dma_wait3A_379, %dma_wait3A_380, %dma_wait3A_381] : memref<32x4x6x8x128xf32, #tpu.memory_space<hbm>> -> memref<1x1x6x8x128xf32, #tpu.memory_space<hbm>>
    %dma_wait3A_383 = tpu.memref_squeeze %dma_wait3A_382 : memref<1x1x6x8x128xf32, #tpu.memory_space<hbm>> -> memref<6x8x128xf32, #tpu.memory_space<hbm>>
    %dma_wait3A_384 = arith.constant 0 : i32
    %dma_wait3A_385 = arith.constant 0 : i32
    %dma_wait3A_386 = arith.constant 0 : i32
    %dma_wait3A_387 = tpu.memref_slice %arg5[%dma_wait3A_367, %dma_wait3A_384, %dma_wait3A_385, %dma_wait3A_386] : memref<4x6x8x128xf32, #tpu.memory_space<vmem>> -> memref<1x6x8x128xf32, #tpu.memory_space<vmem>>
    %dma_wait3A_388 = tpu.memref_squeeze %dma_wait3A_387 : memref<1x6x8x128xf32, #tpu.memory_space<vmem>> -> memref<6x8x128xf32, #tpu.memory_space<vmem>>
    tpu.wait_dma2 semaphore(%arg13 : memref<!tpu.dma_semaphore, #tpu.memory_space<semaphore_mem>>) src(%dma_wait3A_388 : memref<6x8x128xf32, #tpu.memory_space<vmem>>) dst(%dma_wait3A_383 : memref<6x8x128xf32, #tpu.memory_space<hbm>>)
    %dma_wait3A_389 = arith.constant 3 : i32
    %dma_wait3A_390 = arith.constant 3 : i32
    %dma_wait3A_391 = arith.constant 0 : i32
    %dma_wait3A_392 = arith.constant 0 : i32
    %dma_wait3A_393 = arith.constant 0 : i32
    %dma_wait3A_394 = tpu.memref_slice %arg5[%dma_wait3A_389, %dma_wait3A_391, %dma_wait3A_392, %dma_wait3A_393] : memref<4x6x8x128xf32, #tpu.memory_space<vmem>> -> memref<1x6x8x128xf32, #tpu.memory_space<vmem>>
    %dma_wait3A_395 = tpu.memref_squeeze %dma_wait3A_394 : memref<1x6x8x128xf32, #tpu.memory_space<vmem>> -> memref<6x8x128xf32, #tpu.memory_space<vmem>>
    %dma_wait3A_396 = arith.constant 0 : i32
    %dma_wait3A_397 = arith.constant 0 : i32
    %dma_wait3A_398 = arith.constant 0 : i32
    %dma_wait3A_399 = tpu.memref_slice %arg4[%add3A, %dma_wait3A_390, %dma_wait3A_396, %dma_wait3A_397, %dma_wait3A_398] : memref<32x4x6x8x128xf32, #tpu.memory_space<hbm>> -> memref<1x1x6x8x128xf32, #tpu.memory_space<hbm>>
    %dma_wait3A_400 = tpu.memref_squeeze %dma_wait3A_399 : memref<1x1x6x8x128xf32, #tpu.memory_space<hbm>> -> memref<6x8x128xf32, #tpu.memory_space<hbm>>
    %dma_wait3A_401 = arith.constant 0 : i32
    %dma_wait3A_402 = arith.constant 0 : i32
    %dma_wait3A_403 = arith.constant 0 : i32
    %dma_wait3A_404 = tpu.memref_slice %arg4[%add3A, %dma_wait3A_390, %dma_wait3A_401, %dma_wait3A_402, %dma_wait3A_403] : memref<32x4x6x8x128xf32, #tpu.memory_space<hbm>> -> memref<1x1x6x8x128xf32, #tpu.memory_space<hbm>>
    %dma_wait3A_405 = tpu.memref_squeeze %dma_wait3A_404 : memref<1x1x6x8x128xf32, #tpu.memory_space<hbm>> -> memref<6x8x128xf32, #tpu.memory_space<hbm>>
    %dma_wait3A_406 = arith.constant 0 : i32
    %dma_wait3A_407 = arith.constant 0 : i32
    %dma_wait3A_408 = arith.constant 0 : i32
    %dma_wait3A_409 = tpu.memref_slice %arg5[%dma_wait3A_389, %dma_wait3A_406, %dma_wait3A_407, %dma_wait3A_408] : memref<4x6x8x128xf32, #tpu.memory_space<vmem>> -> memref<1x6x8x128xf32, #tpu.memory_space<vmem>>
    %dma_wait3A_410 = tpu.memref_squeeze %dma_wait3A_409 : memref<1x6x8x128xf32, #tpu.memory_space<vmem>> -> memref<6x8x128xf32, #tpu.memory_space<vmem>>
    tpu.wait_dma2 semaphore(%arg13 : memref<!tpu.dma_semaphore, #tpu.memory_space<semaphore_mem>>) src(%dma_wait3A_410 : memref<6x8x128xf32, #tpu.memory_space<vmem>>) dst(%dma_wait3A_405 : memref<6x8x128xf32, #tpu.memory_space<hbm>>)
    return
  }
}

</mosaic_0001>

<sc_bundles>
// kernel: kernel.3.cloned.1.call-start
scs
__scs_entry_jumppad:
0x0: {  	(pc) =	sbr.rel $0x88, $3  }
0x1: {  	(tag) =	ssettag $0x0;
	lr =	simm.s32 $0x1  }
0x2: {  	[smem:$0x3F9F] =	sst lr;
	_ =	strace $0xD0000000  }
0x3: {  	_ = 	snop  }
0x4: {  	_ = 	snop  }
0x5: {  	_ = 	snop  }
0x6: {  	_ = 	snop  }
0x7: {  	_ = 	snop  }
__scs_overlays_trampoline_lowered:
0x8: {  	[smem:$0x3FAE] =	sst s0  }
0x9: {  	[smem:$0x3FAF] =	sst s1  }
0xa: {  	[smem:$0x3FB0] =	sst s2  }
0xb: {  	[smem:$0x3FB1] =	sst s3  }
0xc: {  	[smem:$0x3FB2] =	sst s4  }
0xd: {  	[smem:$0x3FB3] =	sst s5  }
0xe: {  	[smem:$0x3FB4] =	sst s6  }
0xf: {  	[smem:$0x3FB5] =	sst s7  }
0x10: {  	[smem:$0x3FB6] =	sst s8  }
0x11: {  	[smem:$0x3FB7] =	sst s9;
	s0 =	simm.s32 @!p0 $0x0  }
0x12: {  	s1 =	sld [smem:$0x3F9D];
	s0 =	simm.s32 @p0 $0x1  }
0x13: {  	[smem:$0x3FB8] =	sst s0;
	s0 =	simm.s32 @!p1 $0x0  }
0x14: {  	s2 =	sld [smem:$0x3F9C];
	s0 =	simm.s32 @p1 $0x1  }
0x15: {  	[smem:$0x3FB9] =	sst s0;
	s0 =	simm.s32 @!p2 $0x0  }
0x16: {  	s3 =	sld [smem:$0x3FDB];
	s0 =	simm.s32 @p2 $0x1  }
0x17: {  	s4 =	simm.s32 $0x1BF5;
	[smem:$0x3FBB] =	sst s0  }
0x18: {  	s0 =	sld [smem:$0x3F9E];
	_ =	swait.ge [sflag:s4], $0x0  }
0x19: {  	s7 =	sld [smem:$0x3F9F]  }
0x1a: {  	s8 =	sadd.s32 $0xFFFFE003, lr  }
0x1b: {  	s9 =	sadd.s32 $0xFFFFFEF7, lr;
	s5 =	simm.s32 $0xFFFFFFFF;
	p2 =	slt.u32 s8, $0xFFFFF086  }
0x1c: {  	p1 =	slt.u32 s9, $0xF7A;
	s5 =	simm.s32 @!p2 $0x0  }
0x1d: {  	s5 =	simm.s32 @p1 $0x1;
	p0 =	seq.s32 s7, s2  }
0x1e: {  	s7 =	smul.u32 @!p0 $0xF7A, s2;
	p2 =	seq.s32 @!p0 s5, $0x0  }
0x1f: {  	s9 =	smul.u32 $0xF7A, s1;
	s8 =	simm.s32 @!p0 $0x1BF5;
	p2 =	por !p2, p0  }
0x20: {  	[sflag:s8] =	ssyncset.s32 @!p0 $0xFFFFF086;
	s6 =	sadd.s32 @!p0 s3, s7;
	s7 =	simm.s32 @!p0 $0x108  }
0x21: {  	s3 =	sadd.s32 s3, s9;
	s6 =	sadd.s32 @!p0 $0x88, s6;
	s7 =	simm.s32 @p2 $0x1082  }
0x22: {  	[simem:s7], [sflag:s8] =	dma.local @!p0 [hbm:s6], $0xF7A  }
0x23: {  	s9 =	sor.u32 $0xD0000000, s2;
	s6 =	simm.s32 $0x108;
	_ =	swait.ge @!p0 [sflag:s8], $0x0  }
0x24: {  	s3 =	sadd.s32 $0x88, s3;
	s6 =	simm.s32 @!p1 $0x1082;
	[sflag:s4] =	ssyncset.s32 $0xFFFFF086  }
0x25: {  	[simem:s6], [sflag:s4] =	dma.local [hbm:s3], $0xF7A  }
0x26: {  	[smem:$0x3F9F] =	sst s1;
	(tag) =	ssettag s2;
	_ =	strace s9  }
0x27: {  	s1 =	sld [smem:$0x3FAF]  }
0x28: {  	s2 =	sld [smem:$0x3FB0]  }
0x29: {  	s4 =	sld [smem:$0x3FB2]  }
0x2a: {  	p0 =	seq.s32 s5, $0x0;
	s5 =	sld [smem:$0x3FB3]  }
0x2b: {  	s6 =	sld [smem:$0x3FB4]  }
0x2c: {  	s7 =	sld [smem:$0x3FB5]  }
0x2d: {  	s3 =	simm.s32 $0x108;
	s8 =	sld [smem:$0x3FB6]  }
0x2e: {  	s3 =	simm.s32 @!p0 $0x1082;
	s9 =	sld [smem:$0x3FB7]  }
0x2f: {  	lr =	sadd.s32 s0, s3;
	s0 =	sld [smem:$0x3FAE]  }
0x30: {  	s3 =	sld [smem:$0x3FB1]  }
0x31: {  	[smem:$0x3FBA] =	sst s10  }
0x32: {  	s10 =	sld [smem:$0x3FB8];
	_ =	sdelay $0x3  }
0x33: {  	p0 =	seq.s32 s10, $0x1;
	s10 =	sld [smem:$0x3FBA];
	_ =	sdelay $0x3  }
0x34: {  	[smem:$0x3FBA] =	sst s10  }
0x35: {  	s10 =	sld [smem:$0x3FB9];
	_ =	sdelay $0x3  }
0x36: {  	p1 =	seq.s32 s10, $0x1;
	s10 =	sld [smem:$0x3FBA];
	_ =	sdelay $0x3  }
0x37: {  	[smem:$0x3FBA] =	sst s10  }
0x38: {  	s10 =	sld [smem:$0x3FBB]  }
0x39: {  	_ = 	snop;
	(pc) =	sbr.ind lr, $3  }
0x3a: {  	_ = 	snop  }
0x3b: {  	_ = 	snop  }
0x3c: {  	p2 =	seq.s32 s10, $0x1;
	s10 =	sld [smem:$0x3FBA]  }
0x3d: {  	_ =	shalt  }
0x3e: {  	_ =	shalt  }
0x3f: {  	_ =	shalt  }
0x40: {  	_ =	shalt  }
0x41: {  	_ =	shalt  }
0x42: {  	_ =	shalt  }
0x43: {  	_ =	shalt  }
0x44: {  	_ =	shalt  }
0x45: {  	_ =	shalt  }
0x46: {  	_ =	shalt  }
0x47: {  	_ =	shalt  }
0x48: {  	_ =	shalt  }
0x49: {  	_ =	shalt  }
0x4a: {  	_ =	shalt  }
0x4b: {  	_ =	shalt  }
0x4c: {  	_ =	shalt  }
0x4d: {  	_ =	shalt  }
0x4e: {  	_ =	shalt  }
0x4f: {  	_ =	shalt  }
0x50: {  	_ =	shalt  }
0x51: {  	_ =	shalt  }
0x52: {  	_ =	shalt  }
0x53: {  	_ =	shalt  }
0x54: {  	_ =	shalt  }
0x55: {  	_ =	shalt  }
0x56: {  	_ =	shalt  }
0x57: {  	_ =	shalt  }
0x58: {  	_ =	shalt  }
0x59: {  	_ =	shalt  }
0x5a: {  	_ =	shalt  }
0x5b: {  	_ =	shalt  }
0x5c: {  	_ =	shalt  }
0x5d: {  	_ =	shalt  }
0x5e: {  	_ =	shalt  }
0x5f: {  	_ =	shalt  }
0x60: {  	_ =	shalt  }
0x61: {  	_ =	shalt  }
0x62: {  	_ =	shalt  }
0x63: {  	_ =	shalt  }
0x64: {  	_ =	shalt  }
0x65: {  	_ =	shalt  }
0x66: {  	_ =	shalt  }
0x67: {  	_ =	shalt  }
0x68: {  	_ =	shalt  }
0x69: {  	_ =	shalt  }
0x6a: {  	_ =	shalt  }
0x6b: {  	_ =	shalt  }
0x6c: {  	_ =	shalt  }
0x6d: {  	_ =	shalt  }
0x6e: {  	_ =	shalt  }
0x6f: {  	_ =	shalt  }
0x70: {  	_ =	shalt  }
0x71: {  	_ =	shalt  }
0x72: {  	_ =	shalt  }
0x73: {  	_ =	shalt  }
0x74: {  	_ =	shalt  }
0x75: {  	_ =	shalt  }
0x76: {  	_ =	shalt  }
0x77: {  	_ =	shalt  }
0x78: {  	_ =	shalt  }
0x79: {  	_ =	shalt  }
0x7a: {  	_ =	shalt  }
0x7b: {  	_ =	shalt  }
0x7c: {  	_ =	shalt  }
0x7d: {  	_ =	shalt  }
0x7e: {  	_ =	shalt  }
0x7f: {  	_ =	shalt  }
0x80: {  	_ =	shalt  }
0x81: {  	_ =	shalt  }
0x82: {  	_ =	shalt  }
0x83: {  	_ =	shalt  }
0x84: {  	_ =	shalt  }
0x85: {  	_ =	shalt  }
0x86: {  	_ =	shalt  }
0x87: {  	_ =	shalt  }
.Lfunc_end0:
.L_simem_size_0:
called_computation_lowered:
.L_overlay_start_0:
0x88: {  	s2 =	sld [smem:$0x3FD9]  }
0x89: {  	s3 =	sld [smem:$0x3FFE];
	_ =	sdelay $0x1  }
0x8a: {  	s1 =	srdreg.scid  }
0x8b: {  	s0 =	sand.u32 $0x1, s1  }
0x8c: {  	s18 =	sshll.u32 s0, $0xA;
	s2 =	sadd.s32 s3, s2  }
0x8d: {  	s2 =	sadd.s32 s2, s18  }
0x8e: {  	[smem:$0x3FC6] =	sst s2  }
0x8f: {  	_ = 	snop  }
0x90: {  	s2 =	sld [smem:$0x3FC9]  }
0x91: {  	s19 =	sld [smem:$0x3FC8]  }
0x92: {  	s4 =	sld [smem:$0x3FD0];
	(tm) =	ssettm $0x1  }
0x93: {  	s5 =	sld [smem:$0x3FFB];
	_ =	sdelay $0x3  }
0x94: {  	_ =	strace s5  }
0x95: {  	s5 =	sld [smem:$0x3FFC];
	_ =	sdelay $0x3  }
0x96: {  	_ =	strace s5  }
0x97: {  	s5 =	sld [smem:$0x3FFD];
	_ =	sdelay $0x3  }
0x98: {  	_ =	strace s5  }
0x99: {  	_ =	strace $0x8FFFFFFF  }
0x9a: {  	s20 =	sld [smem:$0x3FDB];
	_ =	sdelay $0x1  }
0x9b: {  	s6 =	simm.s32 $_scs_section_size  }
0x9c: {  	s7 =	simm.s32 $_size__tile_overlayer_lowered;
	s8 =	simm.s32 $_tile_overlayer_lowered  }
0x9d: {  	s23 =	simm.s32 $0x1BFF;
	s22 =	sshll.u32 s8, $0x1;
	s5 =	sadd.s32 s6, s20  }
0x9e: {  	s9 =	simm.s32 $0x0;
	s21 =	sshll.u32 s7, $0x1;
	s7 =	sadd.s32 s22, s5  }
0x9f: {  	[timem:s9], [sflag:s23] =	dma.local [hbm:s7], s21  }
0xa0: {  	_ =	swait.ge [sflag:s23], s21  }
0xa1: {  	s6 =	ssub.s32 $0x0, s21;
	[sflag:s23] =	ssyncset.done $0x0  }
0xa2: {  	[sflag:s23] =	ssyncadd.s32 s6;
	_ =	sdelay $0x1  }
0xa3: {  	s24 =	simm.s32 $0x1B8B  }
0xa4: {  	_ =	swait.ge [sflag:s24], $0x1  }
0xa5: {  	[sflag:s24] =	ssyncset.done $0x0  }
0xa6: {  	s25 =	simm.s32 $0x1B8E;
	[sflag:s24] =	ssyncadd.s32 $0xFFFFFFFF  }
0xa7: {  	s26 =	simm.s32 $execute0_lowered;
	[smem:$0x3FD2] =	sst s25  }
0xa8: {  	s6 =	sshll.u32 s26, $0x1;
	_ =	strace $0x80000046;
	[dreg:$0x1] =	wrdreg $0xFFFFFFFF  }
0xa9: {  	s28 =	simm.s32 $_size_execute0_lowered;
	s5 =	sadd.s32 s5, s6;
	[dreg:$0x0] =	wrdreg $0x0  }
0xaa: {  	s6 =	sshll.u32 s28, $0x1;
	[dreg:$0x2] =	wrdreg s5  }
0xab: {  	[dreg:$0x3] =	wrdreg s6  }
0xac: {  	[dreg:$0x4] =	wrdreg $0xC0  }
0xad: {  	_ =	task [dreg:s9], $0x5FFFF  }
0xae: {  	[dreg:$0x1] =	wrdreg $0xFFFFFFFF  }
0xaf: {  	[dreg:$0x0] =	wrdreg $0x60  }
0xb0: {  	[dreg:$0x2] =	wrdreg s2  }
0xb1: {  	[dreg:$0x3] =	wrdreg s19  }
0xb2: {  	[dreg:$0x4] =	wrdreg s4  }
0xb3: {  	[dreg:$0x5] =	wrdreg $0x63000  }
0xb4: {  	[dreg:$0x6] =	wrdreg $0x9  }
0xb5: {  	_ =	task.clear_ibuf [dreg:s9], $0x7FFFF;
	_ =	strace $0x90000046  }
0xb6: {  	s29 =	simm.s32 $0x9;
	_ =	strace $0x80000048  }
0xb7: {  	_ =	swait.ge [sflag:s29], $0x1  }
0xb8: {  	[sflag:s29] =	ssyncadd.s32 $0xFFFFFFFF  }
0xb9: {  	_ =	strace $0x90000048  }
0xba: {  	_ =	sfence  }
0xbb: {  	s30 =	sld [smem:$0x0];
	_ =	sdelay $0x2  }
0xbc: {  	s31 =	sshll.u32 s1, $0xD;
	s1 =	sshrl.u32 s1, $0x2  }
0xbd: {  	s3 =	sand.u32 $0x4000, s31;
	s1 =	sadd.s32 s1, s30  }
0xbe: {  	s0 =	sor.u32 s3, s0;
	s1 =	sshll.u32 s1, $0x11  }
0xbf: {  	s0 =	sor.u32 s1, s0  }
0xc0: {  	s0 =	sadd.s32 $0x8F2B, s0  }
0xc1: {  	[sflag:s0] =	ssyncadd.remote.s32 $0x1  }
0xc2: {  	_ =	sfence.sel $0xFFFF  }
0xc3: {  	[dreg:$0x0] =	wrdreg $0xFFFFFFFF;
	(pc) =	sbr.abs _section_cstart, $3  }
0xc4: {  	[dreg:$0x1] =	wrdreg $0xFFFFFFFF  }
0xc5: {  	_ =	task.clear_ibuf [dreg:s9], $0x2FFFF;
	_ =	strace $0x9FFFFFFF  }
0xc6: {  	(tm) =	ssettm $0x7FFFFFFF  }
0xc7: {  	_ =	shalt  }
tec
execute0_lowered:
.L_overlay_start_1:
0x0: {  	(tag) =	ssettag $0x1  }
0x1: {  	s0 =	rddreg [dreg:$0x0]  }
0x2: {  	s1 =	rddreg [dreg:$0x1]  }
0x3: {  	s9 =	rddreg [dreg:$0x2]  }
0x4: {  	s2 =	rddreg [dreg:$0x3];
	s3 =	srdreg.scid  }
0x5: {  	s17 =	stileid.u32;
	s14 =	simm.s32 $0x80;
	s15 =	simm.s32 $0x400  }
0x6: {  	s16 =	simm.s32 $0x6000;
	s19 =	simm.s32 $0x1;
	s20 =	simm.s32 $0x1800  }
0x7: {  	s21 =	simm.s32 $0x3000;
	s22 =	simm.s32 $0x4800;
	s23 =	simm.s32 $0x2  }
0x8: {  	s28 =	simm.s32 $0x6;
	s29 =	simm.s32 $0x0;
	s4 =	sand.u32 $0x1, s3  }
0x9: {  	s5 =	sshll.u32 s17, $0x1;
	s3 =	simm.s32 $0x0;
	s6 =	sshrl.u32 s17, $0x2  }
0xa: {  	s24 =	smul.u32 $0x1800, s17;
	p0 =	sgt.u32 s17, $0x3;
	s5 =	sor.u32 s4, s5  }
0xb: {  	[smem:$0x7FF] =	sst s3;
	s6 =	smul.u32 $0x1800, s6;
	s4 =	ssub.s32 $0x2, s4  }
0xc: {  	s7 =	sshll.u32 s5, $0x7;
	_ =	strace $0x80000047;
	s8 =	sshrl.u32 s4, $0x1  }
0xd: {  	s26 =	smul.u32 $0x6000, s5;
	s30 =	sshrl.u32 s24, $0x3;
	s7 =	sand.u32 $0x380, s7  }
0xe: {  	s13 =	ssub.s32 s4, s8;
	s5 =	sadd.s32 s1, s30;
	s8 =	sadd.s32 $0x4800, s2  }
0xf: {  	s1 =	sshll.u32 @!p0 s17, $0x6;
	s6 =	sor.u32 s6, s7;
	s31 =	sshrl.u32 s26, $0x3  }
0x10: {  	s7 =	sadd.s32 $0x3000, s2;
	s13 =	smax.u32 s13, $0x1;
	s17 =	sor.u32 @!p0 $0x1C07, s1  }
0x11: {  	s26 =	simm.s32 $0x5;
	s25 =	sshrl.u32 s6, $0x3;
	s6 =	sadd.s32 $0x1800, s2  }
0x12: {  	s9 =	sadd.s32 s9, s31;
	s4 =	sadd.s32 s0, s25;
	s0 =	sadd.s32 s24, s2  }
0x13: {  	s10 =	sadd.s32 $0x300, s9;
	s11 =	sadd.s32 $0x600, s9;
	s12 =	sadd.s32 $0x900, s9  }
0x14: {  	s24 =	simm.s32 $0x3;
	s25 =	simm.s32 $0x4;
	s18 =	sshrl.u32 @!p0 s0, $0x3  }
.LBB2_1:
0x15: {  	[tilespmem:s16], [sflag:$0x1] =	stream.strided.gather [hbm4b:s4+s14], $0x300, s15, s14, $0x38;
	[tilespmem:$0x6900] =	vst v63  }
0x16: {  	s0 =	simm.s32 @!p0 $0x7  }
0x17: {  	[spmem:s18], [sflag:s17] =	dma.local @!p0 [hbm:s5], $0x300  }
0x18: {  	_ =	swait.ge @!p0 [sflag:s0], $0x300  }
0x19: {  	[sflag:s0] =	ssyncset.done @!p0 $0x0  }
0x1a: {  	[sflag:s0] =	ssyncadd.s32 @!p0 $0xFFFFFD00  }
0x1b: {  	[bflag:$0x0] =	sbarrier.arrive $0xFFFF  }
0x1c: {  	_ =	swait.ge [sflag:s19], $0x300  }
0x1d: {  	[sflag:s19] =	ssyncset.done $0x0  }
0x1e: {  	[sflag:s19] =	ssyncadd.s32 $0xFFFFFD00  }
0x1f: {  	[tilespmem:s3], [sflag:$0x2] =	stream.linear.gather [spmem:s2], $0x1800, $0x38;
	[tilespmem:$0x6900] =	vst v63  }
0x20: {  	_ = 	snop  }
0x21: {  	[tilespmem:s20], [sflag:$0x3] =	stream.linear.gather [spmem:s6], $0x1800, $0x38;
	[tilespmem:$0x6900] =	vst v63  }
0x22: {  	_ = 	snop  }
0x23: {  	[tilespmem:s21], [sflag:$0x4] =	stream.linear.gather [spmem:s7], $0x1800, $0x38;
	[tilespmem:$0x6900] =	vst v63  }
0x24: {  	_ = 	snop  }
0x25: {  	[tilespmem:s22], [sflag:$0x5] =	stream.linear.gather [spmem:s8], $0x1800, $0x38;
	[tilespmem:$0x6900] =	vst v63  }
0x26: {  	_ =	swait.ge [sflag:s23], $0x1800  }
0x27: {  	[sflag:s23] =	ssyncset.done $0x0  }
0x28: {  	s30 =	simm.s32 $0x6040;
	[sflag:s23] =	ssyncadd.s32 $0xFFFFE800  }
0x29: {  	v0 =	vld [tilespmem:s30+$0xFFFFFFC0]  }
0x2a: {  	v1 =	vld [tilespmem:s30+$0xFFFFFFD0]  }
0x2b: {  	v2 =	vld [tilespmem:s30+$0xFFFFFFE0]  }
0x2c: {  	s31 =	simm.s32 $0x0;
	s0 =	simm.s32 $0x1000;
	v3 =	vld [tilespmem:s30+$0x30]  }
.LBB2_2:
0x2d: {  	p1 =	sne.s32 s0, $0x5000;
	v4 =	vld [tilespmem:s30+$0xFFFFFFF0]  }
0x2e: {  	v5 =	vld [tilespmem:s30+$0x0]  }
0x2f: {  	v6 =	vld [tilespmem:s30+$0x10]  }
0x30: {  	s1 =	sshra.s32 s31, $0x2;
	s31 =	smov.u32 s0;
	v7 =	vld [tilespmem:s30+$0x20]  }
0x31: {  	[tilespmem:s1+$0x3F0] =	vst.add.f32.msk $0xffff, v3  }
0x32: {  	[tilespmem:s1+$0x0] =	vst.add.f32.msk $0xffff, v0  }
0x33: {  	[tilespmem:s1+$0x10] =	vst.add.f32.msk $0xffff, v1  }
0x34: {  	[tilespmem:s1+$0x20] =	vst.add.f32.msk $0xffff, v2  }
0x35: {  	[tilespmem:s1+$0x30] =	vst.add.f32.msk $0xffff, v4  }
0x36: {  	[tilespmem:s1+$0x40] =	vst.add.f32.msk $0xffff, v5  }
0x37: {  	[tilespmem:s1+$0x50] =	vst.add.f32.msk $0xffff, v6  }
0x38: {  	[tilespmem:s1+$0x60] =	vst.add.f32.msk $0xffff, v7  }
0x39: {  	[tilespmem:s1+$0x70] =	vst.add.f32.msk $0xffff, v3  }
0x3a: {  	[tilespmem:s1+$0x80] =	vst.add.f32.msk $0xffff, v0  }
0x3b: {  	[tilespmem:s1+$0x90] =	vst.add.f32.msk $0xffff, v1  }
0x3c: {  	[tilespmem:s1+$0xA0] =	vst.add.f32.msk $0xffff, v2  }
0x3d: {  	[tilespmem:s1+$0xB0] =	vst.add.f32.msk $0xffff, v4  }
0x3e: {  	[tilespmem:s1+$0xC0] =	vst.add.f32.msk $0xffff, v5  }
0x3f: {  	[tilespmem:s1+$0xD0] =	vst.add.f32.msk $0xffff, v6  }
0x40: {  	[tilespmem:s1+$0xE0] =	vst.add.f32.msk $0xffff, v7  }
0x41: {  	[tilespmem:s1+$0xF0] =	vst.add.f32.msk $0xffff, v3  }
0x42: {  	[tilespmem:s1+$0x100] =	vst.add.f32.msk $0xffff, v0  }
0x43: {  	[tilespmem:s1+$0x110] =	vst.add.f32.msk $0xffff, v1  }
0x44: {  	[tilespmem:s1+$0x120] =	vst.add.f32.msk $0xffff, v2  }
0x45: {  	[tilespmem:s1+$0x130] =	vst.add.f32.msk $0xffff, v4  }
0x46: {  	[tilespmem:s1+$0x140] =	vst.add.f32.msk $0xffff, v5  }
0x47: {  	[tilespmem:s1+$0x150] =	vst.add.f32.msk $0xffff, v6  }
0x48: {  	[tilespmem:s1+$0x160] =	vst.add.f32.msk $0xffff, v7  }
0x49: {  	[tilespmem:s1+$0x170] =	vst.add.f32.msk $0xffff, v3  }
0x4a: {  	[tilespmem:s1+$0x180] =	vst.add.f32.msk $0xffff, v0  }
0x4b: {  	[tilespmem:s1+$0x190] =	vst.add.f32.msk $0xffff, v1  }
0x4c: {  	[tilespmem:s1+$0x1A0] =	vst.add.f32.msk $0xffff, v2  }
0x4d: {  	[tilespmem:s1+$0x1B0] =	vst.add.f32.msk $0xffff, v4  }
0x4e: {  	[tilespmem:s1+$0x1C0] =	vst.add.f32.msk $0xffff, v5  }
0x4f: {  	[tilespmem:s1+$0x1D0] =	vst.add.f32.msk $0xffff, v6  }
0x50: {  	[tilespmem:s1+$0x1E0] =	vst.add.f32.msk $0xffff, v7  }
0x51: {  	[tilespmem:s1+$0x1F0] =	vst.add.f32.msk $0xffff, v3  }
0x52: {  	[tilespmem:s1+$0x200] =	vst.add.f32.msk $0xffff, v0  }
0x53: {  	[tilespmem:s1+$0x210] =	vst.add.f32.msk $0xffff, v1  }
0x54: {  	[tilespmem:s1+$0x220] =	vst.add.f32.msk $0xffff, v2  }
0x55: {  	[tilespmem:s1+$0x230] =	vst.add.f32.msk $0xffff, v4  }
0x56: {  	[tilespmem:s1+$0x240] =	vst.add.f32.msk $0xffff, v5  }
0x57: {  	[tilespmem:s1+$0x250] =	vst.add.f32.msk $0xffff, v6  }
0x58: {  	[tilespmem:s1+$0x260] =	vst.add.f32.msk $0xffff, v7  }
0x59: {  	[tilespmem:s1+$0x270] =	vst.add.f32.msk $0xffff, v3  }
0x5a: {  	[tilespmem:s1+$0x280] =	vst.add.f32.msk $0xffff, v0  }
0x5b: {  	[tilespmem:s1+$0x290] =	vst.add.f32.msk $0xffff, v1  }
0x5c: {  	[tilespmem:s1+$0x2A0] =	vst.add.f32.msk $0xffff, v2  }
0x5d: {  	[tilespmem:s1+$0x2B0] =	vst.add.f32.msk $0xffff, v4  }
0x5e: {  	[tilespmem:s1+$0x2C0] =	vst.add.f32.msk $0xffff, v5  }
0x5f: {  	[tilespmem:s1+$0x2D0] =	vst.add.f32.msk $0xffff, v6  }
0x60: {  	[tilespmem:s1+$0x2E0] =	vst.add.f32.msk $0xffff, v7  }
0x61: {  	[tilespmem:s1+$0x2F0] =	vst.add.f32.msk $0xffff, v3  }
0x62: {  	[tilespmem:s1+$0x300] =	vst.add.f32.msk $0xffff, v0  }
0x63: {  	[tilespmem:s1+$0x310] =	vst.add.f32.msk $0xffff, v1  }
0x64: {  	[tilespmem:s1+$0x320] =	vst.add.f32.msk $0xffff, v2  }
0x65: {  	[tilespmem:s1+$0x330] =	vst.add.f32.msk $0xffff, v4  }
0x66: {  	[tilespmem:s1+$0x340] =	vst.add.f32.msk $0xffff, v5  }
0x67: {  	[tilespmem:s1+$0x350] =	vst.add.f32.msk $0xffff, v6  }
0x68: {  	[tilespmem:s1+$0x360] =	vst.add.f32.msk $0xffff, v7  }
0x69: {  	[tilespmem:s1+$0x370] =	vst.add.f32.msk $0xffff, v3  }
0x6a: {  	[tilespmem:s1+$0x380] =	vst.add.f32.msk $0xffff, v0  }
0x6b: {  	[tilespmem:s1+$0x390] =	vst.add.f32.msk $0xffff, v1  }
0x6c: {  	[tilespmem:s1+$0x3A0] =	vst.add.f32.msk $0xffff, v2  }
0x6d: {  	[tilespmem:s1+$0x3B0] =	vst.add.f32.msk $0xffff, v4  }
0x6e: {  	[tilespmem:s1+$0x3C0] =	vst.add.f32.msk $0xffff, v5  }
0x6f: {  	[tilespmem:s1+$0x3D0] =	vst.add.f32.msk $0xffff, v6  }
.Ltmp0:
0x70: {  	s30 =	sadd.s32 $0x80, s30;
	[tilespmem:s1+$0x3E0] =	vst.add.f32.msk $0xffff, v7;
	(pc) =	sbr.rel @p1 .LBB2_2-.Ltmp0, $4  }
0x71: {  	v0 =	vld [tilespmem:s30+$0xFFFFFFC0]  }
0x72: {  	v1 =	vld [tilespmem:s30+$0xFFFFFFD0]  }
0x73: {  	v2 =	vld [tilespmem:s30+$0xFFFFFFE0]  }
0x74: {  	s0 =	sadd.s32 $0x1000, s0;
	v3 =	vld [tilespmem:s30+$0x30]  }
0x75: {  	v4 =	vld [tilespmem:s30+$0xFFFFFFF0]  }
0x76: {  	v5 =	vld [tilespmem:s30+$0x0]  }
0x77: {  	v6 =	vld [tilespmem:s30+$0x10]  }
0x78: {  	v7 =	vld [tilespmem:s30+$0x20];
	s0 =	sshra.s32 s31, $0x2  }
0x79: {  	[tilespmem:s0+$0x0] =	vst.add.f32.msk $0xffff, v0  }
0x7a: {  	[tilespmem:s0+$0x80] =	vst.add.f32.msk $0xffff, v0  }
0x7b: {  	[tilespmem:s0+$0x100] =	vst.add.f32.msk $0xffff, v0  }
0x7c: {  	[tilespmem:s0+$0x180] =	vst.add.f32.msk $0xffff, v0  }
0x7d: {  	[tilespmem:s0+$0x200] =	vst.add.f32.msk $0xffff, v0  }
0x7e: {  	[tilespmem:s0+$0x280] =	vst.add.f32.msk $0xffff, v0  }
0x7f: {  	[tilespmem:s0+$0x300] =	vst.add.f32.msk $0xffff, v0  }
0x80: {  	[tilespmem:s0+$0x380] =	vst.add.f32.msk $0xffff, v0  }
0x81: {  	[tilespmem:s0+$0x10] =	vst.add.f32.msk $0xffff, v1  }
0x82: {  	[tilespmem:s0+$0x90] =	vst.add.f32.msk $0xffff, v1  }
0x83: {  	[tilespmem:s0+$0x110] =	vst.add.f32.msk $0xffff, v1  }
0x84: {  	[tilespmem:s0+$0x190] =	vst.add.f32.msk $0xffff, v1  }
0x85: {  	[tilespmem:s0+$0x210] =	vst.add.f32.msk $0xffff, v1  }
0x86: {  	[tilespmem:s0+$0x290] =	vst.add.f32.msk $0xffff, v1  }
0x87: {  	[tilespmem:s0+$0x310] =	vst.add.f32.msk $0xffff, v1  }
0x88: {  	[tilespmem:s0+$0x390] =	vst.add.f32.msk $0xffff, v1  }
0x89: {  	[tilespmem:s0+$0x20] =	vst.add.f32.msk $0xffff, v2  }
0x8a: {  	[tilespmem:s0+$0xA0] =	vst.add.f32.msk $0xffff, v2  }
0x8b: {  	[tilespmem:s0+$0x120] =	vst.add.f32.msk $0xffff, v2  }
0x8c: {  	[tilespmem:s0+$0x1A0] =	vst.add.f32.msk $0xffff, v2  }
0x8d: {  	[tilespmem:s0+$0x220] =	vst.add.f32.msk $0xffff, v2  }
0x8e: {  	[tilespmem:s0+$0x2A0] =	vst.add.f32.msk $0xffff, v2  }
0x8f: {  	[tilespmem:s0+$0x320] =	vst.add.f32.msk $0xffff, v2  }
0x90: {  	[tilespmem:s0+$0x3A0] =	vst.add.f32.msk $0xffff, v2  }
0x91: {  	[tilespmem:s0+$0x3F0] =	vst.add.f32.msk $0xffff, v3  }
0x92: {  	[tilespmem:s0+$0x70] =	vst.add.f32.msk $0xffff, v3  }
0x93: {  	[tilespmem:s0+$0xF0] =	vst.add.f32.msk $0xffff, v3  }
0x94: {  	[tilespmem:s0+$0x170] =	vst.add.f32.msk $0xffff, v3  }
0x95: {  	[tilespmem:s0+$0x1F0] =	vst.add.f32.msk $0xffff, v3  }
0x96: {  	[tilespmem:s0+$0x270] =	vst.add.f32.msk $0xffff, v3  }
0x97: {  	[tilespmem:s0+$0x2F0] =	vst.add.f32.msk $0xffff, v3  }
0x98: {  	[tilespmem:s0+$0x370] =	vst.add.f32.msk $0xffff, v3  }
0x99: {  	[tilespmem:s0+$0x30] =	vst.add.f32.msk $0xffff, v4  }
0x9a: {  	[tilespmem:s0+$0x40] =	vst.add.f32.msk $0xffff, v5  }
0x9b: {  	[tilespmem:s0+$0x50] =	vst.add.f32.msk $0xffff, v6  }
0x9c: {  	[tilespmem:s0+$0x60] =	vst.add.f32.msk $0xffff, v7  }
0x9d: {  	[tilespmem:s0+$0xB0] =	vst.add.f32.msk $0xffff, v4  }
0x9e: {  	[tilespmem:s0+$0xC0] =	vst.add.f32.msk $0xffff, v5  }
0x9f: {  	[tilespmem:s0+$0xD0] =	vst.add.f32.msk $0xffff, v6  }
0xa0: {  	[tilespmem:s0+$0xE0] =	vst.add.f32.msk $0xffff, v7  }
0xa1: {  	[tilespmem:s0+$0x130] =	vst.add.f32.msk $0xffff, v4  }
0xa2: {  	[tilespmem:s0+$0x140] =	vst.add.f32.msk $0xffff, v5  }
0xa3: {  	[tilespmem:s0+$0x150] =	vst.add.f32.msk $0xffff, v6  }
0xa4: {  	[tilespmem:s0+$0x160] =	vst.add.f32.msk $0xffff, v7  }
0xa5: {  	[tilespmem:s0+$0x1B0] =	vst.add.f32.msk $0xffff, v4  }
0xa6: {  	[tilespmem:s0+$0x1C0] =	vst.add.f32.msk $0xffff, v5  }
0xa7: {  	[tilespmem:s0+$0x1D0] =	vst.add.f32.msk $0xffff, v6  }
0xa8: {  	[tilespmem:s0+$0x1E0] =	vst.add.f32.msk $0xffff, v7  }
0xa9: {  	[tilespmem:s0+$0x230] =	vst.add.f32.msk $0xffff, v4  }
0xaa: {  	[tilespmem:s0+$0x240] =	vst.add.f32.msk $0xffff, v5  }
0xab: {  	[tilespmem:s0+$0x250] =	vst.add.f32.msk $0xffff, v6  }
0xac: {  	[tilespmem:s0+$0x260] =	vst.add.f32.msk $0xffff, v7  }
0xad: {  	[tilespmem:s0+$0x2B0] =	vst.add.f32.msk $0xffff, v4  }
0xae: {  	[tilespmem:s0+$0x2C0] =	vst.add.f32.msk $0xffff, v5  }
0xaf: {  	[tilespmem:s0+$0x2D0] =	vst.add.f32.msk $0xffff, v6  }
0xb0: {  	[tilespmem:s0+$0x2E0] =	vst.add.f32.msk $0xffff, v7  }
0xb1: {  	[tilespmem:s0+$0x330] =	vst.add.f32.msk $0xffff, v4  }
0xb2: {  	[tilespmem:s0+$0x340] =	vst.add.f32.msk $0xffff, v5  }
0xb3: {  	[tilespmem:s0+$0x350] =	vst.add.f32.msk $0xffff, v6  }
0xb4: {  	[tilespmem:s0+$0x360] =	vst.add.f32.msk $0xffff, v7  }
0xb5: {  	[tilespmem:s0+$0x3B0] =	vst.add.f32.msk $0xffff, v4  }
0xb6: {  	[tilespmem:s0+$0x3C0] =	vst.add.f32.msk $0xffff, v5  }
0xb7: {  	[tilespmem:s0+$0x3D0] =	vst.add.f32.msk $0xffff, v6  }
0xb8: {  	s30 =	simm.s32 $0x0;
	[tilespmem:s0+$0x3E0] =	vst.add.f32.msk $0xffff, v7  }
0xb9: {  	[hbm4b:s9+s30] =	stream.linear.scatter [tilespmem:s30], [sflag:$0x6], $0x1800, $0x38;
	[tilespmem:$0x6900] =	vst v63  }
0xba: {  	_ =	swait.ge [sflag:s24], $0x1800  }
0xbb: {  	[sflag:s24] =	ssyncset.done $0x0  }
0xbc: {  	s31 =	simm.s32 $0x6040;
	[sflag:s24] =	ssyncadd.s32 $0xFFFFE800  }
0xbd: {  	v0 =	vld [tilespmem:s31+$0xFFFFFFC0]  }
0xbe: {  	v1 =	vld [tilespmem:s31+$0xFFFFFFD0]  }
0xbf: {  	v2 =	vld [tilespmem:s31+$0xFFFFFFE0]  }
0xc0: {  	s0 =	simm.s32 $0x1000;
	v3 =	vld [tilespmem:s31+$0x30]  }
.LBB2_4:
0xc1: {  	p1 =	sne.s32 s0, $0x5000;
	v4 =	vld [tilespmem:s31+$0xFFFFFFF0]  }
0xc2: {  	v5 =	vld [tilespmem:s31+$0x0]  }
0xc3: {  	v6 =	vld [tilespmem:s31+$0x10]  }
0xc4: {  	s1 =	sshra.s32 s30, $0x2;
	s30 =	smov.u32 s0;
	v7 =	vld [tilespmem:s31+$0x20]  }
0xc5: {  	[tilespmem:s1+$0x1BF0] =	vst.add.f32.msk $0xffff, v3  }
0xc6: {  	[tilespmem:s1+$0x1800] =	vst.add.f32.msk $0xffff, v0  }
0xc7: {  	[tilespmem:s1+$0x1810] =	vst.add.f32.msk $0xffff, v1  }
0xc8: {  	[tilespmem:s1+$0x1820] =	vst.add.f32.msk $0xffff, v2  }
0xc9: {  	[tilespmem:s1+$0x1830] =	vst.add.f32.msk $0xffff, v4  }
0xca: {  	[tilespmem:s1+$0x1840] =	vst.add.f32.msk $0xffff, v5  }
0xcb: {  	[tilespmem:s1+$0x1850] =	vst.add.f32.msk $0xffff, v6  }
0xcc: {  	[tilespmem:s1+$0x1860] =	vst.add.f32.msk $0xffff, v7  }
0xcd: {  	[tilespmem:s1+$0x1870] =	vst.add.f32.msk $0xffff, v3  }
0xce: {  	[tilespmem:s1+$0x1880] =	vst.add.f32.msk $0xffff, v0  }
0xcf: {  	[tilespmem:s1+$0x1890] =	vst.add.f32.msk $0xffff, v1  }
0xd0: {  	[tilespmem:s1+$0x18A0] =	vst.add.f32.msk $0xffff, v2  }
0xd1: {  	[tilespmem:s1+$0x18B0] =	vst.add.f32.msk $0xffff, v4  }
0xd2: {  	[tilespmem:s1+$0x18C0] =	vst.add.f32.msk $0xffff, v5  }
0xd3: {  	[tilespmem:s1+$0x18D0] =	vst.add.f32.msk $0xffff, v6  }
0xd4: {  	[tilespmem:s1+$0x18E0] =	vst.add.f32.msk $0xffff, v7  }
0xd5: {  	[tilespmem:s1+$0x18F0] =	vst.add.f32.msk $0xffff, v3  }
0xd6: {  	[tilespmem:s1+$0x1900] =	vst.add.f32.msk $0xffff, v0  }
0xd7: {  	[tilespmem:s1+$0x1910] =	vst.add.f32.msk $0xffff, v1  }
0xd8: {  	[tilespmem:s1+$0x1920] =	vst.add.f32.msk $0xffff, v2  }
0xd9: {  	[tilespmem:s1+$0x1930] =	vst.add.f32.msk $0xffff, v4  }
0xda: {  	[tilespmem:s1+$0x1940] =	vst.add.f32.msk $0xffff, v5  }
0xdb: {  	[tilespmem:s1+$0x1950] =	vst.add.f32.msk $0xffff, v6  }
0xdc: {  	[tilespmem:s1+$0x1960] =	vst.add.f32.msk $0xffff, v7  }
0xdd: {  	[tilespmem:s1+$0x1970] =	vst.add.f32.msk $0xffff, v3  }
0xde: {  	[tilespmem:s1+$0x1980] =	vst.add.f32.msk $0xffff, v0  }
0xdf: {  	[tilespmem:s1+$0x1990] =	vst.add.f32.msk $0xffff, v1  }
0xe0: {  	[tilespmem:s1+$0x19A0] =	vst.add.f32.msk $0xffff, v2  }
0xe1: {  	[tilespmem:s1+$0x19B0] =	vst.add.f32.msk $0xffff, v4  }
0xe2: {  	[tilespmem:s1+$0x19C0] =	vst.add.f32.msk $0xffff, v5  }
0xe3: {  	[tilespmem:s1+$0x19D0] =	vst.add.f32.msk $0xffff, v6  }
0xe4: {  	[tilespmem:s1+$0x19E0] =	vst.add.f32.msk $0xffff, v7  }
0xe5: {  	[tilespmem:s1+$0x19F0] =	vst.add.f32.msk $0xffff, v3  }
0xe6: {  	[tilespmem:s1+$0x1A00] =	vst.add.f32.msk $0xffff, v0  }
0xe7: {  	[tilespmem:s1+$0x1A10] =	vst.add.f32.msk $0xffff, v1  }
0xe8: {  	[tilespmem:s1+$0x1A20] =	vst.add.f32.msk $0xffff, v2  }
0xe9: {  	[tilespmem:s1+$0x1A30] =	vst.add.f32.msk $0xffff, v4  }
0xea: {  	[tilespmem:s1+$0x1A40] =	vst.add.f32.msk $0xffff, v5  }
0xeb: {  	[tilespmem:s1+$0x1A50] =	vst.add.f32.msk $0xffff, v6  }
0xec: {  	[tilespmem:s1+$0x1A60] =	vst.add.f32.msk $0xffff, v7  }
0xed: {  	[tilespmem:s1+$0x1A70] =	vst.add.f32.msk $0xffff, v3  }
0xee: {  	[tilespmem:s1+$0x1A80] =	vst.add.f32.msk $0xffff, v0  }
0xef: {  	[tilespmem:s1+$0x1A90] =	vst.add.f32.msk $0xffff, v1  }
0xf0: {  	[tilespmem:s1+$0x1AA0] =	vst.add.f32.msk $0xffff, v2  }
0xf1: {  	[tilespmem:s1+$0x1AB0] =	vst.add.f32.msk $0xffff, v4  }
0xf2: {  	[tilespmem:s1+$0x1AC0] =	vst.add.f32.msk $0xffff, v5  }
0xf3: {  	[tilespmem:s1+$0x1AD0] =	vst.add.f32.msk $0xffff, v6  }
0xf4: {  	[tilespmem:s1+$0x1AE0] =	vst.add.f32.msk $0xffff, v7  }
0xf5: {  	[tilespmem:s1+$0x1AF0] =	vst.add.f32.msk $0xffff, v3  }
0xf6: {  	[tilespmem:s1+$0x1B00] =	vst.add.f32.msk $0xffff, v0  }
0xf7: {  	[tilespmem:s1+$0x1B10] =	vst.add.f32.msk $0xffff, v1  }
0xf8: {  	[tilespmem:s1+$0x1B20] =	vst.add.f32.msk $0xffff, v2  }
0xf9: {  	[tilespmem:s1+$0x1B30] =	vst.add.f32.msk $0xffff, v4  }
0xfa: {  	[tilespmem:s1+$0x1B40] =	vst.add.f32.msk $0xffff, v5  }
0xfb: {  	[tilespmem:s1+$0x1B50] =	vst.add.f32.msk $0xffff, v6  }
0xfc: {  	[tilespmem:s1+$0x1B60] =	vst.add.f32.msk $0xffff, v7  }
0xfd: {  	[tilespmem:s1+$0x1B70] =	vst.add.f32.msk $0xffff, v3  }
0xfe: {  	[tilespmem:s1+$0x1B80] =	vst.add.f32.msk $0xffff, v0  }
0xff: {  	[tilespmem:s1+$0x1B90] =	vst.add.f32.msk $0xffff, v1  }
0x100: {  	[tilespmem:s1+$0x1BA0] =	vst.add.f32.msk $0xffff, v2  }
0x101: {  	[tilespmem:s1+$0x1BB0] =	vst.add.f32.msk $0xffff, v4  }
0x102: {  	[tilespmem:s1+$0x1BC0] =	vst.add.f32.msk $0xffff, v5  }
0x103: {  	[tilespmem:s1+$0x1BD0] =	vst.add.f32.msk $0xffff, v6  }
.Ltmp1:
0x104: {  	s31 =	sadd.s32 $0x80, s31;
	[tilespmem:s1+$0x1BE0] =	vst.add.f32.msk $0xffff, v7;
	(pc) =	sbr.rel @p1 .LBB2_4-.Ltmp1, $4  }
0x105: {  	v0 =	vld [tilespmem:s31+$0xFFFFFFC0]  }
0x106: {  	v1 =	vld [tilespmem:s31+$0xFFFFFFD0]  }
0x107: {  	v2 =	vld [tilespmem:s31+$0xFFFFFFE0]  }
0x108: {  	s0 =	sadd.s32 $0x1000, s0;
	v3 =	vld [tilespmem:s31+$0x30]  }
0x109: {  	v4 =	vld [tilespmem:s31+$0xFFFFFFF0]  }
0x10a: {  	v5 =	vld [tilespmem:s31+$0x0]  }
0x10b: {  	v6 =	vld [tilespmem:s31+$0x10]  }
0x10c: {  	v7 =	vld [tilespmem:s31+$0x20];
	s0 =	sshra.s32 s30, $0x2  }
0x10d: {  	[tilespmem:s0+$0x1800] =	vst.add.f32.msk $0xffff, v0  }
0x10e: {  	[tilespmem:s0+$0x1880] =	vst.add.f32.msk $0xffff, v0  }
0x10f: {  	[tilespmem:s0+$0x1900] =	vst.add.f32.msk $0xffff, v0  }
0x110: {  	[tilespmem:s0+$0x1980] =	vst.add.f32.msk $0xffff, v0  }
0x111: {  	[tilespmem:s0+$0x1A00] =	vst.add.f32.msk $0xffff, v0  }
0x112: {  	[tilespmem:s0+$0x1A80] =	vst.add.f32.msk $0xffff, v0  }
0x113: {  	[tilespmem:s0+$0x1B00] =	vst.add.f32.msk $0xffff, v0  }
0x114: {  	[tilespmem:s0+$0x1B80] =	vst.add.f32.msk $0xffff, v0  }
0x115: {  	[tilespmem:s0+$0x1810] =	vst.add.f32.msk $0xffff, v1  }
0x116: {  	[tilespmem:s0+$0x1890] =	vst.add.f32.msk $0xffff, v1  }
0x117: {  	[tilespmem:s0+$0x1910] =	vst.add.f32.msk $0xffff, v1  }
0x118: {  	[tilespmem:s0+$0x1990] =	vst.add.f32.msk $0xffff, v1  }
0x119: {  	[tilespmem:s0+$0x1A10] =	vst.add.f32.msk $0xffff, v1  }
0x11a: {  	[tilespmem:s0+$0x1A90] =	vst.add.f32.msk $0xffff, v1  }
0x11b: {  	[tilespmem:s0+$0x1B10] =	vst.add.f32.msk $0xffff, v1  }
0x11c: {  	[tilespmem:s0+$0x1B90] =	vst.add.f32.msk $0xffff, v1  }
0x11d: {  	[tilespmem:s0+$0x1820] =	vst.add.f32.msk $0xffff, v2  }
0x11e: {  	[tilespmem:s0+$0x18A0] =	vst.add.f32.msk $0xffff, v2  }
0x11f: {  	[tilespmem:s0+$0x1920] =	vst.add.f32.msk $0xffff, v2  }
0x120: {  	[tilespmem:s0+$0x19A0] =	vst.add.f32.msk $0xffff, v2  }
0x121: {  	[tilespmem:s0+$0x1A20] =	vst.add.f32.msk $0xffff, v2  }
0x122: {  	[tilespmem:s0+$0x1AA0] =	vst.add.f32.msk $0xffff, v2  }
0x123: {  	[tilespmem:s0+$0x1B20] =	vst.add.f32.msk $0xffff, v2  }
0x124: {  	[tilespmem:s0+$0x1BA0] =	vst.add.f32.msk $0xffff, v2  }
0x125: {  	[tilespmem:s0+$0x1BF0] =	vst.add.f32.msk $0xffff, v3  }
0x126: {  	[tilespmem:s0+$0x1870] =	vst.add.f32.msk $0xffff, v3  }
0x127: {  	[tilespmem:s0+$0x18F0] =	vst.add.f32.msk $0xffff, v3  }
0x128: {  	[tilespmem:s0+$0x1970] =	vst.add.f32.msk $0xffff, v3  }
0x129: {  	[tilespmem:s0+$0x19F0] =	vst.add.f32.msk $0xffff, v3  }
0x12a: {  	[tilespmem:s0+$0x1A70] =	vst.add.f32.msk $0xffff, v3  }
0x12b: {  	[tilespmem:s0+$0x1AF0] =	vst.add.f32.msk $0xffff, v3  }
0x12c: {  	[tilespmem:s0+$0x1B70] =	vst.add.f32.msk $0xffff, v3  }
0x12d: {  	[tilespmem:s0+$0x1830] =	vst.add.f32.msk $0xffff, v4  }
0x12e: {  	[tilespmem:s0+$0x1840] =	vst.add.f32.msk $0xffff, v5  }
0x12f: {  	[tilespmem:s0+$0x1850] =	vst.add.f32.msk $0xffff, v6  }
0x130: {  	[tilespmem:s0+$0x1860] =	vst.add.f32.msk $0xffff, v7  }
0x131: {  	[tilespmem:s0+$0x18B0] =	vst.add.f32.msk $0xffff, v4  }
0x132: {  	[tilespmem:s0+$0x18C0] =	vst.add.f32.msk $0xffff, v5  }
0x133: {  	[tilespmem:s0+$0x18D0] =	vst.add.f32.msk $0xffff, v6  }
0x134: {  	[tilespmem:s0+$0x18E0] =	vst.add.f32.msk $0xffff, v7  }
0x135: {  	[tilespmem:s0+$0x1930] =	vst.add.f32.msk $0xffff, v4  }
0x136: {  	[tilespmem:s0+$0x1940] =	vst.add.f32.msk $0xffff, v5  }
0x137: {  	[tilespmem:s0+$0x1950] =	vst.add.f32.msk $0xffff, v6  }
0x138: {  	[tilespmem:s0+$0x1960] =	vst.add.f32.msk $0xffff, v7  }
0x139: {  	[tilespmem:s0+$0x19B0] =	vst.add.f32.msk $0xffff, v4  }
0x13a: {  	[tilespmem:s0+$0x19C0] =	vst.add.f32.msk $0xffff, v5  }
0x13b: {  	[tilespmem:s0+$0x19D0] =	vst.add.f32.msk $0xffff, v6  }
0x13c: {  	[tilespmem:s0+$0x19E0] =	vst.add.f32.msk $0xffff, v7  }
0x13d: {  	[tilespmem:s0+$0x1A30] =	vst.add.f32.msk $0xffff, v4  }
0x13e: {  	[tilespmem:s0+$0x1A40] =	vst.add.f32.msk $0xffff, v5  }
0x13f: {  	[tilespmem:s0+$0x1A50] =	vst.add.f32.msk $0xffff, v6  }
0x140: {  	[tilespmem:s0+$0x1A60] =	vst.add.f32.msk $0xffff, v7  }
0x141: {  	[tilespmem:s0+$0x1AB0] =	vst.add.f32.msk $0xffff, v4  }
0x142: {  	[tilespmem:s0+$0x1AC0] =	vst.add.f32.msk $0xffff, v5  }
0x143: {  	[tilespmem:s0+$0x1AD0] =	vst.add.f32.msk $0xffff, v6  }
0x144: {  	[tilespmem:s0+$0x1AE0] =	vst.add.f32.msk $0xffff, v7  }
0x145: {  	[tilespmem:s0+$0x1B30] =	vst.add.f32.msk $0xffff, v4  }
0x146: {  	[tilespmem:s0+$0x1B40] =	vst.add.f32.msk $0xffff, v5  }
0x147: {  	[tilespmem:s0+$0x1B50] =	vst.add.f32.msk $0xffff, v6  }
0x148: {  	[tilespmem:s0+$0x1B60] =	vst.add.f32.msk $0xffff, v7  }
0x149: {  	[tilespmem:s0+$0x1BB0] =	vst.add.f32.msk $0xffff, v4  }
0x14a: {  	[tilespmem:s0+$0x1BC0] =	vst.add.f32.msk $0xffff, v5  }
0x14b: {  	[tilespmem:s0+$0x1BD0] =	vst.add.f32.msk $0xffff, v6  }
0x14c: {  	s30 =	simm.s32 $0x0;
	[tilespmem:s0+$0x1BE0] =	vst.add.f32.msk $0xffff, v7  }
0x14d: {  	[hbm4b:s10+s30] =	stream.linear.scatter [tilespmem:s20], [sflag:$0x6], $0x1800, $0x38;
	[tilespmem:$0x6900] =	vst v63  }
0x14e: {  	_ =	swait.ge [sflag:s25], $0x1800  }
0x14f: {  	[sflag:s25] =	ssyncset.done $0x0  }
0x150: {  	s31 =	simm.s32 $0x6040;
	[sflag:s25] =	ssyncadd.s32 $0xFFFFE800  }
0x151: {  	v0 =	vld [tilespmem:s31+$0xFFFFFFC0]  }
0x152: {  	v1 =	vld [tilespmem:s31+$0xFFFFFFD0]  }
0x153: {  	v2 =	vld [tilespmem:s31+$0xFFFFFFE0]  }
0x154: {  	s0 =	simm.s32 $0x1000;
	v3 =	vld [tilespmem:s31+$0x30]  }
.LBB2_6:
0x155: {  	p1 =	sne.s32 s0, $0x5000;
	v4 =	vld [tilespmem:s31+$0xFFFFFFF0]  }
0x156: {  	v5 =	vld [tilespmem:s31+$0x0]  }
0x157: {  	v6 =	vld [tilespmem:s31+$0x10]  }
0x158: {  	s1 =	sshra.s32 s30, $0x2;
	s30 =	smov.u32 s0;
	v7 =	vld [tilespmem:s31+$0x20]  }
0x159: {  	[tilespmem:s1+$0x33F0] =	vst.add.f32.msk $0xffff, v3  }
0x15a: {  	[tilespmem:s1+$0x3000] =	vst.add.f32.msk $0xffff, v0  }
0x15b: {  	[tilespmem:s1+$0x3010] =	vst.add.f32.msk $0xffff, v1  }
0x15c: {  	[tilespmem:s1+$0x3020] =	vst.add.f32.msk $0xffff, v2  }
0x15d: {  	[tilespmem:s1+$0x3030] =	vst.add.f32.msk $0xffff, v4  }
0x15e: {  	[tilespmem:s1+$0x3040] =	vst.add.f32.msk $0xffff, v5  }
0x15f: {  	[tilespmem:s1+$0x3050] =	vst.add.f32.msk $0xffff, v6  }
0x160: {  	[tilespmem:s1+$0x3060] =	vst.add.f32.msk $0xffff, v7  }
0x161: {  	[tilespmem:s1+$0x3070] =	vst.add.f32.msk $0xffff, v3  }
0x162: {  	[tilespmem:s1+$0x3080] =	vst.add.f32.msk $0xffff, v0  }
0x163: {  	[tilespmem:s1+$0x3090] =	vst.add.f32.msk $0xffff, v1  }
0x164: {  	[tilespmem:s1+$0x30A0] =	vst.add.f32.msk $0xffff, v2  }
0x165: {  	[tilespmem:s1+$0x30B0] =	vst.add.f32.msk $0xffff, v4  }
0x166: {  	[tilespmem:s1+$0x30C0] =	vst.add.f32.msk $0xffff, v5  }
0x167: {  	[tilespmem:s1+$0x30D0] =	vst.add.f32.msk $0xffff, v6  }
0x168: {  	[tilespmem:s1+$0x30E0] =	vst.add.f32.msk $0xffff, v7  }
0x169: {  	[tilespmem:s1+$0x30F0] =	vst.add.f32.msk $0xffff, v3  }
0x16a: {  	[tilespmem:s1+$0x3100] =	vst.add.f32.msk $0xffff, v0  }
0x16b: {  	[tilespmem:s1+$0x3110] =	vst.add.f32.msk $0xffff, v1  }
0x16c: {  	[tilespmem:s1+$0x3120] =	vst.add.f32.msk $0xffff, v2  }
0x16d: {  	[tilespmem:s1+$0x3130] =	vst.add.f32.msk $0xffff, v4  }
0x16e: {  	[tilespmem:s1+$0x3140] =	vst.add.f32.msk $0xffff, v5  }
0x16f: {  	[tilespmem:s1+$0x3150] =	vst.add.f32.msk $0xffff, v6  }
0x170: {  	[tilespmem:s1+$0x3160] =	vst.add.f32.msk $0xffff, v7  }
0x171: {  	[tilespmem:s1+$0x3170] =	vst.add.f32.msk $0xffff, v3  }
0x172: {  	[tilespmem:s1+$0x3180] =	vst.add.f32.msk $0xffff, v0  }
0x173: {  	[tilespmem:s1+$0x3190] =	vst.add.f32.msk $0xffff, v1  }
0x174: {  	[tilespmem:s1+$0x31A0] =	vst.add.f32.msk $0xffff, v2  }
0x175: {  	[tilespmem:s1+$0x31B0] =	vst.add.f32.msk $0xffff, v4  }
0x176: {  	[tilespmem:s1+$0x31C0] =	vst.add.f32.msk $0xffff, v5  }
0x177: {  	[tilespmem:s1+$0x31D0] =	vst.add.f32.msk $0xffff, v6  }
0x178: {  	[tilespmem:s1+$0x31E0] =	vst.add.f32.msk $0xffff, v7  }
0x179: {  	[tilespmem:s1+$0x31F0] =	vst.add.f32.msk $0xffff, v3  }
0x17a: {  	[tilespmem:s1+$0x3200] =	vst.add.f32.msk $0xffff, v0  }
0x17b: {  	[tilespmem:s1+$0x3210] =	vst.add.f32.msk $0xffff, v1  }
0x17c: {  	[tilespmem:s1+$0x3220] =	vst.add.f32.msk $0xffff, v2  }
0x17d: {  	[tilespmem:s1+$0x3230] =	vst.add.f32.msk $0xffff, v4  }
0x17e: {  	[tilespmem:s1+$0x3240] =	vst.add.f32.msk $0xffff, v5  }
0x17f: {  	[tilespmem:s1+$0x3250] =	vst.add.f32.msk $0xffff, v6  }
0x180: {  	[tilespmem:s1+$0x3260] =	vst.add.f32.msk $0xffff, v7  }
0x181: {  	[tilespmem:s1+$0x3270] =	vst.add.f32.msk $0xffff, v3  }
0x182: {  	[tilespmem:s1+$0x3280] =	vst.add.f32.msk $0xffff, v0  }
0x183: {  	[tilespmem:s1+$0x3290] =	vst.add.f32.msk $0xffff, v1  }
0x184: {  	[tilespmem:s1+$0x32A0] =	vst.add.f32.msk $0xffff, v2  }
0x185: {  	[tilespmem:s1+$0x32B0] =	vst.add.f32.msk $0xffff, v4  }
0x186: {  	[tilespmem:s1+$0x32C0] =	vst.add.f32.msk $0xffff, v5  }
0x187: {  	[tilespmem:s1+$0x32D0] =	vst.add.f32.msk $0xffff, v6  }
0x188: {  	[tilespmem:s1+$0x32E0] =	vst.add.f32.msk $0xffff, v7  }
0x189: {  	[tilespmem:s1+$0x32F0] =	vst.add.f32.msk $0xffff, v3  }
0x18a: {  	[tilespmem:s1+$0x3300] =	vst.add.f32.msk $0xffff, v0  }
0x18b: {  	[tilespmem:s1+$0x3310] =	vst.add.f32.msk $0xffff, v1  }
0x18c: {  	[tilespmem:s1+$0x3320] =	vst.add.f32.msk $0xffff, v2  }
0x18d: {  	[tilespmem:s1+$0x3330] =	vst.add.f32.msk $0xffff, v4  }
0x18e: {  	[tilespmem:s1+$0x3340] =	vst.add.f32.msk $0xffff, v5  }
0x18f: {  	[tilespmem:s1+$0x3350] =	vst.add.f32.msk $0xffff, v6  }
0x190: {  	[tilespmem:s1+$0x3360] =	vst.add.f32.msk $0xffff, v7  }
0x191: {  	[tilespmem:s1+$0x3370] =	vst.add.f32.msk $0xffff, v3  }
0x192: {  	[tilespmem:s1+$0x3380] =	vst.add.f32.msk $0xffff, v0  }
0x193: {  	[tilespmem:s1+$0x3390] =	vst.add.f32.msk $0xffff, v1  }
0x194: {  	[tilespmem:s1+$0x33A0] =	vst.add.f32.msk $0xffff, v2  }
0x195: {  	[tilespmem:s1+$0x33B0] =	vst.add.f32.msk $0xffff, v4  }
0x196: {  	[tilespmem:s1+$0x33C0] =	vst.add.f32.msk $0xffff, v5  }
0x197: {  	[tilespmem:s1+$0x33D0] =	vst.add.f32.msk $0xffff, v6  }
.Ltmp2:
0x198: {  	s31 =	sadd.s32 $0x80, s31;
	[tilespmem:s1+$0x33E0] =	vst.add.f32.msk $0xffff, v7;
	(pc) =	sbr.rel @p1 .LBB2_6-.Ltmp2, $4  }
0x199: {  	v0 =	vld [tilespmem:s31+$0xFFFFFFC0]  }
0x19a: {  	v1 =	vld [tilespmem:s31+$0xFFFFFFD0]  }
0x19b: {  	v2 =	vld [tilespmem:s31+$0xFFFFFFE0]  }
0x19c: {  	s0 =	sadd.s32 $0x1000, s0;
	v3 =	vld [tilespmem:s31+$0x30]  }
0x19d: {  	v4 =	vld [tilespmem:s31+$0xFFFFFFF0]  }
0x19e: {  	v5 =	vld [tilespmem:s31+$0x0]  }
0x19f: {  	v6 =	vld [tilespmem:s31+$0x10]  }
0x1a0: {  	v7 =	vld [tilespmem:s31+$0x20];
	s0 =	sshra.s32 s30, $0x2  }
0x1a1: {  	[tilespmem:s0+$0x3000] =	vst.add.f32.msk $0xffff, v0  }
0x1a2: {  	[tilespmem:s0+$0x3080] =	vst.add.f32.msk $0xffff, v0  }
0x1a3: {  	[tilespmem:s0+$0x3100] =	vst.add.f32.msk $0xffff, v0  }
0x1a4: {  	[tilespmem:s0+$0x3180] =	vst.add.f32.msk $0xffff, v0  }
0x1a5: {  	[tilespmem:s0+$0x3200] =	vst.add.f32.msk $0xffff, v0  }
0x1a6: {  	[tilespmem:s0+$0x3280] =	vst.add.f32.msk $0xffff, v0  }
0x1a7: {  	[tilespmem:s0+$0x3300] =	vst.add.f32.msk $0xffff, v0  }
0x1a8: {  	[tilespmem:s0+$0x3380] =	vst.add.f32.msk $0xffff, v0  }
0x1a9: {  	[tilespmem:s0+$0x3010] =	vst.add.f32.msk $0xffff, v1  }
0x1aa: {  	[tilespmem:s0+$0x3090] =	vst.add.f32.msk $0xffff, v1  }
0x1ab: {  	[tilespmem:s0+$0x3110] =	vst.add.f32.msk $0xffff, v1  }
0x1ac: {  	[tilespmem:s0+$0x3190] =	vst.add.f32.msk $0xffff, v1  }
0x1ad: {  	[tilespmem:s0+$0x3210] =	vst.add.f32.msk $0xffff, v1  }
0x1ae: {  	[tilespmem:s0+$0x3290] =	vst.add.f32.msk $0xffff, v1  }
0x1af: {  	[tilespmem:s0+$0x3310] =	vst.add.f32.msk $0xffff, v1  }
0x1b0: {  	[tilespmem:s0+$0x3390] =	vst.add.f32.msk $0xffff, v1  }
0x1b1: {  	[tilespmem:s0+$0x3020] =	vst.add.f32.msk $0xffff, v2  }
0x1b2: {  	[tilespmem:s0+$0x30A0] =	vst.add.f32.msk $0xffff, v2  }
0x1b3: {  	[tilespmem:s0+$0x3120] =	vst.add.f32.msk $0xffff, v2  }
0x1b4: {  	[tilespmem:s0+$0x31A0] =	vst.add.f32.msk $0xffff, v2  }
0x1b5: {  	[tilespmem:s0+$0x3220] =	vst.add.f32.msk $0xffff, v2  }
0x1b6: {  	[tilespmem:s0+$0x32A0] =	vst.add.f32.msk $0xffff, v2  }
0x1b7: {  	[tilespmem:s0+$0x3320] =	vst.add.f32.msk $0xffff, v2  }
0x1b8: {  	[tilespmem:s0+$0x33A0] =	vst.add.f32.msk $0xffff, v2  }
0x1b9: {  	[tilespmem:s0+$0x33F0] =	vst.add.f32.msk $0xffff, v3  }
0x1ba: {  	[tilespmem:s0+$0x3070] =	vst.add.f32.msk $0xffff, v3  }
0x1bb: {  	[tilespmem:s0+$0x30F0] =	vst.add.f32.msk $0xffff, v3  }
0x1bc: {  	[tilespmem:s0+$0x3170] =	vst.add.f32.msk $0xffff, v3  }
0x1bd: {  	[tilespmem:s0+$0x31F0] =	vst.add.f32.msk $0xffff, v3  }
0x1be: {  	[tilespmem:s0+$0x3270] =	vst.add.f32.msk $0xffff, v3  }
0x1bf: {  	[tilespmem:s0+$0x32F0] =	vst.add.f32.msk $0xffff, v3  }
0x1c0: {  	[tilespmem:s0+$0x3370] =	vst.add.f32.msk $0xffff, v3  }
0x1c1: {  	[tilespmem:s0+$0x3030] =	vst.add.f32.msk $0xffff, v4  }
0x1c2: {  	[tilespmem:s0+$0x3040] =	vst.add.f32.msk $0xffff, v5  }
0x1c3: {  	[tilespmem:s0+$0x3050] =	vst.add.f32.msk $0xffff, v6  }
0x1c4: {  	[tilespmem:s0+$0x3060] =	vst.add.f32.msk $0xffff, v7  }
0x1c5: {  	[tilespmem:s0+$0x30B0] =	vst.add.f32.msk $0xffff, v4  }
0x1c6: {  	[tilespmem:s0+$0x30C0] =	vst.add.f32.msk $0xffff, v5  }
0x1c7: {  	[tilespmem:s0+$0x30D0] =	vst.add.f32.msk $0xffff, v6  }
0x1c8: {  	[tilespmem:s0+$0x30E0] =	vst.add.f32.msk $0xffff, v7  }
0x1c9: {  	[tilespmem:s0+$0x3130] =	vst.add.f32.msk $0xffff, v4  }
0x1ca: {  	[tilespmem:s0+$0x3140] =	vst.add.f32.msk $0xffff, v5  }
0x1cb: {  	[tilespmem:s0+$0x3150] =	vst.add.f32.msk $0xffff, v6  }
0x1cc: {  	[tilespmem:s0+$0x3160] =	vst.add.f32.msk $0xffff, v7  }
0x1cd: {  	[tilespmem:s0+$0x31B0] =	vst.add.f32.msk $0xffff, v4  }
0x1ce: {  	[tilespmem:s0+$0x31C0] =	vst.add.f32.msk $0xffff, v5  }
0x1cf: {  	[tilespmem:s0+$0x31D0] =	vst.add.f32.msk $0xffff, v6  }
0x1d0: {  	[tilespmem:s0+$0x31E0] =	vst.add.f32.msk $0xffff, v7  }
0x1d1: {  	[tilespmem:s0+$0x3230] =	vst.add.f32.msk $0xffff, v4  }
0x1d2: {  	[tilespmem:s0+$0x3240] =	vst.add.f32.msk $0xffff, v5  }
0x1d3: {  	[tilespmem:s0+$0x3250] =	vst.add.f32.msk $0xffff, v6  }
0x1d4: {  	[tilespmem:s0+$0x3260] =	vst.add.f32.msk $0xffff, v7  }
0x1d5: {  	[tilespmem:s0+$0x32B0] =	vst.add.f32.msk $0xffff, v4  }
0x1d6: {  	[tilespmem:s0+$0x32C0] =	vst.add.f32.msk $0xffff, v5  }
0x1d7: {  	[tilespmem:s0+$0x32D0] =	vst.add.f32.msk $0xffff, v6  }
0x1d8: {  	[tilespmem:s0+$0x32E0] =	vst.add.f32.msk $0xffff, v7  }
0x1d9: {  	[tilespmem:s0+$0x3330] =	vst.add.f32.msk $0xffff, v4  }
0x1da: {  	[tilespmem:s0+$0x3340] =	vst.add.f32.msk $0xffff, v5  }
0x1db: {  	[tilespmem:s0+$0x3350] =	vst.add.f32.msk $0xffff, v6  }
0x1dc: {  	[tilespmem:s0+$0x3360] =	vst.add.f32.msk $0xffff, v7  }
0x1dd: {  	[tilespmem:s0+$0x33B0] =	vst.add.f32.msk $0xffff, v4  }
0x1de: {  	[tilespmem:s0+$0x33C0] =	vst.add.f32.msk $0xffff, v5  }
0x1df: {  	[tilespmem:s0+$0x33D0] =	vst.add.f32.msk $0xffff, v6  }
0x1e0: {  	s30 =	simm.s32 $0x0;
	[tilespmem:s0+$0x33E0] =	vst.add.f32.msk $0xffff, v7  }
0x1e1: {  	[hbm4b:s11+s30] =	stream.linear.scatter [tilespmem:s21], [sflag:$0x6], $0x1800, $0x38;
	[tilespmem:$0x6900] =	vst v63  }
0x1e2: {  	_ =	swait.ge [sflag:s26], $0x1800  }
0x1e3: {  	[sflag:s26] =	ssyncset.done $0x0  }
0x1e4: {  	s31 =	simm.s32 $0x6040;
	[sflag:s26] =	ssyncadd.s32 $0xFFFFE800  }
0x1e5: {  	v0 =	vld [tilespmem:s31+$0xFFFFFFC0]  }
0x1e6: {  	v1 =	vld [tilespmem:s31+$0xFFFFFFD0]  }
0x1e7: {  	v2 =	vld [tilespmem:s31+$0xFFFFFFE0]  }
0x1e8: {  	s0 =	simm.s32 $0x1000;
	v3 =	vld [tilespmem:s31+$0x30]  }
.LBB2_8:
0x1e9: {  	p1 =	sne.s32 s0, $0x5000;
	v4 =	vld [tilespmem:s31+$0xFFFFFFF0]  }
0x1ea: {  	v5 =	vld [tilespmem:s31+$0x0]  }
0x1eb: {  	v6 =	vld [tilespmem:s31+$0x10]  }
0x1ec: {  	s1 =	sshra.s32 s30, $0x2;
	s30 =	smov.u32 s0;
	v7 =	vld [tilespmem:s31+$0x20]  }
0x1ed: {  	[tilespmem:s1+$0x4BF0] =	vst.add.f32.msk $0xffff, v3  }
0x1ee: {  	[tilespmem:s1+$0x4800] =	vst.add.f32.msk $0xffff, v0  }
0x1ef: {  	[tilespmem:s1+$0x4810] =	vst.add.f32.msk $0xffff, v1  }
0x1f0: {  	[tilespmem:s1+$0x4820] =	vst.add.f32.msk $0xffff, v2  }
0x1f1: {  	[tilespmem:s1+$0x4830] =	vst.add.f32.msk $0xffff, v4  }
0x1f2: {  	[tilespmem:s1+$0x4840] =	vst.add.f32.msk $0xffff, v5  }
0x1f3: {  	[tilespmem:s1+$0x4850] =	vst.add.f32.msk $0xffff, v6  }
0x1f4: {  	[tilespmem:s1+$0x4860] =	vst.add.f32.msk $0xffff, v7  }
0x1f5: {  	[tilespmem:s1+$0x4870] =	vst.add.f32.msk $0xffff, v3  }
0x1f6: {  	[tilespmem:s1+$0x4880] =	vst.add.f32.msk $0xffff, v0  }
0x1f7: {  	[tilespmem:s1+$0x4890] =	vst.add.f32.msk $0xffff, v1  }
0x1f8: {  	[tilespmem:s1+$0x48A0] =	vst.add.f32.msk $0xffff, v2  }
0x1f9: {  	[tilespmem:s1+$0x48B0] =	vst.add.f32.msk $0xffff, v4  }
0x1fa: {  	[tilespmem:s1+$0x48C0] =	vst.add.f32.msk $0xffff, v5  }
0x1fb: {  	[tilespmem:s1+$0x48D0] =	vst.add.f32.msk $0xffff, v6  }
0x1fc: {  	[tilespmem:s1+$0x48E0] =	vst.add.f32.msk $0xffff, v7  }
0x1fd: {  	[tilespmem:s1+$0x48F0] =	vst.add.f32.msk $0xffff, v3  }
0x1fe: {  	[tilespmem:s1+$0x4900] =	vst.add.f32.msk $0xffff, v0  }
0x1ff: {  	[tilespmem:s1+$0x4910] =	vst.add.f32.msk $0xffff, v1  }
0x200: {  	[tilespmem:s1+$0x4920] =	vst.add.f32.msk $0xffff, v2  }
0x201: {  	[tilespmem:s1+$0x4930] =	vst.add.f32.msk $0xffff, v4  }
0x202: {  	[tilespmem:s1+$0x4940] =	vst.add.f32.msk $0xffff, v5  }
0x203: {  	[tilespmem:s1+$0x4950] =	vst.add.f32.msk $0xffff, v6  }
0x204: {  	[tilespmem:s1+$0x4960] =	vst.add.f32.msk $0xffff, v7  }
0x205: {  	[tilespmem:s1+$0x4970] =	vst.add.f32.msk $0xffff, v3  }
0x206: {  	[tilespmem:s1+$0x4980] =	vst.add.f32.msk $0xffff, v0  }
0x207: {  	[tilespmem:s1+$0x4990] =	vst.add.f32.msk $0xffff, v1  }
0x208: {  	[tilespmem:s1+$0x49A0] =	vst.add.f32.msk $0xffff, v2  }
0x209: {  	[tilespmem:s1+$0x49B0] =	vst.add.f32.msk $0xffff, v4  }
0x20a: {  	[tilespmem:s1+$0x49C0] =	vst.add.f32.msk $0xffff, v5  }
0x20b: {  	[tilespmem:s1+$0x49D0] =	vst.add.f32.msk $0xffff, v6  }
0x20c: {  	[tilespmem:s1+$0x49E0] =	vst.add.f32.msk $0xffff, v7  }
0x20d: {  	[tilespmem:s1+$0x49F0] =	vst.add.f32.msk $0xffff, v3  }
0x20e: {  	[tilespmem:s1+$0x4A00] =	vst.add.f32.msk $0xffff, v0  }
0x20f: {  	[tilespmem:s1+$0x4A10] =	vst.add.f32.msk $0xffff, v1  }
0x210: {  	[tilespmem:s1+$0x4A20] =	vst.add.f32.msk $0xffff, v2  }
0x211: {  	[tilespmem:s1+$0x4A30] =	vst.add.f32.msk $0xffff, v4  }
0x212: {  	[tilespmem:s1+$0x4A40] =	vst.add.f32.msk $0xffff, v5  }
0x213: {  	[tilespmem:s1+$0x4A50] =	vst.add.f32.msk $0xffff, v6  }
0x214: {  	[tilespmem:s1+$0x4A60] =	vst.add.f32.msk $0xffff, v7  }
0x215: {  	[tilespmem:s1+$0x4A70] =	vst.add.f32.msk $0xffff, v3  }
0x216: {  	[tilespmem:s1+$0x4A80] =	vst.add.f32.msk $0xffff, v0  }
0x217: {  	[tilespmem:s1+$0x4A90] =	vst.add.f32.msk $0xffff, v1  }
0x218: {  	[tilespmem:s1+$0x4AA0] =	vst.add.f32.msk $0xffff, v2  }
0x219: {  	[tilespmem:s1+$0x4AB0] =	vst.add.f32.msk $0xffff, v4  }
0x21a: {  	[tilespmem:s1+$0x4AC0] =	vst.add.f32.msk $0xffff, v5  }
0x21b: {  	[tilespmem:s1+$0x4AD0] =	vst.add.f32.msk $0xffff, v6  }
0x21c: {  	[tilespmem:s1+$0x4AE0] =	vst.add.f32.msk $0xffff, v7  }
0x21d: {  	[tilespmem:s1+$0x4AF0] =	vst.add.f32.msk $0xffff, v3  }
0x21e: {  	[tilespmem:s1+$0x4B00] =	vst.add.f32.msk $0xffff, v0  }
0x21f: {  	[tilespmem:s1+$0x4B10] =	vst.add.f32.msk $0xffff, v1  }
0x220: {  	[tilespmem:s1+$0x4B20] =	vst.add.f32.msk $0xffff, v2  }
0x221: {  	[tilespmem:s1+$0x4B30] =	vst.add.f32.msk $0xffff, v4  }
0x222: {  	[tilespmem:s1+$0x4B40] =	vst.add.f32.msk $0xffff, v5  }
0x223: {  	[tilespmem:s1+$0x4B50] =	vst.add.f32.msk $0xffff, v6  }
0x224: {  	[tilespmem:s1+$0x4B60] =	vst.add.f32.msk $0xffff, v7  }
0x225: {  	[tilespmem:s1+$0x4B70] =	vst.add.f32.msk $0xffff, v3  }
0x226: {  	[tilespmem:s1+$0x4B80] =	vst.add.f32.msk $0xffff, v0  }
0x227: {  	[tilespmem:s1+$0x4B90] =	vst.add.f32.msk $0xffff, v1  }
0x228: {  	[tilespmem:s1+$0x4BA0] =	vst.add.f32.msk $0xffff, v2  }
0x229: {  	[tilespmem:s1+$0x4BB0] =	vst.add.f32.msk $0xffff, v4  }
0x22a: {  	[tilespmem:s1+$0x4BC0] =	vst.add.f32.msk $0xffff, v5  }
0x22b: {  	[tilespmem:s1+$0x4BD0] =	vst.add.f32.msk $0xffff, v6  }
.Ltmp3:
0x22c: {  	s31 =	sadd.s32 $0x80, s31;
	[tilespmem:s1+$0x4BE0] =	vst.add.f32.msk $0xffff, v7;
	(pc) =	sbr.rel @p1 .LBB2_8-.Ltmp3, $4  }
0x22d: {  	v0 =	vld [tilespmem:s31+$0xFFFFFFC0]  }
0x22e: {  	v1 =	vld [tilespmem:s31+$0xFFFFFFD0]  }
0x22f: {  	v2 =	vld [tilespmem:s31+$0xFFFFFFE0]  }
0x230: {  	s0 =	sadd.s32 $0x1000, s0;
	v3 =	vld [tilespmem:s31+$0x30]  }
0x231: {  	v4 =	vld [tilespmem:s31+$0xFFFFFFF0]  }
0x232: {  	v5 =	vld [tilespmem:s31+$0x0]  }
0x233: {  	v6 =	vld [tilespmem:s31+$0x10]  }
0x234: {  	v7 =	vld [tilespmem:s31+$0x20];
	s0 =	sshra.s32 s30, $0x2  }
0x235: {  	[tilespmem:s0+$0x4800] =	vst.add.f32.msk $0xffff, v0  }
0x236: {  	[tilespmem:s0+$0x4880] =	vst.add.f32.msk $0xffff, v0  }
0x237: {  	[tilespmem:s0+$0x4900] =	vst.add.f32.msk $0xffff, v0  }
0x238: {  	[tilespmem:s0+$0x4980] =	vst.add.f32.msk $0xffff, v0  }
0x239: {  	[tilespmem:s0+$0x4A00] =	vst.add.f32.msk $0xffff, v0  }
0x23a: {  	[tilespmem:s0+$0x4A80] =	vst.add.f32.msk $0xffff, v0  }
0x23b: {  	[tilespmem:s0+$0x4B00] =	vst.add.f32.msk $0xffff, v0  }
0x23c: {  	[tilespmem:s0+$0x4B80] =	vst.add.f32.msk $0xffff, v0  }
0x23d: {  	[tilespmem:s0+$0x4810] =	vst.add.f32.msk $0xffff, v1  }
0x23e: {  	[tilespmem:s0+$0x4890] =	vst.add.f32.msk $0xffff, v1  }
0x23f: {  	[tilespmem:s0+$0x4910] =	vst.add.f32.msk $0xffff, v1  }
0x240: {  	[tilespmem:s0+$0x4990] =	vst.add.f32.msk $0xffff, v1  }
0x241: {  	[tilespmem:s0+$0x4A10] =	vst.add.f32.msk $0xffff, v1  }
0x242: {  	[tilespmem:s0+$0x4A90] =	vst.add.f32.msk $0xffff, v1  }
0x243: {  	[tilespmem:s0+$0x4B10] =	vst.add.f32.msk $0xffff, v1  }
0x244: {  	[tilespmem:s0+$0x4B90] =	vst.add.f32.msk $0xffff, v1  }
0x245: {  	[tilespmem:s0+$0x4820] =	vst.add.f32.msk $0xffff, v2  }
0x246: {  	[tilespmem:s0+$0x48A0] =	vst.add.f32.msk $0xffff, v2  }
0x247: {  	[tilespmem:s0+$0x4920] =	vst.add.f32.msk $0xffff, v2  }
0x248: {  	[tilespmem:s0+$0x49A0] =	vst.add.f32.msk $0xffff, v2  }
0x249: {  	[tilespmem:s0+$0x4A20] =	vst.add.f32.msk $0xffff, v2  }
0x24a: {  	[tilespmem:s0+$0x4AA0] =	vst.add.f32.msk $0xffff, v2  }
0x24b: {  	[tilespmem:s0+$0x4B20] =	vst.add.f32.msk $0xffff, v2  }
0x24c: {  	[tilespmem:s0+$0x4BA0] =	vst.add.f32.msk $0xffff, v2  }
0x24d: {  	[tilespmem:s0+$0x4BF0] =	vst.add.f32.msk $0xffff, v3  }
0x24e: {  	[tilespmem:s0+$0x4870] =	vst.add.f32.msk $0xffff, v3  }
0x24f: {  	[tilespmem:s0+$0x48F0] =	vst.add.f32.msk $0xffff, v3  }
0x250: {  	[tilespmem:s0+$0x4970] =	vst.add.f32.msk $0xffff, v3  }
0x251: {  	[tilespmem:s0+$0x49F0] =	vst.add.f32.msk $0xffff, v3  }
0x252: {  	[tilespmem:s0+$0x4A70] =	vst.add.f32.msk $0xffff, v3  }
0x253: {  	[tilespmem:s0+$0x4AF0] =	vst.add.f32.msk $0xffff, v3  }
0x254: {  	[tilespmem:s0+$0x4B70] =	vst.add.f32.msk $0xffff, v3  }
0x255: {  	[tilespmem:s0+$0x4830] =	vst.add.f32.msk $0xffff, v4  }
0x256: {  	[tilespmem:s0+$0x4840] =	vst.add.f32.msk $0xffff, v5  }
0x257: {  	[tilespmem:s0+$0x4850] =	vst.add.f32.msk $0xffff, v6  }
0x258: {  	[tilespmem:s0+$0x4860] =	vst.add.f32.msk $0xffff, v7  }
0x259: {  	[tilespmem:s0+$0x48B0] =	vst.add.f32.msk $0xffff, v4  }
0x25a: {  	[tilespmem:s0+$0x48C0] =	vst.add.f32.msk $0xffff, v5  }
0x25b: {  	[tilespmem:s0+$0x48D0] =	vst.add.f32.msk $0xffff, v6  }
0x25c: {  	[tilespmem:s0+$0x48E0] =	vst.add.f32.msk $0xffff, v7  }
0x25d: {  	[tilespmem:s0+$0x4930] =	vst.add.f32.msk $0xffff, v4  }
0x25e: {  	[tilespmem:s0+$0x4940] =	vst.add.f32.msk $0xffff, v5  }
0x25f: {  	[tilespmem:s0+$0x4950] =	vst.add.f32.msk $0xffff, v6  }
0x260: {  	[tilespmem:s0+$0x4960] =	vst.add.f32.msk $0xffff, v7  }
0x261: {  	[tilespmem:s0+$0x49B0] =	vst.add.f32.msk $0xffff, v4  }
0x262: {  	[tilespmem:s0+$0x49C0] =	vst.add.f32.msk $0xffff, v5  }
0x263: {  	[tilespmem:s0+$0x49D0] =	vst.add.f32.msk $0xffff, v6  }
0x264: {  	[tilespmem:s0+$0x49E0] =	vst.add.f32.msk $0xffff, v7  }
0x265: {  	[tilespmem:s0+$0x4A30] =	vst.add.f32.msk $0xffff, v4  }
0x266: {  	[tilespmem:s0+$0x4A40] =	vst.add.f32.msk $0xffff, v5  }
0x267: {  	[tilespmem:s0+$0x4A50] =	vst.add.f32.msk $0xffff, v6  }
0x268: {  	[tilespmem:s0+$0x4A60] =	vst.add.f32.msk $0xffff, v7  }
0x269: {  	[tilespmem:s0+$0x4AB0] =	vst.add.f32.msk $0xffff, v4  }
0x26a: {  	[tilespmem:s0+$0x4AC0] =	vst.add.f32.msk $0xffff, v5  }
0x26b: {  	[tilespmem:s0+$0x4AD0] =	vst.add.f32.msk $0xffff, v6  }
0x26c: {  	[tilespmem:s0+$0x4AE0] =	vst.add.f32.msk $0xffff, v7  }
0x26d: {  	[tilespmem:s0+$0x4B30] =	vst.add.f32.msk $0xffff, v4  }
0x26e: {  	[tilespmem:s0+$0x4B40] =	vst.add.f32.msk $0xffff, v5  }
0x26f: {  	[tilespmem:s0+$0x4B50] =	vst.add.f32.msk $0xffff, v6  }
0x270: {  	[tilespmem:s0+$0x4B60] =	vst.add.f32.msk $0xffff, v7  }
0x271: {  	[tilespmem:s0+$0x4BB0] =	vst.add.f32.msk $0xffff, v4  }
0x272: {  	[tilespmem:s0+$0x4BC0] =	vst.add.f32.msk $0xffff, v5  }
0x273: {  	[tilespmem:s0+$0x4BD0] =	vst.add.f32.msk $0xffff, v6  }
0x274: {  	[tilespmem:s0+$0x4BE0] =	vst.add.f32.msk $0xffff, v7  }
0x275: {  	[hbm4b:s12+s3] =	stream.linear.scatter [tilespmem:s22], [sflag:$0x6], $0x1800, $0x38;
	[tilespmem:$0x6900] =	vst v63  }
0x276: {  	_ =	swait.ge [sflag:s28], $0x1800  }
0x277: {  	[sflag:s28] =	ssyncset.done $0x0  }
0x278: {  	[sflag:s28] =	ssyncadd.s32 $0xFFFFE800  }
0x279: {  	_ =	swait.ge [sflag:s28], $0x1800  }
0x27a: {  	[sflag:s28] =	ssyncset.done $0x0  }
0x27b: {  	s29 =	sadd.s32 $0x1, s29;
	[sflag:s28] =	ssyncadd.s32 $0xFFFFE800  }
0x27c: {  	p1 =	sne.s32 s29, s13;
	_ =	swait.ge [sflag:s28], $0x1800  }
.Ltmp4:
0x27d: {  	[sflag:s28] =	ssyncset.done $0x0;
	(pc) =	sbr.rel @p1 .LBB2_1-.Ltmp4, $4  }
0x27e: {  	[sflag:s28] =	ssyncadd.s32 $0xFFFFE800  }
0x27f: {  	_ =	swait.ge [sflag:s28], $0x1800  }
0x280: {  	[sflag:s28] =	ssyncset.done $0x0  }
0x281: {  	[sflag:s28] =	ssyncadd.s32 $0xFFFFE800  }
0x282: {  	_ =	sfence.sel $0x180000  }
0x283: {  	[bflag:$0x0] =	sbarrier.arrive $0xFFFF  }
0x284: {  	_ =	strace $0x90000047  }
0x285: {  	s0 =	stileid.u32;
	[bflag:$0x2] =	sbarrier.arrive $0xFFFF  }
0x286: {  	p0 =	sne.s32 s0, $0x0;
	s0 =	rddreg [dreg:$0x4]  }
0x287: {  	s0 =	sadd.s32 @!p0 $0x100000, s0  }
0x288: {  	[sflag:s0] =	ssyncadd.tile.s32 @!p0 $0x1;
	_ =	shalt  }
.Lfunc_end2:
_tile_overlayer_lowered:
.L_overlay_start_2:
0x289: {  	(tag) =	ssettag $0x2  }
0x28a: {  	s0 =	rddreg [dreg:$0x0];
	s2 =	stileid.u32  }
0x28b: {  	s1 =	rddreg [dreg:$0x1];
	p0 =	sne.s32 s2, $0x0  }
0x28c: {  	s3 =	rddreg [dreg:$0x2];
	[bflag:$0x3] =	sbarrier.arrive $0xFFFF;
	s2 =	simm.s32 @!p0 $0x1C07  }
0x28d: {  	[timem:s3], [sflag:s2] =	dma.local @!p0 [hbm:s0], s1  }
0x28e: {  	s0 =	simm.s32 @!p0 $0x7  }
0x28f: {  	_ =	swait.ge @!p0 [sflag:s0], s1  }
0x290: {  	s1 =	ssub.s32 @!p0 $0x0, s1;
	[sflag:s0] =	ssyncset.done @!p0 $0x0  }
0x291: {  	[sflag:s0] =	ssyncadd.s32 @!p0 s1  }
0x292: {  	[bflag:$0x3] =	sbarrier.arrive $0xFFFF  }
0x293: {  	_ =	shalt  }

</sc_bundles>
